<compile_context>
chip_gen: v7x
topology: tpu7x:2x2x1
jax: 0.10.2.dev20260603
libtpu: 0.0.44.dev20260713+nightly
codegen_flags: <defaults>
</compile_context>

<pallas_src>
import functools

import jax
import jax.numpy as jnp
from jax import lax
from jax.experimental import pallas as pl
from jax.experimental.pallas import tpu as pltpu
from jax.experimental.pallas import tpu_sc as plsc

_N = 10000
_E = 160000
_D_IN = 256
_H = 512
_D_OUT = 256

_ROWS = 1000


def _p1_body(do_ref, di_ref, x_ref, ns_ref, nd_ref, g0_ref):
    ns = jax.lax.rsqrt(jnp.maximum(do_ref[...], 1.0))
    nd = jax.lax.rsqrt(jnp.maximum(di_ref[...], 1.0))
    ns_ref[...] = ns
    nd_ref[...] = nd
    g = (x_ref[...] * ns).reshape(_ROWS, 2, 128)
    g0_ref[...] = jnp.transpose(g, (1, 0, 2))


def _p1(deg_out, deg_in, x):
    grid = (_N // _ROWS,)
    return pl.pallas_call(
        _p1_body,
        grid=grid,
        in_specs=[
            pl.BlockSpec((_ROWS, 1), lambda i: (i, 0)),
            pl.BlockSpec((_ROWS, 1), lambda i: (i, 0)),
            pl.BlockSpec((_ROWS, _D_IN), lambda i: (i, 0)),
        ],
        out_specs=[
            pl.BlockSpec((_ROWS, 1), lambda i: (i, 0)),
            pl.BlockSpec((_ROWS, 1), lambda i: (i, 0)),
            pl.BlockSpec((2, _ROWS, 128), lambda i: (0, i, 0)),
        ],
        out_shape=[
            jax.ShapeDtypeStruct((_N, 1), jnp.float32),
            jax.ShapeDtypeStruct((_N, 1), jnp.float32),
            jax.ShapeDtypeStruct((2, _N, 128), jnp.float32),
        ],
    )(deg_out, deg_in, x)


def _mm_body(a_ref, w_ref, b_ref, nd_ref, ns_ref, out_ref):
    a = jnp.concatenate([a_ref[0], a_ref[1]], axis=1)
    t = jnp.dot(a, w_ref[...], preferred_element_type=jnp.float32)
    h = jnp.maximum(t * nd_ref[...] + b_ref[...], 0.0)
    g = (h * ns_ref[...]).reshape(_ROWS, 4, 128)
    out_ref[...] = jnp.transpose(g, (1, 0, 2))


def _p3(o1, W0, b0, nd, ns):
    grid = (_N // _ROWS,)
    return pl.pallas_call(
        _mm_body,
        grid=grid,
        in_specs=[
            pl.BlockSpec((2, _ROWS, 128), lambda i: (0, i, 0)),
            pl.BlockSpec((_D_IN, _H), lambda i: (0, 0)),
            pl.BlockSpec((1, _H), lambda i: (0, 0)),
            pl.BlockSpec((_ROWS, 1), lambda i: (i, 0)),
            pl.BlockSpec((_ROWS, 1), lambda i: (i, 0)),
        ],
        out_specs=pl.BlockSpec((4, _ROWS, 128), lambda i: (0, i, 0)),
        out_shape=jax.ShapeDtypeStruct((4, _N, 128), jnp.float32),
    )(o1, W0, b0.reshape(1, _H), nd, ns)


def _p5_body(al_ref, ar_ref, w_ref, b_ref, nd_ref, wg_ref, bg_ref, out_ref, acc_ref):
    i = pl.program_id(0)
    a = jnp.concatenate([al_ref[0], al_ref[1], ar_ref[0], ar_ref[1]], axis=1)
    t = jnp.dot(a, w_ref[...], preferred_element_type=jnp.float32)
    h = jnp.maximum(t * nd_ref[...] + b_ref[...], 0.0)
    s = jnp.sum(h, axis=0, keepdims=True)

    @pl.when(i == 0)
    def _():
        acc_ref[...] = s

    @pl.when(i > 0)
    def _():
        acc_ref[...] = acc_ref[...] + s

    @pl.when(i == pl.num_programs(0) - 1)
    def _():
        out_ref[...] = (
            jnp.dot(acc_ref[...] * (1.0 / _N), wg_ref[...],
                    preferred_element_type=jnp.float32)
            + bg_ref[...]
        )


def _p5(ol, orr, W1, b1, nd, Wg, bg):
    grid = (_N // _ROWS,)
    return pl.pallas_call(
        _p5_body,
        grid=grid,
        in_specs=[
            pl.BlockSpec((2, _ROWS, 128), lambda i: (0, i, 0)),
            pl.BlockSpec((2, _ROWS, 128), lambda i: (0, i, 0)),
            pl.BlockSpec((_H, _H), lambda i: (0, 0)),
            pl.BlockSpec((1, _H), lambda i: (0, 0)),
            pl.BlockSpec((_ROWS, 1), lambda i: (i, 0)),
            pl.BlockSpec((_H, _D_OUT), lambda i: (0, 0)),
            pl.BlockSpec((1, _D_OUT), lambda i: (0, 0)),
        ],
        out_specs=pl.BlockSpec((1, _D_OUT), lambda i: (0, 0)),
        out_shape=jax.ShapeDtypeStruct((1, _D_OUT), jnp.float32),
        scratch_shapes=[pltpu.VMEM((1, _H), jnp.float32)],
    )(ol, orr, W1, b1.reshape(1, _H), nd, Wg, bg.reshape(1, _D_OUT))


_NC = 2
_NS = 16
_L = 16
_EPT = _E // _NS
_B = 128
_NPAD = 10112
_HW = 16
_NAGG = 10240
_KMAX = 10240


def _sc_mesh():
    return plsc.VectorSubcoreMesh(core_axis_name="c", subcore_axis_name="s")


@functools.partial(
    pl.kernel,
    out_type=[
        jax.ShapeDtypeStruct((_NPAD, 128), jnp.float32),
        jax.ShapeDtypeStruct((_NPAD, 128), jnp.float32),
    ],
    mesh=_sc_mesh(),
    scratch_types=[
        pltpu.VMEM((_EPT + _B,), jnp.int32),
        pltpu.VMEM((_B,), jnp.int32),
        pltpu.VMEM((_B, 128), jnp.float32),
        pltpu.VMEM_SHARED((_NPAD, 128), jnp.float32),
    ],
)
def _p0_deg(src_hbm, dst_hbm, ones_hbm, zeros_hbm, dego_hbm, degi_hbm,
            idxf, idxw, ones_v, acc):
    c = lax.axis_index("c")
    s = lax.axis_index("s")
    rpt = _NPAD // _NS
    base_e = pl.multiple_of(s * _EPT, 8)
    pltpu.sync_copy(ones_hbm, ones_v)
    row0 = pl.multiple_of(s * rpt, 8)
    pltpu.sync_copy(zeros_hbm, acc.at[pl.ds(row0, rpt)])

    @pl.when(c == 0)
    def _():
        pltpu.sync_copy(src_hbm.at[pl.ds(base_e, _EPT)], idxf.at[pl.ds(0, _EPT)])

    @pl.when(c == 1)
    def _():
        pltpu.sync_copy(dst_hbm.at[pl.ds(base_e, _EPT)], idxf.at[pl.ds(0, _EPT)])

    pad = jnp.full((_L,), _N, jnp.int32)
    for k in range(_B // _L):
        idxf[pl.ds(_EPT + k * _L, _L)] = pad
    plsc.subcore_barrier()

    def _scat(j, carry):
        jb = pl.multiple_of(j * _B, _B)
        for k in range(_B // _L):
            idxw[pl.ds(k * _L, _L)] = idxf[pl.ds(jb + k * _L, _L)]
        pltpu.sync_copy(ones_v, acc.at[idxw], add=True)
        return carry

    nb = (_EPT + _B) // _B
    lax.fori_loop(0, nb, _scat, 0)
    plsc.subcore_barrier()

    @pl.when(c == 0)
    def _():
        pltpu.sync_copy(acc.at[pl.ds(row0, rpt)], dego_hbm.at[pl.ds(row0, rpt)])

    @pl.when(c == 1)
    def _():
        pltpu.sync_copy(acc.at[pl.ds(row0, rpt)], degi_hbm.at[pl.ds(row0, rpt)])


_EPT_P = 10240
_EPAD = _EPT_P * _NS
_FAR = 1 << 30
_W = 128
_BB = 128


_SEG = 2048
_BB = 64
_NBUF = 4
_EPT_S = _EPT_P
_ACC_R = _NAGG + 128


def _make_agg_fs(gstride, base):
    zpt = _ACC_R // _NS
    cpt = _NAGG // _NS
    tps = _SEG // _BB
    KV = _BB // _L
    nseg = _EPT_S // _SEG

    @functools.partial(
        pl.kernel,
        out_type=jax.ShapeDtypeStruct((_NC, _NAGG, _W), jnp.float32),
        mesh=_sc_mesh(),
        scratch_types=[
            pltpu.VMEM((_SEG,), jnp.int32),
            pltpu.VMEM((_SEG,), jnp.int32),
            pltpu.VMEM((_NBUF, _BB), jnp.int32),
            pltpu.VMEM((_BB,), jnp.int32),
            pltpu.VMEM((_NBUF * _BB, _W), jnp.float32),
            pltpu.VMEM_SHARED((_ACC_R, _W), jnp.float32),
            pltpu.SemaphoreType.DMA,
            pltpu.SemaphoreType.DMA,
            pltpu.SemaphoreType.DMA,
            pltpu.SemaphoreType.DMA,
        ],
    )
    def agg_kernel(gs_hbm, src_hbm, dst_hbm, zeros_hbm, out_hbm,
                   srcf, dstf, gidx, sidx, rows, acc,
                   sem0, sem1, sem2, sem3):
        sems = (sem0, sem1, sem2, sem3)
        c = lax.axis_index("c")
        s = lax.axis_index("s")
        goff = base + c
        base_e = s * _EPT_S
        zrow = pl.multiple_of(s * zpt, 8)
        pltpu.sync_copy(zeros_hbm, acc.at[pl.ds(zrow, zpt)])
        plsc.subcore_barrier()

        def _build_g(slot, jp):
            for k in range(KV):
                v = srcf[pl.ds(jp * _BB + k * _L, _L)]
                gidx[slot, pl.ds(k * _L, _L)] = goff * _N + v

        def _issue(slot):
            return pltpu.async_copy(
                gs_hbm.at[gidx.at[slot]],
                rows.at[pl.ds(slot * _BB, _BB)], sems[slot])

        def _consume(slot, j):
            pltpu.make_async_copy(
                gs_hbm.at[gidx.at[slot]],
                rows.at[pl.ds(slot * _BB, _BB)], sems[slot]).wait()
            for k in range(KV):
                sidx[pl.ds(k * _L, _L)] = dstf[pl.ds(j * _BB + k * _L, _L)]
            pltpu.sync_copy(rows.at[pl.ds(slot * _BB, _BB)],
                            acc.at[sidx], add=True)

        def _segment(si, carry1):
            soff = pl.multiple_of(base_e + si * _SEG, 8)
            pltpu.sync_copy(src_hbm.at[pl.ds(soff, _SEG)], srcf)
            pltpu.sync_copy(dst_hbm.at[pl.ds(soff, _SEG)], dstf)
            for slot in range(_NBUF):
                _build_g(slot, slot)
            for slot in range(_NBUF):
                _issue(slot)

            def _body(m, carry2):
                for slot in range(_NBUF):
                    j = _NBUF * m + slot
                    _consume(slot, j)
                    _build_g(slot, j + _NBUF)
                    _issue(slot)
                return carry2

            nbody = (tps - _NBUF) // _NBUF
            lax.fori_loop(0, nbody, _body, 0)
            for slot in range(_NBUF):
                j = _NBUF * nbody + slot
                _consume(slot, j)
            return carry1

        lax.fori_loop(0, nseg, _segment, 0)
        plsc.subcore_barrier()
        out0 = pl.multiple_of(s * cpt, 8)
        pltpu.sync_copy(acc.at[pl.ds(out0, cpt)],
                        out_hbm.at[c, pl.ds(out0, cpt)])

    return agg_kernel


_agg_s2 = _make_agg_fs(2, 0)
_agg_s4l = _make_agg_fs(4, 0)
_agg_s4r = _make_agg_fs(4, 2)


def _zeros_acc():
    return jnp.zeros((_ACC_R // _NS, _W), jnp.float32)


def kernel(x, edge_index, W0, b0, W1, b1, Wg, bg):
    src = edge_index[0]
    dst = edge_index[1]
    ones16 = jnp.ones((_B, 128), jnp.float32)
    zeros16 = jnp.zeros((_NPAD // _NS, 128), jnp.float32)
    dego, degi = _p0_deg(src, dst, ones16, zeros16)
    deg_out = dego[:_N, 0:1]
    deg_in = degi[:_N, 0:1]
    ns, nd, g0 = _p1(deg_out, deg_in, x)
    srcp = jnp.concatenate([src, jnp.zeros((_EPAD - _E,), jnp.int32)])
    dstp = jnp.concatenate([dst, jnp.full((_EPAD - _E,), _NAGG, jnp.int32)])
    z = _zeros_acc()
    o1 = _agg_s2(g0.reshape(2 * _N, _W), srcp, dstp, z)
    g1 = _p3(o1, W0, b0, nd, ns)
    g1s = g1.reshape(4 * _N, _W)
    ol = _agg_s4l(g1s, srcp, dstp, z)
    orr = _agg_s4r(g1s, srcp, dstp, z)
    out = _p5(ol, orr, W1, b1, nd, Wg, bg)
    return out

# --- scband reference (transcript-rebuilt; emitter-appended) ---
"""Pipeline reference for scband-gcn-6811818131746 (READ-ONLY COPY).

The authoritative reference and input builder live on the scoring server;
editing this copy changes nothing except your own understanding.
"""

import jax, jax.numpy as jnp
import numpy as np

N = 10000
E = 160000
D_IN = 256
H = 512
D_OUT = 256


def setup_inputs(seed: int = 0):
    key = jax.random.key(seed)
    ks = jax.random.split(key, 8)
    x = jax.random.normal(ks[0], (N, D_IN), dtype=jnp.float32)
    edge_index = jax.random.randint(ks[1], (2, E), 0, N, dtype=jnp.int32)
    W0 = jax.random.normal(ks[2], (D_IN, H), dtype=jnp.float32) * (1.0 / np.sqrt(D_IN))
    b0 = jnp.zeros((H,), dtype=jnp.float32)
    W1 = jax.random.normal(ks[3], (H, H), dtype=jnp.float32) * (1.0 / np.sqrt(H))
    b1 = jnp.zeros((H,), dtype=jnp.float32)
    Wg = jax.random.normal(ks[4], (H, D_OUT), dtype=jnp.float32) * (1.0 / np.sqrt(H))
    bg = jnp.zeros((D_OUT,), dtype=jnp.float32)
    return {"x": x, "edge_index": edge_index, "W0": W0, "b0": b0, "W1": W1, "b1": b1, "Wg": Wg, "bg": bg}


def _graph_conv(h, src, dst, W, b):
    # DGL GraphConv with norm='both': D_dst^{-1/2} A D_src^{-1/2} X W + b
    ones = jnp.ones((src.shape[0],), dtype=h.dtype)
    deg_out = jax.ops.segment_sum(ones, src, num_segments=N)
    deg_in = jax.ops.segment_sum(ones, dst, num_segments=N)
    norm_src = jnp.maximum(deg_out, 1.0) ** -0.5
    norm_dst = jnp.maximum(deg_in, 1.0) ** -0.5
    h = h * norm_src[:, None]
    h = h @ W
    agg = jax.ops.segment_sum(h[src], dst, num_segments=N)
    return agg * norm_dst[:, None] + b


def reference(x, edge_index, W0, b0, W1, b1, Wg, bg):
    src = edge_index[0]
    dst = edge_index[1]
    h = jax.nn.relu(_graph_conv(x, src, dst, W0, b0))
    h = jax.nn.relu(_graph_conv(h, src, dst, W1, b1))
    # dgl.mean_nodes over a single-graph batch -> mean over all nodes, shape [1, H]
    hg = jnp.mean(h, axis=0, keepdims=True)
    out = hg @ Wg + bg
    # torch .squeeze(1) is a no-op since D_OUT != 1
    return out

if __name__ == "__main__":
    import jax
    _d = setup_inputs()
    print(jax.jit(kernel)(*tuple(_d.values())))

</pallas_src>

<mosaic_0001>
#map = affine_map<(d0, d1) -> (0)>
#map1 = affine_map<(d0, d1) -> (0, 0)>
module attributes {stable_mosaic.version = 14 : i64} {
  func.func @_p0_deg(%arg0: i32, %arg1: i32, %arg2: memref<160000xi32, #tpu.memory_space<hbm>>, %arg3: memref<160000xi32, #tpu.memory_space<hbm>>, %arg4: memref<128x128xf32, #tpu.memory_space<hbm>>, %arg5: memref<632x128xf32, #tpu.memory_space<hbm>>, %arg6: memref<10112x128xf32, #tpu.memory_space<hbm>>, %arg7: memref<10112x128xf32, #tpu.memory_space<hbm>>, %arg8: memref<10128xi32, #tpu.memory_space<vmem>>, %arg9: memref<128xi32, #tpu.memory_space<vmem>>, %arg10: memref<128x128xf32, #tpu.memory_space<vmem>>, %arg11: memref<10112x128xf32, #tpu.memory_space<vmem_shared>>) attributes {dimension_semantics = [#tpu.dimension_semantics<core_parallel>, #tpu.dimension_semantics<subcore_parallel>], iteration_bounds = array<i64: 2, 16>, scalar_prefetch = 0 : i64, scratch_operands = 4 : i64, tpu.core_type = #tpu.core_type<sc_vector_subcore>, window_params = [{transform_indices = #map}, {transform_indices = #map}, {transform_indices = #map1}, {transform_indices = #map1}, {transform_indices = #map1}, {transform_indices = #map1}]} {
    %mul3A = arith.constant 10000 : i32
    %mul3A_0 = arith.muli %arg1, %mul3A : i32
    %multiple_of3A = tpu.assume_multiple %mul3A_0, 8 : i32
    "tpu.region"() ({
      %run_scoped3A = tpu.sem_alloc : memref<!tpu.dma_semaphore, #tpu.memory_space<semaphore_mem>>
      tpu.enqueue_dma source(%arg4 : memref<128x128xf32, #tpu.memory_space<hbm>>) target(%arg10 : memref<128x128xf32, #tpu.memory_space<vmem>>) target_semaphore(%run_scoped3A : memref<!tpu.dma_semaphore, #tpu.memory_space<semaphore_mem>>)
      tpu.wait_dma2 semaphore(%run_scoped3A : memref<!tpu.dma_semaphore, #tpu.memory_space<semaphore_mem>>) src(%arg4 : memref<128x128xf32, #tpu.memory_space<hbm>>) dst(%arg10 : memref<128x128xf32, #tpu.memory_space<vmem>>)
      tpu.yield
    }) : () -> ()
    %mul3A_1 = arith.constant 632 : i32
    %mul3A_2 = arith.muli %arg1, %mul3A_1 : i32
    %multiple_of3A_3 = tpu.assume_multiple %mul3A_2, 8 : i32
    "tpu.region"() ({
      %run_scoped3A = tpu.sem_alloc : memref<!tpu.dma_semaphore, #tpu.memory_space<semaphore_mem>>
      %dma_start3A = arith.constant 0 : i32
      %dma_start3A_59 = tpu.memref_slice %arg11[%multiple_of3A_3, %dma_start3A] : memref<10112x128xf32, #tpu.memory_space<vmem_shared>> -> memref<632x128xf32, #tpu.memory_space<vmem_shared>>
      tpu.enqueue_dma source(%arg5 : memref<632x128xf32, #tpu.memory_space<hbm>>) target(%dma_start3A_59 : memref<632x128xf32, #tpu.memory_space<vmem_shared>>) target_semaphore(%run_scoped3A : memref<!tpu.dma_semaphore, #tpu.memory_space<semaphore_mem>>)
      %dma_wait3A = arith.constant 0 : i32
      %dma_wait3A_60 = tpu.memref_slice %arg11[%multiple_of3A_3, %dma_wait3A] : memref<10112x128xf32, #tpu.memory_space<vmem_shared>> -> memref<632x128xf32, #tpu.memory_space<vmem_shared>>
      tpu.wait_dma2 semaphore(%run_scoped3A : memref<!tpu.dma_semaphore, #tpu.memory_space<semaphore_mem>>) src(%arg5 : memref<632x128xf32, #tpu.memory_space<hbm>>) dst(%dma_wait3A_60 : memref<632x128xf32, #tpu.memory_space<vmem_shared>>)
      tpu.yield
    }) : () -> ()
    %eq3A = arith.constant 0 : i32
    %eq3A_4 = arith.cmpi eq, %arg0, %eq3A : i32
    %convert_element_type3A = arith.extui %eq3A_4 : i1 to i32
    %cond3A = arith.constant 0 : i32
    %cond3A_5 = arith.cmpi ne, %convert_element_type3A, %cond3A : i32
    scf.if %cond3A_5 {
      "tpu.region"() ({
        %run_scoped3A = tpu.sem_alloc : memref<!tpu.dma_semaphore, #tpu.memory_space<semaphore_mem>>
        %dma_start3A = arith.constant 0 : i32
        %dma_start3A_59 = tpu.memref_slice %arg8[%dma_start3A] : memref<10128xi32, #tpu.memory_space<vmem>> -> memref<10000xi32, #tpu.memory_space<vmem>>
        %dma_start3A_60 = tpu.memref_slice %arg2[%multiple_of3A] : memref<160000xi32, #tpu.memory_space<hbm>> -> memref<10000xi32, #tpu.memory_space<hbm>>
        %dma_start3A_61 = arith.constant 0 : i32
        %dma_start3A_62 = tpu.memref_slice %arg8[%dma_start3A_61] : memref<10128xi32, #tpu.memory_space<vmem>> -> memref<10000xi32, #tpu.memory_space<vmem>>
        %dma_start3A_63 = tpu.memref_slice %arg2[%multiple_of3A] : memref<160000xi32, #tpu.memory_space<hbm>> -> memref<10000xi32, #tpu.memory_space<hbm>>
        tpu.enqueue_dma source(%dma_start3A_63 : memref<10000xi32, #tpu.memory_space<hbm>>) target(%dma_start3A_62 : memref<10000xi32, #tpu.memory_space<vmem>>) target_semaphore(%run_scoped3A : memref<!tpu.dma_semaphore, #tpu.memory_space<semaphore_mem>>)
        %dma_wait3A = arith.constant 0 : i32
        %dma_wait3A_64 = tpu.memref_slice %arg8[%dma_wait3A] : memref<10128xi32, #tpu.memory_space<vmem>> -> memref<10000xi32, #tpu.memory_space<vmem>>
        %dma_wait3A_65 = tpu.memref_slice %arg2[%multiple_of3A] : memref<160000xi32, #tpu.memory_space<hbm>> -> memref<10000xi32, #tpu.memory_space<hbm>>
        %dma_wait3A_66 = arith.constant 0 : i32
        %dma_wait3A_67 = tpu.memref_slice %arg8[%dma_wait3A_66] : memref<10128xi32, #tpu.memory_space<vmem>> -> memref<10000xi32, #tpu.memory_space<vmem>>
        %dma_wait3A_68 = tpu.memref_slice %arg2[%multiple_of3A] : memref<160000xi32, #tpu.memory_space<hbm>> -> memref<10000xi32, #tpu.memory_space<hbm>>
        tpu.wait_dma2 semaphore(%run_scoped3A : memref<!tpu.dma_semaphore, #tpu.memory_space<semaphore_mem>>) src(%dma_wait3A_68 : memref<10000xi32, #tpu.memory_space<hbm>>) dst(%dma_wait3A_67 : memref<10000xi32, #tpu.memory_space<vmem>>)
        tpu.yield
      }) : () -> ()
    } else {
    }
    %eq3A_6 = arith.constant 1 : i32
    %eq3A_7 = arith.cmpi eq, %arg0, %eq3A_6 : i32
    %convert_element_type3A_8 = arith.extui %eq3A_7 : i1 to i32
    %cond3A_9 = arith.constant 0 : i32
    %cond3A_10 = arith.cmpi ne, %convert_element_type3A_8, %cond3A_9 : i32
    scf.if %cond3A_10 {
      "tpu.region"() ({
        %run_scoped3A = tpu.sem_alloc : memref<!tpu.dma_semaphore, #tpu.memory_space<semaphore_mem>>
        %dma_start3A = arith.constant 0 : i32
        %dma_start3A_59 = tpu.memref_slice %arg8[%dma_start3A] : memref<10128xi32, #tpu.memory_space<vmem>> -> memref<10000xi32, #tpu.memory_space<vmem>>
        %dma_start3A_60 = tpu.memref_slice %arg3[%multiple_of3A] : memref<160000xi32, #tpu.memory_space<hbm>> -> memref<10000xi32, #tpu.memory_space<hbm>>
        %dma_start3A_61 = arith.constant 0 : i32
        %dma_start3A_62 = tpu.memref_slice %arg8[%dma_start3A_61] : memref<10128xi32, #tpu.memory_space<vmem>> -> memref<10000xi32, #tpu.memory_space<vmem>>
        %dma_start3A_63 = tpu.memref_slice %arg3[%multiple_of3A] : memref<160000xi32, #tpu.memory_space<hbm>> -> memref<10000xi32, #tpu.memory_space<hbm>>
        tpu.enqueue_dma source(%dma_start3A_63 : memref<10000xi32, #tpu.memory_space<hbm>>) target(%dma_start3A_62 : memref<10000xi32, #tpu.memory_space<vmem>>) target_semaphore(%run_scoped3A : memref<!tpu.dma_semaphore, #tpu.memory_space<semaphore_mem>>)
        %dma_wait3A = arith.constant 0 : i32
        %dma_wait3A_64 = tpu.memref_slice %arg8[%dma_wait3A] : memref<10128xi32, #tpu.memory_space<vmem>> -> memref<10000xi32, #tpu.memory_space<vmem>>
        %dma_wait3A_65 = tpu.memref_slice %arg3[%multiple_of3A] : memref<160000xi32, #tpu.memory_space<hbm>> -> memref<10000xi32, #tpu.memory_space<hbm>>
        %dma_wait3A_66 = arith.constant 0 : i32
        %dma_wait3A_67 = tpu.memref_slice %arg8[%dma_wait3A_66] : memref<10128xi32, #tpu.memory_space<vmem>> -> memref<10000xi32, #tpu.memory_space<vmem>>
        %dma_wait3A_68 = tpu.memref_slice %arg3[%multiple_of3A] : memref<160000xi32, #tpu.memory_space<hbm>> -> memref<10000xi32, #tpu.memory_space<hbm>>
        tpu.wait_dma2 semaphore(%run_scoped3A : memref<!tpu.dma_semaphore, #tpu.memory_space<semaphore_mem>>) src(%dma_wait3A_68 : memref<10000xi32, #tpu.memory_space<hbm>>) dst(%dma_wait3A_67 : memref<10000xi32, #tpu.memory_space<vmem>>)
        tpu.yield
      }) : () -> ()
    } else {
    }
    %broadcast_in_dim3A = arith.constant 10000 : i32
    %broadcast_in_dim3A_11 = vector.broadcast %broadcast_in_dim3A : i32 to vector<16xi32>
    %swap3A = arith.constant 10000 : index
    %swap3A_12 = tpu.vector_load %arg8[%swap3A] {strides = array<i32>} : memref<10128xi32, #tpu.memory_space<vmem>>, vector<16xi32>,
    %swap3A_13 = vector.shape_cast %swap3A_12 : vector<16xi32> to vector<16xi32>
    %swap3A_14 = vector.shape_cast %broadcast_in_dim3A_11 : vector<16xi32> to vector<16xi32>
    tpu.vector_store %arg8[%swap3A], %swap3A_14 {strides = array<i32>} : memref<10128xi32, #tpu.memory_space<vmem>>, vector<16xi32>,
    %swap3A_15 = arith.constant 10016 : index
    %swap3A_16 = tpu.vector_load %arg8[%swap3A_15] {strides = array<i32>} : memref<10128xi32, #tpu.memory_space<vmem>>, vector<16xi32>,
    %swap3A_17 = vector.shape_cast %swap3A_16 : vector<16xi32> to vector<16xi32>
    %swap3A_18 = vector.shape_cast %broadcast_in_dim3A_11 : vector<16xi32> to vector<16xi32>
    tpu.vector_store %arg8[%swap3A_15], %swap3A_18 {strides = array<i32>} : memref<10128xi32, #tpu.memory_space<vmem>>, vector<16xi32>,
    %swap3A_19 = arith.constant 10032 : index
    %swap3A_20 = tpu.vector_load %arg8[%swap3A_19] {strides = array<i32>} : memref<10128xi32, #tpu.memory_space<vmem>>, vector<16xi32>,
    %swap3A_21 = vector.shape_cast %swap3A_20 : vector<16xi32> to vector<16xi32>
    %swap3A_22 = vector.shape_cast %broadcast_in_dim3A_11 : vector<16xi32> to vector<16xi32>
    tpu.vector_store %arg8[%swap3A_19], %swap3A_22 {strides = array<i32>} : memref<10128xi32, #tpu.memory_space<vmem>>, vector<16xi32>,
    %swap3A_23 = arith.constant 10048 : index
    %swap3A_24 = tpu.vector_load %arg8[%swap3A_23] {strides = array<i32>} : memref<10128xi32, #tpu.memory_space<vmem>>, vector<16xi32>,
    %swap3A_25 = vector.shape_cast %swap3A_24 : vector<16xi32> to vector<16xi32>
    %swap3A_26 = vector.shape_cast %broadcast_in_dim3A_11 : vector<16xi32> to vector<16xi32>
    tpu.vector_store %arg8[%swap3A_23], %swap3A_26 {strides = array<i32>} : memref<10128xi32, #tpu.memory_space<vmem>>, vector<16xi32>,
    %swap3A_27 = arith.constant 10064 : index
    %swap3A_28 = tpu.vector_load %arg8[%swap3A_27] {strides = array<i32>} : memref<10128xi32, #tpu.memory_space<vmem>>, vector<16xi32>,
    %swap3A_29 = vector.shape_cast %swap3A_28 : vector<16xi32> to vector<16xi32>
    %swap3A_30 = vector.shape_cast %broadcast_in_dim3A_11 : vector<16xi32> to vector<16xi32>
    tpu.vector_store %arg8[%swap3A_27], %swap3A_30 {strides = array<i32>} : memref<10128xi32, #tpu.memory_space<vmem>>, vector<16xi32>,
    %swap3A_31 = arith.constant 10080 : index
    %swap3A_32 = tpu.vector_load %arg8[%swap3A_31] {strides = array<i32>} : memref<10128xi32, #tpu.memory_space<vmem>>, vector<16xi32>,
    %swap3A_33 = vector.shape_cast %swap3A_32 : vector<16xi32> to vector<16xi32>
    %swap3A_34 = vector.shape_cast %broadcast_in_dim3A_11 : vector<16xi32> to vector<16xi32>
    tpu.vector_store %arg8[%swap3A_31], %swap3A_34 {strides = array<i32>} : memref<10128xi32, #tpu.memory_space<vmem>>, vector<16xi32>,
    %swap3A_35 = arith.constant 10096 : index
    %swap3A_36 = tpu.vector_load %arg8[%swap3A_35] {strides = array<i32>} : memref<10128xi32, #tpu.memory_space<vmem>>, vector<16xi32>,
    %swap3A_37 = vector.shape_cast %swap3A_36 : vector<16xi32> to vector<16xi32>
    %swap3A_38 = vector.shape_cast %broadcast_in_dim3A_11 : vector<16xi32> to vector<16xi32>
    tpu.vector_store %arg8[%swap3A_35], %swap3A_38 {strides = array<i32>} : memref<10128xi32, #tpu.memory_space<vmem>>, vector<16xi32>,
    %swap3A_39 = arith.constant 10112 : index
    %swap3A_40 = tpu.vector_load %arg8[%swap3A_39] {strides = array<i32>} : memref<10128xi32, #tpu.memory_space<vmem>>, vector<16xi32>,
    %swap3A_41 = vector.shape_cast %swap3A_40 : vector<16xi32> to vector<16xi32>
    %swap3A_42 = vector.shape_cast %broadcast_in_dim3A_11 : vector<16xi32> to vector<16xi32>
    tpu.vector_store %arg8[%swap3A_39], %swap3A_42 {strides = array<i32>} : memref<10128xi32, #tpu.memory_space<vmem>>, vector<16xi32>,
    %barrier3A = arith.constant 0 : index
    tpu.barrier barrier_id(%barrier3A)
    %scan3A = arith.constant 0 : i32
    %scan3A_43 = arith.constant 0 : i32
    %scan3A_44 = arith.constant 79 : i32
    %scan3A_45 = arith.addi %scan3A_43, %scan3A_44 : i32
    %scan3A_46 = arith.constant 1 : i32
    scf.for %scan3A_59 = %scan3A_43 to %scan3A_45 step %scan3A_46  : i32 {
      %mul3A_60 = arith.constant 128 : i32
      %mul3A_61 = arith.muli %scan3A_59, %mul3A_60 : i32
      %multiple_of3A_62 = tpu.assume_multiple %mul3A_61, 128 : i32
      %add3A = arith.constant 0 : i32
      %add3A_63 = arith.addi %multiple_of3A_62, %add3A : i32
      %get3A = arith.index_cast %add3A_63 : i32 to index
      %get3A_64 = tpu.vector_load %arg8[%get3A] {strides = array<i32>} : memref<10128xi32, #tpu.memory_space<vmem>>, vector<16xi32>,
      %get3A_65 = vector.shape_cast %get3A_64 : vector<16xi32> to vector<16xi32>
      %swap3A_66 = arith.constant 0 : index
      %swap3A_67 = tpu.vector_load %arg9[%swap3A_66] {strides = array<i32>} : memref<128xi32, #tpu.memory_space<vmem>>, vector<16xi32>,
      %swap3A_68 = vector.shape_cast %swap3A_67 : vector<16xi32> to vector<16xi32>
      %swap3A_69 = vector.shape_cast %get3A_65 : vector<16xi32> to vector<16xi32>
      tpu.vector_store %arg9[%swap3A_66], %swap3A_69 {strides = array<i32>} : memref<128xi32, #tpu.memory_space<vmem>>, vector<16xi32>,
      %add3A_70 = arith.constant 16 : i32
      %add3A_71 = arith.addi %multiple_of3A_62, %add3A_70 : i32
      %get3A_72 = arith.index_cast %add3A_71 : i32 to index
      %get3A_73 = tpu.vector_load %arg8[%get3A_72] {strides = array<i32>} : memref<10128xi32, #tpu.memory_space<vmem>>, vector<16xi32>,
      %get3A_74 = vector.shape_cast %get3A_73 : vector<16xi32> to vector<16xi32>
      %swap3A_75 = arith.constant 16 : index
      %swap3A_76 = tpu.vector_load %arg9[%swap3A_75] {strides = array<i32>} : memref<128xi32, #tpu.memory_space<vmem>>, vector<16xi32>,
      %swap3A_77 = vector.shape_cast %swap3A_76 : vector<16xi32> to vector<16xi32>
      %swap3A_78 = vector.shape_cast %get3A_74 : vector<16xi32> to vector<16xi32>
      tpu.vector_store %arg9[%swap3A_75], %swap3A_78 {strides = array<i32>} : memref<128xi32, #tpu.memory_space<vmem>>, vector<16xi32>,
      %add3A_79 = arith.constant 32 : i32
      %add3A_80 = arith.addi %multiple_of3A_62, %add3A_79 : i32
      %get3A_81 = arith.index_cast %add3A_80 : i32 to index
      %get3A_82 = tpu.vector_load %arg8[%get3A_81] {strides = array<i32>} : memref<10128xi32, #tpu.memory_space<vmem>>, vector<16xi32>,
      %get3A_83 = vector.shape_cast %get3A_82 : vector<16xi32> to vector<16xi32>
      %swap3A_84 = arith.constant 32 : index
      %swap3A_85 = tpu.vector_load %arg9[%swap3A_84] {strides = array<i32>} : memref<128xi32, #tpu.memory_space<vmem>>, vector<16xi32>,
      %swap3A_86 = vector.shape_cast %swap3A_85 : vector<16xi32> to vector<16xi32>
      %swap3A_87 = vector.shape_cast %get3A_83 : vector<16xi32> to vector<16xi32>
      tpu.vector_store %arg9[%swap3A_84], %swap3A_87 {strides = array<i32>} : memref<128xi32, #tpu.memory_space<vmem>>, vector<16xi32>,
      %add3A_88 = arith.constant 48 : i32
      %add3A_89 = arith.addi %multiple_of3A_62, %add3A_88 : i32
      %get3A_90 = arith.index_cast %add3A_89 : i32 to index
      %get3A_91 = tpu.vector_load %arg8[%get3A_90] {strides = array<i32>} : memref<10128xi32, #tpu.memory_space<vmem>>, vector<16xi32>,
      %get3A_92 = vector.shape_cast %get3A_91 : vector<16xi32> to vector<16xi32>
      %swap3A_93 = arith.constant 48 : index
      %swap3A_94 = tpu.vector_load %arg9[%swap3A_93] {strides = array<i32>} : memref<128xi32, #tpu.memory_space<vmem>>, vector<16xi32>,
      %swap3A_95 = vector.shape_cast %swap3A_94 : vector<16xi32> to vector<16xi32>
      %swap3A_96 = vector.shape_cast %get3A_92 : vector<16xi32> to vector<16xi32>
      tpu.vector_store %arg9[%swap3A_93], %swap3A_96 {strides = array<i32>} : memref<128xi32, #tpu.memory_space<vmem>>, vector<16xi32>,
      %add3A_97 = arith.constant 64 : i32
      %add3A_98 = arith.addi %multiple_of3A_62, %add3A_97 : i32
      %get3A_99 = arith.index_cast %add3A_98 : i32 to index
      %get3A_100 = tpu.vector_load %arg8[%get3A_99] {strides = array<i32>} : memref<10128xi32, #tpu.memory_space<vmem>>, vector<16xi32>,
      %get3A_101 = vector.shape_cast %get3A_100 : vector<16xi32> to vector<16xi32>
      %swap3A_102 = arith.constant 64 : index
      %swap3A_103 = tpu.vector_load %arg9[%swap3A_102] {strides = array<i32>} : memref<128xi32, #tpu.memory_space<vmem>>, vector<16xi32>,
      %swap3A_104 = vector.shape_cast %swap3A_103 : vector<16xi32> to vector<16xi32>
      %swap3A_105 = vector.shape_cast %get3A_101 : vector<16xi32> to vector<16xi32>
      tpu.vector_store %arg9[%swap3A_102], %swap3A_105 {strides = array<i32>} : memref<128xi32, #tpu.memory_space<vmem>>, vector<16xi32>,
      %add3A_106 = arith.constant 80 : i32
      %add3A_107 = arith.addi %multiple_of3A_62, %add3A_106 : i32
      %get3A_108 = arith.index_cast %add3A_107 : i32 to index
      %get3A_109 = tpu.vector_load %arg8[%get3A_108] {strides = array<i32>} : memref<10128xi32, #tpu.memory_space<vmem>>, vector<16xi32>,
      %get3A_110 = vector.shape_cast %get3A_109 : vector<16xi32> to vector<16xi32>
      %swap3A_111 = arith.constant 80 : index
      %swap3A_112 = tpu.vector_load %arg9[%swap3A_111] {strides = array<i32>} : memref<128xi32, #tpu.memory_space<vmem>>, vector<16xi32>,
      %swap3A_113 = vector.shape_cast %swap3A_112 : vector<16xi32> to vector<16xi32>
      %swap3A_114 = vector.shape_cast %get3A_110 : vector<16xi32> to vector<16xi32>
      tpu.vector_store %arg9[%swap3A_111], %swap3A_114 {strides = array<i32>} : memref<128xi32, #tpu.memory_space<vmem>>, vector<16xi32>,
      %add3A_115 = arith.constant 96 : i32
      %add3A_116 = arith.addi %multiple_of3A_62, %add3A_115 : i32
      %get3A_117 = arith.index_cast %add3A_116 : i32 to index
      %get3A_118 = tpu.vector_load %arg8[%get3A_117] {strides = array<i32>} : memref<10128xi32, #tpu.memory_space<vmem>>, vector<16xi32>,
      %get3A_119 = vector.shape_cast %get3A_118 : vector<16xi32> to vector<16xi32>
      %swap3A_120 = arith.constant 96 : index
      %swap3A_121 = tpu.vector_load %arg9[%swap3A_120] {strides = array<i32>} : memref<128xi32, #tpu.memory_space<vmem>>, vector<16xi32>,
      %swap3A_122 = vector.shape_cast %swap3A_121 : vector<16xi32> to vector<16xi32>
      %swap3A_123 = vector.shape_cast %get3A_119 : vector<16xi32> to vector<16xi32>
      tpu.vector_store %arg9[%swap3A_120], %swap3A_123 {strides = array<i32>} : memref<128xi32, #tpu.memory_space<vmem>>, vector<16xi32>,
      %add3A_124 = arith.constant 112 : i32
      %add3A_125 = arith.addi %multiple_of3A_62, %add3A_124 : i32
      %get3A_126 = arith.index_cast %add3A_125 : i32 to index
      %get3A_127 = tpu.vector_load %arg8[%get3A_126] {strides = array<i32>} : memref<10128xi32, #tpu.memory_space<vmem>>, vector<16xi32>,
      %get3A_128 = vector.shape_cast %get3A_127 : vector<16xi32> to vector<16xi32>
      %swap3A_129 = arith.constant 112 : index
      %swap3A_130 = tpu.vector_load %arg9[%swap3A_129] {strides = array<i32>} : memref<128xi32, #tpu.memory_space<vmem>>, vector<16xi32>,
      %swap3A_131 = vector.shape_cast %swap3A_130 : vector<16xi32> to vector<16xi32>
      %swap3A_132 = vector.shape_cast %get3A_128 : vector<16xi32> to vector<16xi32>
      tpu.vector_store %arg9[%swap3A_129], %swap3A_132 {strides = array<i32>} : memref<128xi32, #tpu.memory_space<vmem>>, vector<16xi32>,
      "tpu.region"() ({
        %run_scoped3A = tpu.sem_alloc : memref<!tpu.dma_semaphore, #tpu.memory_space<semaphore_mem>>
        %dma_start3A = arith.constant 0 : i32
        %dma_start3A_133 = arith.constant 0 : i32
        %dma_start3A_134 = tpu.memref_slice %arg11[%dma_start3A, %dma_start3A_133] : memref<10112x128xf32, #tpu.memory_space<vmem_shared>> -> memref<10112x128xf32, #tpu.memory_space<vmem_shared>>
        tpu.enqueue_indirect_dma source(%arg10 : memref<128x128xf32, #tpu.memory_space<vmem>>) target(%dma_start3A_134 : memref<10112x128xf32, #tpu.memory_space<vmem_shared>>) offsets(%arg9 : memref<128xi32, #tpu.memory_space<vmem>>) semaphore(%run_scoped3A : memref<!tpu.dma_semaphore, #tpu.memory_space<semaphore_mem>>) {add = true}
        %dma_wait3A = arith.constant 0 : i32
        %dma_wait3A_135 = arith.constant 0 : i32
        %dma_wait3A_136 = tpu.memref_slice %arg11[%dma_wait3A, %dma_wait3A_135] : memref<10112x128xf32, #tpu.memory_space<vmem_shared>> -> memref<10112x128xf32, #tpu.memory_space<vmem_shared>>
        tpu.wait_indirect_dma semaphore(%run_scoped3A : memref<!tpu.dma_semaphore, #tpu.memory_space<semaphore_mem>>) src(%arg10 : memref<128x128xf32, #tpu.memory_space<vmem>>) dst(%dma_wait3A_136 : memref<10112x128xf32, #tpu.memory_space<vmem_shared>>)
        tpu.yield
      }) : () -> ()
    }
    %scan3A_47 = arith.constant 79 : i32
    %barrier3A_48 = arith.constant 0 : index
    tpu.barrier barrier_id(%barrier3A_48)
    %eq3A_49 = arith.constant 0 : i32
    %eq3A_50 = arith.cmpi eq, %arg0, %eq3A_49 : i32
    %convert_element_type3A_51 = arith.extui %eq3A_50 : i1 to i32
    %cond3A_52 = arith.constant 0 : i32
    %cond3A_53 = arith.cmpi ne, %convert_element_type3A_51, %cond3A_52 : i32
    scf.if %cond3A_53 {
      "tpu.region"() ({
        %run_scoped3A = tpu.sem_alloc : memref<!tpu.dma_semaphore, #tpu.memory_space<semaphore_mem>>
        %dma_start3A = arith.constant 0 : i32
        %dma_start3A_59 = tpu.memref_slice %arg6[%multiple_of3A_3, %dma_start3A] : memref<10112x128xf32, #tpu.memory_space<hbm>> -> memref<632x128xf32, #tpu.memory_space<hbm>>
        %dma_start3A_60 = arith.constant 0 : i32
        %dma_start3A_61 = tpu.memref_slice %arg11[%multiple_of3A_3, %dma_start3A_60] : memref<10112x128xf32, #tpu.memory_space<vmem_shared>> -> memref<632x128xf32, #tpu.memory_space<vmem_shared>>
        tpu.enqueue_dma source(%dma_start3A_61 : memref<632x128xf32, #tpu.memory_space<vmem_shared>>) target(%dma_start3A_59 : memref<632x128xf32, #tpu.memory_space<hbm>>) target_semaphore(%run_scoped3A : memref<!tpu.dma_semaphore, #tpu.memory_space<semaphore_mem>>)
        %dma_wait3A = arith.constant 0 : i32
        %dma_wait3A_62 = tpu.memref_slice %arg6[%multiple_of3A_3, %dma_wait3A] : memref<10112x128xf32, #tpu.memory_space<hbm>> -> memref<632x128xf32, #tpu.memory_space<hbm>>
        %dma_wait3A_63 = arith.constant 0 : i32
        %dma_wait3A_64 = tpu.memref_slice %arg11[%multiple_of3A_3, %dma_wait3A_63] : memref<10112x128xf32, #tpu.memory_space<vmem_shared>> -> memref<632x128xf32, #tpu.memory_space<vmem_shared>>
        tpu.wait_dma2 semaphore(%run_scoped3A : memref<!tpu.dma_semaphore, #tpu.memory_space<semaphore_mem>>) src(%dma_wait3A_64 : memref<632x128xf32, #tpu.memory_space<vmem_shared>>) dst(%dma_wait3A_62 : memref<632x128xf32, #tpu.memory_space<hbm>>)
        tpu.yield
      }) : () -> ()
    } else {
    }
    %eq3A_54 = arith.constant 1 : i32
    %eq3A_55 = arith.cmpi eq, %arg0, %eq3A_54 : i32
    %convert_element_type3A_56 = arith.extui %eq3A_55 : i1 to i32
    %cond3A_57 = arith.constant 0 : i32
    %cond3A_58 = arith.cmpi ne, %convert_element_type3A_56, %cond3A_57 : i32
    scf.if %cond3A_58 {
      "tpu.region"() ({
        %run_scoped3A = tpu.sem_alloc : memref<!tpu.dma_semaphore, #tpu.memory_space<semaphore_mem>>
        %dma_start3A = arith.constant 0 : i32
        %dma_start3A_59 = tpu.memref_slice %arg7[%multiple_of3A_3, %dma_start3A] : memref<10112x128xf32, #tpu.memory_space<hbm>> -> memref<632x128xf32, #tpu.memory_space<hbm>>
        %dma_start3A_60 = arith.constant 0 : i32
        %dma_start3A_61 = tpu.memref_slice %arg11[%multiple_of3A_3, %dma_start3A_60] : memref<10112x128xf32, #tpu.memory_space<vmem_shared>> -> memref<632x128xf32, #tpu.memory_space<vmem_shared>>
        tpu.enqueue_dma source(%dma_start3A_61 : memref<632x128xf32, #tpu.memory_space<vmem_shared>>) target(%dma_start3A_59 : memref<632x128xf32, #tpu.memory_space<hbm>>) target_semaphore(%run_scoped3A : memref<!tpu.dma_semaphore, #tpu.memory_space<semaphore_mem>>)
        %dma_wait3A = arith.constant 0 : i32
        %dma_wait3A_62 = tpu.memref_slice %arg7[%multiple_of3A_3, %dma_wait3A] : memref<10112x128xf32, #tpu.memory_space<hbm>> -> memref<632x128xf32, #tpu.memory_space<hbm>>
        %dma_wait3A_63 = arith.constant 0 : i32
        %dma_wait3A_64 = tpu.memref_slice %arg11[%multiple_of3A_3, %dma_wait3A_63] : memref<10112x128xf32, #tpu.memory_space<vmem_shared>> -> memref<632x128xf32, #tpu.memory_space<vmem_shared>>
        tpu.wait_dma2 semaphore(%run_scoped3A : memref<!tpu.dma_semaphore, #tpu.memory_space<semaphore_mem>>) src(%dma_wait3A_64 : memref<632x128xf32, #tpu.memory_space<vmem_shared>>) dst(%dma_wait3A_62 : memref<632x128xf32, #tpu.memory_space<hbm>>)
        tpu.yield
      }) : () -> ()
    } else {
    }
    return
  }
}

#map = affine_map<(d0, d1) -> (0, 0)>
#map1 = affine_map<(d0, d1) -> (0)>
#map2 = affine_map<(d0, d1) -> (0, 0, 0)>
module attributes {stable_mosaic.version = 14 : i64} {
  func.func @agg_kernel(%arg0: i32, %arg1: i32, %arg2: memref<40000x128xf32, #tpu.memory_space<hbm>>, %arg3: memref<163840xi32, #tpu.memory_space<hbm>>, %arg4: memref<163840xi32, #tpu.memory_space<hbm>>, %arg5: memref<648x128xf32, #tpu.memory_space<hbm>>, %arg6: memref<2x10240x128xf32, #tpu.memory_space<hbm>>, %arg7: memref<2048xi32, #tpu.memory_space<vmem>>, %arg8: memref<2048xi32, #tpu.memory_space<vmem>>, %arg9: memref<4x64xi32, #tpu.memory_space<vmem>>, %arg10: memref<64xi32, #tpu.memory_space<vmem>>, %arg11: memref<256x128xf32, #tpu.memory_space<vmem>>, %arg12: memref<10368x128xf32, #tpu.memory_space<vmem_shared>>, %arg13: memref<!tpu.dma_semaphore, #tpu.memory_space<semaphore_mem>>, %arg14: memref<!tpu.dma_semaphore, #tpu.memory_space<semaphore_mem>>, %arg15: memref<!tpu.dma_semaphore, #tpu.memory_space<semaphore_mem>>, %arg16: memref<!tpu.dma_semaphore, #tpu.memory_space<semaphore_mem>>) attributes {dimension_semantics = [#tpu.dimension_semantics<core_parallel>, #tpu.dimension_semantics<subcore_parallel>], iteration_bounds = array<i64: 2, 16>, scalar_prefetch = 0 : i64, scratch_operands = 10 : i64, tpu.core_type = #tpu.core_type<sc_vector_subcore>, window_params = [{transform_indices = #map}, {transform_indices = #map1}, {transform_indices = #map1}, {transform_indices = #map}, {transform_indices = #map2}]} {
    %add3A = arith.constant 2 : i32
    %add3A_0 = arith.addi %add3A, %arg0 : i32
    %mul3A = arith.constant 10240 : i32
    %mul3A_1 = arith.muli %arg1, %mul3A : i32
    %mul3A_2 = arith.constant 648 : i32
    %mul3A_3 = arith.muli %arg1, %mul3A_2 : i32
    %multiple_of3A = tpu.assume_multiple %mul3A_3, 8 : i32
    "tpu.region"() ({
      %run_scoped3A = tpu.sem_alloc : memref<!tpu.dma_semaphore, #tpu.memory_space<semaphore_mem>>
      %dma_start3A = arith.constant 0 : i32
      %dma_start3A_13 = tpu.memref_slice %arg12[%multiple_of3A, %dma_start3A] : memref<10368x128xf32, #tpu.memory_space<vmem_shared>> -> memref<648x128xf32, #tpu.memory_space<vmem_shared>>
      tpu.enqueue_dma source(%arg5 : memref<648x128xf32, #tpu.memory_space<hbm>>) target(%dma_start3A_13 : memref<648x128xf32, #tpu.memory_space<vmem_shared>>) target_semaphore(%run_scoped3A : memref<!tpu.dma_semaphore, #tpu.memory_space<semaphore_mem>>)
      %dma_wait3A = arith.constant 0 : i32
      %dma_wait3A_14 = tpu.memref_slice %arg12[%multiple_of3A, %dma_wait3A] : memref<10368x128xf32, #tpu.memory_space<vmem_shared>> -> memref<648x128xf32, #tpu.memory_space<vmem_shared>>
      tpu.wait_dma2 semaphore(%run_scoped3A : memref<!tpu.dma_semaphore, #tpu.memory_space<semaphore_mem>>) src(%arg5 : memref<648x128xf32, #tpu.memory_space<hbm>>) dst(%dma_wait3A_14 : memref<648x128xf32, #tpu.memory_space<vmem_shared>>)
      tpu.yield
    }) : () -> ()
    %barrier3A = arith.constant 0 : index
    tpu.barrier barrier_id(%barrier3A)
    %scan3A = arith.constant 0 : i32
    %scan3A_4 = arith.constant 0 : i32
    %scan3A_5 = arith.constant 5 : i32
    %scan3A_6 = arith.addi %scan3A_4, %scan3A_5 : i32
    %scan3A_7 = arith.constant 1 : i32
    scf.for %scan3A_13 = %scan3A_4 to %scan3A_6 step %scan3A_7  : i32 {
      %mul3A_14 = arith.constant 2048 : i32
      %mul3A_15 = arith.muli %scan3A_13, %mul3A_14 : i32
      %add3A_16 = arith.addi %mul3A_1, %mul3A_15 : i32
      %multiple_of3A_17 = tpu.assume_multiple %add3A_16, 8 : i32
      "tpu.region"() ({
        %run_scoped3A = tpu.sem_alloc : memref<!tpu.dma_semaphore, #tpu.memory_space<semaphore_mem>>
        %dma_start3A_420 = tpu.memref_slice %arg3[%multiple_of3A_17] : memref<163840xi32, #tpu.memory_space<hbm>> -> memref<2048xi32, #tpu.memory_space<hbm>>
        %dma_start3A_421 = tpu.memref_slice %arg3[%multiple_of3A_17] : memref<163840xi32, #tpu.memory_space<hbm>> -> memref<2048xi32, #tpu.memory_space<hbm>>
        tpu.enqueue_dma source(%dma_start3A_421 : memref<2048xi32, #tpu.memory_space<hbm>>) target(%arg7 : memref<2048xi32, #tpu.memory_space<vmem>>) target_semaphore(%run_scoped3A : memref<!tpu.dma_semaphore, #tpu.memory_space<semaphore_mem>>)
        %dma_wait3A_422 = tpu.memref_slice %arg3[%multiple_of3A_17] : memref<163840xi32, #tpu.memory_space<hbm>> -> memref<2048xi32, #tpu.memory_space<hbm>>
        %dma_wait3A_423 = tpu.memref_slice %arg3[%multiple_of3A_17] : memref<163840xi32, #tpu.memory_space<hbm>> -> memref<2048xi32, #tpu.memory_space<hbm>>
        tpu.wait_dma2 semaphore(%run_scoped3A : memref<!tpu.dma_semaphore, #tpu.memory_space<semaphore_mem>>) src(%dma_wait3A_423 : memref<2048xi32, #tpu.memory_space<hbm>>) dst(%arg7 : memref<2048xi32, #tpu.memory_space<vmem>>)
        tpu.yield
      }) : () -> ()
      "tpu.region"() ({
        %run_scoped3A = tpu.sem_alloc : memref<!tpu.dma_semaphore, #tpu.memory_space<semaphore_mem>>
        %dma_start3A_420 = tpu.memref_slice %arg4[%multiple_of3A_17] : memref<163840xi32, #tpu.memory_space<hbm>> -> memref<2048xi32, #tpu.memory_space<hbm>>
        %dma_start3A_421 = tpu.memref_slice %arg4[%multiple_of3A_17] : memref<163840xi32, #tpu.memory_space<hbm>> -> memref<2048xi32, #tpu.memory_space<hbm>>
        tpu.enqueue_dma source(%dma_start3A_421 : memref<2048xi32, #tpu.memory_space<hbm>>) target(%arg8 : memref<2048xi32, #tpu.memory_space<vmem>>) target_semaphore(%run_scoped3A : memref<!tpu.dma_semaphore, #tpu.memory_space<semaphore_mem>>)
        %dma_wait3A_422 = tpu.memref_slice %arg4[%multiple_of3A_17] : memref<163840xi32, #tpu.memory_space<hbm>> -> memref<2048xi32, #tpu.memory_space<hbm>>
        %dma_wait3A_423 = tpu.memref_slice %arg4[%multiple_of3A_17] : memref<163840xi32, #tpu.memory_space<hbm>> -> memref<2048xi32, #tpu.memory_space<hbm>>
        tpu.wait_dma2 semaphore(%run_scoped3A : memref<!tpu.dma_semaphore, #tpu.memory_space<semaphore_mem>>) src(%dma_wait3A_423 : memref<2048xi32, #tpu.memory_space<hbm>>) dst(%arg8 : memref<2048xi32, #tpu.memory_space<vmem>>)
        tpu.yield
      }) : () -> ()
      %get3A = arith.constant 0 : index
      %get3A_18 = tpu.vector_load %arg7[%get3A] {strides = array<i32>} : memref<2048xi32, #tpu.memory_space<vmem>>, vector<16xi32>,
      %get3A_19 = vector.shape_cast %get3A_18 : vector<16xi32> to vector<16xi32>
      %mul3A_20 = arith.constant 10000 : i32
      %mul3A_21 = arith.muli %add3A_0, %mul3A_20 : i32
      %add3A_22 = vector.broadcast %mul3A_21 : i32 to vector<16xi32>
      %add3A_23 = arith.addi %add3A_22, %get3A_19 : vector<16xi32>
      %swap3A = arith.constant 0 : i32
      %swap3A_24 = arith.index_cast %swap3A : i32 to index
      %swap3A_25 = arith.constant 0 : index
      %swap3A_26 = tpu.vector_load %arg9[%swap3A_24, %swap3A_25] {strides = array<i32>} : memref<4x64xi32, #tpu.memory_space<vmem>>, vector<1x16xi32>,
      %swap3A_27 = vector.shape_cast %swap3A_26 : vector<1x16xi32> to vector<16xi32>
      %swap3A_28 = vector.shape_cast %add3A_23 : vector<16xi32> to vector<1x16xi32>
      tpu.vector_store %arg9[%swap3A_24, %swap3A_25], %swap3A_28 {strides = array<i32>} : memref<4x64xi32, #tpu.memory_space<vmem>>, vector<1x16xi32>,
      %get3A_29 = arith.constant 16 : index
      %get3A_30 = tpu.vector_load %arg7[%get3A_29] {strides = array<i32>} : memref<2048xi32, #tpu.memory_space<vmem>>, vector<16xi32>,
      %get3A_31 = vector.shape_cast %get3A_30 : vector<16xi32> to vector<16xi32>
      %mul3A_32 = arith.constant 10000 : i32
      %mul3A_33 = arith.muli %add3A_0, %mul3A_32 : i32
      %add3A_34 = vector.broadcast %mul3A_33 : i32 to vector<16xi32>
      %add3A_35 = arith.addi %add3A_34, %get3A_31 : vector<16xi32>
      %swap3A_36 = arith.constant 0 : i32
      %swap3A_37 = arith.index_cast %swap3A_36 : i32 to index
      %swap3A_38 = arith.constant 16 : index
      %swap3A_39 = tpu.vector_load %arg9[%swap3A_37, %swap3A_38] {strides = array<i32>} : memref<4x64xi32, #tpu.memory_space<vmem>>, vector<1x16xi32>,
      %swap3A_40 = vector.shape_cast %swap3A_39 : vector<1x16xi32> to vector<16xi32>
      %swap3A_41 = vector.shape_cast %add3A_35 : vector<16xi32> to vector<1x16xi32>
      tpu.vector_store %arg9[%swap3A_37, %swap3A_38], %swap3A_41 {strides = array<i32>} : memref<4x64xi32, #tpu.memory_space<vmem>>, vector<1x16xi32>,
      %get3A_42 = arith.constant 32 : index
      %get3A_43 = tpu.vector_load %arg7[%get3A_42] {strides = array<i32>} : memref<2048xi32, #tpu.memory_space<vmem>>, vector<16xi32>,
      %get3A_44 = vector.shape_cast %get3A_43 : vector<16xi32> to vector<16xi32>
      %mul3A_45 = arith.constant 10000 : i32
      %mul3A_46 = arith.muli %add3A_0, %mul3A_45 : i32
      %add3A_47 = vector.broadcast %mul3A_46 : i32 to vector<16xi32>
      %add3A_48 = arith.addi %add3A_47, %get3A_44 : vector<16xi32>
      %swap3A_49 = arith.constant 0 : i32
      %swap3A_50 = arith.index_cast %swap3A_49 : i32 to index
      %swap3A_51 = arith.constant 32 : index
      %swap3A_52 = tpu.vector_load %arg9[%swap3A_50, %swap3A_51] {strides = array<i32>} : memref<4x64xi32, #tpu.memory_space<vmem>>, vector<1x16xi32>,
      %swap3A_53 = vector.shape_cast %swap3A_52 : vector<1x16xi32> to vector<16xi32>
      %swap3A_54 = vector.shape_cast %add3A_48 : vector<16xi32> to vector<1x16xi32>
      tpu.vector_store %arg9[%swap3A_50, %swap3A_51], %swap3A_54 {strides = array<i32>} : memref<4x64xi32, #tpu.memory_space<vmem>>, vector<1x16xi32>,
      %get3A_55 = arith.constant 48 : index
      %get3A_56 = tpu.vector_load %arg7[%get3A_55] {strides = array<i32>} : memref<2048xi32, #tpu.memory_space<vmem>>, vector<16xi32>,
      %get3A_57 = vector.shape_cast %get3A_56 : vector<16xi32> to vector<16xi32>
      %mul3A_58 = arith.constant 10000 : i32
      %mul3A_59 = arith.muli %add3A_0, %mul3A_58 : i32
      %add3A_60 = vector.broadcast %mul3A_59 : i32 to vector<16xi32>
      %add3A_61 = arith.addi %add3A_60, %get3A_57 : vector<16xi32>
      %swap3A_62 = arith.constant 0 : i32
      %swap3A_63 = arith.index_cast %swap3A_62 : i32 to index
      %swap3A_64 = arith.constant 48 : index
      %swap3A_65 = tpu.vector_load %arg9[%swap3A_63, %swap3A_64] {strides = array<i32>} : memref<4x64xi32, #tpu.memory_space<vmem>>, vector<1x16xi32>,
      %swap3A_66 = vector.shape_cast %swap3A_65 : vector<1x16xi32> to vector<16xi32>
      %swap3A_67 = vector.shape_cast %add3A_61 : vector<16xi32> to vector<1x16xi32>
      tpu.vector_store %arg9[%swap3A_63, %swap3A_64], %swap3A_67 {strides = array<i32>} : memref<4x64xi32, #tpu.memory_space<vmem>>, vector<1x16xi32>,
      %get3A_68 = arith.constant 64 : index
      %get3A_69 = tpu.vector_load %arg7[%get3A_68] {strides = array<i32>} : memref<2048xi32, #tpu.memory_space<vmem>>, vector<16xi32>,
      %get3A_70 = vector.shape_cast %get3A_69 : vector<16xi32> to vector<16xi32>
      %mul3A_71 = arith.constant 10000 : i32
      %mul3A_72 = arith.muli %add3A_0, %mul3A_71 : i32
      %add3A_73 = vector.broadcast %mul3A_72 : i32 to vector<16xi32>
      %add3A_74 = arith.addi %add3A_73, %get3A_70 : vector<16xi32>
      %swap3A_75 = arith.constant 1 : i32
      %swap3A_76 = arith.index_cast %swap3A_75 : i32 to index
      %swap3A_77 = arith.constant 0 : index
      %swap3A_78 = tpu.vector_load %arg9[%swap3A_76, %swap3A_77] {strides = array<i32>} : memref<4x64xi32, #tpu.memory_space<vmem>>, vector<1x16xi32>,
      %swap3A_79 = vector.shape_cast %swap3A_78 : vector<1x16xi32> to vector<16xi32>
      %swap3A_80 = vector.shape_cast %add3A_74 : vector<16xi32> to vector<1x16xi32>
      tpu.vector_store %arg9[%swap3A_76, %swap3A_77], %swap3A_80 {strides = array<i32>} : memref<4x64xi32, #tpu.memory_space<vmem>>, vector<1x16xi32>,
      %get3A_81 = arith.constant 80 : index
      %get3A_82 = tpu.vector_load %arg7[%get3A_81] {strides = array<i32>} : memref<2048xi32, #tpu.memory_space<vmem>>, vector<16xi32>,
      %get3A_83 = vector.shape_cast %get3A_82 : vector<16xi32> to vector<16xi32>
      %mul3A_84 = arith.constant 10000 : i32
      %mul3A_85 = arith.muli %add3A_0, %mul3A_84 : i32
      %add3A_86 = vector.broadcast %mul3A_85 : i32 to vector<16xi32>
      %add3A_87 = arith.addi %add3A_86, %get3A_83 : vector<16xi32>
      %swap3A_88 = arith.constant 1 : i32
      %swap3A_89 = arith.index_cast %swap3A_88 : i32 to index
      %swap3A_90 = arith.constant 16 : index
      %swap3A_91 = tpu.vector_load %arg9[%swap3A_89, %swap3A_90] {strides = array<i32>} : memref<4x64xi32, #tpu.memory_space<vmem>>, vector<1x16xi32>,
      %swap3A_92 = vector.shape_cast %swap3A_91 : vector<1x16xi32> to vector<16xi32>
      %swap3A_93 = vector.shape_cast %add3A_87 : vector<16xi32> to vector<1x16xi32>
      tpu.vector_store %arg9[%swap3A_89, %swap3A_90], %swap3A_93 {strides = array<i32>} : memref<4x64xi32, #tpu.memory_space<vmem>>, vector<1x16xi32>,
      %get3A_94 = arith.constant 96 : index
      %get3A_95 = tpu.vector_load %arg7[%get3A_94] {strides = array<i32>} : memref<2048xi32, #tpu.memory_space<vmem>>, vector<16xi32>,
      %get3A_96 = vector.shape_cast %get3A_95 : vector<16xi32> to vector<16xi32>
      %mul3A_97 = arith.constant 10000 : i32
      %mul3A_98 = arith.muli %add3A_0, %mul3A_97 : i32
      %add3A_99 = vector.broadcast %mul3A_98 : i32 to vector<16xi32>
      %add3A_100 = arith.addi %add3A_99, %get3A_96 : vector<16xi32>
      %swap3A_101 = arith.constant 1 : i32
      %swap3A_102 = arith.index_cast %swap3A_101 : i32 to index
      %swap3A_103 = arith.constant 32 : index
      %swap3A_104 = tpu.vector_load %arg9[%swap3A_102, %swap3A_103] {strides = array<i32>} : memref<4x64xi32, #tpu.memory_space<vmem>>, vector<1x16xi32>,
      %swap3A_105 = vector.shape_cast %swap3A_104 : vector<1x16xi32> to vector<16xi32>
      %swap3A_106 = vector.shape_cast %add3A_100 : vector<16xi32> to vector<1x16xi32>
      tpu.vector_store %arg9[%swap3A_102, %swap3A_103], %swap3A_106 {strides = array<i32>} : memref<4x64xi32, #tpu.memory_space<vmem>>, vector<1x16xi32>,
      %get3A_107 = arith.constant 112 : index
      %get3A_108 = tpu.vector_load %arg7[%get3A_107] {strides = array<i32>} : memref<2048xi32, #tpu.memory_space<vmem>>, vector<16xi32>,
      %get3A_109 = vector.shape_cast %get3A_108 : vector<16xi32> to vector<16xi32>
      %mul3A_110 = arith.constant 10000 : i32
      %mul3A_111 = arith.muli %add3A_0, %mul3A_110 : i32
      %add3A_112 = vector.broadcast %mul3A_111 : i32 to vector<16xi32>
      %add3A_113 = arith.addi %add3A_112, %get3A_109 : vector<16xi32>
      %swap3A_114 = arith.constant 1 : i32
      %swap3A_115 = arith.index_cast %swap3A_114 : i32 to index
      %swap3A_116 = arith.constant 48 : index
      %swap3A_117 = tpu.vector_load %arg9[%swap3A_115, %swap3A_116] {strides = array<i32>} : memref<4x64xi32, #tpu.memory_space<vmem>>, vector<1x16xi32>,
      %swap3A_118 = vector.shape_cast %swap3A_117 : vector<1x16xi32> to vector<16xi32>
      %swap3A_119 = vector.shape_cast %add3A_113 : vector<16xi32> to vector<1x16xi32>
      tpu.vector_store %arg9[%swap3A_115, %swap3A_116], %swap3A_119 {strides = array<i32>} : memref<4x64xi32, #tpu.memory_space<vmem>>, vector<1x16xi32>,
      %get3A_120 = arith.constant 128 : index
      %get3A_121 = tpu.vector_load %arg7[%get3A_120] {strides = array<i32>} : memref<2048xi32, #tpu.memory_space<vmem>>, vector<16xi32>,
      %get3A_122 = vector.shape_cast %get3A_121 : vector<16xi32> to vector<16xi32>
      %mul3A_123 = arith.constant 10000 : i32
      %mul3A_124 = arith.muli %add3A_0, %mul3A_123 : i32
      %add3A_125 = vector.broadcast %mul3A_124 : i32 to vector<16xi32>
      %add3A_126 = arith.addi %add3A_125, %get3A_122 : vector<16xi32>
      %swap3A_127 = arith.constant 2 : i32
      %swap3A_128 = arith.index_cast %swap3A_127 : i32 to index
      %swap3A_129 = arith.constant 0 : index
      %swap3A_130 = tpu.vector_load %arg9[%swap3A_128, %swap3A_129] {strides = array<i32>} : memref<4x64xi32, #tpu.memory_space<vmem>>, vector<1x16xi32>,
      %swap3A_131 = vector.shape_cast %swap3A_130 : vector<1x16xi32> to vector<16xi32>
      %swap3A_132 = vector.shape_cast %add3A_126 : vector<16xi32> to vector<1x16xi32>
      tpu.vector_store %arg9[%swap3A_128, %swap3A_129], %swap3A_132 {strides = array<i32>} : memref<4x64xi32, #tpu.memory_space<vmem>>, vector<1x16xi32>,
      %get3A_133 = arith.constant 144 : index
      %get3A_134 = tpu.vector_load %arg7[%get3A_133] {strides = array<i32>} : memref<2048xi32, #tpu.memory_space<vmem>>, vector<16xi32>,
      %get3A_135 = vector.shape_cast %get3A_134 : vector<16xi32> to vector<16xi32>
      %mul3A_136 = arith.constant 10000 : i32
      %mul3A_137 = arith.muli %add3A_0, %mul3A_136 : i32
      %add3A_138 = vector.broadcast %mul3A_137 : i32 to vector<16xi32>
      %add3A_139 = arith.addi %add3A_138, %get3A_135 : vector<16xi32>
      %swap3A_140 = arith.constant 2 : i32
      %swap3A_141 = arith.index_cast %swap3A_140 : i32 to index
      %swap3A_142 = arith.constant 16 : index
      %swap3A_143 = tpu.vector_load %arg9[%swap3A_141, %swap3A_142] {strides = array<i32>} : memref<4x64xi32, #tpu.memory_space<vmem>>, vector<1x16xi32>,
      %swap3A_144 = vector.shape_cast %swap3A_143 : vector<1x16xi32> to vector<16xi32>
      %swap3A_145 = vector.shape_cast %add3A_139 : vector<16xi32> to vector<1x16xi32>
      tpu.vector_store %arg9[%swap3A_141, %swap3A_142], %swap3A_145 {strides = array<i32>} : memref<4x64xi32, #tpu.memory_space<vmem>>, vector<1x16xi32>,
      %get3A_146 = arith.constant 160 : index
      %get3A_147 = tpu.vector_load %arg7[%get3A_146] {strides = array<i32>} : memref<2048xi32, #tpu.memory_space<vmem>>, vector<16xi32>,
      %get3A_148 = vector.shape_cast %get3A_147 : vector<16xi32> to vector<16xi32>
      %mul3A_149 = arith.constant 10000 : i32
      %mul3A_150 = arith.muli %add3A_0, %mul3A_149 : i32
      %add3A_151 = vector.broadcast %mul3A_150 : i32 to vector<16xi32>
      %add3A_152 = arith.addi %add3A_151, %get3A_148 : vector<16xi32>
      %swap3A_153 = arith.constant 2 : i32
      %swap3A_154 = arith.index_cast %swap3A_153 : i32 to index
      %swap3A_155 = arith.constant 32 : index
      %swap3A_156 = tpu.vector_load %arg9[%swap3A_154, %swap3A_155] {strides = array<i32>} : memref<4x64xi32, #tpu.memory_space<vmem>>, vector<1x16xi32>,
      %swap3A_157 = vector.shape_cast %swap3A_156 : vector<1x16xi32> to vector<16xi32>
      %swap3A_158 = vector.shape_cast %add3A_152 : vector<16xi32> to vector<1x16xi32>
      tpu.vector_store %arg9[%swap3A_154, %swap3A_155], %swap3A_158 {strides = array<i32>} : memref<4x64xi32, #tpu.memory_space<vmem>>, vector<1x16xi32>,
      %get3A_159 = arith.constant 176 : index
      %get3A_160 = tpu.vector_load %arg7[%get3A_159] {strides = array<i32>} : memref<2048xi32, #tpu.memory_space<vmem>>, vector<16xi32>,
      %get3A_161 = vector.shape_cast %get3A_160 : vector<16xi32> to vector<16xi32>
      %mul3A_162 = arith.constant 10000 : i32
      %mul3A_163 = arith.muli %add3A_0, %mul3A_162 : i32
      %add3A_164 = vector.broadcast %mul3A_163 : i32 to vector<16xi32>
      %add3A_165 = arith.addi %add3A_164, %get3A_161 : vector<16xi32>
      %swap3A_166 = arith.constant 2 : i32
      %swap3A_167 = arith.index_cast %swap3A_166 : i32 to index
      %swap3A_168 = arith.constant 48 : index
      %swap3A_169 = tpu.vector_load %arg9[%swap3A_167, %swap3A_168] {strides = array<i32>} : memref<4x64xi32, #tpu.memory_space<vmem>>, vector<1x16xi32>,
      %swap3A_170 = vector.shape_cast %swap3A_169 : vector<1x16xi32> to vector<16xi32>
      %swap3A_171 = vector.shape_cast %add3A_165 : vector<16xi32> to vector<1x16xi32>
      tpu.vector_store %arg9[%swap3A_167, %swap3A_168], %swap3A_171 {strides = array<i32>} : memref<4x64xi32, #tpu.memory_space<vmem>>, vector<1x16xi32>,
      %get3A_172 = arith.constant 192 : index
      %get3A_173 = tpu.vector_load %arg7[%get3A_172] {strides = array<i32>} : memref<2048xi32, #tpu.memory_space<vmem>>, vector<16xi32>,
      %get3A_174 = vector.shape_cast %get3A_173 : vector<16xi32> to vector<16xi32>
      %mul3A_175 = arith.constant 10000 : i32
      %mul3A_176 = arith.muli %add3A_0, %mul3A_175 : i32
      %add3A_177 = vector.broadcast %mul3A_176 : i32 to vector<16xi32>
      %add3A_178 = arith.addi %add3A_177, %get3A_174 : vector<16xi32>
      %swap3A_179 = arith.constant 3 : i32
      %swap3A_180 = arith.index_cast %swap3A_179 : i32 to index
      %swap3A_181 = arith.constant 0 : index
      %swap3A_182 = tpu.vector_load %arg9[%swap3A_180, %swap3A_181] {strides = array<i32>} : memref<4x64xi32, #tpu.memory_space<vmem>>, vector<1x16xi32>,
      %swap3A_183 = vector.shape_cast %swap3A_182 : vector<1x16xi32> to vector<16xi32>
      %swap3A_184 = vector.shape_cast %add3A_178 : vector<16xi32> to vector<1x16xi32>
      tpu.vector_store %arg9[%swap3A_180, %swap3A_181], %swap3A_184 {strides = array<i32>} : memref<4x64xi32, #tpu.memory_space<vmem>>, vector<1x16xi32>,
      %get3A_185 = arith.constant 208 : index
      %get3A_186 = tpu.vector_load %arg7[%get3A_185] {strides = array<i32>} : memref<2048xi32, #tpu.memory_space<vmem>>, vector<16xi32>,
      %get3A_187 = vector.shape_cast %get3A_186 : vector<16xi32> to vector<16xi32>
      %mul3A_188 = arith.constant 10000 : i32
      %mul3A_189 = arith.muli %add3A_0, %mul3A_188 : i32
      %add3A_190 = vector.broadcast %mul3A_189 : i32 to vector<16xi32>
      %add3A_191 = arith.addi %add3A_190, %get3A_187 : vector<16xi32>
      %swap3A_192 = arith.constant 3 : i32
      %swap3A_193 = arith.index_cast %swap3A_192 : i32 to index
      %swap3A_194 = arith.constant 16 : index
      %swap3A_195 = tpu.vector_load %arg9[%swap3A_193, %swap3A_194] {strides = array<i32>} : memref<4x64xi32, #tpu.memory_space<vmem>>, vector<1x16xi32>,
      %swap3A_196 = vector.shape_cast %swap3A_195 : vector<1x16xi32> to vector<16xi32>
      %swap3A_197 = vector.shape_cast %add3A_191 : vector<16xi32> to vector<1x16xi32>
      tpu.vector_store %arg9[%swap3A_193, %swap3A_194], %swap3A_197 {strides = array<i32>} : memref<4x64xi32, #tpu.memory_space<vmem>>, vector<1x16xi32>,
      %get3A_198 = arith.constant 224 : index
      %get3A_199 = tpu.vector_load %arg7[%get3A_198] {strides = array<i32>} : memref<2048xi32, #tpu.memory_space<vmem>>, vector<16xi32>,
      %get3A_200 = vector.shape_cast %get3A_199 : vector<16xi32> to vector<16xi32>
      %mul3A_201 = arith.constant 10000 : i32
      %mul3A_202 = arith.muli %add3A_0, %mul3A_201 : i32
      %add3A_203 = vector.broadcast %mul3A_202 : i32 to vector<16xi32>
      %add3A_204 = arith.addi %add3A_203, %get3A_200 : vector<16xi32>
      %swap3A_205 = arith.constant 3 : i32
      %swap3A_206 = arith.index_cast %swap3A_205 : i32 to index
      %swap3A_207 = arith.constant 32 : index
      %swap3A_208 = tpu.vector_load %arg9[%swap3A_206, %swap3A_207] {strides = array<i32>} : memref<4x64xi32, #tpu.memory_space<vmem>>, vector<1x16xi32>,
      %swap3A_209 = vector.shape_cast %swap3A_208 : vector<1x16xi32> to vector<16xi32>
      %swap3A_210 = vector.shape_cast %add3A_204 : vector<16xi32> to vector<1x16xi32>
      tpu.vector_store %arg9[%swap3A_206, %swap3A_207], %swap3A_210 {strides = array<i32>} : memref<4x64xi32, #tpu.memory_space<vmem>>, vector<1x16xi32>,
      %get3A_211 = arith.constant 240 : index
      %get3A_212 = tpu.vector_load %arg7[%get3A_211] {strides = array<i32>} : memref<2048xi32, #tpu.memory_space<vmem>>, vector<16xi32>,
      %get3A_213 = vector.shape_cast %get3A_212 : vector<16xi32> to vector<16xi32>
      %mul3A_214 = arith.constant 10000 : i32
      %mul3A_215 = arith.muli %add3A_0, %mul3A_214 : i32
      %add3A_216 = vector.broadcast %mul3A_215 : i32 to vector<16xi32>
      %add3A_217 = arith.addi %add3A_216, %get3A_213 : vector<16xi32>
      %swap3A_218 = arith.constant 3 : i32
      %swap3A_219 = arith.index_cast %swap3A_218 : i32 to index
      %swap3A_220 = arith.constant 48 : index
      %swap3A_221 = tpu.vector_load %arg9[%swap3A_219, %swap3A_220] {strides = array<i32>} : memref<4x64xi32, #tpu.memory_space<vmem>>, vector<1x16xi32>,
      %swap3A_222 = vector.shape_cast %swap3A_221 : vector<1x16xi32> to vector<16xi32>
      %swap3A_223 = vector.shape_cast %add3A_217 : vector<16xi32> to vector<1x16xi32>
      tpu.vector_store %arg9[%swap3A_219, %swap3A_220], %swap3A_223 {strides = array<i32>} : memref<4x64xi32, #tpu.memory_space<vmem>>, vector<1x16xi32>,
      %dma_start3A = arith.constant 0 : i32
      %dma_start3A_224 = arith.constant 0 : i32
      %dma_start3A_225 = arith.constant 0 : i32
      %dma_start3A_226 = tpu.memref_slice %arg11[%dma_start3A_224, %dma_start3A_225] : memref<256x128xf32, #tpu.memory_space<vmem>> -> memref<64x128xf32, #tpu.memory_space<vmem>>
      %dma_start3A_227 = arith.constant 0 : i32
      %dma_start3A_228 = tpu.memref_slice %arg9[%dma_start3A, %dma_start3A_227] : memref<4x64xi32, #tpu.memory_space<vmem>> -> memref<1x64xi32, #tpu.memory_space<vmem>>
      %dma_start3A_229 = tpu.memref_squeeze %dma_start3A_228 : memref<1x64xi32, #tpu.memory_space<vmem>> -> memref<64xi32, #tpu.memory_space<vmem>>
      %dma_start3A_230 = arith.constant 0 : i32
      %dma_start3A_231 = arith.constant 0 : i32
      %dma_start3A_232 = tpu.memref_slice %arg2[%dma_start3A_230, %dma_start3A_231] : memref<40000x128xf32, #tpu.memory_space<hbm>> -> memref<40000x128xf32, #tpu.memory_space<hbm>>
      tpu.enqueue_indirect_dma source(%dma_start3A_232 : memref<40000x128xf32, #tpu.memory_space<hbm>>) target(%dma_start3A_226 : memref<64x128xf32, #tpu.memory_space<vmem>>) offsets(%dma_start3A_229 : memref<64xi32, #tpu.memory_space<vmem>>) semaphore(%arg13 : memref<!tpu.dma_semaphore, #tpu.memory_space<semaphore_mem>>)
      %dma_start3A_233 = arith.constant 1 : i32
      %dma_start3A_234 = arith.constant 64 : i32
      %dma_start3A_235 = arith.constant 0 : i32
      %dma_start3A_236 = tpu.memref_slice %arg11[%dma_start3A_234, %dma_start3A_235] : memref<256x128xf32, #tpu.memory_space<vmem>> -> memref<64x128xf32, #tpu.memory_space<vmem>>
      %dma_start3A_237 = arith.constant 0 : i32
      %dma_start3A_238 = tpu.memref_slice %arg9[%dma_start3A_233, %dma_start3A_237] : memref<4x64xi32, #tpu.memory_space<vmem>> -> memref<1x64xi32, #tpu.memory_space<vmem>>
      %dma_start3A_239 = tpu.memref_squeeze %dma_start3A_238 : memref<1x64xi32, #tpu.memory_space<vmem>> -> memref<64xi32, #tpu.memory_space<vmem>>
      %dma_start3A_240 = arith.constant 0 : i32
      %dma_start3A_241 = arith.constant 0 : i32
      %dma_start3A_242 = tpu.memref_slice %arg2[%dma_start3A_240, %dma_start3A_241] : memref<40000x128xf32, #tpu.memory_space<hbm>> -> memref<40000x128xf32, #tpu.memory_space<hbm>>
      tpu.enqueue_indirect_dma source(%dma_start3A_242 : memref<40000x128xf32, #tpu.memory_space<hbm>>) target(%dma_start3A_236 : memref<64x128xf32, #tpu.memory_space<vmem>>) offsets(%dma_start3A_239 : memref<64xi32, #tpu.memory_space<vmem>>) semaphore(%arg14 : memref<!tpu.dma_semaphore, #tpu.memory_space<semaphore_mem>>)
      %dma_start3A_243 = arith.constant 2 : i32
      %dma_start3A_244 = arith.constant 128 : i32
      %dma_start3A_245 = arith.constant 0 : i32
      %dma_start3A_246 = tpu.memref_slice %arg11[%dma_start3A_244, %dma_start3A_245] : memref<256x128xf32, #tpu.memory_space<vmem>> -> memref<64x128xf32, #tpu.memory_space<vmem>>
      %dma_start3A_247 = arith.constant 0 : i32
      %dma_start3A_248 = tpu.memref_slice %arg9[%dma_start3A_243, %dma_start3A_247] : memref<4x64xi32, #tpu.memory_space<vmem>> -> memref<1x64xi32, #tpu.memory_space<vmem>>
      %dma_start3A_249 = tpu.memref_squeeze %dma_start3A_248 : memref<1x64xi32, #tpu.memory_space<vmem>> -> memref<64xi32, #tpu.memory_space<vmem>>
      %dma_start3A_250 = arith.constant 0 : i32
      %dma_start3A_251 = arith.constant 0 : i32
      %dma_start3A_252 = tpu.memref_slice %arg2[%dma_start3A_250, %dma_start3A_251] : memref<40000x128xf32, #tpu.memory_space<hbm>> -> memref<40000x128xf32, #tpu.memory_space<hbm>>
      tpu.enqueue_indirect_dma source(%dma_start3A_252 : memref<40000x128xf32, #tpu.memory_space<hbm>>) target(%dma_start3A_246 : memref<64x128xf32, #tpu.memory_space<vmem>>) offsets(%dma_start3A_249 : memref<64xi32, #tpu.memory_space<vmem>>) semaphore(%arg15 : memref<!tpu.dma_semaphore, #tpu.memory_space<semaphore_mem>>)
      %dma_start3A_253 = arith.constant 3 : i32
      %dma_start3A_254 = arith.constant 192 : i32
      %dma_start3A_255 = arith.constant 0 : i32
      %dma_start3A_256 = tpu.memref_slice %arg11[%dma_start3A_254, %dma_start3A_255] : memref<256x128xf32, #tpu.memory_space<vmem>> -> memref<64x128xf32, #tpu.memory_space<vmem>>
      %dma_start3A_257 = arith.constant 0 : i32
      %dma_start3A_258 = tpu.memref_slice %arg9[%dma_start3A_253, %dma_start3A_257] : memref<4x64xi32, #tpu.memory_space<vmem>> -> memref<1x64xi32, #tpu.memory_space<vmem>>
      %dma_start3A_259 = tpu.memref_squeeze %dma_start3A_258 : memref<1x64xi32, #tpu.memory_space<vmem>> -> memref<64xi32, #tpu.memory_space<vmem>>
      %dma_start3A_260 = arith.constant 0 : i32
      %dma_start3A_261 = arith.constant 0 : i32
      %dma_start3A_262 = tpu.memref_slice %arg2[%dma_start3A_260, %dma_start3A_261] : memref<40000x128xf32, #tpu.memory_space<hbm>> -> memref<40000x128xf32, #tpu.memory_space<hbm>>
      tpu.enqueue_indirect_dma source(%dma_start3A_262 : memref<40000x128xf32, #tpu.memory_space<hbm>>) target(%dma_start3A_256 : memref<64x128xf32, #tpu.memory_space<vmem>>) offsets(%dma_start3A_259 : memref<64xi32, #tpu.memory_space<vmem>>) semaphore(%arg16 : memref<!tpu.dma_semaphore, #tpu.memory_space<semaphore_mem>>)
      %scan3A_263 = arith.constant 0 : i32
      %scan3A_264 = arith.constant 0 : i32
      %scan3A_265 = arith.constant 7 : i32
      %scan3A_266 = arith.addi %scan3A_264, %scan3A_265 : i32
      %scan3A_267 = arith.constant 1 : i32
      scf.for %scan3A_420 = %scan3A_264 to %scan3A_266 step %scan3A_267  : i32 {
        %mul3A_421 = arith.constant 4 : i32
        %mul3A_422 = arith.muli %mul3A_421, %scan3A_420 : i32
        %add3A_423 = arith.constant 0 : i32
        %add3A_424 = arith.addi %mul3A_422, %add3A_423 : i32
        %dma_wait3A_425 = arith.constant 0 : i32
        %dma_wait3A_426 = arith.constant 0 : i32
        %dma_wait3A_427 = arith.constant 0 : i32
        %dma_wait3A_428 = tpu.memref_slice %arg11[%dma_wait3A_426, %dma_wait3A_427] : memref<256x128xf32, #tpu.memory_space<vmem>> -> memref<64x128xf32, #tpu.memory_space<vmem>>
        %dma_wait3A_429 = arith.constant 0 : i32
        %dma_wait3A_430 = tpu.memref_slice %arg9[%dma_wait3A_425, %dma_wait3A_429] : memref<4x64xi32, #tpu.memory_space<vmem>> -> memref<1x64xi32, #tpu.memory_space<vmem>>
        %dma_wait3A_431 = tpu.memref_squeeze %dma_wait3A_430 : memref<1x64xi32, #tpu.memory_space<vmem>> -> memref<64xi32, #tpu.memory_space<vmem>>
        %dma_wait3A_432 = arith.constant 0 : i32
        %dma_wait3A_433 = arith.constant 0 : i32
        %dma_wait3A_434 = tpu.memref_slice %arg2[%dma_wait3A_432, %dma_wait3A_433] : memref<40000x128xf32, #tpu.memory_space<hbm>> -> memref<40000x128xf32, #tpu.memory_space<hbm>>
        tpu.wait_indirect_dma semaphore(%arg13 : memref<!tpu.dma_semaphore, #tpu.memory_space<semaphore_mem>>) src(%dma_wait3A_434 : memref<40000x128xf32, #tpu.memory_space<hbm>>) dst(%dma_wait3A_428 : memref<64x128xf32, #tpu.memory_space<vmem>>)
        %mul3A_435 = arith.constant 64 : i32
        %mul3A_436 = arith.muli %add3A_424, %mul3A_435 : i32
        %add3A_437 = arith.constant 0 : i32
        %add3A_438 = arith.addi %mul3A_436, %add3A_437 : i32
        %get3A_439 = arith.index_cast %add3A_438 : i32 to index
        %get3A_440 = tpu.vector_load %arg8[%get3A_439] {strides = array<i32>} : memref<2048xi32, #tpu.memory_space<vmem>>, vector<16xi32>,
        %get3A_441 = vector.shape_cast %get3A_440 : vector<16xi32> to vector<16xi32>
        %swap3A_442 = arith.constant 0 : index
        %swap3A_443 = tpu.vector_load %arg10[%swap3A_442] {strides = array<i32>} : memref<64xi32, #tpu.memory_space<vmem>>, vector<16xi32>,
        %swap3A_444 = vector.shape_cast %swap3A_443 : vector<16xi32> to vector<16xi32>
        %swap3A_445 = vector.shape_cast %get3A_441 : vector<16xi32> to vector<16xi32>
        tpu.vector_store %arg10[%swap3A_442], %swap3A_445 {strides = array<i32>} : memref<64xi32, #tpu.memory_space<vmem>>, vector<16xi32>,
        %mul3A_446 = arith.constant 64 : i32
        %mul3A_447 = arith.muli %add3A_424, %mul3A_446 : i32
        %add3A_448 = arith.constant 16 : i32
        %add3A_449 = arith.addi %mul3A_447, %add3A_448 : i32
        %get3A_450 = arith.index_cast %add3A_449 : i32 to index
        %get3A_451 = tpu.vector_load %arg8[%get3A_450] {strides = array<i32>} : memref<2048xi32, #tpu.memory_space<vmem>>, vector<16xi32>,
        %get3A_452 = vector.shape_cast %get3A_451 : vector<16xi32> to vector<16xi32>
        %swap3A_453 = arith.constant 16 : index
        %swap3A_454 = tpu.vector_load %arg10[%swap3A_453] {strides = array<i32>} : memref<64xi32, #tpu.memory_space<vmem>>, vector<16xi32>,
        %swap3A_455 = vector.shape_cast %swap3A_454 : vector<16xi32> to vector<16xi32>
        %swap3A_456 = vector.shape_cast %get3A_452 : vector<16xi32> to vector<16xi32>
        tpu.vector_store %arg10[%swap3A_453], %swap3A_456 {strides = array<i32>} : memref<64xi32, #tpu.memory_space<vmem>>, vector<16xi32>,
        %mul3A_457 = arith.constant 64 : i32
        %mul3A_458 = arith.muli %add3A_424, %mul3A_457 : i32
        %add3A_459 = arith.constant 32 : i32
        %add3A_460 = arith.addi %mul3A_458, %add3A_459 : i32
        %get3A_461 = arith.index_cast %add3A_460 : i32 to index
        %get3A_462 = tpu.vector_load %arg8[%get3A_461] {strides = array<i32>} : memref<2048xi32, #tpu.memory_space<vmem>>, vector<16xi32>,
        %get3A_463 = vector.shape_cast %get3A_462 : vector<16xi32> to vector<16xi32>
        %swap3A_464 = arith.constant 32 : index
        %swap3A_465 = tpu.vector_load %arg10[%swap3A_464] {strides = array<i32>} : memref<64xi32, #tpu.memory_space<vmem>>, vector<16xi32>,
        %swap3A_466 = vector.shape_cast %swap3A_465 : vector<16xi32> to vector<16xi32>
        %swap3A_467 = vector.shape_cast %get3A_463 : vector<16xi32> to vector<16xi32>
        tpu.vector_store %arg10[%swap3A_464], %swap3A_467 {strides = array<i32>} : memref<64xi32, #tpu.memory_space<vmem>>, vector<16xi32>,
        %mul3A_468 = arith.constant 64 : i32
        %mul3A_469 = arith.muli %add3A_424, %mul3A_468 : i32
        %add3A_470 = arith.constant 48 : i32
        %add3A_471 = arith.addi %mul3A_469, %add3A_470 : i32
        %get3A_472 = arith.index_cast %add3A_471 : i32 to index
        %get3A_473 = tpu.vector_load %arg8[%get3A_472] {strides = array<i32>} : memref<2048xi32, #tpu.memory_space<vmem>>, vector<16xi32>,
        %get3A_474 = vector.shape_cast %get3A_473 : vector<16xi32> to vector<16xi32>
        %swap3A_475 = arith.constant 48 : index
        %swap3A_476 = tpu.vector_load %arg10[%swap3A_475] {strides = array<i32>} : memref<64xi32, #tpu.memory_space<vmem>>, vector<16xi32>,
        %swap3A_477 = vector.shape_cast %swap3A_476 : vector<16xi32> to vector<16xi32>
        %swap3A_478 = vector.shape_cast %get3A_474 : vector<16xi32> to vector<16xi32>
        tpu.vector_store %arg10[%swap3A_475], %swap3A_478 {strides = array<i32>} : memref<64xi32, #tpu.memory_space<vmem>>, vector<16xi32>,
        "tpu.region"() ({
          %run_scoped3A = tpu.sem_alloc : memref<!tpu.dma_semaphore, #tpu.memory_space<semaphore_mem>>
          %dma_start3A_973 = arith.constant 0 : i32
          %dma_start3A_974 = arith.constant 0 : i32
          %dma_start3A_975 = tpu.memref_slice %arg11[%dma_start3A_973, %dma_start3A_974] : memref<256x128xf32, #tpu.memory_space<vmem>> -> memref<64x128xf32, #tpu.memory_space<vmem>>
          %dma_start3A_976 = arith.constant 0 : i32
          %dma_start3A_977 = arith.constant 0 : i32
          %dma_start3A_978 = tpu.memref_slice %arg12[%dma_start3A_976, %dma_start3A_977] : memref<10368x128xf32, #tpu.memory_space<vmem_shared>> -> memref<10368x128xf32, #tpu.memory_space<vmem_shared>>
          tpu.enqueue_indirect_dma source(%dma_start3A_975 : memref<64x128xf32, #tpu.memory_space<vmem>>) target(%dma_start3A_978 : memref<10368x128xf32, #tpu.memory_space<vmem_shared>>) offsets(%arg10 : memref<64xi32, #tpu.memory_space<vmem>>) semaphore(%run_scoped3A : memref<!tpu.dma_semaphore, #tpu.memory_space<semaphore_mem>>) {add = true}
          %dma_wait3A_979 = arith.constant 0 : i32
          %dma_wait3A_980 = arith.constant 0 : i32
          %dma_wait3A_981 = tpu.memref_slice %arg11[%dma_wait3A_979, %dma_wait3A_980] : memref<256x128xf32, #tpu.memory_space<vmem>> -> memref<64x128xf32, #tpu.memory_space<vmem>>
          %dma_wait3A_982 = arith.constant 0 : i32
          %dma_wait3A_983 = arith.constant 0 : i32
          %dma_wait3A_984 = tpu.memref_slice %arg12[%dma_wait3A_982, %dma_wait3A_983] : memref<10368x128xf32, #tpu.memory_space<vmem_shared>> -> memref<10368x128xf32, #tpu.memory_space<vmem_shared>>
          tpu.wait_indirect_dma semaphore(%run_scoped3A : memref<!tpu.dma_semaphore, #tpu.memory_space<semaphore_mem>>) src(%dma_wait3A_981 : memref<64x128xf32, #tpu.memory_space<vmem>>) dst(%dma_wait3A_984 : memref<10368x128xf32, #tpu.memory_space<vmem_shared>>)
          tpu.yield
        }) : () -> ()
        %add3A_479 = arith.constant 4 : i32
        %add3A_480 = arith.addi %add3A_424, %add3A_479 : i32
        %mul3A_481 = arith.constant 64 : i32
        %mul3A_482 = arith.muli %add3A_480, %mul3A_481 : i32
        %add3A_483 = arith.constant 0 : i32
        %add3A_484 = arith.addi %mul3A_482, %add3A_483 : i32
        %get3A_485 = arith.index_cast %add3A_484 : i32 to index
        %get3A_486 = tpu.vector_load %arg7[%get3A_485] {strides = array<i32>} : memref<2048xi32, #tpu.memory_space<vmem>>, vector<16xi32>,
        %get3A_487 = vector.shape_cast %get3A_486 : vector<16xi32> to vector<16xi32>
        %mul3A_488 = arith.constant 10000 : i32
        %mul3A_489 = arith.muli %add3A_0, %mul3A_488 : i32
        %add3A_490 = vector.broadcast %mul3A_489 : i32 to vector<16xi32>
        %add3A_491 = arith.addi %add3A_490, %get3A_487 : vector<16xi32>
        %swap3A_492 = arith.constant 0 : i32
        %swap3A_493 = arith.index_cast %swap3A_492 : i32 to index
        %swap3A_494 = arith.constant 0 : index
        %swap3A_495 = tpu.vector_load %arg9[%swap3A_493, %swap3A_494] {strides = array<i32>} : memref<4x64xi32, #tpu.memory_space<vmem>>, vector<1x16xi32>,
        %swap3A_496 = vector.shape_cast %swap3A_495 : vector<1x16xi32> to vector<16xi32>
        %swap3A_497 = vector.shape_cast %add3A_491 : vector<16xi32> to vector<1x16xi32>
        tpu.vector_store %arg9[%swap3A_493, %swap3A_494], %swap3A_497 {strides = array<i32>} : memref<4x64xi32, #tpu.memory_space<vmem>>, vector<1x16xi32>,
        %mul3A_498 = arith.constant 64 : i32
        %mul3A_499 = arith.muli %add3A_480, %mul3A_498 : i32
        %add3A_500 = arith.constant 16 : i32
        %add3A_501 = arith.addi %mul3A_499, %add3A_500 : i32
        %get3A_502 = arith.index_cast %add3A_501 : i32 to index
        %get3A_503 = tpu.vector_load %arg7[%get3A_502] {strides = array<i32>} : memref<2048xi32, #tpu.memory_space<vmem>>, vector<16xi32>,
        %get3A_504 = vector.shape_cast %get3A_503 : vector<16xi32> to vector<16xi32>
        %mul3A_505 = arith.constant 10000 : i32
        %mul3A_506 = arith.muli %add3A_0, %mul3A_505 : i32
        %add3A_507 = vector.broadcast %mul3A_506 : i32 to vector<16xi32>
        %add3A_508 = arith.addi %add3A_507, %get3A_504 : vector<16xi32>
        %swap3A_509 = arith.constant 0 : i32
        %swap3A_510 = arith.index_cast %swap3A_509 : i32 to index
        %swap3A_511 = arith.constant 16 : index
        %swap3A_512 = tpu.vector_load %arg9[%swap3A_510, %swap3A_511] {strides = array<i32>} : memref<4x64xi32, #tpu.memory_space<vmem>>, vector<1x16xi32>,
        %swap3A_513 = vector.shape_cast %swap3A_512 : vector<1x16xi32> to vector<16xi32>
        %swap3A_514 = vector.shape_cast %add3A_508 : vector<16xi32> to vector<1x16xi32>
        tpu.vector_store %arg9[%swap3A_510, %swap3A_511], %swap3A_514 {strides = array<i32>} : memref<4x64xi32, #tpu.memory_space<vmem>>, vector<1x16xi32>,
        %mul3A_515 = arith.constant 64 : i32
        %mul3A_516 = arith.muli %add3A_480, %mul3A_515 : i32
        %add3A_517 = arith.constant 32 : i32
        %add3A_518 = arith.addi %mul3A_516, %add3A_517 : i32
        %get3A_519 = arith.index_cast %add3A_518 : i32 to index
        %get3A_520 = tpu.vector_load %arg7[%get3A_519] {strides = array<i32>} : memref<2048xi32, #tpu.memory_space<vmem>>, vector<16xi32>,
        %get3A_521 = vector.shape_cast %get3A_520 : vector<16xi32> to vector<16xi32>
        %mul3A_522 = arith.constant 10000 : i32
        %mul3A_523 = arith.muli %add3A_0, %mul3A_522 : i32
        %add3A_524 = vector.broadcast %mul3A_523 : i32 to vector<16xi32>
        %add3A_525 = arith.addi %add3A_524, %get3A_521 : vector<16xi32>
        %swap3A_526 = arith.constant 0 : i32
        %swap3A_527 = arith.index_cast %swap3A_526 : i32 to index
        %swap3A_528 = arith.constant 32 : index
        %swap3A_529 = tpu.vector_load %arg9[%swap3A_527, %swap3A_528] {strides = array<i32>} : memref<4x64xi32, #tpu.memory_space<vmem>>, vector<1x16xi32>,
        %swap3A_530 = vector.shape_cast %swap3A_529 : vector<1x16xi32> to vector<16xi32>
        %swap3A_531 = vector.shape_cast %add3A_525 : vector<16xi32> to vector<1x16xi32>
        tpu.vector_store %arg9[%swap3A_527, %swap3A_528], %swap3A_531 {strides = array<i32>} : memref<4x64xi32, #tpu.memory_space<vmem>>, vector<1x16xi32>,
        %mul3A_532 = arith.constant 64 : i32
        %mul3A_533 = arith.muli %add3A_480, %mul3A_532 : i32
        %add3A_534 = arith.constant 48 : i32
        %add3A_535 = arith.addi %mul3A_533, %add3A_534 : i32
        %get3A_536 = arith.index_cast %add3A_535 : i32 to index
        %get3A_537 = tpu.vector_load %arg7[%get3A_536] {strides = array<i32>} : memref<2048xi32, #tpu.memory_space<vmem>>, vector<16xi32>,
        %get3A_538 = vector.shape_cast %get3A_537 : vector<16xi32> to vector<16xi32>
        %mul3A_539 = arith.constant 10000 : i32
        %mul3A_540 = arith.muli %add3A_0, %mul3A_539 : i32
        %add3A_541 = vector.broadcast %mul3A_540 : i32 to vector<16xi32>
        %add3A_542 = arith.addi %add3A_541, %get3A_538 : vector<16xi32>
        %swap3A_543 = arith.constant 0 : i32
        %swap3A_544 = arith.index_cast %swap3A_543 : i32 to index
        %swap3A_545 = arith.constant 48 : index
        %swap3A_546 = tpu.vector_load %arg9[%swap3A_544, %swap3A_545] {strides = array<i32>} : memref<4x64xi32, #tpu.memory_space<vmem>>, vector<1x16xi32>,
        %swap3A_547 = vector.shape_cast %swap3A_546 : vector<1x16xi32> to vector<16xi32>
        %swap3A_548 = vector.shape_cast %add3A_542 : vector<16xi32> to vector<1x16xi32>
        tpu.vector_store %arg9[%swap3A_544, %swap3A_545], %swap3A_548 {strides = array<i32>} : memref<4x64xi32, #tpu.memory_space<vmem>>, vector<1x16xi32>,
        %dma_start3A_549 = arith.constant 0 : i32
        %dma_start3A_550 = arith.constant 0 : i32
        %dma_start3A_551 = arith.constant 0 : i32
        %dma_start3A_552 = tpu.memref_slice %arg11[%dma_start3A_550, %dma_start3A_551] : memref<256x128xf32, #tpu.memory_space<vmem>> -> memref<64x128xf32, #tpu.memory_space<vmem>>
        %dma_start3A_553 = arith.constant 0 : i32
        %dma_start3A_554 = tpu.memref_slice %arg9[%dma_start3A_549, %dma_start3A_553] : memref<4x64xi32, #tpu.memory_space<vmem>> -> memref<1x64xi32, #tpu.memory_space<vmem>>
        %dma_start3A_555 = tpu.memref_squeeze %dma_start3A_554 : memref<1x64xi32, #tpu.memory_space<vmem>> -> memref<64xi32, #tpu.memory_space<vmem>>
        %dma_start3A_556 = arith.constant 0 : i32
        %dma_start3A_557 = arith.constant 0 : i32
        %dma_start3A_558 = tpu.memref_slice %arg2[%dma_start3A_556, %dma_start3A_557] : memref<40000x128xf32, #tpu.memory_space<hbm>> -> memref<40000x128xf32, #tpu.memory_space<hbm>>
        tpu.enqueue_indirect_dma source(%dma_start3A_558 : memref<40000x128xf32, #tpu.memory_space<hbm>>) target(%dma_start3A_552 : memref<64x128xf32, #tpu.memory_space<vmem>>) offsets(%dma_start3A_555 : memref<64xi32, #tpu.memory_space<vmem>>) semaphore(%arg13 : memref<!tpu.dma_semaphore, #tpu.memory_space<semaphore_mem>>)
        %mul3A_559 = arith.constant 4 : i32
        %mul3A_560 = arith.muli %mul3A_559, %scan3A_420 : i32
        %add3A_561 = arith.constant 1 : i32
        %add3A_562 = arith.addi %mul3A_560, %add3A_561 : i32
        %dma_wait3A_563 = arith.constant 1 : i32
        %dma_wait3A_564 = arith.constant 64 : i32
        %dma_wait3A_565 = arith.constant 0 : i32
        %dma_wait3A_566 = tpu.memref_slice %arg11[%dma_wait3A_564, %dma_wait3A_565] : memref<256x128xf32, #tpu.memory_space<vmem>> -> memref<64x128xf32, #tpu.memory_space<vmem>>
        %dma_wait3A_567 = arith.constant 0 : i32
        %dma_wait3A_568 = tpu.memref_slice %arg9[%dma_wait3A_563, %dma_wait3A_567] : memref<4x64xi32, #tpu.memory_space<vmem>> -> memref<1x64xi32, #tpu.memory_space<vmem>>
        %dma_wait3A_569 = tpu.memref_squeeze %dma_wait3A_568 : memref<1x64xi32, #tpu.memory_space<vmem>> -> memref<64xi32, #tpu.memory_space<vmem>>
        %dma_wait3A_570 = arith.constant 0 : i32
        %dma_wait3A_571 = arith.constant 0 : i32
        %dma_wait3A_572 = tpu.memref_slice %arg2[%dma_wait3A_570, %dma_wait3A_571] : memref<40000x128xf32, #tpu.memory_space<hbm>> -> memref<40000x128xf32, #tpu.memory_space<hbm>>
        tpu.wait_indirect_dma semaphore(%arg14 : memref<!tpu.dma_semaphore, #tpu.memory_space<semaphore_mem>>) src(%dma_wait3A_572 : memref<40000x128xf32, #tpu.memory_space<hbm>>) dst(%dma_wait3A_566 : memref<64x128xf32, #tpu.memory_space<vmem>>)
        %mul3A_573 = arith.constant 64 : i32
        %mul3A_574 = arith.muli %add3A_562, %mul3A_573 : i32
        %add3A_575 = arith.constant 0 : i32
        %add3A_576 = arith.addi %mul3A_574, %add3A_575 : i32
        %get3A_577 = arith.index_cast %add3A_576 : i32 to index
        %get3A_578 = tpu.vector_load %arg8[%get3A_577] {strides = array<i32>} : memref<2048xi32, #tpu.memory_space<vmem>>, vector<16xi32>,
        %get3A_579 = vector.shape_cast %get3A_578 : vector<16xi32> to vector<16xi32>
        %swap3A_580 = arith.constant 0 : index
        %swap3A_581 = tpu.vector_load %arg10[%swap3A_580] {strides = array<i32>} : memref<64xi32, #tpu.memory_space<vmem>>, vector<16xi32>,
        %swap3A_582 = vector.shape_cast %swap3A_581 : vector<16xi32> to vector<16xi32>
        %swap3A_583 = vector.shape_cast %get3A_579 : vector<16xi32> to vector<16xi32>
        tpu.vector_store %arg10[%swap3A_580], %swap3A_583 {strides = array<i32>} : memref<64xi32, #tpu.memory_space<vmem>>, vector<16xi32>,
        %mul3A_584 = arith.constant 64 : i32
        %mul3A_585 = arith.muli %add3A_562, %mul3A_584 : i32
        %add3A_586 = arith.constant 16 : i32
        %add3A_587 = arith.addi %mul3A_585, %add3A_586 : i32
        %get3A_588 = arith.index_cast %add3A_587 : i32 to index
        %get3A_589 = tpu.vector_load %arg8[%get3A_588] {strides = array<i32>} : memref<2048xi32, #tpu.memory_space<vmem>>, vector<16xi32>,
        %get3A_590 = vector.shape_cast %get3A_589 : vector<16xi32> to vector<16xi32>
        %swap3A_591 = arith.constant 16 : index
        %swap3A_592 = tpu.vector_load %arg10[%swap3A_591] {strides = array<i32>} : memref<64xi32, #tpu.memory_space<vmem>>, vector<16xi32>,
        %swap3A_593 = vector.shape_cast %swap3A_592 : vector<16xi32> to vector<16xi32>
        %swap3A_594 = vector.shape_cast %get3A_590 : vector<16xi32> to vector<16xi32>
        tpu.vector_store %arg10[%swap3A_591], %swap3A_594 {strides = array<i32>} : memref<64xi32, #tpu.memory_space<vmem>>, vector<16xi32>,
        %mul3A_595 = arith.constant 64 : i32
        %mul3A_596 = arith.muli %add3A_562, %mul3A_595 : i32
        %add3A_597 = arith.constant 32 : i32
        %add3A_598 = arith.addi %mul3A_596, %add3A_597 : i32
        %get3A_599 = arith.index_cast %add3A_598 : i32 to index
        %get3A_600 = tpu.vector_load %arg8[%get3A_599] {strides = array<i32>} : memref<2048xi32, #tpu.memory_space<vmem>>, vector<16xi32>,
        %get3A_601 = vector.shape_cast %get3A_600 : vector<16xi32> to vector<16xi32>
        %swap3A_602 = arith.constant 32 : index
        %swap3A_603 = tpu.vector_load %arg10[%swap3A_602] {strides = array<i32>} : memref<64xi32, #tpu.memory_space<vmem>>, vector<16xi32>,
        %swap3A_604 = vector.shape_cast %swap3A_603 : vector<16xi32> to vector<16xi32>
        %swap3A_605 = vector.shape_cast %get3A_601 : vector<16xi32> to vector<16xi32>
        tpu.vector_store %arg10[%swap3A_602], %swap3A_605 {strides = array<i32>} : memref<64xi32, #tpu.memory_space<vmem>>, vector<16xi32>,
        %mul3A_606 = arith.constant 64 : i32
        %mul3A_607 = arith.muli %add3A_562, %mul3A_606 : i32
        %add3A_608 = arith.constant 48 : i32
        %add3A_609 = arith.addi %mul3A_607, %add3A_608 : i32
        %get3A_610 = arith.index_cast %add3A_609 : i32 to index
        %get3A_611 = tpu.vector_load %arg8[%get3A_610] {strides = array<i32>} : memref<2048xi32, #tpu.memory_space<vmem>>, vector<16xi32>,
        %get3A_612 = vector.shape_cast %get3A_611 : vector<16xi32> to vector<16xi32>
        %swap3A_613 = arith.constant 48 : index
        %swap3A_614 = tpu.vector_load %arg10[%swap3A_613] {strides = array<i32>} : memref<64xi32, #tpu.memory_space<vmem>>, vector<16xi32>,
        %swap3A_615 = vector.shape_cast %swap3A_614 : vector<16xi32> to vector<16xi32>
        %swap3A_616 = vector.shape_cast %get3A_612 : vector<16xi32> to vector<16xi32>
        tpu.vector_store %arg10[%swap3A_613], %swap3A_616 {strides = array<i32>} : memref<64xi32, #tpu.memory_space<vmem>>, vector<16xi32>,
        "tpu.region"() ({
          %run_scoped3A = tpu.sem_alloc : memref<!tpu.dma_semaphore, #tpu.memory_space<semaphore_mem>>
          %dma_start3A_973 = arith.constant 64 : i32
          %dma_start3A_974 = arith.constant 0 : i32
          %dma_start3A_975 = tpu.memref_slice %arg11[%dma_start3A_973, %dma_start3A_974] : memref<256x128xf32, #tpu.memory_space<vmem>> -> memref<64x128xf32, #tpu.memory_space<vmem>>
          %dma_start3A_976 = arith.constant 0 : i32
          %dma_start3A_977 = arith.constant 0 : i32
          %dma_start3A_978 = tpu.memref_slice %arg12[%dma_start3A_976, %dma_start3A_977] : memref<10368x128xf32, #tpu.memory_space<vmem_shared>> -> memref<10368x128xf32, #tpu.memory_space<vmem_shared>>
          tpu.enqueue_indirect_dma source(%dma_start3A_975 : memref<64x128xf32, #tpu.memory_space<vmem>>) target(%dma_start3A_978 : memref<10368x128xf32, #tpu.memory_space<vmem_shared>>) offsets(%arg10 : memref<64xi32, #tpu.memory_space<vmem>>) semaphore(%run_scoped3A : memref<!tpu.dma_semaphore, #tpu.memory_space<semaphore_mem>>) {add = true}
          %dma_wait3A_979 = arith.constant 64 : i32
          %dma_wait3A_980 = arith.constant 0 : i32
          %dma_wait3A_981 = tpu.memref_slice %arg11[%dma_wait3A_979, %dma_wait3A_980] : memref<256x128xf32, #tpu.memory_space<vmem>> -> memref<64x128xf32, #tpu.memory_space<vmem>>
          %dma_wait3A_982 = arith.constant 0 : i32
          %dma_wait3A_983 = arith.constant 0 : i32
          %dma_wait3A_984 = tpu.memref_slice %arg12[%dma_wait3A_982, %dma_wait3A_983] : memref<10368x128xf32, #tpu.memory_space<vmem_shared>> -> memref<10368x128xf32, #tpu.memory_space<vmem_shared>>
          tpu.wait_indirect_dma semaphore(%run_scoped3A : memref<!tpu.dma_semaphore, #tpu.memory_space<semaphore_mem>>) src(%dma_wait3A_981 : memref<64x128xf32, #tpu.memory_space<vmem>>) dst(%dma_wait3A_984 : memref<10368x128xf32, #tpu.memory_space<vmem_shared>>)
          tpu.yield
        }) : () -> ()
        %add3A_617 = arith.constant 4 : i32
        %add3A_618 = arith.addi %add3A_562, %add3A_617 : i32
        %mul3A_619 = arith.constant 64 : i32
        %mul3A_620 = arith.muli %add3A_618, %mul3A_619 : i32
        %add3A_621 = arith.constant 0 : i32
        %add3A_622 = arith.addi %mul3A_620, %add3A_621 : i32
        %get3A_623 = arith.index_cast %add3A_622 : i32 to index
        %get3A_624 = tpu.vector_load %arg7[%get3A_623] {strides = array<i32>} : memref<2048xi32, #tpu.memory_space<vmem>>, vector<16xi32>,
        %get3A_625 = vector.shape_cast %get3A_624 : vector<16xi32> to vector<16xi32>
        %mul3A_626 = arith.constant 10000 : i32
        %mul3A_627 = arith.muli %add3A_0, %mul3A_626 : i32
        %add3A_628 = vector.broadcast %mul3A_627 : i32 to vector<16xi32>
        %add3A_629 = arith.addi %add3A_628, %get3A_625 : vector<16xi32>
        %swap3A_630 = arith.constant 1 : i32
        %swap3A_631 = arith.index_cast %swap3A_630 : i32 to index
        %swap3A_632 = arith.constant 0 : index
        %swap3A_633 = tpu.vector_load %arg9[%swap3A_631, %swap3A_632] {strides = array<i32>} : memref<4x64xi32, #tpu.memory_space<vmem>>, vector<1x16xi32>,
        %swap3A_634 = vector.shape_cast %swap3A_633 : vector<1x16xi32> to vector<16xi32>
        %swap3A_635 = vector.shape_cast %add3A_629 : vector<16xi32> to vector<1x16xi32>
        tpu.vector_store %arg9[%swap3A_631, %swap3A_632], %swap3A_635 {strides = array<i32>} : memref<4x64xi32, #tpu.memory_space<vmem>>, vector<1x16xi32>,
        %mul3A_636 = arith.constant 64 : i32
        %mul3A_637 = arith.muli %add3A_618, %mul3A_636 : i32
        %add3A_638 = arith.constant 16 : i32
        %add3A_639 = arith.addi %mul3A_637, %add3A_638 : i32
        %get3A_640 = arith.index_cast %add3A_639 : i32 to index
        %get3A_641 = tpu.vector_load %arg7[%get3A_640] {strides = array<i32>} : memref<2048xi32, #tpu.memory_space<vmem>>, vector<16xi32>,
        %get3A_642 = vector.shape_cast %get3A_641 : vector<16xi32> to vector<16xi32>
        %mul3A_643 = arith.constant 10000 : i32
        %mul3A_644 = arith.muli %add3A_0, %mul3A_643 : i32
        %add3A_645 = vector.broadcast %mul3A_644 : i32 to vector<16xi32>
        %add3A_646 = arith.addi %add3A_645, %get3A_642 : vector<16xi32>
        %swap3A_647 = arith.constant 1 : i32
        %swap3A_648 = arith.index_cast %swap3A_647 : i32 to index
        %swap3A_649 = arith.constant 16 : index
        %swap3A_650 = tpu.vector_load %arg9[%swap3A_648, %swap3A_649] {strides = array<i32>} : memref<4x64xi32, #tpu.memory_space<vmem>>, vector<1x16xi32>,
        %swap3A_651 = vector.shape_cast %swap3A_650 : vector<1x16xi32> to vector<16xi32>
        %swap3A_652 = vector.shape_cast %add3A_646 : vector<16xi32> to vector<1x16xi32>
        tpu.vector_store %arg9[%swap3A_648, %swap3A_649], %swap3A_652 {strides = array<i32>} : memref<4x64xi32, #tpu.memory_space<vmem>>, vector<1x16xi32>,
        %mul3A_653 = arith.constant 64 : i32
        %mul3A_654 = arith.muli %add3A_618, %mul3A_653 : i32
        %add3A_655 = arith.constant 32 : i32
        %add3A_656 = arith.addi %mul3A_654, %add3A_655 : i32
        %get3A_657 = arith.index_cast %add3A_656 : i32 to index
        %get3A_658 = tpu.vector_load %arg7[%get3A_657] {strides = array<i32>} : memref<2048xi32, #tpu.memory_space<vmem>>, vector<16xi32>,
        %get3A_659 = vector.shape_cast %get3A_658 : vector<16xi32> to vector<16xi32>
        %mul3A_660 = arith.constant 10000 : i32
        %mul3A_661 = arith.muli %add3A_0, %mul3A_660 : i32
        %add3A_662 = vector.broadcast %mul3A_661 : i32 to vector<16xi32>
        %add3A_663 = arith.addi %add3A_662, %get3A_659 : vector<16xi32>
        %swap3A_664 = arith.constant 1 : i32
        %swap3A_665 = arith.index_cast %swap3A_664 : i32 to index
        %swap3A_666 = arith.constant 32 : index
        %swap3A_667 = tpu.vector_load %arg9[%swap3A_665, %swap3A_666] {strides = array<i32>} : memref<4x64xi32, #tpu.memory_space<vmem>>, vector<1x16xi32>,
        %swap3A_668 = vector.shape_cast %swap3A_667 : vector<1x16xi32> to vector<16xi32>
        %swap3A_669 = vector.shape_cast %add3A_663 : vector<16xi32> to vector<1x16xi32>
        tpu.vector_store %arg9[%swap3A_665, %swap3A_666], %swap3A_669 {strides = array<i32>} : memref<4x64xi32, #tpu.memory_space<vmem>>, vector<1x16xi32>,
        %mul3A_670 = arith.constant 64 : i32
        %mul3A_671 = arith.muli %add3A_618, %mul3A_670 : i32
        %add3A_672 = arith.constant 48 : i32
        %add3A_673 = arith.addi %mul3A_671, %add3A_672 : i32
        %get3A_674 = arith.index_cast %add3A_673 : i32 to index
        %get3A_675 = tpu.vector_load %arg7[%get3A_674] {strides = array<i32>} : memref<2048xi32, #tpu.memory_space<vmem>>, vector<16xi32>,
        %get3A_676 = vector.shape_cast %get3A_675 : vector<16xi32> to vector<16xi32>
        %mul3A_677 = arith.constant 10000 : i32
        %mul3A_678 = arith.muli %add3A_0, %mul3A_677 : i32
        %add3A_679 = vector.broadcast %mul3A_678 : i32 to vector<16xi32>
        %add3A_680 = arith.addi %add3A_679, %get3A_676 : vector<16xi32>
        %swap3A_681 = arith.constant 1 : i32
        %swap3A_682 = arith.index_cast %swap3A_681 : i32 to index
        %swap3A_683 = arith.constant 48 : index
        %swap3A_684 = tpu.vector_load %arg9[%swap3A_682, %swap3A_683] {strides = array<i32>} : memref<4x64xi32, #tpu.memory_space<vmem>>, vector<1x16xi32>,
        %swap3A_685 = vector.shape_cast %swap3A_684 : vector<1x16xi32> to vector<16xi32>
        %swap3A_686 = vector.shape_cast %add3A_680 : vector<16xi32> to vector<1x16xi32>
        tpu.vector_store %arg9[%swap3A_682, %swap3A_683], %swap3A_686 {strides = array<i32>} : memref<4x64xi32, #tpu.memory_space<vmem>>, vector<1x16xi32>,
        %dma_start3A_687 = arith.constant 1 : i32
        %dma_start3A_688 = arith.constant 64 : i32
        %dma_start3A_689 = arith.constant 0 : i32
        %dma_start3A_690 = tpu.memref_slice %arg11[%dma_start3A_688, %dma_start3A_689] : memref<256x128xf32, #tpu.memory_space<vmem>> -> memref<64x128xf32, #tpu.memory_space<vmem>>
        %dma_start3A_691 = arith.constant 0 : i32
        %dma_start3A_692 = tpu.memref_slice %arg9[%dma_start3A_687, %dma_start3A_691] : memref<4x64xi32, #tpu.memory_space<vmem>> -> memref<1x64xi32, #tpu.memory_space<vmem>>
        %dma_start3A_693 = tpu.memref_squeeze %dma_start3A_692 : memref<1x64xi32, #tpu.memory_space<vmem>> -> memref<64xi32, #tpu.memory_space<vmem>>
        %dma_start3A_694 = arith.constant 0 : i32
        %dma_start3A_695 = arith.constant 0 : i32
        %dma_start3A_696 = tpu.memref_slice %arg2[%dma_start3A_694, %dma_start3A_695] : memref<40000x128xf32, #tpu.memory_space<hbm>> -> memref<40000x128xf32, #tpu.memory_space<hbm>>
        tpu.enqueue_indirect_dma source(%dma_start3A_696 : memref<40000x128xf32, #tpu.memory_space<hbm>>) target(%dma_start3A_690 : memref<64x128xf32, #tpu.memory_space<vmem>>) offsets(%dma_start3A_693 : memref<64xi32, #tpu.memory_space<vmem>>) semaphore(%arg14 : memref<!tpu.dma_semaphore, #tpu.memory_space<semaphore_mem>>)
        %mul3A_697 = arith.constant 4 : i32
        %mul3A_698 = arith.muli %mul3A_697, %scan3A_420 : i32
        %add3A_699 = arith.constant 2 : i32
        %add3A_700 = arith.addi %mul3A_698, %add3A_699 : i32
        %dma_wait3A_701 = arith.constant 2 : i32
        %dma_wait3A_702 = arith.constant 128 : i32
        %dma_wait3A_703 = arith.constant 0 : i32
        %dma_wait3A_704 = tpu.memref_slice %arg11[%dma_wait3A_702, %dma_wait3A_703] : memref<256x128xf32, #tpu.memory_space<vmem>> -> memref<64x128xf32, #tpu.memory_space<vmem>>
        %dma_wait3A_705 = arith.constant 0 : i32
        %dma_wait3A_706 = tpu.memref_slice %arg9[%dma_wait3A_701, %dma_wait3A_705] : memref<4x64xi32, #tpu.memory_space<vmem>> -> memref<1x64xi32, #tpu.memory_space<vmem>>
        %dma_wait3A_707 = tpu.memref_squeeze %dma_wait3A_706 : memref<1x64xi32, #tpu.memory_space<vmem>> -> memref<64xi32, #tpu.memory_space<vmem>>
        %dma_wait3A_708 = arith.constant 0 : i32
        %dma_wait3A_709 = arith.constant 0 : i32
        %dma_wait3A_710 = tpu.memref_slice %arg2[%dma_wait3A_708, %dma_wait3A_709] : memref<40000x128xf32, #tpu.memory_space<hbm>> -> memref<40000x128xf32, #tpu.memory_space<hbm>>
        tpu.wait_indirect_dma semaphore(%arg15 : memref<!tpu.dma_semaphore, #tpu.memory_space<semaphore_mem>>) src(%dma_wait3A_710 : memref<40000x128xf32, #tpu.memory_space<hbm>>) dst(%dma_wait3A_704 : memref<64x128xf32, #tpu.memory_space<vmem>>)
        %mul3A_711 = arith.constant 64 : i32
        %mul3A_712 = arith.muli %add3A_700, %mul3A_711 : i32
        %add3A_713 = arith.constant 0 : i32
        %add3A_714 = arith.addi %mul3A_712, %add3A_713 : i32
        %get3A_715 = arith.index_cast %add3A_714 : i32 to index
        %get3A_716 = tpu.vector_load %arg8[%get3A_715] {strides = array<i32>} : memref<2048xi32, #tpu.memory_space<vmem>>, vector<16xi32>,
        %get3A_717 = vector.shape_cast %get3A_716 : vector<16xi32> to vector<16xi32>
        %swap3A_718 = arith.constant 0 : index
        %swap3A_719 = tpu.vector_load %arg10[%swap3A_718] {strides = array<i32>} : memref<64xi32, #tpu.memory_space<vmem>>, vector<16xi32>,
        %swap3A_720 = vector.shape_cast %swap3A_719 : vector<16xi32> to vector<16xi32>
        %swap3A_721 = vector.shape_cast %get3A_717 : vector<16xi32> to vector<16xi32>
        tpu.vector_store %arg10[%swap3A_718], %swap3A_721 {strides = array<i32>} : memref<64xi32, #tpu.memory_space<vmem>>, vector<16xi32>,
        %mul3A_722 = arith.constant 64 : i32
        %mul3A_723 = arith.muli %add3A_700, %mul3A_722 : i32
        %add3A_724 = arith.constant 16 : i32
        %add3A_725 = arith.addi %mul3A_723, %add3A_724 : i32
        %get3A_726 = arith.index_cast %add3A_725 : i32 to index
        %get3A_727 = tpu.vector_load %arg8[%get3A_726] {strides = array<i32>} : memref<2048xi32, #tpu.memory_space<vmem>>, vector<16xi32>,
        %get3A_728 = vector.shape_cast %get3A_727 : vector<16xi32> to vector<16xi32>
        %swap3A_729 = arith.constant 16 : index
        %swap3A_730 = tpu.vector_load %arg10[%swap3A_729] {strides = array<i32>} : memref<64xi32, #tpu.memory_space<vmem>>, vector<16xi32>,
        %swap3A_731 = vector.shape_cast %swap3A_730 : vector<16xi32> to vector<16xi32>
        %swap3A_732 = vector.shape_cast %get3A_728 : vector<16xi32> to vector<16xi32>
        tpu.vector_store %arg10[%swap3A_729], %swap3A_732 {strides = array<i32>} : memref<64xi32, #tpu.memory_space<vmem>>, vector<16xi32>,
        %mul3A_733 = arith.constant 64 : i32
        %mul3A_734 = arith.muli %add3A_700, %mul3A_733 : i32
        %add3A_735 = arith.constant 32 : i32
        %add3A_736 = arith.addi %mul3A_734, %add3A_735 : i32
        %get3A_737 = arith.index_cast %add3A_736 : i32 to index
        %get3A_738 = tpu.vector_load %arg8[%get3A_737] {strides = array<i32>} : memref<2048xi32, #tpu.memory_space<vmem>>, vector<16xi32>,
        %get3A_739 = vector.shape_cast %get3A_738 : vector<16xi32> to vector<16xi32>
        %swap3A_740 = arith.constant 32 : index
        %swap3A_741 = tpu.vector_load %arg10[%swap3A_740] {strides = array<i32>} : memref<64xi32, #tpu.memory_space<vmem>>, vector<16xi32>,
        %swap3A_742 = vector.shape_cast %swap3A_741 : vector<16xi32> to vector<16xi32>
        %swap3A_743 = vector.shape_cast %get3A_739 : vector<16xi32> to vector<16xi32>
        tpu.vector_store %arg10[%swap3A_740], %swap3A_743 {strides = array<i32>} : memref<64xi32, #tpu.memory_space<vmem>>, vector<16xi32>,
        %mul3A_744 = arith.constant 64 : i32
        %mul3A_745 = arith.muli %add3A_700, %mul3A_744 : i32
        %add3A_746 = arith.constant 48 : i32
        %add3A_747 = arith.addi %mul3A_745, %add3A_746 : i32
        %get3A_748 = arith.index_cast %add3A_747 : i32 to index
        %get3A_749 = tpu.vector_load %arg8[%get3A_748] {strides = array<i32>} : memref<2048xi32, #tpu.memory_space<vmem>>, vector<16xi32>,
        %get3A_750 = vector.shape_cast %get3A_749 : vector<16xi32> to vector<16xi32>
        %swap3A_751 = arith.constant 48 : index
        %swap3A_752 = tpu.vector_load %arg10[%swap3A_751] {strides = array<i32>} : memref<64xi32, #tpu.memory_space<vmem>>, vector<16xi32>,
        %swap3A_753 = vector.shape_cast %swap3A_752 : vector<16xi32> to vector<16xi32>
        %swap3A_754 = vector.shape_cast %get3A_750 : vector<16xi32> to vector<16xi32>
        tpu.vector_store %arg10[%swap3A_751], %swap3A_754 {strides = array<i32>} : memref<64xi32, #tpu.memory_space<vmem>>, vector<16xi32>,
        "tpu.region"() ({
          %run_scoped3A = tpu.sem_alloc : memref<!tpu.dma_semaphore, #tpu.memory_space<semaphore_mem>>
          %dma_start3A_973 = arith.constant 128 : i32
          %dma_start3A_974 = arith.constant 0 : i32
          %dma_start3A_975 = tpu.memref_slice %arg11[%dma_start3A_973, %dma_start3A_974] : memref<256x128xf32, #tpu.memory_space<vmem>> -> memref<64x128xf32, #tpu.memory_space<vmem>>
          %dma_start3A_976 = arith.constant 0 : i32
          %dma_start3A_977 = arith.constant 0 : i32
          %dma_start3A_978 = tpu.memref_slice %arg12[%dma_start3A_976, %dma_start3A_977] : memref<10368x128xf32, #tpu.memory_space<vmem_shared>> -> memref<10368x128xf32, #tpu.memory_space<vmem_shared>>
          tpu.enqueue_indirect_dma source(%dma_start3A_975 : memref<64x128xf32, #tpu.memory_space<vmem>>) target(%dma_start3A_978 : memref<10368x128xf32, #tpu.memory_space<vmem_shared>>) offsets(%arg10 : memref<64xi32, #tpu.memory_space<vmem>>) semaphore(%run_scoped3A : memref<!tpu.dma_semaphore, #tpu.memory_space<semaphore_mem>>) {add = true}
          %dma_wait3A_979 = arith.constant 128 : i32
          %dma_wait3A_980 = arith.constant 0 : i32
          %dma_wait3A_981 = tpu.memref_slice %arg11[%dma_wait3A_979, %dma_wait3A_980] : memref<256x128xf32, #tpu.memory_space<vmem>> -> memref<64x128xf32, #tpu.memory_space<vmem>>
          %dma_wait3A_982 = arith.constant 0 : i32
          %dma_wait3A_983 = arith.constant 0 : i32
          %dma_wait3A_984 = tpu.memref_slice %arg12[%dma_wait3A_982, %dma_wait3A_983] : memref<10368x128xf32, #tpu.memory_space<vmem_shared>> -> memref<10368x128xf32, #tpu.memory_space<vmem_shared>>
          tpu.wait_indirect_dma semaphore(%run_scoped3A : memref<!tpu.dma_semaphore, #tpu.memory_space<semaphore_mem>>) src(%dma_wait3A_981 : memref<64x128xf32, #tpu.memory_space<vmem>>) dst(%dma_wait3A_984 : memref<10368x128xf32, #tpu.memory_space<vmem_shared>>)
          tpu.yield
        }) : () -> ()
        %add3A_755 = arith.constant 4 : i32
        %add3A_756 = arith.addi %add3A_700, %add3A_755 : i32
        %mul3A_757 = arith.constant 64 : i32
        %mul3A_758 = arith.muli %add3A_756, %mul3A_757 : i32
        %add3A_759 = arith.constant 0 : i32
        %add3A_760 = arith.addi %mul3A_758, %add3A_759 : i32
        %get3A_761 = arith.index_cast %add3A_760 : i32 to index
        %get3A_762 = tpu.vector_load %arg7[%get3A_761] {strides = array<i32>} : memref<2048xi32, #tpu.memory_space<vmem>>, vector<16xi32>,
        %get3A_763 = vector.shape_cast %get3A_762 : vector<16xi32> to vector<16xi32>
        %mul3A_764 = arith.constant 10000 : i32
        %mul3A_765 = arith.muli %add3A_0, %mul3A_764 : i32
        %add3A_766 = vector.broadcast %mul3A_765 : i32 to vector<16xi32>
        %add3A_767 = arith.addi %add3A_766, %get3A_763 : vector<16xi32>
        %swap3A_768 = arith.constant 2 : i32
        %swap3A_769 = arith.index_cast %swap3A_768 : i32 to index
        %swap3A_770 = arith.constant 0 : index
        %swap3A_771 = tpu.vector_load %arg9[%swap3A_769, %swap3A_770] {strides = array<i32>} : memref<4x64xi32, #tpu.memory_space<vmem>>, vector<1x16xi32>,
        %swap3A_772 = vector.shape_cast %swap3A_771 : vector<1x16xi32> to vector<16xi32>
        %swap3A_773 = vector.shape_cast %add3A_767 : vector<16xi32> to vector<1x16xi32>
        tpu.vector_store %arg9[%swap3A_769, %swap3A_770], %swap3A_773 {strides = array<i32>} : memref<4x64xi32, #tpu.memory_space<vmem>>, vector<1x16xi32>,
        %mul3A_774 = arith.constant 64 : i32
        %mul3A_775 = arith.muli %add3A_756, %mul3A_774 : i32
        %add3A_776 = arith.constant 16 : i32
        %add3A_777 = arith.addi %mul3A_775, %add3A_776 : i32
        %get3A_778 = arith.index_cast %add3A_777 : i32 to index
        %get3A_779 = tpu.vector_load %arg7[%get3A_778] {strides = array<i32>} : memref<2048xi32, #tpu.memory_space<vmem>>, vector<16xi32>,
        %get3A_780 = vector.shape_cast %get3A_779 : vector<16xi32> to vector<16xi32>
        %mul3A_781 = arith.constant 10000 : i32
        %mul3A_782 = arith.muli %add3A_0, %mul3A_781 : i32
        %add3A_783 = vector.broadcast %mul3A_782 : i32 to vector<16xi32>
        %add3A_784 = arith.addi %add3A_783, %get3A_780 : vector<16xi32>
        %swap3A_785 = arith.constant 2 : i32
        %swap3A_786 = arith.index_cast %swap3A_785 : i32 to index
        %swap3A_787 = arith.constant 16 : index
        %swap3A_788 = tpu.vector_load %arg9[%swap3A_786, %swap3A_787] {strides = array<i32>} : memref<4x64xi32, #tpu.memory_space<vmem>>, vector<1x16xi32>,
        %swap3A_789 = vector.shape_cast %swap3A_788 : vector<1x16xi32> to vector<16xi32>
        %swap3A_790 = vector.shape_cast %add3A_784 : vector<16xi32> to vector<1x16xi32>
        tpu.vector_store %arg9[%swap3A_786, %swap3A_787], %swap3A_790 {strides = array<i32>} : memref<4x64xi32, #tpu.memory_space<vmem>>, vector<1x16xi32>,
        %mul3A_791 = arith.constant 64 : i32
        %mul3A_792 = arith.muli %add3A_756, %mul3A_791 : i32
        %add3A_793 = arith.constant 32 : i32
        %add3A_794 = arith.addi %mul3A_792, %add3A_793 : i32
        %get3A_795 = arith.index_cast %add3A_794 : i32 to index
        %get3A_796 = tpu.vector_load %arg7[%get3A_795] {strides = array<i32>} : memref<2048xi32, #tpu.memory_space<vmem>>, vector<16xi32>,
        %get3A_797 = vector.shape_cast %get3A_796 : vector<16xi32> to vector<16xi32>
        %mul3A_798 = arith.constant 10000 : i32
        %mul3A_799 = arith.muli %add3A_0, %mul3A_798 : i32
        %add3A_800 = vector.broadcast %mul3A_799 : i32 to vector<16xi32>
        %add3A_801 = arith.addi %add3A_800, %get3A_797 : vector<16xi32>
        %swap3A_802 = arith.constant 2 : i32
        %swap3A_803 = arith.index_cast %swap3A_802 : i32 to index
        %swap3A_804 = arith.constant 32 : index
        %swap3A_805 = tpu.vector_load %arg9[%swap3A_803, %swap3A_804] {strides = array<i32>} : memref<4x64xi32, #tpu.memory_space<vmem>>, vector<1x16xi32>,
        %swap3A_806 = vector.shape_cast %swap3A_805 : vector<1x16xi32> to vector<16xi32>
        %swap3A_807 = vector.shape_cast %add3A_801 : vector<16xi32> to vector<1x16xi32>
        tpu.vector_store %arg9[%swap3A_803, %swap3A_804], %swap3A_807 {strides = array<i32>} : memref<4x64xi32, #tpu.memory_space<vmem>>, vector<1x16xi32>,
        %mul3A_808 = arith.constant 64 : i32
        %mul3A_809 = arith.muli %add3A_756, %mul3A_808 : i32
        %add3A_810 = arith.constant 48 : i32
        %add3A_811 = arith.addi %mul3A_809, %add3A_810 : i32
        %get3A_812 = arith.index_cast %add3A_811 : i32 to index
        %get3A_813 = tpu.vector_load %arg7[%get3A_812] {strides = array<i32>} : memref<2048xi32, #tpu.memory_space<vmem>>, vector<16xi32>,
        %get3A_814 = vector.shape_cast %get3A_813 : vector<16xi32> to vector<16xi32>
        %mul3A_815 = arith.constant 10000 : i32
        %mul3A_816 = arith.muli %add3A_0, %mul3A_815 : i32
        %add3A_817 = vector.broadcast %mul3A_816 : i32 to vector<16xi32>
        %add3A_818 = arith.addi %add3A_817, %get3A_814 : vector<16xi32>
        %swap3A_819 = arith.constant 2 : i32
        %swap3A_820 = arith.index_cast %swap3A_819 : i32 to index
        %swap3A_821 = arith.constant 48 : index
        %swap3A_822 = tpu.vector_load %arg9[%swap3A_820, %swap3A_821] {strides = array<i32>} : memref<4x64xi32, #tpu.memory_space<vmem>>, vector<1x16xi32>,
        %swap3A_823 = vector.shape_cast %swap3A_822 : vector<1x16xi32> to vector<16xi32>
        %swap3A_824 = vector.shape_cast %add3A_818 : vector<16xi32> to vector<1x16xi32>
        tpu.vector_store %arg9[%swap3A_820, %swap3A_821], %swap3A_824 {strides = array<i32>} : memref<4x64xi32, #tpu.memory_space<vmem>>, vector<1x16xi32>,
        %dma_start3A_825 = arith.constant 2 : i32
        %dma_start3A_826 = arith.constant 128 : i32
        %dma_start3A_827 = arith.constant 0 : i32
        %dma_start3A_828 = tpu.memref_slice %arg11[%dma_start3A_826, %dma_start3A_827] : memref<256x128xf32, #tpu.memory_space<vmem>> -> memref<64x128xf32, #tpu.memory_space<vmem>>
        %dma_start3A_829 = arith.constant 0 : i32
        %dma_start3A_830 = tpu.memref_slice %arg9[%dma_start3A_825, %dma_start3A_829] : memref<4x64xi32, #tpu.memory_space<vmem>> -> memref<1x64xi32, #tpu.memory_space<vmem>>
        %dma_start3A_831 = tpu.memref_squeeze %dma_start3A_830 : memref<1x64xi32, #tpu.memory_space<vmem>> -> memref<64xi32, #tpu.memory_space<vmem>>
        %dma_start3A_832 = arith.constant 0 : i32
        %dma_start3A_833 = arith.constant 0 : i32
        %dma_start3A_834 = tpu.memref_slice %arg2[%dma_start3A_832, %dma_start3A_833] : memref<40000x128xf32, #tpu.memory_space<hbm>> -> memref<40000x128xf32, #tpu.memory_space<hbm>>
        tpu.enqueue_indirect_dma source(%dma_start3A_834 : memref<40000x128xf32, #tpu.memory_space<hbm>>) target(%dma_start3A_828 : memref<64x128xf32, #tpu.memory_space<vmem>>) offsets(%dma_start3A_831 : memref<64xi32, #tpu.memory_space<vmem>>) semaphore(%arg15 : memref<!tpu.dma_semaphore, #tpu.memory_space<semaphore_mem>>)
        %mul3A_835 = arith.constant 4 : i32
        %mul3A_836 = arith.muli %mul3A_835, %scan3A_420 : i32
        %add3A_837 = arith.constant 3 : i32
        %add3A_838 = arith.addi %mul3A_836, %add3A_837 : i32
        %dma_wait3A_839 = arith.constant 3 : i32
        %dma_wait3A_840 = arith.constant 192 : i32
        %dma_wait3A_841 = arith.constant 0 : i32
        %dma_wait3A_842 = tpu.memref_slice %arg11[%dma_wait3A_840, %dma_wait3A_841] : memref<256x128xf32, #tpu.memory_space<vmem>> -> memref<64x128xf32, #tpu.memory_space<vmem>>
        %dma_wait3A_843 = arith.constant 0 : i32
        %dma_wait3A_844 = tpu.memref_slice %arg9[%dma_wait3A_839, %dma_wait3A_843] : memref<4x64xi32, #tpu.memory_space<vmem>> -> memref<1x64xi32, #tpu.memory_space<vmem>>
        %dma_wait3A_845 = tpu.memref_squeeze %dma_wait3A_844 : memref<1x64xi32, #tpu.memory_space<vmem>> -> memref<64xi32, #tpu.memory_space<vmem>>
        %dma_wait3A_846 = arith.constant 0 : i32
        %dma_wait3A_847 = arith.constant 0 : i32
        %dma_wait3A_848 = tpu.memref_slice %arg2[%dma_wait3A_846, %dma_wait3A_847] : memref<40000x128xf32, #tpu.memory_space<hbm>> -> memref<40000x128xf32, #tpu.memory_space<hbm>>
        tpu.wait_indirect_dma semaphore(%arg16 : memref<!tpu.dma_semaphore, #tpu.memory_space<semaphore_mem>>) src(%dma_wait3A_848 : memref<40000x128xf32, #tpu.memory_space<hbm>>) dst(%dma_wait3A_842 : memref<64x128xf32, #tpu.memory_space<vmem>>)
        %mul3A_849 = arith.constant 64 : i32
        %mul3A_850 = arith.muli %add3A_838, %mul3A_849 : i32
        %add3A_851 = arith.constant 0 : i32
        %add3A_852 = arith.addi %mul3A_850, %add3A_851 : i32
        %get3A_853 = arith.index_cast %add3A_852 : i32 to index
        %get3A_854 = tpu.vector_load %arg8[%get3A_853] {strides = array<i32>} : memref<2048xi32, #tpu.memory_space<vmem>>, vector<16xi32>,
        %get3A_855 = vector.shape_cast %get3A_854 : vector<16xi32> to vector<16xi32>
        %swap3A_856 = arith.constant 0 : index
        %swap3A_857 = tpu.vector_load %arg10[%swap3A_856] {strides = array<i32>} : memref<64xi32, #tpu.memory_space<vmem>>, vector<16xi32>,
        %swap3A_858 = vector.shape_cast %swap3A_857 : vector<16xi32> to vector<16xi32>
        %swap3A_859 = vector.shape_cast %get3A_855 : vector<16xi32> to vector<16xi32>
        tpu.vector_store %arg10[%swap3A_856], %swap3A_859 {strides = array<i32>} : memref<64xi32, #tpu.memory_space<vmem>>, vector<16xi32>,
        %mul3A_860 = arith.constant 64 : i32
        %mul3A_861 = arith.muli %add3A_838, %mul3A_860 : i32
        %add3A_862 = arith.constant 16 : i32
        %add3A_863 = arith.addi %mul3A_861, %add3A_862 : i32
        %get3A_864 = arith.index_cast %add3A_863 : i32 to index
        %get3A_865 = tpu.vector_load %arg8[%get3A_864] {strides = array<i32>} : memref<2048xi32, #tpu.memory_space<vmem>>, vector<16xi32>,
        %get3A_866 = vector.shape_cast %get3A_865 : vector<16xi32> to vector<16xi32>
        %swap3A_867 = arith.constant 16 : index
        %swap3A_868 = tpu.vector_load %arg10[%swap3A_867] {strides = array<i32>} : memref<64xi32, #tpu.memory_space<vmem>>, vector<16xi32>,
        %swap3A_869 = vector.shape_cast %swap3A_868 : vector<16xi32> to vector<16xi32>
        %swap3A_870 = vector.shape_cast %get3A_866 : vector<16xi32> to vector<16xi32>
        tpu.vector_store %arg10[%swap3A_867], %swap3A_870 {strides = array<i32>} : memref<64xi32, #tpu.memory_space<vmem>>, vector<16xi32>,
        %mul3A_871 = arith.constant 64 : i32
        %mul3A_872 = arith.muli %add3A_838, %mul3A_871 : i32
        %add3A_873 = arith.constant 32 : i32
        %add3A_874 = arith.addi %mul3A_872, %add3A_873 : i32
        %get3A_875 = arith.index_cast %add3A_874 : i32 to index
        %get3A_876 = tpu.vector_load %arg8[%get3A_875] {strides = array<i32>} : memref<2048xi32, #tpu.memory_space<vmem>>, vector<16xi32>,
        %get3A_877 = vector.shape_cast %get3A_876 : vector<16xi32> to vector<16xi32>
        %swap3A_878 = arith.constant 32 : index
        %swap3A_879 = tpu.vector_load %arg10[%swap3A_878] {strides = array<i32>} : memref<64xi32, #tpu.memory_space<vmem>>, vector<16xi32>,
        %swap3A_880 = vector.shape_cast %swap3A_879 : vector<16xi32> to vector<16xi32>
        %swap3A_881 = vector.shape_cast %get3A_877 : vector<16xi32> to vector<16xi32>
        tpu.vector_store %arg10[%swap3A_878], %swap3A_881 {strides = array<i32>} : memref<64xi32, #tpu.memory_space<vmem>>, vector<16xi32>,
        %mul3A_882 = arith.constant 64 : i32
        %mul3A_883 = arith.muli %add3A_838, %mul3A_882 : i32
        %add3A_884 = arith.constant 48 : i32
        %add3A_885 = arith.addi %mul3A_883, %add3A_884 : i32
        %get3A_886 = arith.index_cast %add3A_885 : i32 to index
        %get3A_887 = tpu.vector_load %arg8[%get3A_886] {strides = array<i32>} : memref<2048xi32, #tpu.memory_space<vmem>>, vector<16xi32>,
        %get3A_888 = vector.shape_cast %get3A_887 : vector<16xi32> to vector<16xi32>
        %swap3A_889 = arith.constant 48 : index
        %swap3A_890 = tpu.vector_load %arg10[%swap3A_889] {strides = array<i32>} : memref<64xi32, #tpu.memory_space<vmem>>, vector<16xi32>,
        %swap3A_891 = vector.shape_cast %swap3A_890 : vector<16xi32> to vector<16xi32>
        %swap3A_892 = vector.shape_cast %get3A_888 : vector<16xi32> to vector<16xi32>
        tpu.vector_store %arg10[%swap3A_889], %swap3A_892 {strides = array<i32>} : memref<64xi32, #tpu.memory_space<vmem>>, vector<16xi32>,
        "tpu.region"() ({
          %run_scoped3A = tpu.sem_alloc : memref<!tpu.dma_semaphore, #tpu.memory_space<semaphore_mem>>
          %dma_start3A_973 = arith.constant 192 : i32
          %dma_start3A_974 = arith.constant 0 : i32
          %dma_start3A_975 = tpu.memref_slice %arg11[%dma_start3A_973, %dma_start3A_974] : memref<256x128xf32, #tpu.memory_space<vmem>> -> memref<64x128xf32, #tpu.memory_space<vmem>>
          %dma_start3A_976 = arith.constant 0 : i32
          %dma_start3A_977 = arith.constant 0 : i32
          %dma_start3A_978 = tpu.memref_slice %arg12[%dma_start3A_976, %dma_start3A_977] : memref<10368x128xf32, #tpu.memory_space<vmem_shared>> -> memref<10368x128xf32, #tpu.memory_space<vmem_shared>>
          tpu.enqueue_indirect_dma source(%dma_start3A_975 : memref<64x128xf32, #tpu.memory_space<vmem>>) target(%dma_start3A_978 : memref<10368x128xf32, #tpu.memory_space<vmem_shared>>) offsets(%arg10 : memref<64xi32, #tpu.memory_space<vmem>>) semaphore(%run_scoped3A : memref<!tpu.dma_semaphore, #tpu.memory_space<semaphore_mem>>) {add = true}
          %dma_wait3A_979 = arith.constant 192 : i32
          %dma_wait3A_980 = arith.constant 0 : i32
          %dma_wait3A_981 = tpu.memref_slice %arg11[%dma_wait3A_979, %dma_wait3A_980] : memref<256x128xf32, #tpu.memory_space<vmem>> -> memref<64x128xf32, #tpu.memory_space<vmem>>
          %dma_wait3A_982 = arith.constant 0 : i32
          %dma_wait3A_983 = arith.constant 0 : i32
          %dma_wait3A_984 = tpu.memref_slice %arg12[%dma_wait3A_982, %dma_wait3A_983] : memref<10368x128xf32, #tpu.memory_space<vmem_shared>> -> memref<10368x128xf32, #tpu.memory_space<vmem_shared>>
          tpu.wait_indirect_dma semaphore(%run_scoped3A : memref<!tpu.dma_semaphore, #tpu.memory_space<semaphore_mem>>) src(%dma_wait3A_981 : memref<64x128xf32, #tpu.memory_space<vmem>>) dst(%dma_wait3A_984 : memref<10368x128xf32, #tpu.memory_space<vmem_shared>>)
          tpu.yield
        }) : () -> ()
        %add3A_893 = arith.constant 4 : i32
        %add3A_894 = arith.addi %add3A_838, %add3A_893 : i32
        %mul3A_895 = arith.constant 64 : i32
        %mul3A_896 = arith.muli %add3A_894, %mul3A_895 : i32
        %add3A_897 = arith.constant 0 : i32
        %add3A_898 = arith.addi %mul3A_896, %add3A_897 : i32
        %get3A_899 = arith.index_cast %add3A_898 : i32 to index
        %get3A_900 = tpu.vector_load %arg7[%get3A_899] {strides = array<i32>} : memref<2048xi32, #tpu.memory_space<vmem>>, vector<16xi32>,
        %get3A_901 = vector.shape_cast %get3A_900 : vector<16xi32> to vector<16xi32>
        %mul3A_902 = arith.constant 10000 : i32
        %mul3A_903 = arith.muli %add3A_0, %mul3A_902 : i32
        %add3A_904 = vector.broadcast %mul3A_903 : i32 to vector<16xi32>
        %add3A_905 = arith.addi %add3A_904, %get3A_901 : vector<16xi32>
        %swap3A_906 = arith.constant 3 : i32
        %swap3A_907 = arith.index_cast %swap3A_906 : i32 to index
        %swap3A_908 = arith.constant 0 : index
        %swap3A_909 = tpu.vector_load %arg9[%swap3A_907, %swap3A_908] {strides = array<i32>} : memref<4x64xi32, #tpu.memory_space<vmem>>, vector<1x16xi32>,
        %swap3A_910 = vector.shape_cast %swap3A_909 : vector<1x16xi32> to vector<16xi32>
        %swap3A_911 = vector.shape_cast %add3A_905 : vector<16xi32> to vector<1x16xi32>
        tpu.vector_store %arg9[%swap3A_907, %swap3A_908], %swap3A_911 {strides = array<i32>} : memref<4x64xi32, #tpu.memory_space<vmem>>, vector<1x16xi32>,
        %mul3A_912 = arith.constant 64 : i32
        %mul3A_913 = arith.muli %add3A_894, %mul3A_912 : i32
        %add3A_914 = arith.constant 16 : i32
        %add3A_915 = arith.addi %mul3A_913, %add3A_914 : i32
        %get3A_916 = arith.index_cast %add3A_915 : i32 to index
        %get3A_917 = tpu.vector_load %arg7[%get3A_916] {strides = array<i32>} : memref<2048xi32, #tpu.memory_space<vmem>>, vector<16xi32>,
        %get3A_918 = vector.shape_cast %get3A_917 : vector<16xi32> to vector<16xi32>
        %mul3A_919 = arith.constant 10000 : i32
        %mul3A_920 = arith.muli %add3A_0, %mul3A_919 : i32
        %add3A_921 = vector.broadcast %mul3A_920 : i32 to vector<16xi32>
        %add3A_922 = arith.addi %add3A_921, %get3A_918 : vector<16xi32>
        %swap3A_923 = arith.constant 3 : i32
        %swap3A_924 = arith.index_cast %swap3A_923 : i32 to index
        %swap3A_925 = arith.constant 16 : index
        %swap3A_926 = tpu.vector_load %arg9[%swap3A_924, %swap3A_925] {strides = array<i32>} : memref<4x64xi32, #tpu.memory_space<vmem>>, vector<1x16xi32>,
        %swap3A_927 = vector.shape_cast %swap3A_926 : vector<1x16xi32> to vector<16xi32>
        %swap3A_928 = vector.shape_cast %add3A_922 : vector<16xi32> to vector<1x16xi32>
        tpu.vector_store %arg9[%swap3A_924, %swap3A_925], %swap3A_928 {strides = array<i32>} : memref<4x64xi32, #tpu.memory_space<vmem>>, vector<1x16xi32>,
        %mul3A_929 = arith.constant 64 : i32
        %mul3A_930 = arith.muli %add3A_894, %mul3A_929 : i32
        %add3A_931 = arith.constant 32 : i32
        %add3A_932 = arith.addi %mul3A_930, %add3A_931 : i32
        %get3A_933 = arith.index_cast %add3A_932 : i32 to index
        %get3A_934 = tpu.vector_load %arg7[%get3A_933] {strides = array<i32>} : memref<2048xi32, #tpu.memory_space<vmem>>, vector<16xi32>,
        %get3A_935 = vector.shape_cast %get3A_934 : vector<16xi32> to vector<16xi32>
        %mul3A_936 = arith.constant 10000 : i32
        %mul3A_937 = arith.muli %add3A_0, %mul3A_936 : i32
        %add3A_938 = vector.broadcast %mul3A_937 : i32 to vector<16xi32>
        %add3A_939 = arith.addi %add3A_938, %get3A_935 : vector<16xi32>
        %swap3A_940 = arith.constant 3 : i32
        %swap3A_941 = arith.index_cast %swap3A_940 : i32 to index
        %swap3A_942 = arith.constant 32 : index
        %swap3A_943 = tpu.vector_load %arg9[%swap3A_941, %swap3A_942] {strides = array<i32>} : memref<4x64xi32, #tpu.memory_space<vmem>>, vector<1x16xi32>,
        %swap3A_944 = vector.shape_cast %swap3A_943 : vector<1x16xi32> to vector<16xi32>
        %swap3A_945 = vector.shape_cast %add3A_939 : vector<16xi32> to vector<1x16xi32>
        tpu.vector_store %arg9[%swap3A_941, %swap3A_942], %swap3A_945 {strides = array<i32>} : memref<4x64xi32, #tpu.memory_space<vmem>>, vector<1x16xi32>,
        %mul3A_946 = arith.constant 64 : i32
        %mul3A_947 = arith.muli %add3A_894, %mul3A_946 : i32
        %add3A_948 = arith.constant 48 : i32
        %add3A_949 = arith.addi %mul3A_947, %add3A_948 : i32
        %get3A_950 = arith.index_cast %add3A_949 : i32 to index
        %get3A_951 = tpu.vector_load %arg7[%get3A_950] {strides = array<i32>} : memref<2048xi32, #tpu.memory_space<vmem>>, vector<16xi32>,
        %get3A_952 = vector.shape_cast %get3A_951 : vector<16xi32> to vector<16xi32>
        %mul3A_953 = arith.constant 10000 : i32
        %mul3A_954 = arith.muli %add3A_0, %mul3A_953 : i32
        %add3A_955 = vector.broadcast %mul3A_954 : i32 to vector<16xi32>
        %add3A_956 = arith.addi %add3A_955, %get3A_952 : vector<16xi32>
        %swap3A_957 = arith.constant 3 : i32
        %swap3A_958 = arith.index_cast %swap3A_957 : i32 to index
        %swap3A_959 = arith.constant 48 : index
        %swap3A_960 = tpu.vector_load %arg9[%swap3A_958, %swap3A_959] {strides = array<i32>} : memref<4x64xi32, #tpu.memory_space<vmem>>, vector<1x16xi32>,
        %swap3A_961 = vector.shape_cast %swap3A_960 : vector<1x16xi32> to vector<16xi32>
        %swap3A_962 = vector.shape_cast %add3A_956 : vector<16xi32> to vector<1x16xi32>
        tpu.vector_store %arg9[%swap3A_958, %swap3A_959], %swap3A_962 {strides = array<i32>} : memref<4x64xi32, #tpu.memory_space<vmem>>, vector<1x16xi32>,
        %dma_start3A_963 = arith.constant 3 : i32
        %dma_start3A_964 = arith.constant 192 : i32
        %dma_start3A_965 = arith.constant 0 : i32
        %dma_start3A_966 = tpu.memref_slice %arg11[%dma_start3A_964, %dma_start3A_965] : memref<256x128xf32, #tpu.memory_space<vmem>> -> memref<64x128xf32, #tpu.memory_space<vmem>>
        %dma_start3A_967 = arith.constant 0 : i32
        %dma_start3A_968 = tpu.memref_slice %arg9[%dma_start3A_963, %dma_start3A_967] : memref<4x64xi32, #tpu.memory_space<vmem>> -> memref<1x64xi32, #tpu.memory_space<vmem>>
        %dma_start3A_969 = tpu.memref_squeeze %dma_start3A_968 : memref<1x64xi32, #tpu.memory_space<vmem>> -> memref<64xi32, #tpu.memory_space<vmem>>
        %dma_start3A_970 = arith.constant 0 : i32
        %dma_start3A_971 = arith.constant 0 : i32
        %dma_start3A_972 = tpu.memref_slice %arg2[%dma_start3A_970, %dma_start3A_971] : memref<40000x128xf32, #tpu.memory_space<hbm>> -> memref<40000x128xf32, #tpu.memory_space<hbm>>
        tpu.enqueue_indirect_dma source(%dma_start3A_972 : memref<40000x128xf32, #tpu.memory_space<hbm>>) target(%dma_start3A_966 : memref<64x128xf32, #tpu.memory_space<vmem>>) offsets(%dma_start3A_969 : memref<64xi32, #tpu.memory_space<vmem>>) semaphore(%arg16 : memref<!tpu.dma_semaphore, #tpu.memory_space<semaphore_mem>>)
      }
      %scan3A_268 = arith.constant 7 : i32
      %dma_wait3A = arith.constant 0 : i32
      %dma_wait3A_269 = arith.constant 0 : i32
      %dma_wait3A_270 = arith.constant 0 : i32
      %dma_wait3A_271 = tpu.memref_slice %arg11[%dma_wait3A_269, %dma_wait3A_270] : memref<256x128xf32, #tpu.memory_space<vmem>> -> memref<64x128xf32, #tpu.memory_space<vmem>>
      %dma_wait3A_272 = arith.constant 0 : i32
      %dma_wait3A_273 = tpu.memref_slice %arg9[%dma_wait3A, %dma_wait3A_272] : memref<4x64xi32, #tpu.memory_space<vmem>> -> memref<1x64xi32, #tpu.memory_space<vmem>>
      %dma_wait3A_274 = tpu.memref_squeeze %dma_wait3A_273 : memref<1x64xi32, #tpu.memory_space<vmem>> -> memref<64xi32, #tpu.memory_space<vmem>>
      %dma_wait3A_275 = arith.constant 0 : i32
      %dma_wait3A_276 = arith.constant 0 : i32
      %dma_wait3A_277 = tpu.memref_slice %arg2[%dma_wait3A_275, %dma_wait3A_276] : memref<40000x128xf32, #tpu.memory_space<hbm>> -> memref<40000x128xf32, #tpu.memory_space<hbm>>
      tpu.wait_indirect_dma semaphore(%arg13 : memref<!tpu.dma_semaphore, #tpu.memory_space<semaphore_mem>>) src(%dma_wait3A_277 : memref<40000x128xf32, #tpu.memory_space<hbm>>) dst(%dma_wait3A_271 : memref<64x128xf32, #tpu.memory_space<vmem>>)
      %get3A_278 = arith.constant 1792 : index
      %get3A_279 = tpu.vector_load %arg8[%get3A_278] {strides = array<i32>} : memref<2048xi32, #tpu.memory_space<vmem>>, vector<16xi32>,
      %get3A_280 = vector.shape_cast %get3A_279 : vector<16xi32> to vector<16xi32>
      %swap3A_281 = arith.constant 0 : index
      %swap3A_282 = tpu.vector_load %arg10[%swap3A_281] {strides = array<i32>} : memref<64xi32, #tpu.memory_space<vmem>>, vector<16xi32>,
      %swap3A_283 = vector.shape_cast %swap3A_282 : vector<16xi32> to vector<16xi32>
      %swap3A_284 = vector.shape_cast %get3A_280 : vector<16xi32> to vector<16xi32>
      tpu.vector_store %arg10[%swap3A_281], %swap3A_284 {strides = array<i32>} : memref<64xi32, #tpu.memory_space<vmem>>, vector<16xi32>,
      %get3A_285 = arith.constant 1808 : index
      %get3A_286 = tpu.vector_load %arg8[%get3A_285] {strides = array<i32>} : memref<2048xi32, #tpu.memory_space<vmem>>, vector<16xi32>,
      %get3A_287 = vector.shape_cast %get3A_286 : vector<16xi32> to vector<16xi32>
      %swap3A_288 = arith.constant 16 : index
      %swap3A_289 = tpu.vector_load %arg10[%swap3A_288] {strides = array<i32>} : memref<64xi32, #tpu.memory_space<vmem>>, vector<16xi32>,
      %swap3A_290 = vector.shape_cast %swap3A_289 : vector<16xi32> to vector<16xi32>
      %swap3A_291 = vector.shape_cast %get3A_287 : vector<16xi32> to vector<16xi32>
      tpu.vector_store %arg10[%swap3A_288], %swap3A_291 {strides = array<i32>} : memref<64xi32, #tpu.memory_space<vmem>>, vector<16xi32>,
      %get3A_292 = arith.constant 1824 : index
      %get3A_293 = tpu.vector_load %arg8[%get3A_292] {strides = array<i32>} : memref<2048xi32, #tpu.memory_space<vmem>>, vector<16xi32>,
      %get3A_294 = vector.shape_cast %get3A_293 : vector<16xi32> to vector<16xi32>
      %swap3A_295 = arith.constant 32 : index
      %swap3A_296 = tpu.vector_load %arg10[%swap3A_295] {strides = array<i32>} : memref<64xi32, #tpu.memory_space<vmem>>, vector<16xi32>,
      %swap3A_297 = vector.shape_cast %swap3A_296 : vector<16xi32> to vector<16xi32>
      %swap3A_298 = vector.shape_cast %get3A_294 : vector<16xi32> to vector<16xi32>
      tpu.vector_store %arg10[%swap3A_295], %swap3A_298 {strides = array<i32>} : memref<64xi32, #tpu.memory_space<vmem>>, vector<16xi32>,
      %get3A_299 = arith.constant 1840 : index
      %get3A_300 = tpu.vector_load %arg8[%get3A_299] {strides = array<i32>} : memref<2048xi32, #tpu.memory_space<vmem>>, vector<16xi32>,
      %get3A_301 = vector.shape_cast %get3A_300 : vector<16xi32> to vector<16xi32>
      %swap3A_302 = arith.constant 48 : index
      %swap3A_303 = tpu.vector_load %arg10[%swap3A_302] {strides = array<i32>} : memref<64xi32, #tpu.memory_space<vmem>>, vector<16xi32>,
      %swap3A_304 = vector.shape_cast %swap3A_303 : vector<16xi32> to vector<16xi32>
      %swap3A_305 = vector.shape_cast %get3A_301 : vector<16xi32> to vector<16xi32>
      tpu.vector_store %arg10[%swap3A_302], %swap3A_305 {strides = array<i32>} : memref<64xi32, #tpu.memory_space<vmem>>, vector<16xi32>,
      "tpu.region"() ({
        %run_scoped3A = tpu.sem_alloc : memref<!tpu.dma_semaphore, #tpu.memory_space<semaphore_mem>>
        %dma_start3A_420 = arith.constant 0 : i32
        %dma_start3A_421 = arith.constant 0 : i32
        %dma_start3A_422 = tpu.memref_slice %arg11[%dma_start3A_420, %dma_start3A_421] : memref<256x128xf32, #tpu.memory_space<vmem>> -> memref<64x128xf32, #tpu.memory_space<vmem>>
        %dma_start3A_423 = arith.constant 0 : i32
        %dma_start3A_424 = arith.constant 0 : i32
        %dma_start3A_425 = tpu.memref_slice %arg12[%dma_start3A_423, %dma_start3A_424] : memref<10368x128xf32, #tpu.memory_space<vmem_shared>> -> memref<10368x128xf32, #tpu.memory_space<vmem_shared>>
        tpu.enqueue_indirect_dma source(%dma_start3A_422 : memref<64x128xf32, #tpu.memory_space<vmem>>) target(%dma_start3A_425 : memref<10368x128xf32, #tpu.memory_space<vmem_shared>>) offsets(%arg10 : memref<64xi32, #tpu.memory_space<vmem>>) semaphore(%run_scoped3A : memref<!tpu.dma_semaphore, #tpu.memory_space<semaphore_mem>>) {add = true}
        %dma_wait3A_426 = arith.constant 0 : i32
        %dma_wait3A_427 = arith.constant 0 : i32
        %dma_wait3A_428 = tpu.memref_slice %arg11[%dma_wait3A_426, %dma_wait3A_427] : memref<256x128xf32, #tpu.memory_space<vmem>> -> memref<64x128xf32, #tpu.memory_space<vmem>>
        %dma_wait3A_429 = arith.constant 0 : i32
        %dma_wait3A_430 = arith.constant 0 : i32
        %dma_wait3A_431 = tpu.memref_slice %arg12[%dma_wait3A_429, %dma_wait3A_430] : memref<10368x128xf32, #tpu.memory_space<vmem_shared>> -> memref<10368x128xf32, #tpu.memory_space<vmem_shared>>
        tpu.wait_indirect_dma semaphore(%run_scoped3A : memref<!tpu.dma_semaphore, #tpu.memory_space<semaphore_mem>>) src(%dma_wait3A_428 : memref<64x128xf32, #tpu.memory_space<vmem>>) dst(%dma_wait3A_431 : memref<10368x128xf32, #tpu.memory_space<vmem_shared>>)
        tpu.yield
      }) : () -> ()
      %dma_wait3A_306 = arith.constant 1 : i32
      %dma_wait3A_307 = arith.constant 64 : i32
      %dma_wait3A_308 = arith.constant 0 : i32
      %dma_wait3A_309 = tpu.memref_slice %arg11[%dma_wait3A_307, %dma_wait3A_308] : memref<256x128xf32, #tpu.memory_space<vmem>> -> memref<64x128xf32, #tpu.memory_space<vmem>>
      %dma_wait3A_310 = arith.constant 0 : i32
      %dma_wait3A_311 = tpu.memref_slice %arg9[%dma_wait3A_306, %dma_wait3A_310] : memref<4x64xi32, #tpu.memory_space<vmem>> -> memref<1x64xi32, #tpu.memory_space<vmem>>
      %dma_wait3A_312 = tpu.memref_squeeze %dma_wait3A_311 : memref<1x64xi32, #tpu.memory_space<vmem>> -> memref<64xi32, #tpu.memory_space<vmem>>
      %dma_wait3A_313 = arith.constant 0 : i32
      %dma_wait3A_314 = arith.constant 0 : i32
      %dma_wait3A_315 = tpu.memref_slice %arg2[%dma_wait3A_313, %dma_wait3A_314] : memref<40000x128xf32, #tpu.memory_space<hbm>> -> memref<40000x128xf32, #tpu.memory_space<hbm>>
      tpu.wait_indirect_dma semaphore(%arg14 : memref<!tpu.dma_semaphore, #tpu.memory_space<semaphore_mem>>) src(%dma_wait3A_315 : memref<40000x128xf32, #tpu.memory_space<hbm>>) dst(%dma_wait3A_309 : memref<64x128xf32, #tpu.memory_space<vmem>>)
      %get3A_316 = arith.constant 1856 : index
      %get3A_317 = tpu.vector_load %arg8[%get3A_316] {strides = array<i32>} : memref<2048xi32, #tpu.memory_space<vmem>>, vector<16xi32>,
      %get3A_318 = vector.shape_cast %get3A_317 : vector<16xi32> to vector<16xi32>
      %swap3A_319 = arith.constant 0 : index
      %swap3A_320 = tpu.vector_load %arg10[%swap3A_319] {strides = array<i32>} : memref<64xi32, #tpu.memory_space<vmem>>, vector<16xi32>,
      %swap3A_321 = vector.shape_cast %swap3A_320 : vector<16xi32> to vector<16xi32>
      %swap3A_322 = vector.shape_cast %get3A_318 : vector<16xi32> to vector<16xi32>
      tpu.vector_store %arg10[%swap3A_319], %swap3A_322 {strides = array<i32>} : memref<64xi32, #tpu.memory_space<vmem>>, vector<16xi32>,
      %get3A_323 = arith.constant 1872 : index
      %get3A_324 = tpu.vector_load %arg8[%get3A_323] {strides = array<i32>} : memref<2048xi32, #tpu.memory_space<vmem>>, vector<16xi32>,
      %get3A_325 = vector.shape_cast %get3A_324 : vector<16xi32> to vector<16xi32>
      %swap3A_326 = arith.constant 16 : index
      %swap3A_327 = tpu.vector_load %arg10[%swap3A_326] {strides = array<i32>} : memref<64xi32, #tpu.memory_space<vmem>>, vector<16xi32>,
      %swap3A_328 = vector.shape_cast %swap3A_327 : vector<16xi32> to vector<16xi32>
      %swap3A_329 = vector.shape_cast %get3A_325 : vector<16xi32> to vector<16xi32>
      tpu.vector_store %arg10[%swap3A_326], %swap3A_329 {strides = array<i32>} : memref<64xi32, #tpu.memory_space<vmem>>, vector<16xi32>,
      %get3A_330 = arith.constant 1888 : index
      %get3A_331 = tpu.vector_load %arg8[%get3A_330] {strides = array<i32>} : memref<2048xi32, #tpu.memory_space<vmem>>, vector<16xi32>,
      %get3A_332 = vector.shape_cast %get3A_331 : vector<16xi32> to vector<16xi32>
      %swap3A_333 = arith.constant 32 : index
      %swap3A_334 = tpu.vector_load %arg10[%swap3A_333] {strides = array<i32>} : memref<64xi32, #tpu.memory_space<vmem>>, vector<16xi32>,
      %swap3A_335 = vector.shape_cast %swap3A_334 : vector<16xi32> to vector<16xi32>
      %swap3A_336 = vector.shape_cast %get3A_332 : vector<16xi32> to vector<16xi32>
      tpu.vector_store %arg10[%swap3A_333], %swap3A_336 {strides = array<i32>} : memref<64xi32, #tpu.memory_space<vmem>>, vector<16xi32>,
      %get3A_337 = arith.constant 1904 : index
      %get3A_338 = tpu.vector_load %arg8[%get3A_337] {strides = array<i32>} : memref<2048xi32, #tpu.memory_space<vmem>>, vector<16xi32>,
      %get3A_339 = vector.shape_cast %get3A_338 : vector<16xi32> to vector<16xi32>
      %swap3A_340 = arith.constant 48 : index
      %swap3A_341 = tpu.vector_load %arg10[%swap3A_340] {strides = array<i32>} : memref<64xi32, #tpu.memory_space<vmem>>, vector<16xi32>,
      %swap3A_342 = vector.shape_cast %swap3A_341 : vector<16xi32> to vector<16xi32>
      %swap3A_343 = vector.shape_cast %get3A_339 : vector<16xi32> to vector<16xi32>
      tpu.vector_store %arg10[%swap3A_340], %swap3A_343 {strides = array<i32>} : memref<64xi32, #tpu.memory_space<vmem>>, vector<16xi32>,
      "tpu.region"() ({
        %run_scoped3A = tpu.sem_alloc : memref<!tpu.dma_semaphore, #tpu.memory_space<semaphore_mem>>
        %dma_start3A_420 = arith.constant 64 : i32
        %dma_start3A_421 = arith.constant 0 : i32
        %dma_start3A_422 = tpu.memref_slice %arg11[%dma_start3A_420, %dma_start3A_421] : memref<256x128xf32, #tpu.memory_space<vmem>> -> memref<64x128xf32, #tpu.memory_space<vmem>>
        %dma_start3A_423 = arith.constant 0 : i32
        %dma_start3A_424 = arith.constant 0 : i32
        %dma_start3A_425 = tpu.memref_slice %arg12[%dma_start3A_423, %dma_start3A_424] : memref<10368x128xf32, #tpu.memory_space<vmem_shared>> -> memref<10368x128xf32, #tpu.memory_space<vmem_shared>>
        tpu.enqueue_indirect_dma source(%dma_start3A_422 : memref<64x128xf32, #tpu.memory_space<vmem>>) target(%dma_start3A_425 : memref<10368x128xf32, #tpu.memory_space<vmem_shared>>) offsets(%arg10 : memref<64xi32, #tpu.memory_space<vmem>>) semaphore(%run_scoped3A : memref<!tpu.dma_semaphore, #tpu.memory_space<semaphore_mem>>) {add = true}
        %dma_wait3A_426 = arith.constant 64 : i32
        %dma_wait3A_427 = arith.constant 0 : i32
        %dma_wait3A_428 = tpu.memref_slice %arg11[%dma_wait3A_426, %dma_wait3A_427] : memref<256x128xf32, #tpu.memory_space<vmem>> -> memref<64x128xf32, #tpu.memory_space<vmem>>
        %dma_wait3A_429 = arith.constant 0 : i32
        %dma_wait3A_430 = arith.constant 0 : i32
        %dma_wait3A_431 = tpu.memref_slice %arg12[%dma_wait3A_429, %dma_wait3A_430] : memref<10368x128xf32, #tpu.memory_space<vmem_shared>> -> memref<10368x128xf32, #tpu.memory_space<vmem_shared>>
        tpu.wait_indirect_dma semaphore(%run_scoped3A : memref<!tpu.dma_semaphore, #tpu.memory_space<semaphore_mem>>) src(%dma_wait3A_428 : memref<64x128xf32, #tpu.memory_space<vmem>>) dst(%dma_wait3A_431 : memref<10368x128xf32, #tpu.memory_space<vmem_shared>>)
        tpu.yield
      }) : () -> ()
      %dma_wait3A_344 = arith.constant 2 : i32
      %dma_wait3A_345 = arith.constant 128 : i32
      %dma_wait3A_346 = arith.constant 0 : i32
      %dma_wait3A_347 = tpu.memref_slice %arg11[%dma_wait3A_345, %dma_wait3A_346] : memref<256x128xf32, #tpu.memory_space<vmem>> -> memref<64x128xf32, #tpu.memory_space<vmem>>
      %dma_wait3A_348 = arith.constant 0 : i32
      %dma_wait3A_349 = tpu.memref_slice %arg9[%dma_wait3A_344, %dma_wait3A_348] : memref<4x64xi32, #tpu.memory_space<vmem>> -> memref<1x64xi32, #tpu.memory_space<vmem>>
      %dma_wait3A_350 = tpu.memref_squeeze %dma_wait3A_349 : memref<1x64xi32, #tpu.memory_space<vmem>> -> memref<64xi32, #tpu.memory_space<vmem>>
      %dma_wait3A_351 = arith.constant 0 : i32
      %dma_wait3A_352 = arith.constant 0 : i32
      %dma_wait3A_353 = tpu.memref_slice %arg2[%dma_wait3A_351, %dma_wait3A_352] : memref<40000x128xf32, #tpu.memory_space<hbm>> -> memref<40000x128xf32, #tpu.memory_space<hbm>>
      tpu.wait_indirect_dma semaphore(%arg15 : memref<!tpu.dma_semaphore, #tpu.memory_space<semaphore_mem>>) src(%dma_wait3A_353 : memref<40000x128xf32, #tpu.memory_space<hbm>>) dst(%dma_wait3A_347 : memref<64x128xf32, #tpu.memory_space<vmem>>)
      %get3A_354 = arith.constant 1920 : index
      %get3A_355 = tpu.vector_load %arg8[%get3A_354] {strides = array<i32>} : memref<2048xi32, #tpu.memory_space<vmem>>, vector<16xi32>,
      %get3A_356 = vector.shape_cast %get3A_355 : vector<16xi32> to vector<16xi32>
      %swap3A_357 = arith.constant 0 : index
      %swap3A_358 = tpu.vector_load %arg10[%swap3A_357] {strides = array<i32>} : memref<64xi32, #tpu.memory_space<vmem>>, vector<16xi32>,
      %swap3A_359 = vector.shape_cast %swap3A_358 : vector<16xi32> to vector<16xi32>
      %swap3A_360 = vector.shape_cast %get3A_356 : vector<16xi32> to vector<16xi32>
      tpu.vector_store %arg10[%swap3A_357], %swap3A_360 {strides = array<i32>} : memref<64xi32, #tpu.memory_space<vmem>>, vector<16xi32>,
      %get3A_361 = arith.constant 1936 : index
      %get3A_362 = tpu.vector_load %arg8[%get3A_361] {strides = array<i32>} : memref<2048xi32, #tpu.memory_space<vmem>>, vector<16xi32>,
      %get3A_363 = vector.shape_cast %get3A_362 : vector<16xi32> to vector<16xi32>
      %swap3A_364 = arith.constant 16 : index
      %swap3A_365 = tpu.vector_load %arg10[%swap3A_364] {strides = array<i32>} : memref<64xi32, #tpu.memory_space<vmem>>, vector<16xi32>,
      %swap3A_366 = vector.shape_cast %swap3A_365 : vector<16xi32> to vector<16xi32>
      %swap3A_367 = vector.shape_cast %get3A_363 : vector<16xi32> to vector<16xi32>
      tpu.vector_store %arg10[%swap3A_364], %swap3A_367 {strides = array<i32>} : memref<64xi32, #tpu.memory_space<vmem>>, vector<16xi32>,
      %get3A_368 = arith.constant 1952 : index
      %get3A_369 = tpu.vector_load %arg8[%get3A_368] {strides = array<i32>} : memref<2048xi32, #tpu.memory_space<vmem>>, vector<16xi32>,
      %get3A_370 = vector.shape_cast %get3A_369 : vector<16xi32> to vector<16xi32>
      %swap3A_371 = arith.constant 32 : index
      %swap3A_372 = tpu.vector_load %arg10[%swap3A_371] {strides = array<i32>} : memref<64xi32, #tpu.memory_space<vmem>>, vector<16xi32>,
      %swap3A_373 = vector.shape_cast %swap3A_372 : vector<16xi32> to vector<16xi32>
      %swap3A_374 = vector.shape_cast %get3A_370 : vector<16xi32> to vector<16xi32>
      tpu.vector_store %arg10[%swap3A_371], %swap3A_374 {strides = array<i32>} : memref<64xi32, #tpu.memory_space<vmem>>, vector<16xi32>,
      %get3A_375 = arith.constant 1968 : index
      %get3A_376 = tpu.vector_load %arg8[%get3A_375] {strides = array<i32>} : memref<2048xi32, #tpu.memory_space<vmem>>, vector<16xi32>,
      %get3A_377 = vector.shape_cast %get3A_376 : vector<16xi32> to vector<16xi32>
      %swap3A_378 = arith.constant 48 : index
      %swap3A_379 = tpu.vector_load %arg10[%swap3A_378] {strides = array<i32>} : memref<64xi32, #tpu.memory_space<vmem>>, vector<16xi32>,
      %swap3A_380 = vector.shape_cast %swap3A_379 : vector<16xi32> to vector<16xi32>
      %swap3A_381 = vector.shape_cast %get3A_377 : vector<16xi32> to vector<16xi32>
      tpu.vector_store %arg10[%swap3A_378], %swap3A_381 {strides = array<i32>} : memref<64xi32, #tpu.memory_space<vmem>>, vector<16xi32>,
      "tpu.region"() ({
        %run_scoped3A = tpu.sem_alloc : memref<!tpu.dma_semaphore, #tpu.memory_space<semaphore_mem>>
        %dma_start3A_420 = arith.constant 128 : i32
        %dma_start3A_421 = arith.constant 0 : i32
        %dma_start3A_422 = tpu.memref_slice %arg11[%dma_start3A_420, %dma_start3A_421] : memref<256x128xf32, #tpu.memory_space<vmem>> -> memref<64x128xf32, #tpu.memory_space<vmem>>
        %dma_start3A_423 = arith.constant 0 : i32
        %dma_start3A_424 = arith.constant 0 : i32
        %dma_start3A_425 = tpu.memref_slice %arg12[%dma_start3A_423, %dma_start3A_424] : memref<10368x128xf32, #tpu.memory_space<vmem_shared>> -> memref<10368x128xf32, #tpu.memory_space<vmem_shared>>
        tpu.enqueue_indirect_dma source(%dma_start3A_422 : memref<64x128xf32, #tpu.memory_space<vmem>>) target(%dma_start3A_425 : memref<10368x128xf32, #tpu.memory_space<vmem_shared>>) offsets(%arg10 : memref<64xi32, #tpu.memory_space<vmem>>) semaphore(%run_scoped3A : memref<!tpu.dma_semaphore, #tpu.memory_space<semaphore_mem>>) {add = true}
        %dma_wait3A_426 = arith.constant 128 : i32
        %dma_wait3A_427 = arith.constant 0 : i32
        %dma_wait3A_428 = tpu.memref_slice %arg11[%dma_wait3A_426, %dma_wait3A_427] : memref<256x128xf32, #tpu.memory_space<vmem>> -> memref<64x128xf32, #tpu.memory_space<vmem>>
        %dma_wait3A_429 = arith.constant 0 : i32
        %dma_wait3A_430 = arith.constant 0 : i32
        %dma_wait3A_431 = tpu.memref_slice %arg12[%dma_wait3A_429, %dma_wait3A_430] : memref<10368x128xf32, #tpu.memory_space<vmem_shared>> -> memref<10368x128xf32, #tpu.memory_space<vmem_shared>>
        tpu.wait_indirect_dma semaphore(%run_scoped3A : memref<!tpu.dma_semaphore, #tpu.memory_space<semaphore_mem>>) src(%dma_wait3A_428 : memref<64x128xf32, #tpu.memory_space<vmem>>) dst(%dma_wait3A_431 : memref<10368x128xf32, #tpu.memory_space<vmem_shared>>)
        tpu.yield
      }) : () -> ()
      %dma_wait3A_382 = arith.constant 3 : i32
      %dma_wait3A_383 = arith.constant 192 : i32
      %dma_wait3A_384 = arith.constant 0 : i32
      %dma_wait3A_385 = tpu.memref_slice %arg11[%dma_wait3A_383, %dma_wait3A_384] : memref<256x128xf32, #tpu.memory_space<vmem>> -> memref<64x128xf32, #tpu.memory_space<vmem>>
      %dma_wait3A_386 = arith.constant 0 : i32
      %dma_wait3A_387 = tpu.memref_slice %arg9[%dma_wait3A_382, %dma_wait3A_386] : memref<4x64xi32, #tpu.memory_space<vmem>> -> memref<1x64xi32, #tpu.memory_space<vmem>>
      %dma_wait3A_388 = tpu.memref_squeeze %dma_wait3A_387 : memref<1x64xi32, #tpu.memory_space<vmem>> -> memref<64xi32, #tpu.memory_space<vmem>>
      %dma_wait3A_389 = arith.constant 0 : i32
      %dma_wait3A_390 = arith.constant 0 : i32
      %dma_wait3A_391 = tpu.memref_slice %arg2[%dma_wait3A_389, %dma_wait3A_390] : memref<40000x128xf32, #tpu.memory_space<hbm>> -> memref<40000x128xf32, #tpu.memory_space<hbm>>
      tpu.wait_indirect_dma semaphore(%arg16 : memref<!tpu.dma_semaphore, #tpu.memory_space<semaphore_mem>>) src(%dma_wait3A_391 : memref<40000x128xf32, #tpu.memory_space<hbm>>) dst(%dma_wait3A_385 : memref<64x128xf32, #tpu.memory_space<vmem>>)
      %get3A_392 = arith.constant 1984 : index
      %get3A_393 = tpu.vector_load %arg8[%get3A_392] {strides = array<i32>} : memref<2048xi32, #tpu.memory_space<vmem>>, vector<16xi32>,
      %get3A_394 = vector.shape_cast %get3A_393 : vector<16xi32> to vector<16xi32>
      %swap3A_395 = arith.constant 0 : index
      %swap3A_396 = tpu.vector_load %arg10[%swap3A_395] {strides = array<i32>} : memref<64xi32, #tpu.memory_space<vmem>>, vector<16xi32>,
      %swap3A_397 = vector.shape_cast %swap3A_396 : vector<16xi32> to vector<16xi32>
      %swap3A_398 = vector.shape_cast %get3A_394 : vector<16xi32> to vector<16xi32>
      tpu.vector_store %arg10[%swap3A_395], %swap3A_398 {strides = array<i32>} : memref<64xi32, #tpu.memory_space<vmem>>, vector<16xi32>,
      %get3A_399 = arith.constant 2000 : index
      %get3A_400 = tpu.vector_load %arg8[%get3A_399] {strides = array<i32>} : memref<2048xi32, #tpu.memory_space<vmem>>, vector<16xi32>,
      %get3A_401 = vector.shape_cast %get3A_400 : vector<16xi32> to vector<16xi32>
      %swap3A_402 = arith.constant 16 : index
      %swap3A_403 = tpu.vector_load %arg10[%swap3A_402] {strides = array<i32>} : memref<64xi32, #tpu.memory_space<vmem>>, vector<16xi32>,
      %swap3A_404 = vector.shape_cast %swap3A_403 : vector<16xi32> to vector<16xi32>
      %swap3A_405 = vector.shape_cast %get3A_401 : vector<16xi32> to vector<16xi32>
      tpu.vector_store %arg10[%swap3A_402], %swap3A_405 {strides = array<i32>} : memref<64xi32, #tpu.memory_space<vmem>>, vector<16xi32>,
      %get3A_406 = arith.constant 2016 : index
      %get3A_407 = tpu.vector_load %arg8[%get3A_406] {strides = array<i32>} : memref<2048xi32, #tpu.memory_space<vmem>>, vector<16xi32>,
      %get3A_408 = vector.shape_cast %get3A_407 : vector<16xi32> to vector<16xi32>
      %swap3A_409 = arith.constant 32 : index
      %swap3A_410 = tpu.vector_load %arg10[%swap3A_409] {strides = array<i32>} : memref<64xi32, #tpu.memory_space<vmem>>, vector<16xi32>,
      %swap3A_411 = vector.shape_cast %swap3A_410 : vector<16xi32> to vector<16xi32>
      %swap3A_412 = vector.shape_cast %get3A_408 : vector<16xi32> to vector<16xi32>
      tpu.vector_store %arg10[%swap3A_409], %swap3A_412 {strides = array<i32>} : memref<64xi32, #tpu.memory_space<vmem>>, vector<16xi32>,
      %get3A_413 = arith.constant 2032 : index
      %get3A_414 = tpu.vector_load %arg8[%get3A_413] {strides = array<i32>} : memref<2048xi32, #tpu.memory_space<vmem>>, vector<16xi32>,
      %get3A_415 = vector.shape_cast %get3A_414 : vector<16xi32> to vector<16xi32>
      %swap3A_416 = arith.constant 48 : index
      %swap3A_417 = tpu.vector_load %arg10[%swap3A_416] {strides = array<i32>} : memref<64xi32, #tpu.memory_space<vmem>>, vector<16xi32>,
      %swap3A_418 = vector.shape_cast %swap3A_417 : vector<16xi32> to vector<16xi32>
      %swap3A_419 = vector.shape_cast %get3A_415 : vector<16xi32> to vector<16xi32>
      tpu.vector_store %arg10[%swap3A_416], %swap3A_419 {strides = array<i32>} : memref<64xi32, #tpu.memory_space<vmem>>, vector<16xi32>,
      "tpu.region"() ({
        %run_scoped3A = tpu.sem_alloc : memref<!tpu.dma_semaphore, #tpu.memory_space<semaphore_mem>>
        %dma_start3A_420 = arith.constant 192 : i32
        %dma_start3A_421 = arith.constant 0 : i32
        %dma_start3A_422 = tpu.memref_slice %arg11[%dma_start3A_420, %dma_start3A_421] : memref<256x128xf32, #tpu.memory_space<vmem>> -> memref<64x128xf32, #tpu.memory_space<vmem>>
        %dma_start3A_423 = arith.constant 0 : i32
        %dma_start3A_424 = arith.constant 0 : i32
        %dma_start3A_425 = tpu.memref_slice %arg12[%dma_start3A_423, %dma_start3A_424] : memref<10368x128xf32, #tpu.memory_space<vmem_shared>> -> memref<10368x128xf32, #tpu.memory_space<vmem_shared>>
        tpu.enqueue_indirect_dma source(%dma_start3A_422 : memref<64x128xf32, #tpu.memory_space<vmem>>) target(%dma_start3A_425 : memref<10368x128xf32, #tpu.memory_space<vmem_shared>>) offsets(%arg10 : memref<64xi32, #tpu.memory_space<vmem>>) semaphore(%run_scoped3A : memref<!tpu.dma_semaphore, #tpu.memory_space<semaphore_mem>>) {add = true}
        %dma_wait3A_426 = arith.constant 192 : i32
        %dma_wait3A_427 = arith.constant 0 : i32
        %dma_wait3A_428 = tpu.memref_slice %arg11[%dma_wait3A_426, %dma_wait3A_427] : memref<256x128xf32, #tpu.memory_space<vmem>> -> memref<64x128xf32, #tpu.memory_space<vmem>>
        %dma_wait3A_429 = arith.constant 0 : i32
        %dma_wait3A_430 = arith.constant 0 : i32
        %dma_wait3A_431 = tpu.memref_slice %arg12[%dma_wait3A_429, %dma_wait3A_430] : memref<10368x128xf32, #tpu.memory_space<vmem_shared>> -> memref<10368x128xf32, #tpu.memory_space<vmem_shared>>
        tpu.wait_indirect_dma semaphore(%run_scoped3A : memref<!tpu.dma_semaphore, #tpu.memory_space<semaphore_mem>>) src(%dma_wait3A_428 : memref<64x128xf32, #tpu.memory_space<vmem>>) dst(%dma_wait3A_431 : memref<10368x128xf32, #tpu.memory_space<vmem_shared>>)
        tpu.yield
      }) : () -> ()
    }
    %scan3A_8 = arith.constant 5 : i32
    %barrier3A_9 = arith.constant 0 : index
    tpu.barrier barrier_id(%barrier3A_9)
    %mul3A_10 = arith.constant 640 : i32
    %mul3A_11 = arith.muli %arg1, %mul3A_10 : i32
    %multiple_of3A_12 = tpu.assume_multiple %mul3A_11, 8 : i32
    "tpu.region"() ({
      %run_scoped3A = tpu.sem_alloc : memref<!tpu.dma_semaphore, #tpu.memory_space<semaphore_mem>>
      %dma_start3A = arith.constant 0 : i32
      %dma_start3A_13 = tpu.memref_slice %arg6[%arg0, %multiple_of3A_12, %dma_start3A] : memref<2x10240x128xf32, #tpu.memory_space<hbm>> -> memref<1x640x128xf32, #tpu.memory_space<hbm>>
      %dma_start3A_14 = tpu.memref_squeeze %dma_start3A_13 : memref<1x640x128xf32, #tpu.memory_space<hbm>> -> memref<640x128xf32, #tpu.memory_space<hbm>>
      %dma_start3A_15 = arith.constant 0 : i32
      %dma_start3A_16 = tpu.memref_slice %arg12[%multiple_of3A_12, %dma_start3A_15] : memref<10368x128xf32, #tpu.memory_space<vmem_shared>> -> memref<640x128xf32, #tpu.memory_space<vmem_shared>>
      tpu.enqueue_dma source(%dma_start3A_16 : memref<640x128xf32, #tpu.memory_space<vmem_shared>>) target(%dma_start3A_14 : memref<640x128xf32, #tpu.memory_space<hbm>>) target_semaphore(%run_scoped3A : memref<!tpu.dma_semaphore, #tpu.memory_space<semaphore_mem>>)
      %dma_wait3A = arith.constant 0 : i32
      %dma_wait3A_17 = tpu.memref_slice %arg6[%arg0, %multiple_of3A_12, %dma_wait3A] : memref<2x10240x128xf32, #tpu.memory_space<hbm>> -> memref<1x640x128xf32, #tpu.memory_space<hbm>>
      %dma_wait3A_18 = tpu.memref_squeeze %dma_wait3A_17 : memref<1x640x128xf32, #tpu.memory_space<hbm>> -> memref<640x128xf32, #tpu.memory_space<hbm>>
      %dma_wait3A_19 = arith.constant 0 : i32
      %dma_wait3A_20 = tpu.memref_slice %arg12[%multiple_of3A_12, %dma_wait3A_19] : memref<10368x128xf32, #tpu.memory_space<vmem_shared>> -> memref<640x128xf32, #tpu.memory_space<vmem_shared>>
      tpu.wait_dma2 semaphore(%run_scoped3A : memref<!tpu.dma_semaphore, #tpu.memory_space<semaphore_mem>>) src(%dma_wait3A_20 : memref<640x128xf32, #tpu.memory_space<vmem_shared>>) dst(%dma_wait3A_18 : memref<640x128xf32, #tpu.memory_space<hbm>>)
      tpu.yield
    }) : () -> ()
    return
  }
}

#map = affine_map<(d0, d1) -> (0, 0)>
#map1 = affine_map<(d0, d1) -> (0)>
#map2 = affine_map<(d0, d1) -> (0, 0, 0)>
module attributes {stable_mosaic.version = 14 : i64} {
  func.func @agg_kernel(%arg0: i32, %arg1: i32, %arg2: memref<20000x128xf32, #tpu.memory_space<hbm>>, %arg3: memref<163840xi32, #tpu.memory_space<hbm>>, %arg4: memref<163840xi32, #tpu.memory_space<hbm>>, %arg5: memref<648x128xf32, #tpu.memory_space<hbm>>, %arg6: memref<2x10240x128xf32, #tpu.memory_space<hbm>>, %arg7: memref<2048xi32, #tpu.memory_space<vmem>>, %arg8: memref<2048xi32, #tpu.memory_space<vmem>>, %arg9: memref<4x64xi32, #tpu.memory_space<vmem>>, %arg10: memref<64xi32, #tpu.memory_space<vmem>>, %arg11: memref<256x128xf32, #tpu.memory_space<vmem>>, %arg12: memref<10368x128xf32, #tpu.memory_space<vmem_shared>>, %arg13: memref<!tpu.dma_semaphore, #tpu.memory_space<semaphore_mem>>, %arg14: memref<!tpu.dma_semaphore, #tpu.memory_space<semaphore_mem>>, %arg15: memref<!tpu.dma_semaphore, #tpu.memory_space<semaphore_mem>>, %arg16: memref<!tpu.dma_semaphore, #tpu.memory_space<semaphore_mem>>) attributes {dimension_semantics = [#tpu.dimension_semantics<core_parallel>, #tpu.dimension_semantics<subcore_parallel>], iteration_bounds = array<i64: 2, 16>, scalar_prefetch = 0 : i64, scratch_operands = 10 : i64, tpu.core_type = #tpu.core_type<sc_vector_subcore>, window_params = [{transform_indices = #map}, {transform_indices = #map1}, {transform_indices = #map1}, {transform_indices = #map}, {transform_indices = #map2}]} {
    %add3A = arith.constant 0 : i32
    %add3A_0 = arith.addi %add3A, %arg0 : i32
    %mul3A = arith.constant 10240 : i32
    %mul3A_1 = arith.muli %arg1, %mul3A : i32
    %mul3A_2 = arith.constant 648 : i32
    %mul3A_3 = arith.muli %arg1, %mul3A_2 : i32
    %multiple_of3A = tpu.assume_multiple %mul3A_3, 8 : i32
    "tpu.region"() ({
      %run_scoped3A = tpu.sem_alloc : memref<!tpu.dma_semaphore, #tpu.memory_space<semaphore_mem>>
      %dma_start3A = arith.constant 0 : i32
      %dma_start3A_13 = tpu.memref_slice %arg12[%multiple_of3A, %dma_start3A] : memref<10368x128xf32, #tpu.memory_space<vmem_shared>> -> memref<648x128xf32, #tpu.memory_space<vmem_shared>>
      tpu.enqueue_dma source(%arg5 : memref<648x128xf32, #tpu.memory_space<hbm>>) target(%dma_start3A_13 : memref<648x128xf32, #tpu.memory_space<vmem_shared>>) target_semaphore(%run_scoped3A : memref<!tpu.dma_semaphore, #tpu.memory_space<semaphore_mem>>)
      %dma_wait3A = arith.constant 0 : i32
      %dma_wait3A_14 = tpu.memref_slice %arg12[%multiple_of3A, %dma_wait3A] : memref<10368x128xf32, #tpu.memory_space<vmem_shared>> -> memref<648x128xf32, #tpu.memory_space<vmem_shared>>
      tpu.wait_dma2 semaphore(%run_scoped3A : memref<!tpu.dma_semaphore, #tpu.memory_space<semaphore_mem>>) src(%arg5 : memref<648x128xf32, #tpu.memory_space<hbm>>) dst(%dma_wait3A_14 : memref<648x128xf32, #tpu.memory_space<vmem_shared>>)
      tpu.yield
    }) : () -> ()
    %barrier3A = arith.constant 0 : index
    tpu.barrier barrier_id(%barrier3A)
    %scan3A = arith.constant 0 : i32
    %scan3A_4 = arith.constant 0 : i32
    %scan3A_5 = arith.constant 5 : i32
    %scan3A_6 = arith.addi %scan3A_4, %scan3A_5 : i32
    %scan3A_7 = arith.constant 1 : i32
    scf.for %scan3A_13 = %scan3A_4 to %scan3A_6 step %scan3A_7  : i32 {
      %mul3A_14 = arith.constant 2048 : i32
      %mul3A_15 = arith.muli %scan3A_13, %mul3A_14 : i32
      %add3A_16 = arith.addi %mul3A_1, %mul3A_15 : i32
      %multiple_of3A_17 = tpu.assume_multiple %add3A_16, 8 : i32
      "tpu.region"() ({
        %run_scoped3A = tpu.sem_alloc : memref<!tpu.dma_semaphore, #tpu.memory_space<semaphore_mem>>
        %dma_start3A_420 = tpu.memref_slice %arg3[%multiple_of3A_17] : memref<163840xi32, #tpu.memory_space<hbm>> -> memref<2048xi32, #tpu.memory_space<hbm>>
        %dma_start3A_421 = tpu.memref_slice %arg3[%multiple_of3A_17] : memref<163840xi32, #tpu.memory_space<hbm>> -> memref<2048xi32, #tpu.memory_space<hbm>>
        tpu.enqueue_dma source(%dma_start3A_421 : memref<2048xi32, #tpu.memory_space<hbm>>) target(%arg7 : memref<2048xi32, #tpu.memory_space<vmem>>) target_semaphore(%run_scoped3A : memref<!tpu.dma_semaphore, #tpu.memory_space<semaphore_mem>>)
        %dma_wait3A_422 = tpu.memref_slice %arg3[%multiple_of3A_17] : memref<163840xi32, #tpu.memory_space<hbm>> -> memref<2048xi32, #tpu.memory_space<hbm>>
        %dma_wait3A_423 = tpu.memref_slice %arg3[%multiple_of3A_17] : memref<163840xi32, #tpu.memory_space<hbm>> -> memref<2048xi32, #tpu.memory_space<hbm>>
        tpu.wait_dma2 semaphore(%run_scoped3A : memref<!tpu.dma_semaphore, #tpu.memory_space<semaphore_mem>>) src(%dma_wait3A_423 : memref<2048xi32, #tpu.memory_space<hbm>>) dst(%arg7 : memref<2048xi32, #tpu.memory_space<vmem>>)
        tpu.yield
      }) : () -> ()
      "tpu.region"() ({
        %run_scoped3A = tpu.sem_alloc : memref<!tpu.dma_semaphore, #tpu.memory_space<semaphore_mem>>
        %dma_start3A_420 = tpu.memref_slice %arg4[%multiple_of3A_17] : memref<163840xi32, #tpu.memory_space<hbm>> -> memref<2048xi32, #tpu.memory_space<hbm>>
        %dma_start3A_421 = tpu.memref_slice %arg4[%multiple_of3A_17] : memref<163840xi32, #tpu.memory_space<hbm>> -> memref<2048xi32, #tpu.memory_space<hbm>>
        tpu.enqueue_dma source(%dma_start3A_421 : memref<2048xi32, #tpu.memory_space<hbm>>) target(%arg8 : memref<2048xi32, #tpu.memory_space<vmem>>) target_semaphore(%run_scoped3A : memref<!tpu.dma_semaphore, #tpu.memory_space<semaphore_mem>>)
        %dma_wait3A_422 = tpu.memref_slice %arg4[%multiple_of3A_17] : memref<163840xi32, #tpu.memory_space<hbm>> -> memref<2048xi32, #tpu.memory_space<hbm>>
        %dma_wait3A_423 = tpu.memref_slice %arg4[%multiple_of3A_17] : memref<163840xi32, #tpu.memory_space<hbm>> -> memref<2048xi32, #tpu.memory_space<hbm>>
        tpu.wait_dma2 semaphore(%run_scoped3A : memref<!tpu.dma_semaphore, #tpu.memory_space<semaphore_mem>>) src(%dma_wait3A_423 : memref<2048xi32, #tpu.memory_space<hbm>>) dst(%arg8 : memref<2048xi32, #tpu.memory_space<vmem>>)
        tpu.yield
      }) : () -> ()
      %get3A = arith.constant 0 : index
      %get3A_18 = tpu.vector_load %arg7[%get3A] {strides = array<i32>} : memref<2048xi32, #tpu.memory_space<vmem>>, vector<16xi32>,
      %get3A_19 = vector.shape_cast %get3A_18 : vector<16xi32> to vector<16xi32>
      %mul3A_20 = arith.constant 10000 : i32
      %mul3A_21 = arith.muli %add3A_0, %mul3A_20 : i32
      %add3A_22 = vector.broadcast %mul3A_21 : i32 to vector<16xi32>
      %add3A_23 = arith.addi %add3A_22, %get3A_19 : vector<16xi32>
      %swap3A = arith.constant 0 : i32
      %swap3A_24 = arith.index_cast %swap3A : i32 to index
      %swap3A_25 = arith.constant 0 : index
      %swap3A_26 = tpu.vector_load %arg9[%swap3A_24, %swap3A_25] {strides = array<i32>} : memref<4x64xi32, #tpu.memory_space<vmem>>, vector<1x16xi32>,
      %swap3A_27 = vector.shape_cast %swap3A_26 : vector<1x16xi32> to vector<16xi32>
      %swap3A_28 = vector.shape_cast %add3A_23 : vector<16xi32> to vector<1x16xi32>
      tpu.vector_store %arg9[%swap3A_24, %swap3A_25], %swap3A_28 {strides = array<i32>} : memref<4x64xi32, #tpu.memory_space<vmem>>, vector<1x16xi32>,
      %get3A_29 = arith.constant 16 : index
      %get3A_30 = tpu.vector_load %arg7[%get3A_29] {strides = array<i32>} : memref<2048xi32, #tpu.memory_space<vmem>>, vector<16xi32>,
      %get3A_31 = vector.shape_cast %get3A_30 : vector<16xi32> to vector<16xi32>
      %mul3A_32 = arith.constant 10000 : i32
      %mul3A_33 = arith.muli %add3A_0, %mul3A_32 : i32
      %add3A_34 = vector.broadcast %mul3A_33 : i32 to vector<16xi32>
      %add3A_35 = arith.addi %add3A_34, %get3A_31 : vector<16xi32>
      %swap3A_36 = arith.constant 0 : i32
      %swap3A_37 = arith.index_cast %swap3A_36 : i32 to index
      %swap3A_38 = arith.constant 16 : index
      %swap3A_39 = tpu.vector_load %arg9[%swap3A_37, %swap3A_38] {strides = array<i32>} : memref<4x64xi32, #tpu.memory_space<vmem>>, vector<1x16xi32>,
      %swap3A_40 = vector.shape_cast %swap3A_39 : vector<1x16xi32> to vector<16xi32>
      %swap3A_41 = vector.shape_cast %add3A_35 : vector<16xi32> to vector<1x16xi32>
      tpu.vector_store %arg9[%swap3A_37, %swap3A_38], %swap3A_41 {strides = array<i32>} : memref<4x64xi32, #tpu.memory_space<vmem>>, vector<1x16xi32>,
      %get3A_42 = arith.constant 32 : index
      %get3A_43 = tpu.vector_load %arg7[%get3A_42] {strides = array<i32>} : memref<2048xi32, #tpu.memory_space<vmem>>, vector<16xi32>,
      %get3A_44 = vector.shape_cast %get3A_43 : vector<16xi32> to vector<16xi32>
      %mul3A_45 = arith.constant 10000 : i32
      %mul3A_46 = arith.muli %add3A_0, %mul3A_45 : i32
      %add3A_47 = vector.broadcast %mul3A_46 : i32 to vector<16xi32>
      %add3A_48 = arith.addi %add3A_47, %get3A_44 : vector<16xi32>
      %swap3A_49 = arith.constant 0 : i32
      %swap3A_50 = arith.index_cast %swap3A_49 : i32 to index
      %swap3A_51 = arith.constant 32 : index
      %swap3A_52 = tpu.vector_load %arg9[%swap3A_50, %swap3A_51] {strides = array<i32>} : memref<4x64xi32, #tpu.memory_space<vmem>>, vector<1x16xi32>,
      %swap3A_53 = vector.shape_cast %swap3A_52 : vector<1x16xi32> to vector<16xi32>
      %swap3A_54 = vector.shape_cast %add3A_48 : vector<16xi32> to vector<1x16xi32>
      tpu.vector_store %arg9[%swap3A_50, %swap3A_51], %swap3A_54 {strides = array<i32>} : memref<4x64xi32, #tpu.memory_space<vmem>>, vector<1x16xi32>,
      %get3A_55 = arith.constant 48 : index
      %get3A_56 = tpu.vector_load %arg7[%get3A_55] {strides = array<i32>} : memref<2048xi32, #tpu.memory_space<vmem>>, vector<16xi32>,
      %get3A_57 = vector.shape_cast %get3A_56 : vector<16xi32> to vector<16xi32>
      %mul3A_58 = arith.constant 10000 : i32
      %mul3A_59 = arith.muli %add3A_0, %mul3A_58 : i32
      %add3A_60 = vector.broadcast %mul3A_59 : i32 to vector<16xi32>
      %add3A_61 = arith.addi %add3A_60, %get3A_57 : vector<16xi32>
      %swap3A_62 = arith.constant 0 : i32
      %swap3A_63 = arith.index_cast %swap3A_62 : i32 to index
      %swap3A_64 = arith.constant 48 : index
      %swap3A_65 = tpu.vector_load %arg9[%swap3A_63, %swap3A_64] {strides = array<i32>} : memref<4x64xi32, #tpu.memory_space<vmem>>, vector<1x16xi32>,
      %swap3A_66 = vector.shape_cast %swap3A_65 : vector<1x16xi32> to vector<16xi32>
      %swap3A_67 = vector.shape_cast %add3A_61 : vector<16xi32> to vector<1x16xi32>
      tpu.vector_store %arg9[%swap3A_63, %swap3A_64], %swap3A_67 {strides = array<i32>} : memref<4x64xi32, #tpu.memory_space<vmem>>, vector<1x16xi32>,
      %get3A_68 = arith.constant 64 : index
      %get3A_69 = tpu.vector_load %arg7[%get3A_68] {strides = array<i32>} : memref<2048xi32, #tpu.memory_space<vmem>>, vector<16xi32>,
      %get3A_70 = vector.shape_cast %get3A_69 : vector<16xi32> to vector<16xi32>
      %mul3A_71 = arith.constant 10000 : i32
      %mul3A_72 = arith.muli %add3A_0, %mul3A_71 : i32
      %add3A_73 = vector.broadcast %mul3A_72 : i32 to vector<16xi32>
      %add3A_74 = arith.addi %add3A_73, %get3A_70 : vector<16xi32>
      %swap3A_75 = arith.constant 1 : i32
      %swap3A_76 = arith.index_cast %swap3A_75 : i32 to index
      %swap3A_77 = arith.constant 0 : index
      %swap3A_78 = tpu.vector_load %arg9[%swap3A_76, %swap3A_77] {strides = array<i32>} : memref<4x64xi32, #tpu.memory_space<vmem>>, vector<1x16xi32>,
      %swap3A_79 = vector.shape_cast %swap3A_78 : vector<1x16xi32> to vector<16xi32>
      %swap3A_80 = vector.shape_cast %add3A_74 : vector<16xi32> to vector<1x16xi32>
      tpu.vector_store %arg9[%swap3A_76, %swap3A_77], %swap3A_80 {strides = array<i32>} : memref<4x64xi32, #tpu.memory_space<vmem>>, vector<1x16xi32>,
      %get3A_81 = arith.constant 80 : index
      %get3A_82 = tpu.vector_load %arg7[%get3A_81] {strides = array<i32>} : memref<2048xi32, #tpu.memory_space<vmem>>, vector<16xi32>,
      %get3A_83 = vector.shape_cast %get3A_82 : vector<16xi32> to vector<16xi32>
      %mul3A_84 = arith.constant 10000 : i32
      %mul3A_85 = arith.muli %add3A_0, %mul3A_84 : i32
      %add3A_86 = vector.broadcast %mul3A_85 : i32 to vector<16xi32>
      %add3A_87 = arith.addi %add3A_86, %get3A_83 : vector<16xi32>
      %swap3A_88 = arith.constant 1 : i32
      %swap3A_89 = arith.index_cast %swap3A_88 : i32 to index
      %swap3A_90 = arith.constant 16 : index
      %swap3A_91 = tpu.vector_load %arg9[%swap3A_89, %swap3A_90] {strides = array<i32>} : memref<4x64xi32, #tpu.memory_space<vmem>>, vector<1x16xi32>,
      %swap3A_92 = vector.shape_cast %swap3A_91 : vector<1x16xi32> to vector<16xi32>
      %swap3A_93 = vector.shape_cast %add3A_87 : vector<16xi32> to vector<1x16xi32>
      tpu.vector_store %arg9[%swap3A_89, %swap3A_90], %swap3A_93 {strides = array<i32>} : memref<4x64xi32, #tpu.memory_space<vmem>>, vector<1x16xi32>,
      %get3A_94 = arith.constant 96 : index
      %get3A_95 = tpu.vector_load %arg7[%get3A_94] {strides = array<i32>} : memref<2048xi32, #tpu.memory_space<vmem>>, vector<16xi32>,
      %get3A_96 = vector.shape_cast %get3A_95 : vector<16xi32> to vector<16xi32>
      %mul3A_97 = arith.constant 10000 : i32
      %mul3A_98 = arith.muli %add3A_0, %mul3A_97 : i32
      %add3A_99 = vector.broadcast %mul3A_98 : i32 to vector<16xi32>
      %add3A_100 = arith.addi %add3A_99, %get3A_96 : vector<16xi32>
      %swap3A_101 = arith.constant 1 : i32
      %swap3A_102 = arith.index_cast %swap3A_101 : i32 to index
      %swap3A_103 = arith.constant 32 : index
      %swap3A_104 = tpu.vector_load %arg9[%swap3A_102, %swap3A_103] {strides = array<i32>} : memref<4x64xi32, #tpu.memory_space<vmem>>, vector<1x16xi32>,
      %swap3A_105 = vector.shape_cast %swap3A_104 : vector<1x16xi32> to vector<16xi32>
      %swap3A_106 = vector.shape_cast %add3A_100 : vector<16xi32> to vector<1x16xi32>
      tpu.vector_store %arg9[%swap3A_102, %swap3A_103], %swap3A_106 {strides = array<i32>} : memref<4x64xi32, #tpu.memory_space<vmem>>, vector<1x16xi32>,
      %get3A_107 = arith.constant 112 : index
      %get3A_108 = tpu.vector_load %arg7[%get3A_107] {strides = array<i32>} : memref<2048xi32, #tpu.memory_space<vmem>>, vector<16xi32>,
      %get3A_109 = vector.shape_cast %get3A_108 : vector<16xi32> to vector<16xi32>
      %mul3A_110 = arith.constant 10000 : i32
      %mul3A_111 = arith.muli %add3A_0, %mul3A_110 : i32
      %add3A_112 = vector.broadcast %mul3A_111 : i32 to vector<16xi32>
      %add3A_113 = arith.addi %add3A_112, %get3A_109 : vector<16xi32>
      %swap3A_114 = arith.constant 1 : i32
      %swap3A_115 = arith.index_cast %swap3A_114 : i32 to index
      %swap3A_116 = arith.constant 48 : index
      %swap3A_117 = tpu.vector_load %arg9[%swap3A_115, %swap3A_116] {strides = array<i32>} : memref<4x64xi32, #tpu.memory_space<vmem>>, vector<1x16xi32>,
      %swap3A_118 = vector.shape_cast %swap3A_117 : vector<1x16xi32> to vector<16xi32>
      %swap3A_119 = vector.shape_cast %add3A_113 : vector<16xi32> to vector<1x16xi32>
      tpu.vector_store %arg9[%swap3A_115, %swap3A_116], %swap3A_119 {strides = array<i32>} : memref<4x64xi32, #tpu.memory_space<vmem>>, vector<1x16xi32>,
      %get3A_120 = arith.constant 128 : index
      %get3A_121 = tpu.vector_load %arg7[%get3A_120] {strides = array<i32>} : memref<2048xi32, #tpu.memory_space<vmem>>, vector<16xi32>,
      %get3A_122 = vector.shape_cast %get3A_121 : vector<16xi32> to vector<16xi32>
      %mul3A_123 = arith.constant 10000 : i32
      %mul3A_124 = arith.muli %add3A_0, %mul3A_123 : i32
      %add3A_125 = vector.broadcast %mul3A_124 : i32 to vector<16xi32>
      %add3A_126 = arith.addi %add3A_125, %get3A_122 : vector<16xi32>
      %swap3A_127 = arith.constant 2 : i32
      %swap3A_128 = arith.index_cast %swap3A_127 : i32 to index
      %swap3A_129 = arith.constant 0 : index
      %swap3A_130 = tpu.vector_load %arg9[%swap3A_128, %swap3A_129] {strides = array<i32>} : memref<4x64xi32, #tpu.memory_space<vmem>>, vector<1x16xi32>,
      %swap3A_131 = vector.shape_cast %swap3A_130 : vector<1x16xi32> to vector<16xi32>
      %swap3A_132 = vector.shape_cast %add3A_126 : vector<16xi32> to vector<1x16xi32>
      tpu.vector_store %arg9[%swap3A_128, %swap3A_129], %swap3A_132 {strides = array<i32>} : memref<4x64xi32, #tpu.memory_space<vmem>>, vector<1x16xi32>,
      %get3A_133 = arith.constant 144 : index
      %get3A_134 = tpu.vector_load %arg7[%get3A_133] {strides = array<i32>} : memref<2048xi32, #tpu.memory_space<vmem>>, vector<16xi32>,
      %get3A_135 = vector.shape_cast %get3A_134 : vector<16xi32> to vector<16xi32>
      %mul3A_136 = arith.constant 10000 : i32
      %mul3A_137 = arith.muli %add3A_0, %mul3A_136 : i32
      %add3A_138 = vector.broadcast %mul3A_137 : i32 to vector<16xi32>
      %add3A_139 = arith.addi %add3A_138, %get3A_135 : vector<16xi32>
      %swap3A_140 = arith.constant 2 : i32
      %swap3A_141 = arith.index_cast %swap3A_140 : i32 to index
      %swap3A_142 = arith.constant 16 : index
      %swap3A_143 = tpu.vector_load %arg9[%swap3A_141, %swap3A_142] {strides = array<i32>} : memref<4x64xi32, #tpu.memory_space<vmem>>, vector<1x16xi32>,
      %swap3A_144 = vector.shape_cast %swap3A_143 : vector<1x16xi32> to vector<16xi32>
      %swap3A_145 = vector.shape_cast %add3A_139 : vector<16xi32> to vector<1x16xi32>
      tpu.vector_store %arg9[%swap3A_141, %swap3A_142], %swap3A_145 {strides = array<i32>} : memref<4x64xi32, #tpu.memory_space<vmem>>, vector<1x16xi32>,
      %get3A_146 = arith.constant 160 : index
      %get3A_147 = tpu.vector_load %arg7[%get3A_146] {strides = array<i32>} : memref<2048xi32, #tpu.memory_space<vmem>>, vector<16xi32>,
      %get3A_148 = vector.shape_cast %get3A_147 : vector<16xi32> to vector<16xi32>
      %mul3A_149 = arith.constant 10000 : i32
      %mul3A_150 = arith.muli %add3A_0, %mul3A_149 : i32
      %add3A_151 = vector.broadcast %mul3A_150 : i32 to vector<16xi32>
      %add3A_152 = arith.addi %add3A_151, %get3A_148 : vector<16xi32>
      %swap3A_153 = arith.constant 2 : i32
      %swap3A_154 = arith.index_cast %swap3A_153 : i32 to index
      %swap3A_155 = arith.constant 32 : index
      %swap3A_156 = tpu.vector_load %arg9[%swap3A_154, %swap3A_155] {strides = array<i32>} : memref<4x64xi32, #tpu.memory_space<vmem>>, vector<1x16xi32>,
      %swap3A_157 = vector.shape_cast %swap3A_156 : vector<1x16xi32> to vector<16xi32>
      %swap3A_158 = vector.shape_cast %add3A_152 : vector<16xi32> to vector<1x16xi32>
      tpu.vector_store %arg9[%swap3A_154, %swap3A_155], %swap3A_158 {strides = array<i32>} : memref<4x64xi32, #tpu.memory_space<vmem>>, vector<1x16xi32>,
      %get3A_159 = arith.constant 176 : index
      %get3A_160 = tpu.vector_load %arg7[%get3A_159] {strides = array<i32>} : memref<2048xi32, #tpu.memory_space<vmem>>, vector<16xi32>,
      %get3A_161 = vector.shape_cast %get3A_160 : vector<16xi32> to vector<16xi32>
      %mul3A_162 = arith.constant 10000 : i32
      %mul3A_163 = arith.muli %add3A_0, %mul3A_162 : i32
      %add3A_164 = vector.broadcast %mul3A_163 : i32 to vector<16xi32>
      %add3A_165 = arith.addi %add3A_164, %get3A_161 : vector<16xi32>
      %swap3A_166 = arith.constant 2 : i32
      %swap3A_167 = arith.index_cast %swap3A_166 : i32 to index
      %swap3A_168 = arith.constant 48 : index
      %swap3A_169 = tpu.vector_load %arg9[%swap3A_167, %swap3A_168] {strides = array<i32>} : memref<4x64xi32, #tpu.memory_space<vmem>>, vector<1x16xi32>,
      %swap3A_170 = vector.shape_cast %swap3A_169 : vector<1x16xi32> to vector<16xi32>
      %swap3A_171 = vector.shape_cast %add3A_165 : vector<16xi32> to vector<1x16xi32>
      tpu.vector_store %arg9[%swap3A_167, %swap3A_168], %swap3A_171 {strides = array<i32>} : memref<4x64xi32, #tpu.memory_space<vmem>>, vector<1x16xi32>,
      %get3A_172 = arith.constant 192 : index
      %get3A_173 = tpu.vector_load %arg7[%get3A_172] {strides = array<i32>} : memref<2048xi32, #tpu.memory_space<vmem>>, vector<16xi32>,
      %get3A_174 = vector.shape_cast %get3A_173 : vector<16xi32> to vector<16xi32>
      %mul3A_175 = arith.constant 10000 : i32
      %mul3A_176 = arith.muli %add3A_0, %mul3A_175 : i32
      %add3A_177 = vector.broadcast %mul3A_176 : i32 to vector<16xi32>
      %add3A_178 = arith.addi %add3A_177, %get3A_174 : vector<16xi32>
      %swap3A_179 = arith.constant 3 : i32
      %swap3A_180 = arith.index_cast %swap3A_179 : i32 to index
      %swap3A_181 = arith.constant 0 : index
      %swap3A_182 = tpu.vector_load %arg9[%swap3A_180, %swap3A_181] {strides = array<i32>} : memref<4x64xi32, #tpu.memory_space<vmem>>, vector<1x16xi32>,
      %swap3A_183 = vector.shape_cast %swap3A_182 : vector<1x16xi32> to vector<16xi32>
      %swap3A_184 = vector.shape_cast %add3A_178 : vector<16xi32> to vector<1x16xi32>
      tpu.vector_store %arg9[%swap3A_180, %swap3A_181], %swap3A_184 {strides = array<i32>} : memref<4x64xi32, #tpu.memory_space<vmem>>, vector<1x16xi32>,
      %get3A_185 = arith.constant 208 : index
      %get3A_186 = tpu.vector_load %arg7[%get3A_185] {strides = array<i32>} : memref<2048xi32, #tpu.memory_space<vmem>>, vector<16xi32>,
      %get3A_187 = vector.shape_cast %get3A_186 : vector<16xi32> to vector<16xi32>
      %mul3A_188 = arith.constant 10000 : i32
      %mul3A_189 = arith.muli %add3A_0, %mul3A_188 : i32
      %add3A_190 = vector.broadcast %mul3A_189 : i32 to vector<16xi32>
      %add3A_191 = arith.addi %add3A_190, %get3A_187 : vector<16xi32>
      %swap3A_192 = arith.constant 3 : i32
      %swap3A_193 = arith.index_cast %swap3A_192 : i32 to index
      %swap3A_194 = arith.constant 16 : index
      %swap3A_195 = tpu.vector_load %arg9[%swap3A_193, %swap3A_194] {strides = array<i32>} : memref<4x64xi32, #tpu.memory_space<vmem>>, vector<1x16xi32>,
      %swap3A_196 = vector.shape_cast %swap3A_195 : vector<1x16xi32> to vector<16xi32>
      %swap3A_197 = vector.shape_cast %add3A_191 : vector<16xi32> to vector<1x16xi32>
      tpu.vector_store %arg9[%swap3A_193, %swap3A_194], %swap3A_197 {strides = array<i32>} : memref<4x64xi32, #tpu.memory_space<vmem>>, vector<1x16xi32>,
      %get3A_198 = arith.constant 224 : index
      %get3A_199 = tpu.vector_load %arg7[%get3A_198] {strides = array<i32>} : memref<2048xi32, #tpu.memory_space<vmem>>, vector<16xi32>,
      %get3A_200 = vector.shape_cast %get3A_199 : vector<16xi32> to vector<16xi32>
      %mul3A_201 = arith.constant 10000 : i32
      %mul3A_202 = arith.muli %add3A_0, %mul3A_201 : i32
      %add3A_203 = vector.broadcast %mul3A_202 : i32 to vector<16xi32>
      %add3A_204 = arith.addi %add3A_203, %get3A_200 : vector<16xi32>
      %swap3A_205 = arith.constant 3 : i32
      %swap3A_206 = arith.index_cast %swap3A_205 : i32 to index
      %swap3A_207 = arith.constant 32 : index
      %swap3A_208 = tpu.vector_load %arg9[%swap3A_206, %swap3A_207] {strides = array<i32>} : memref<4x64xi32, #tpu.memory_space<vmem>>, vector<1x16xi32>,
      %swap3A_209 = vector.shape_cast %swap3A_208 : vector<1x16xi32> to vector<16xi32>
      %swap3A_210 = vector.shape_cast %add3A_204 : vector<16xi32> to vector<1x16xi32>
      tpu.vector_store %arg9[%swap3A_206, %swap3A_207], %swap3A_210 {strides = array<i32>} : memref<4x64xi32, #tpu.memory_space<vmem>>, vector<1x16xi32>,
      %get3A_211 = arith.constant 240 : index
      %get3A_212 = tpu.vector_load %arg7[%get3A_211] {strides = array<i32>} : memref<2048xi32, #tpu.memory_space<vmem>>, vector<16xi32>,
      %get3A_213 = vector.shape_cast %get3A_212 : vector<16xi32> to vector<16xi32>
      %mul3A_214 = arith.constant 10000 : i32
      %mul3A_215 = arith.muli %add3A_0, %mul3A_214 : i32
      %add3A_216 = vector.broadcast %mul3A_215 : i32 to vector<16xi32>
      %add3A_217 = arith.addi %add3A_216, %get3A_213 : vector<16xi32>
      %swap3A_218 = arith.constant 3 : i32
      %swap3A_219 = arith.index_cast %swap3A_218 : i32 to index
      %swap3A_220 = arith.constant 48 : index
      %swap3A_221 = tpu.vector_load %arg9[%swap3A_219, %swap3A_220] {strides = array<i32>} : memref<4x64xi32, #tpu.memory_space<vmem>>, vector<1x16xi32>,
      %swap3A_222 = vector.shape_cast %swap3A_221 : vector<1x16xi32> to vector<16xi32>
      %swap3A_223 = vector.shape_cast %add3A_217 : vector<16xi32> to vector<1x16xi32>
      tpu.vector_store %arg9[%swap3A_219, %swap3A_220], %swap3A_223 {strides = array<i32>} : memref<4x64xi32, #tpu.memory_space<vmem>>, vector<1x16xi32>,
      %dma_start3A = arith.constant 0 : i32
      %dma_start3A_224 = arith.constant 0 : i32
      %dma_start3A_225 = arith.constant 0 : i32
      %dma_start3A_226 = tpu.memref_slice %arg11[%dma_start3A_224, %dma_start3A_225] : memref<256x128xf32, #tpu.memory_space<vmem>> -> memref<64x128xf32, #tpu.memory_space<vmem>>
      %dma_start3A_227 = arith.constant 0 : i32
      %dma_start3A_228 = tpu.memref_slice %arg9[%dma_start3A, %dma_start3A_227] : memref<4x64xi32, #tpu.memory_space<vmem>> -> memref<1x64xi32, #tpu.memory_space<vmem>>
      %dma_start3A_229 = tpu.memref_squeeze %dma_start3A_228 : memref<1x64xi32, #tpu.memory_space<vmem>> -> memref<64xi32, #tpu.memory_space<vmem>>
      %dma_start3A_230 = arith.constant 0 : i32
      %dma_start3A_231 = arith.constant 0 : i32
      %dma_start3A_232 = tpu.memref_slice %arg2[%dma_start3A_230, %dma_start3A_231] : memref<20000x128xf32, #tpu.memory_space<hbm>> -> memref<20000x128xf32, #tpu.memory_space<hbm>>
      tpu.enqueue_indirect_dma source(%dma_start3A_232 : memref<20000x128xf32, #tpu.memory_space<hbm>>) target(%dma_start3A_226 : memref<64x128xf32, #tpu.memory_space<vmem>>) offsets(%dma_start3A_229 : memref<64xi32, #tpu.memory_space<vmem>>) semaphore(%arg13 : memref<!tpu.dma_semaphore, #tpu.memory_space<semaphore_mem>>)
      %dma_start3A_233 = arith.constant 1 : i32
      %dma_start3A_234 = arith.constant 64 : i32
      %dma_start3A_235 = arith.constant 0 : i32
      %dma_start3A_236 = tpu.memref_slice %arg11[%dma_start3A_234, %dma_start3A_235] : memref<256x128xf32, #tpu.memory_space<vmem>> -> memref<64x128xf32, #tpu.memory_space<vmem>>
      %dma_start3A_237 = arith.constant 0 : i32
      %dma_start3A_238 = tpu.memref_slice %arg9[%dma_start3A_233, %dma_start3A_237] : memref<4x64xi32, #tpu.memory_space<vmem>> -> memref<1x64xi32, #tpu.memory_space<vmem>>
      %dma_start3A_239 = tpu.memref_squeeze %dma_start3A_238 : memref<1x64xi32, #tpu.memory_space<vmem>> -> memref<64xi32, #tpu.memory_space<vmem>>
      %dma_start3A_240 = arith.constant 0 : i32
      %dma_start3A_241 = arith.constant 0 : i32
      %dma_start3A_242 = tpu.memref_slice %arg2[%dma_start3A_240, %dma_start3A_241] : memref<20000x128xf32, #tpu.memory_space<hbm>> -> memref<20000x128xf32, #tpu.memory_space<hbm>>
      tpu.enqueue_indirect_dma source(%dma_start3A_242 : memref<20000x128xf32, #tpu.memory_space<hbm>>) target(%dma_start3A_236 : memref<64x128xf32, #tpu.memory_space<vmem>>) offsets(%dma_start3A_239 : memref<64xi32, #tpu.memory_space<vmem>>) semaphore(%arg14 : memref<!tpu.dma_semaphore, #tpu.memory_space<semaphore_mem>>)
      %dma_start3A_243 = arith.constant 2 : i32
      %dma_start3A_244 = arith.constant 128 : i32
      %dma_start3A_245 = arith.constant 0 : i32
      %dma_start3A_246 = tpu.memref_slice %arg11[%dma_start3A_244, %dma_start3A_245] : memref<256x128xf32, #tpu.memory_space<vmem>> -> memref<64x128xf32, #tpu.memory_space<vmem>>
      %dma_start3A_247 = arith.constant 0 : i32
      %dma_start3A_248 = tpu.memref_slice %arg9[%dma_start3A_243, %dma_start3A_247] : memref<4x64xi32, #tpu.memory_space<vmem>> -> memref<1x64xi32, #tpu.memory_space<vmem>>
      %dma_start3A_249 = tpu.memref_squeeze %dma_start3A_248 : memref<1x64xi32, #tpu.memory_space<vmem>> -> memref<64xi32, #tpu.memory_space<vmem>>
      %dma_start3A_250 = arith.constant 0 : i32
      %dma_start3A_251 = arith.constant 0 : i32
      %dma_start3A_252 = tpu.memref_slice %arg2[%dma_start3A_250, %dma_start3A_251] : memref<20000x128xf32, #tpu.memory_space<hbm>> -> memref<20000x128xf32, #tpu.memory_space<hbm>>
      tpu.enqueue_indirect_dma source(%dma_start3A_252 : memref<20000x128xf32, #tpu.memory_space<hbm>>) target(%dma_start3A_246 : memref<64x128xf32, #tpu.memory_space<vmem>>) offsets(%dma_start3A_249 : memref<64xi32, #tpu.memory_space<vmem>>) semaphore(%arg15 : memref<!tpu.dma_semaphore, #tpu.memory_space<semaphore_mem>>)
      %dma_start3A_253 = arith.constant 3 : i32
      %dma_start3A_254 = arith.constant 192 : i32
      %dma_start3A_255 = arith.constant 0 : i32
      %dma_start3A_256 = tpu.memref_slice %arg11[%dma_start3A_254, %dma_start3A_255] : memref<256x128xf32, #tpu.memory_space<vmem>> -> memref<64x128xf32, #tpu.memory_space<vmem>>
      %dma_start3A_257 = arith.constant 0 : i32
      %dma_start3A_258 = tpu.memref_slice %arg9[%dma_start3A_253, %dma_start3A_257] : memref<4x64xi32, #tpu.memory_space<vmem>> -> memref<1x64xi32, #tpu.memory_space<vmem>>
      %dma_start3A_259 = tpu.memref_squeeze %dma_start3A_258 : memref<1x64xi32, #tpu.memory_space<vmem>> -> memref<64xi32, #tpu.memory_space<vmem>>
      %dma_start3A_260 = arith.constant 0 : i32
      %dma_start3A_261 = arith.constant 0 : i32
      %dma_start3A_262 = tpu.memref_slice %arg2[%dma_start3A_260, %dma_start3A_261] : memref<20000x128xf32, #tpu.memory_space<hbm>> -> memref<20000x128xf32, #tpu.memory_space<hbm>>
      tpu.enqueue_indirect_dma source(%dma_start3A_262 : memref<20000x128xf32, #tpu.memory_space<hbm>>) target(%dma_start3A_256 : memref<64x128xf32, #tpu.memory_space<vmem>>) offsets(%dma_start3A_259 : memref<64xi32, #tpu.memory_space<vmem>>) semaphore(%arg16 : memref<!tpu.dma_semaphore, #tpu.memory_space<semaphore_mem>>)
      %scan3A_263 = arith.constant 0 : i32
      %scan3A_264 = arith.constant 0 : i32
      %scan3A_265 = arith.constant 7 : i32
      %scan3A_266 = arith.addi %scan3A_264, %scan3A_265 : i32
      %scan3A_267 = arith.constant 1 : i32
      scf.for %scan3A_420 = %scan3A_264 to %scan3A_266 step %scan3A_267  : i32 {
        %mul3A_421 = arith.constant 4 : i32
        %mul3A_422 = arith.muli %mul3A_421, %scan3A_420 : i32
        %add3A_423 = arith.constant 0 : i32
        %add3A_424 = arith.addi %mul3A_422, %add3A_423 : i32
        %dma_wait3A_425 = arith.constant 0 : i32
        %dma_wait3A_426 = arith.constant 0 : i32
        %dma_wait3A_427 = arith.constant 0 : i32
        %dma_wait3A_428 = tpu.memref_slice %arg11[%dma_wait3A_426, %dma_wait3A_427] : memref<256x128xf32, #tpu.memory_space<vmem>> -> memref<64x128xf32, #tpu.memory_space<vmem>>
        %dma_wait3A_429 = arith.constant 0 : i32
        %dma_wait3A_430 = tpu.memref_slice %arg9[%dma_wait3A_425, %dma_wait3A_429] : memref<4x64xi32, #tpu.memory_space<vmem>> -> memref<1x64xi32, #tpu.memory_space<vmem>>
        %dma_wait3A_431 = tpu.memref_squeeze %dma_wait3A_430 : memref<1x64xi32, #tpu.memory_space<vmem>> -> memref<64xi32, #tpu.memory_space<vmem>>
        %dma_wait3A_432 = arith.constant 0 : i32
        %dma_wait3A_433 = arith.constant 0 : i32
        %dma_wait3A_434 = tpu.memref_slice %arg2[%dma_wait3A_432, %dma_wait3A_433] : memref<20000x128xf32, #tpu.memory_space<hbm>> -> memref<20000x128xf32, #tpu.memory_space<hbm>>
        tpu.wait_indirect_dma semaphore(%arg13 : memref<!tpu.dma_semaphore, #tpu.memory_space<semaphore_mem>>) src(%dma_wait3A_434 : memref<20000x128xf32, #tpu.memory_space<hbm>>) dst(%dma_wait3A_428 : memref<64x128xf32, #tpu.memory_space<vmem>>)
        %mul3A_435 = arith.constant 64 : i32
        %mul3A_436 = arith.muli %add3A_424, %mul3A_435 : i32
        %add3A_437 = arith.constant 0 : i32
        %add3A_438 = arith.addi %mul3A_436, %add3A_437 : i32
        %get3A_439 = arith.index_cast %add3A_438 : i32 to index
        %get3A_440 = tpu.vector_load %arg8[%get3A_439] {strides = array<i32>} : memref<2048xi32, #tpu.memory_space<vmem>>, vector<16xi32>,
        %get3A_441 = vector.shape_cast %get3A_440 : vector<16xi32> to vector<16xi32>
        %swap3A_442 = arith.constant 0 : index
        %swap3A_443 = tpu.vector_load %arg10[%swap3A_442] {strides = array<i32>} : memref<64xi32, #tpu.memory_space<vmem>>, vector<16xi32>,
        %swap3A_444 = vector.shape_cast %swap3A_443 : vector<16xi32> to vector<16xi32>
        %swap3A_445 = vector.shape_cast %get3A_441 : vector<16xi32> to vector<16xi32>
        tpu.vector_store %arg10[%swap3A_442], %swap3A_445 {strides = array<i32>} : memref<64xi32, #tpu.memory_space<vmem>>, vector<16xi32>,
        %mul3A_446 = arith.constant 64 : i32
        %mul3A_447 = arith.muli %add3A_424, %mul3A_446 : i32
        %add3A_448 = arith.constant 16 : i32
        %add3A_449 = arith.addi %mul3A_447, %add3A_448 : i32
        %get3A_450 = arith.index_cast %add3A_449 : i32 to index
        %get3A_451 = tpu.vector_load %arg8[%get3A_450] {strides = array<i32>} : memref<2048xi32, #tpu.memory_space<vmem>>, vector<16xi32>,
        %get3A_452 = vector.shape_cast %get3A_451 : vector<16xi32> to vector<16xi32>
        %swap3A_453 = arith.constant 16 : index
        %swap3A_454 = tpu.vector_load %arg10[%swap3A_453] {strides = array<i32>} : memref<64xi32, #tpu.memory_space<vmem>>, vector<16xi32>,
        %swap3A_455 = vector.shape_cast %swap3A_454 : vector<16xi32> to vector<16xi32>
        %swap3A_456 = vector.shape_cast %get3A_452 : vector<16xi32> to vector<16xi32>
        tpu.vector_store %arg10[%swap3A_453], %swap3A_456 {strides = array<i32>} : memref<64xi32, #tpu.memory_space<vmem>>, vector<16xi32>,
        %mul3A_457 = arith.constant 64 : i32
        %mul3A_458 = arith.muli %add3A_424, %mul3A_457 : i32
        %add3A_459 = arith.constant 32 : i32
        %add3A_460 = arith.addi %mul3A_458, %add3A_459 : i32
        %get3A_461 = arith.index_cast %add3A_460 : i32 to index
        %get3A_462 = tpu.vector_load %arg8[%get3A_461] {strides = array<i32>} : memref<2048xi32, #tpu.memory_space<vmem>>, vector<16xi32>,
        %get3A_463 = vector.shape_cast %get3A_462 : vector<16xi32> to vector<16xi32>
        %swap3A_464 = arith.constant 32 : index
        %swap3A_465 = tpu.vector_load %arg10[%swap3A_464] {strides = array<i32>} : memref<64xi32, #tpu.memory_space<vmem>>, vector<16xi32>,
        %swap3A_466 = vector.shape_cast %swap3A_465 : vector<16xi32> to vector<16xi32>
        %swap3A_467 = vector.shape_cast %get3A_463 : vector<16xi32> to vector<16xi32>
        tpu.vector_store %arg10[%swap3A_464], %swap3A_467 {strides = array<i32>} : memref<64xi32, #tpu.memory_space<vmem>>, vector<16xi32>,
        %mul3A_468 = arith.constant 64 : i32
        %mul3A_469 = arith.muli %add3A_424, %mul3A_468 : i32
        %add3A_470 = arith.constant 48 : i32
        %add3A_471 = arith.addi %mul3A_469, %add3A_470 : i32
        %get3A_472 = arith.index_cast %add3A_471 : i32 to index
        %get3A_473 = tpu.vector_load %arg8[%get3A_472] {strides = array<i32>} : memref<2048xi32, #tpu.memory_space<vmem>>, vector<16xi32>,
        %get3A_474 = vector.shape_cast %get3A_473 : vector<16xi32> to vector<16xi32>
        %swap3A_475 = arith.constant 48 : index
        %swap3A_476 = tpu.vector_load %arg10[%swap3A_475] {strides = array<i32>} : memref<64xi32, #tpu.memory_space<vmem>>, vector<16xi32>,
        %swap3A_477 = vector.shape_cast %swap3A_476 : vector<16xi32> to vector<16xi32>
        %swap3A_478 = vector.shape_cast %get3A_474 : vector<16xi32> to vector<16xi32>
        tpu.vector_store %arg10[%swap3A_475], %swap3A_478 {strides = array<i32>} : memref<64xi32, #tpu.memory_space<vmem>>, vector<16xi32>,
        "tpu.region"() ({
          %run_scoped3A = tpu.sem_alloc : memref<!tpu.dma_semaphore, #tpu.memory_space<semaphore_mem>>
          %dma_start3A_973 = arith.constant 0 : i32
          %dma_start3A_974 = arith.constant 0 : i32
          %dma_start3A_975 = tpu.memref_slice %arg11[%dma_start3A_973, %dma_start3A_974] : memref<256x128xf32, #tpu.memory_space<vmem>> -> memref<64x128xf32, #tpu.memory_space<vmem>>
          %dma_start3A_976 = arith.constant 0 : i32
          %dma_start3A_977 = arith.constant 0 : i32
          %dma_start3A_978 = tpu.memref_slice %arg12[%dma_start3A_976, %dma_start3A_977] : memref<10368x128xf32, #tpu.memory_space<vmem_shared>> -> memref<10368x128xf32, #tpu.memory_space<vmem_shared>>
          tpu.enqueue_indirect_dma source(%dma_start3A_975 : memref<64x128xf32, #tpu.memory_space<vmem>>) target(%dma_start3A_978 : memref<10368x128xf32, #tpu.memory_space<vmem_shared>>) offsets(%arg10 : memref<64xi32, #tpu.memory_space<vmem>>) semaphore(%run_scoped3A : memref<!tpu.dma_semaphore, #tpu.memory_space<semaphore_mem>>) {add = true}
          %dma_wait3A_979 = arith.constant 0 : i32
          %dma_wait3A_980 = arith.constant 0 : i32
          %dma_wait3A_981 = tpu.memref_slice %arg11[%dma_wait3A_979, %dma_wait3A_980] : memref<256x128xf32, #tpu.memory_space<vmem>> -> memref<64x128xf32, #tpu.memory_space<vmem>>
          %dma_wait3A_982 = arith.constant 0 : i32
          %dma_wait3A_983 = arith.constant 0 : i32
          %dma_wait3A_984 = tpu.memref_slice %arg12[%dma_wait3A_982, %dma_wait3A_983] : memref<10368x128xf32, #tpu.memory_space<vmem_shared>> -> memref<10368x128xf32, #tpu.memory_space<vmem_shared>>
          tpu.wait_indirect_dma semaphore(%run_scoped3A : memref<!tpu.dma_semaphore, #tpu.memory_space<semaphore_mem>>) src(%dma_wait3A_981 : memref<64x128xf32, #tpu.memory_space<vmem>>) dst(%dma_wait3A_984 : memref<10368x128xf32, #tpu.memory_space<vmem_shared>>)
          tpu.yield
        }) : () -> ()
        %add3A_479 = arith.constant 4 : i32
        %add3A_480 = arith.addi %add3A_424, %add3A_479 : i32
        %mul3A_481 = arith.constant 64 : i32
        %mul3A_482 = arith.muli %add3A_480, %mul3A_481 : i32
        %add3A_483 = arith.constant 0 : i32
        %add3A_484 = arith.addi %mul3A_482, %add3A_483 : i32
        %get3A_485 = arith.index_cast %add3A_484 : i32 to index
        %get3A_486 = tpu.vector_load %arg7[%get3A_485] {strides = array<i32>} : memref<2048xi32, #tpu.memory_space<vmem>>, vector<16xi32>,
        %get3A_487 = vector.shape_cast %get3A_486 : vector<16xi32> to vector<16xi32>
        %mul3A_488 = arith.constant 10000 : i32
        %mul3A_489 = arith.muli %add3A_0, %mul3A_488 : i32
        %add3A_490 = vector.broadcast %mul3A_489 : i32 to vector<16xi32>
        %add3A_491 = arith.addi %add3A_490, %get3A_487 : vector<16xi32>
        %swap3A_492 = arith.constant 0 : i32
        %swap3A_493 = arith.index_cast %swap3A_492 : i32 to index
        %swap3A_494 = arith.constant 0 : index
        %swap3A_495 = tpu.vector_load %arg9[%swap3A_493, %swap3A_494] {strides = array<i32>} : memref<4x64xi32, #tpu.memory_space<vmem>>, vector<1x16xi32>,
        %swap3A_496 = vector.shape_cast %swap3A_495 : vector<1x16xi32> to vector<16xi32>
        %swap3A_497 = vector.shape_cast %add3A_491 : vector<16xi32> to vector<1x16xi32>
        tpu.vector_store %arg9[%swap3A_493, %swap3A_494], %swap3A_497 {strides = array<i32>} : memref<4x64xi32, #tpu.memory_space<vmem>>, vector<1x16xi32>,
        %mul3A_498 = arith.constant 64 : i32
        %mul3A_499 = arith.muli %add3A_480, %mul3A_498 : i32
        %add3A_500 = arith.constant 16 : i32
        %add3A_501 = arith.addi %mul3A_499, %add3A_500 : i32
        %get3A_502 = arith.index_cast %add3A_501 : i32 to index
        %get3A_503 = tpu.vector_load %arg7[%get3A_502] {strides = array<i32>} : memref<2048xi32, #tpu.memory_space<vmem>>, vector<16xi32>,
        %get3A_504 = vector.shape_cast %get3A_503 : vector<16xi32> to vector<16xi32>
        %mul3A_505 = arith.constant 10000 : i32
        %mul3A_506 = arith.muli %add3A_0, %mul3A_505 : i32
        %add3A_507 = vector.broadcast %mul3A_506 : i32 to vector<16xi32>
        %add3A_508 = arith.addi %add3A_507, %get3A_504 : vector<16xi32>
        %swap3A_509 = arith.constant 0 : i32
        %swap3A_510 = arith.index_cast %swap3A_509 : i32 to index
        %swap3A_511 = arith.constant 16 : index
        %swap3A_512 = tpu.vector_load %arg9[%swap3A_510, %swap3A_511] {strides = array<i32>} : memref<4x64xi32, #tpu.memory_space<vmem>>, vector<1x16xi32>,
        %swap3A_513 = vector.shape_cast %swap3A_512 : vector<1x16xi32> to vector<16xi32>
        %swap3A_514 = vector.shape_cast %add3A_508 : vector<16xi32> to vector<1x16xi32>
        tpu.vector_store %arg9[%swap3A_510, %swap3A_511], %swap3A_514 {strides = array<i32>} : memref<4x64xi32, #tpu.memory_space<vmem>>, vector<1x16xi32>,
        %mul3A_515 = arith.constant 64 : i32
        %mul3A_516 = arith.muli %add3A_480, %mul3A_515 : i32
        %add3A_517 = arith.constant 32 : i32
        %add3A_518 = arith.addi %mul3A_516, %add3A_517 : i32
        %get3A_519 = arith.index_cast %add3A_518 : i32 to index
        %get3A_520 = tpu.vector_load %arg7[%get3A_519] {strides = array<i32>} : memref<2048xi32, #tpu.memory_space<vmem>>, vector<16xi32>,
        %get3A_521 = vector.shape_cast %get3A_520 : vector<16xi32> to vector<16xi32>
        %mul3A_522 = arith.constant 10000 : i32
        %mul3A_523 = arith.muli %add3A_0, %mul3A_522 : i32
        %add3A_524 = vector.broadcast %mul3A_523 : i32 to vector<16xi32>
        %add3A_525 = arith.addi %add3A_524, %get3A_521 : vector<16xi32>
        %swap3A_526 = arith.constant 0 : i32
        %swap3A_527 = arith.index_cast %swap3A_526 : i32 to index
        %swap3A_528 = arith.constant 32 : index
        %swap3A_529 = tpu.vector_load %arg9[%swap3A_527, %swap3A_528] {strides = array<i32>} : memref<4x64xi32, #tpu.memory_space<vmem>>, vector<1x16xi32>,
        %swap3A_530 = vector.shape_cast %swap3A_529 : vector<1x16xi32> to vector<16xi32>
        %swap3A_531 = vector.shape_cast %add3A_525 : vector<16xi32> to vector<1x16xi32>
        tpu.vector_store %arg9[%swap3A_527, %swap3A_528], %swap3A_531 {strides = array<i32>} : memref<4x64xi32, #tpu.memory_space<vmem>>, vector<1x16xi32>,
        %mul3A_532 = arith.constant 64 : i32
        %mul3A_533 = arith.muli %add3A_480, %mul3A_532 : i32
        %add3A_534 = arith.constant 48 : i32
        %add3A_535 = arith.addi %mul3A_533, %add3A_534 : i32
        %get3A_536 = arith.index_cast %add3A_535 : i32 to index
        %get3A_537 = tpu.vector_load %arg7[%get3A_536] {strides = array<i32>} : memref<2048xi32, #tpu.memory_space<vmem>>, vector<16xi32>,
        %get3A_538 = vector.shape_cast %get3A_537 : vector<16xi32> to vector<16xi32>
        %mul3A_539 = arith.constant 10000 : i32
        %mul3A_540 = arith.muli %add3A_0, %mul3A_539 : i32
        %add3A_541 = vector.broadcast %mul3A_540 : i32 to vector<16xi32>
        %add3A_542 = arith.addi %add3A_541, %get3A_538 : vector<16xi32>
        %swap3A_543 = arith.constant 0 : i32
        %swap3A_544 = arith.index_cast %swap3A_543 : i32 to index
        %swap3A_545 = arith.constant 48 : index
        %swap3A_546 = tpu.vector_load %arg9[%swap3A_544, %swap3A_545] {strides = array<i32>} : memref<4x64xi32, #tpu.memory_space<vmem>>, vector<1x16xi32>,
        %swap3A_547 = vector.shape_cast %swap3A_546 : vector<1x16xi32> to vector<16xi32>
        %swap3A_548 = vector.shape_cast %add3A_542 : vector<16xi32> to vector<1x16xi32>
        tpu.vector_store %arg9[%swap3A_544, %swap3A_545], %swap3A_548 {strides = array<i32>} : memref<4x64xi32, #tpu.memory_space<vmem>>, vector<1x16xi32>,
        %dma_start3A_549 = arith.constant 0 : i32
        %dma_start3A_550 = arith.constant 0 : i32
        %dma_start3A_551 = arith.constant 0 : i32
        %dma_start3A_552 = tpu.memref_slice %arg11[%dma_start3A_550, %dma_start3A_551] : memref<256x128xf32, #tpu.memory_space<vmem>> -> memref<64x128xf32, #tpu.memory_space<vmem>>
        %dma_start3A_553 = arith.constant 0 : i32
        %dma_start3A_554 = tpu.memref_slice %arg9[%dma_start3A_549, %dma_start3A_553] : memref<4x64xi32, #tpu.memory_space<vmem>> -> memref<1x64xi32, #tpu.memory_space<vmem>>
        %dma_start3A_555 = tpu.memref_squeeze %dma_start3A_554 : memref<1x64xi32, #tpu.memory_space<vmem>> -> memref<64xi32, #tpu.memory_space<vmem>>
        %dma_start3A_556 = arith.constant 0 : i32
        %dma_start3A_557 = arith.constant 0 : i32
        %dma_start3A_558 = tpu.memref_slice %arg2[%dma_start3A_556, %dma_start3A_557] : memref<20000x128xf32, #tpu.memory_space<hbm>> -> memref<20000x128xf32, #tpu.memory_space<hbm>>
        tpu.enqueue_indirect_dma source(%dma_start3A_558 : memref<20000x128xf32, #tpu.memory_space<hbm>>) target(%dma_start3A_552 : memref<64x128xf32, #tpu.memory_space<vmem>>) offsets(%dma_start3A_555 : memref<64xi32, #tpu.memory_space<vmem>>) semaphore(%arg13 : memref<!tpu.dma_semaphore, #tpu.memory_space<semaphore_mem>>)
        %mul3A_559 = arith.constant 4 : i32
        %mul3A_560 = arith.muli %mul3A_559, %scan3A_420 : i32
        %add3A_561 = arith.constant 1 : i32
        %add3A_562 = arith.addi %mul3A_560, %add3A_561 : i32
        %dma_wait3A_563 = arith.constant 1 : i32
        %dma_wait3A_564 = arith.constant 64 : i32
        %dma_wait3A_565 = arith.constant 0 : i32
        %dma_wait3A_566 = tpu.memref_slice %arg11[%dma_wait3A_564, %dma_wait3A_565] : memref<256x128xf32, #tpu.memory_space<vmem>> -> memref<64x128xf32, #tpu.memory_space<vmem>>
        %dma_wait3A_567 = arith.constant 0 : i32
        %dma_wait3A_568 = tpu.memref_slice %arg9[%dma_wait3A_563, %dma_wait3A_567] : memref<4x64xi32, #tpu.memory_space<vmem>> -> memref<1x64xi32, #tpu.memory_space<vmem>>
        %dma_wait3A_569 = tpu.memref_squeeze %dma_wait3A_568 : memref<1x64xi32, #tpu.memory_space<vmem>> -> memref<64xi32, #tpu.memory_space<vmem>>
        %dma_wait3A_570 = arith.constant 0 : i32
        %dma_wait3A_571 = arith.constant 0 : i32
        %dma_wait3A_572 = tpu.memref_slice %arg2[%dma_wait3A_570, %dma_wait3A_571] : memref<20000x128xf32, #tpu.memory_space<hbm>> -> memref<20000x128xf32, #tpu.memory_space<hbm>>
        tpu.wait_indirect_dma semaphore(%arg14 : memref<!tpu.dma_semaphore, #tpu.memory_space<semaphore_mem>>) src(%dma_wait3A_572 : memref<20000x128xf32, #tpu.memory_space<hbm>>) dst(%dma_wait3A_566 : memref<64x128xf32, #tpu.memory_space<vmem>>)
        %mul3A_573 = arith.constant 64 : i32
        %mul3A_574 = arith.muli %add3A_562, %mul3A_573 : i32
        %add3A_575 = arith.constant 0 : i32
        %add3A_576 = arith.addi %mul3A_574, %add3A_575 : i32
        %get3A_577 = arith.index_cast %add3A_576 : i32 to index
        %get3A_578 = tpu.vector_load %arg8[%get3A_577] {strides = array<i32>} : memref<2048xi32, #tpu.memory_space<vmem>>, vector<16xi32>,
        %get3A_579 = vector.shape_cast %get3A_578 : vector<16xi32> to vector<16xi32>
        %swap3A_580 = arith.constant 0 : index
        %swap3A_581 = tpu.vector_load %arg10[%swap3A_580] {strides = array<i32>} : memref<64xi32, #tpu.memory_space<vmem>>, vector<16xi32>,
        %swap3A_582 = vector.shape_cast %swap3A_581 : vector<16xi32> to vector<16xi32>
        %swap3A_583 = vector.shape_cast %get3A_579 : vector<16xi32> to vector<16xi32>
        tpu.vector_store %arg10[%swap3A_580], %swap3A_583 {strides = array<i32>} : memref<64xi32, #tpu.memory_space<vmem>>, vector<16xi32>,
        %mul3A_584 = arith.constant 64 : i32
        %mul3A_585 = arith.muli %add3A_562, %mul3A_584 : i32
        %add3A_586 = arith.constant 16 : i32
        %add3A_587 = arith.addi %mul3A_585, %add3A_586 : i32
        %get3A_588 = arith.index_cast %add3A_587 : i32 to index
        %get3A_589 = tpu.vector_load %arg8[%get3A_588] {strides = array<i32>} : memref<2048xi32, #tpu.memory_space<vmem>>, vector<16xi32>,
        %get3A_590 = vector.shape_cast %get3A_589 : vector<16xi32> to vector<16xi32>
        %swap3A_591 = arith.constant 16 : index
        %swap3A_592 = tpu.vector_load %arg10[%swap3A_591] {strides = array<i32>} : memref<64xi32, #tpu.memory_space<vmem>>, vector<16xi32>,
        %swap3A_593 = vector.shape_cast %swap3A_592 : vector<16xi32> to vector<16xi32>
        %swap3A_594 = vector.shape_cast %get3A_590 : vector<16xi32> to vector<16xi32>
        tpu.vector_store %arg10[%swap3A_591], %swap3A_594 {strides = array<i32>} : memref<64xi32, #tpu.memory_space<vmem>>, vector<16xi32>,
        %mul3A_595 = arith.constant 64 : i32
        %mul3A_596 = arith.muli %add3A_562, %mul3A_595 : i32
        %add3A_597 = arith.constant 32 : i32
        %add3A_598 = arith.addi %mul3A_596, %add3A_597 : i32
        %get3A_599 = arith.index_cast %add3A_598 : i32 to index
        %get3A_600 = tpu.vector_load %arg8[%get3A_599] {strides = array<i32>} : memref<2048xi32, #tpu.memory_space<vmem>>, vector<16xi32>,
        %get3A_601 = vector.shape_cast %get3A_600 : vector<16xi32> to vector<16xi32>
        %swap3A_602 = arith.constant 32 : index
        %swap3A_603 = tpu.vector_load %arg10[%swap3A_602] {strides = array<i32>} : memref<64xi32, #tpu.memory_space<vmem>>, vector<16xi32>,
        %swap3A_604 = vector.shape_cast %swap3A_603 : vector<16xi32> to vector<16xi32>
        %swap3A_605 = vector.shape_cast %get3A_601 : vector<16xi32> to vector<16xi32>
        tpu.vector_store %arg10[%swap3A_602], %swap3A_605 {strides = array<i32>} : memref<64xi32, #tpu.memory_space<vmem>>, vector<16xi32>,
        %mul3A_606 = arith.constant 64 : i32
        %mul3A_607 = arith.muli %add3A_562, %mul3A_606 : i32
        %add3A_608 = arith.constant 48 : i32
        %add3A_609 = arith.addi %mul3A_607, %add3A_608 : i32
        %get3A_610 = arith.index_cast %add3A_609 : i32 to index
        %get3A_611 = tpu.vector_load %arg8[%get3A_610] {strides = array<i32>} : memref<2048xi32, #tpu.memory_space<vmem>>, vector<16xi32>,
        %get3A_612 = vector.shape_cast %get3A_611 : vector<16xi32> to vector<16xi32>
        %swap3A_613 = arith.constant 48 : index
        %swap3A_614 = tpu.vector_load %arg10[%swap3A_613] {strides = array<i32>} : memref<64xi32, #tpu.memory_space<vmem>>, vector<16xi32>,
        %swap3A_615 = vector.shape_cast %swap3A_614 : vector<16xi32> to vector<16xi32>
        %swap3A_616 = vector.shape_cast %get3A_612 : vector<16xi32> to vector<16xi32>
        tpu.vector_store %arg10[%swap3A_613], %swap3A_616 {strides = array<i32>} : memref<64xi32, #tpu.memory_space<vmem>>, vector<16xi32>,
        "tpu.region"() ({
          %run_scoped3A = tpu.sem_alloc : memref<!tpu.dma_semaphore, #tpu.memory_space<semaphore_mem>>
          %dma_start3A_973 = arith.constant 64 : i32
          %dma_start3A_974 = arith.constant 0 : i32
          %dma_start3A_975 = tpu.memref_slice %arg11[%dma_start3A_973, %dma_start3A_974] : memref<256x128xf32, #tpu.memory_space<vmem>> -> memref<64x128xf32, #tpu.memory_space<vmem>>
          %dma_start3A_976 = arith.constant 0 : i32
          %dma_start3A_977 = arith.constant 0 : i32
          %dma_start3A_978 = tpu.memref_slice %arg12[%dma_start3A_976, %dma_start3A_977] : memref<10368x128xf32, #tpu.memory_space<vmem_shared>> -> memref<10368x128xf32, #tpu.memory_space<vmem_shared>>
          tpu.enqueue_indirect_dma source(%dma_start3A_975 : memref<64x128xf32, #tpu.memory_space<vmem>>) target(%dma_start3A_978 : memref<10368x128xf32, #tpu.memory_space<vmem_shared>>) offsets(%arg10 : memref<64xi32, #tpu.memory_space<vmem>>) semaphore(%run_scoped3A : memref<!tpu.dma_semaphore, #tpu.memory_space<semaphore_mem>>) {add = true}
          %dma_wait3A_979 = arith.constant 64 : i32
          %dma_wait3A_980 = arith.constant 0 : i32
          %dma_wait3A_981 = tpu.memref_slice %arg11[%dma_wait3A_979, %dma_wait3A_980] : memref<256x128xf32, #tpu.memory_space<vmem>> -> memref<64x128xf32, #tpu.memory_space<vmem>>
          %dma_wait3A_982 = arith.constant 0 : i32
          %dma_wait3A_983 = arith.constant 0 : i32
          %dma_wait3A_984 = tpu.memref_slice %arg12[%dma_wait3A_982, %dma_wait3A_983] : memref<10368x128xf32, #tpu.memory_space<vmem_shared>> -> memref<10368x128xf32, #tpu.memory_space<vmem_shared>>
          tpu.wait_indirect_dma semaphore(%run_scoped3A : memref<!tpu.dma_semaphore, #tpu.memory_space<semaphore_mem>>) src(%dma_wait3A_981 : memref<64x128xf32, #tpu.memory_space<vmem>>) dst(%dma_wait3A_984 : memref<10368x128xf32, #tpu.memory_space<vmem_shared>>)
          tpu.yield
        }) : () -> ()
        %add3A_617 = arith.constant 4 : i32
        %add3A_618 = arith.addi %add3A_562, %add3A_617 : i32
        %mul3A_619 = arith.constant 64 : i32
        %mul3A_620 = arith.muli %add3A_618, %mul3A_619 : i32
        %add3A_621 = arith.constant 0 : i32
        %add3A_622 = arith.addi %mul3A_620, %add3A_621 : i32
        %get3A_623 = arith.index_cast %add3A_622 : i32 to index
        %get3A_624 = tpu.vector_load %arg7[%get3A_623] {strides = array<i32>} : memref<2048xi32, #tpu.memory_space<vmem>>, vector<16xi32>,
        %get3A_625 = vector.shape_cast %get3A_624 : vector<16xi32> to vector<16xi32>
        %mul3A_626 = arith.constant 10000 : i32
        %mul3A_627 = arith.muli %add3A_0, %mul3A_626 : i32
        %add3A_628 = vector.broadcast %mul3A_627 : i32 to vector<16xi32>
        %add3A_629 = arith.addi %add3A_628, %get3A_625 : vector<16xi32>
        %swap3A_630 = arith.constant 1 : i32
        %swap3A_631 = arith.index_cast %swap3A_630 : i32 to index
        %swap3A_632 = arith.constant 0 : index
        %swap3A_633 = tpu.vector_load %arg9[%swap3A_631, %swap3A_632] {strides = array<i32>} : memref<4x64xi32, #tpu.memory_space<vmem>>, vector<1x16xi32>,
        %swap3A_634 = vector.shape_cast %swap3A_633 : vector<1x16xi32> to vector<16xi32>
        %swap3A_635 = vector.shape_cast %add3A_629 : vector<16xi32> to vector<1x16xi32>
        tpu.vector_store %arg9[%swap3A_631, %swap3A_632], %swap3A_635 {strides = array<i32>} : memref<4x64xi32, #tpu.memory_space<vmem>>, vector<1x16xi32>,
        %mul3A_636 = arith.constant 64 : i32
        %mul3A_637 = arith.muli %add3A_618, %mul3A_636 : i32
        %add3A_638 = arith.constant 16 : i32
        %add3A_639 = arith.addi %mul3A_637, %add3A_638 : i32
        %get3A_640 = arith.index_cast %add3A_639 : i32 to index
        %get3A_641 = tpu.vector_load %arg7[%get3A_640] {strides = array<i32>} : memref<2048xi32, #tpu.memory_space<vmem>>, vector<16xi32>,
        %get3A_642 = vector.shape_cast %get3A_641 : vector<16xi32> to vector<16xi32>
        %mul3A_643 = arith.constant 10000 : i32
        %mul3A_644 = arith.muli %add3A_0, %mul3A_643 : i32
        %add3A_645 = vector.broadcast %mul3A_644 : i32 to vector<16xi32>
        %add3A_646 = arith.addi %add3A_645, %get3A_642 : vector<16xi32>
        %swap3A_647 = arith.constant 1 : i32
        %swap3A_648 = arith.index_cast %swap3A_647 : i32 to index
        %swap3A_649 = arith.constant 16 : index
        %swap3A_650 = tpu.vector_load %arg9[%swap3A_648, %swap3A_649] {strides = array<i32>} : memref<4x64xi32, #tpu.memory_space<vmem>>, vector<1x16xi32>,
        %swap3A_651 = vector.shape_cast %swap3A_650 : vector<1x16xi32> to vector<16xi32>
        %swap3A_652 = vector.shape_cast %add3A_646 : vector<16xi32> to vector<1x16xi32>
        tpu.vector_store %arg9[%swap3A_648, %swap3A_649], %swap3A_652 {strides = array<i32>} : memref<4x64xi32, #tpu.memory_space<vmem>>, vector<1x16xi32>,
        %mul3A_653 = arith.constant 64 : i32
        %mul3A_654 = arith.muli %add3A_618, %mul3A_653 : i32
        %add3A_655 = arith.constant 32 : i32
        %add3A_656 = arith.addi %mul3A_654, %add3A_655 : i32
        %get3A_657 = arith.index_cast %add3A_656 : i32 to index
        %get3A_658 = tpu.vector_load %arg7[%get3A_657] {strides = array<i32>} : memref<2048xi32, #tpu.memory_space<vmem>>, vector<16xi32>,
        %get3A_659 = vector.shape_cast %get3A_658 : vector<16xi32> to vector<16xi32>
        %mul3A_660 = arith.constant 10000 : i32
        %mul3A_661 = arith.muli %add3A_0, %mul3A_660 : i32
        %add3A_662 = vector.broadcast %mul3A_661 : i32 to vector<16xi32>
        %add3A_663 = arith.addi %add3A_662, %get3A_659 : vector<16xi32>
        %swap3A_664 = arith.constant 1 : i32
        %swap3A_665 = arith.index_cast %swap3A_664 : i32 to index
        %swap3A_666 = arith.constant 32 : index
        %swap3A_667 = tpu.vector_load %arg9[%swap3A_665, %swap3A_666] {strides = array<i32>} : memref<4x64xi32, #tpu.memory_space<vmem>>, vector<1x16xi32>,
        %swap3A_668 = vector.shape_cast %swap3A_667 : vector<1x16xi32> to vector<16xi32>
        %swap3A_669 = vector.shape_cast %add3A_663 : vector<16xi32> to vector<1x16xi32>
        tpu.vector_store %arg9[%swap3A_665, %swap3A_666], %swap3A_669 {strides = array<i32>} : memref<4x64xi32, #tpu.memory_space<vmem>>, vector<1x16xi32>,
        %mul3A_670 = arith.constant 64 : i32
        %mul3A_671 = arith.muli %add3A_618, %mul3A_670 : i32
        %add3A_672 = arith.constant 48 : i32
        %add3A_673 = arith.addi %mul3A_671, %add3A_672 : i32
        %get3A_674 = arith.index_cast %add3A_673 : i32 to index
        %get3A_675 = tpu.vector_load %arg7[%get3A_674] {strides = array<i32>} : memref<2048xi32, #tpu.memory_space<vmem>>, vector<16xi32>,
        %get3A_676 = vector.shape_cast %get3A_675 : vector<16xi32> to vector<16xi32>
        %mul3A_677 = arith.constant 10000 : i32
        %mul3A_678 = arith.muli %add3A_0, %mul3A_677 : i32
        %add3A_679 = vector.broadcast %mul3A_678 : i32 to vector<16xi32>
        %add3A_680 = arith.addi %add3A_679, %get3A_676 : vector<16xi32>
        %swap3A_681 = arith.constant 1 : i32
        %swap3A_682 = arith.index_cast %swap3A_681 : i32 to index
        %swap3A_683 = arith.constant 48 : index
        %swap3A_684 = tpu.vector_load %arg9[%swap3A_682, %swap3A_683] {strides = array<i32>} : memref<4x64xi32, #tpu.memory_space<vmem>>, vector<1x16xi32>,
        %swap3A_685 = vector.shape_cast %swap3A_684 : vector<1x16xi32> to vector<16xi32>
        %swap3A_686 = vector.shape_cast %add3A_680 : vector<16xi32> to vector<1x16xi32>
        tpu.vector_store %arg9[%swap3A_682, %swap3A_683], %swap3A_686 {strides = array<i32>} : memref<4x64xi32, #tpu.memory_space<vmem>>, vector<1x16xi32>,
        %dma_start3A_687 = arith.constant 1 : i32
        %dma_start3A_688 = arith.constant 64 : i32
        %dma_start3A_689 = arith.constant 0 : i32
        %dma_start3A_690 = tpu.memref_slice %arg11[%dma_start3A_688, %dma_start3A_689] : memref<256x128xf32, #tpu.memory_space<vmem>> -> memref<64x128xf32, #tpu.memory_space<vmem>>
        %dma_start3A_691 = arith.constant 0 : i32
        %dma_start3A_692 = tpu.memref_slice %arg9[%dma_start3A_687, %dma_start3A_691] : memref<4x64xi32, #tpu.memory_space<vmem>> -> memref<1x64xi32, #tpu.memory_space<vmem>>
        %dma_start3A_693 = tpu.memref_squeeze %dma_start3A_692 : memref<1x64xi32, #tpu.memory_space<vmem>> -> memref<64xi32, #tpu.memory_space<vmem>>
        %dma_start3A_694 = arith.constant 0 : i32
        %dma_start3A_695 = arith.constant 0 : i32
        %dma_start3A_696 = tpu.memref_slice %arg2[%dma_start3A_694, %dma_start3A_695] : memref<20000x128xf32, #tpu.memory_space<hbm>> -> memref<20000x128xf32, #tpu.memory_space<hbm>>
        tpu.enqueue_indirect_dma source(%dma_start3A_696 : memref<20000x128xf32, #tpu.memory_space<hbm>>) target(%dma_start3A_690 : memref<64x128xf32, #tpu.memory_space<vmem>>) offsets(%dma_start3A_693 : memref<64xi32, #tpu.memory_space<vmem>>) semaphore(%arg14 : memref<!tpu.dma_semaphore, #tpu.memory_space<semaphore_mem>>)
        %mul3A_697 = arith.constant 4 : i32
        %mul3A_698 = arith.muli %mul3A_697, %scan3A_420 : i32
        %add3A_699 = arith.constant 2 : i32
        %add3A_700 = arith.addi %mul3A_698, %add3A_699 : i32
        %dma_wait3A_701 = arith.constant 2 : i32
        %dma_wait3A_702 = arith.constant 128 : i32
        %dma_wait3A_703 = arith.constant 0 : i32
        %dma_wait3A_704 = tpu.memref_slice %arg11[%dma_wait3A_702, %dma_wait3A_703] : memref<256x128xf32, #tpu.memory_space<vmem>> -> memref<64x128xf32, #tpu.memory_space<vmem>>
        %dma_wait3A_705 = arith.constant 0 : i32
        %dma_wait3A_706 = tpu.memref_slice %arg9[%dma_wait3A_701, %dma_wait3A_705] : memref<4x64xi32, #tpu.memory_space<vmem>> -> memref<1x64xi32, #tpu.memory_space<vmem>>
        %dma_wait3A_707 = tpu.memref_squeeze %dma_wait3A_706 : memref<1x64xi32, #tpu.memory_space<vmem>> -> memref<64xi32, #tpu.memory_space<vmem>>
        %dma_wait3A_708 = arith.constant 0 : i32
        %dma_wait3A_709 = arith.constant 0 : i32
        %dma_wait3A_710 = tpu.memref_slice %arg2[%dma_wait3A_708, %dma_wait3A_709] : memref<20000x128xf32, #tpu.memory_space<hbm>> -> memref<20000x128xf32, #tpu.memory_space<hbm>>
        tpu.wait_indirect_dma semaphore(%arg15 : memref<!tpu.dma_semaphore, #tpu.memory_space<semaphore_mem>>) src(%dma_wait3A_710 : memref<20000x128xf32, #tpu.memory_space<hbm>>) dst(%dma_wait3A_704 : memref<64x128xf32, #tpu.memory_space<vmem>>)
        %mul3A_711 = arith.constant 64 : i32
        %mul3A_712 = arith.muli %add3A_700, %mul3A_711 : i32
        %add3A_713 = arith.constant 0 : i32
        %add3A_714 = arith.addi %mul3A_712, %add3A_713 : i32
        %get3A_715 = arith.index_cast %add3A_714 : i32 to index
        %get3A_716 = tpu.vector_load %arg8[%get3A_715] {strides = array<i32>} : memref<2048xi32, #tpu.memory_space<vmem>>, vector<16xi32>,
        %get3A_717 = vector.shape_cast %get3A_716 : vector<16xi32> to vector<16xi32>
        %swap3A_718 = arith.constant 0 : index
        %swap3A_719 = tpu.vector_load %arg10[%swap3A_718] {strides = array<i32>} : memref<64xi32, #tpu.memory_space<vmem>>, vector<16xi32>,
        %swap3A_720 = vector.shape_cast %swap3A_719 : vector<16xi32> to vector<16xi32>
        %swap3A_721 = vector.shape_cast %get3A_717 : vector<16xi32> to vector<16xi32>
        tpu.vector_store %arg10[%swap3A_718], %swap3A_721 {strides = array<i32>} : memref<64xi32, #tpu.memory_space<vmem>>, vector<16xi32>,
        %mul3A_722 = arith.constant 64 : i32
        %mul3A_723 = arith.muli %add3A_700, %mul3A_722 : i32
        %add3A_724 = arith.constant 16 : i32
        %add3A_725 = arith.addi %mul3A_723, %add3A_724 : i32
        %get3A_726 = arith.index_cast %add3A_725 : i32 to index
        %get3A_727 = tpu.vector_load %arg8[%get3A_726] {strides = array<i32>} : memref<2048xi32, #tpu.memory_space<vmem>>, vector<16xi32>,
        %get3A_728 = vector.shape_cast %get3A_727 : vector<16xi32> to vector<16xi32>
        %swap3A_729 = arith.constant 16 : index
        %swap3A_730 = tpu.vector_load %arg10[%swap3A_729] {strides = array<i32>} : memref<64xi32, #tpu.memory_space<vmem>>, vector<16xi32>,
        %swap3A_731 = vector.shape_cast %swap3A_730 : vector<16xi32> to vector<16xi32>
        %swap3A_732 = vector.shape_cast %get3A_728 : vector<16xi32> to vector<16xi32>
        tpu.vector_store %arg10[%swap3A_729], %swap3A_732 {strides = array<i32>} : memref<64xi32, #tpu.memory_space<vmem>>, vector<16xi32>,
        %mul3A_733 = arith.constant 64 : i32
        %mul3A_734 = arith.muli %add3A_700, %mul3A_733 : i32
        %add3A_735 = arith.constant 32 : i32
        %add3A_736 = arith.addi %mul3A_734, %add3A_735 : i32
        %get3A_737 = arith.index_cast %add3A_736 : i32 to index
        %get3A_738 = tpu.vector_load %arg8[%get3A_737] {strides = array<i32>} : memref<2048xi32, #tpu.memory_space<vmem>>, vector<16xi32>,
        %get3A_739 = vector.shape_cast %get3A_738 : vector<16xi32> to vector<16xi32>
        %swap3A_740 = arith.constant 32 : index
        %swap3A_741 = tpu.vector_load %arg10[%swap3A_740] {strides = array<i32>} : memref<64xi32, #tpu.memory_space<vmem>>, vector<16xi32>,
        %swap3A_742 = vector.shape_cast %swap3A_741 : vector<16xi32> to vector<16xi32>
        %swap3A_743 = vector.shape_cast %get3A_739 : vector<16xi32> to vector<16xi32>
        tpu.vector_store %arg10[%swap3A_740], %swap3A_743 {strides = array<i32>} : memref<64xi32, #tpu.memory_space<vmem>>, vector<16xi32>,
        %mul3A_744 = arith.constant 64 : i32
        %mul3A_745 = arith.muli %add3A_700, %mul3A_744 : i32
        %add3A_746 = arith.constant 48 : i32
        %add3A_747 = arith.addi %mul3A_745, %add3A_746 : i32
        %get3A_748 = arith.index_cast %add3A_747 : i32 to index
        %get3A_749 = tpu.vector_load %arg8[%get3A_748] {strides = array<i32>} : memref<2048xi32, #tpu.memory_space<vmem>>, vector<16xi32>,
        %get3A_750 = vector.shape_cast %get3A_749 : vector<16xi32> to vector<16xi32>
        %swap3A_751 = arith.constant 48 : index
        %swap3A_752 = tpu.vector_load %arg10[%swap3A_751] {strides = array<i32>} : memref<64xi32, #tpu.memory_space<vmem>>, vector<16xi32>,
        %swap3A_753 = vector.shape_cast %swap3A_752 : vector<16xi32> to vector<16xi32>
        %swap3A_754 = vector.shape_cast %get3A_750 : vector<16xi32> to vector<16xi32>
        tpu.vector_store %arg10[%swap3A_751], %swap3A_754 {strides = array<i32>} : memref<64xi32, #tpu.memory_space<vmem>>, vector<16xi32>,
        "tpu.region"() ({
          %run_scoped3A = tpu.sem_alloc : memref<!tpu.dma_semaphore, #tpu.memory_space<semaphore_mem>>
          %dma_start3A_973 = arith.constant 128 : i32
          %dma_start3A_974 = arith.constant 0 : i32
          %dma_start3A_975 = tpu.memref_slice %arg11[%dma_start3A_973, %dma_start3A_974] : memref<256x128xf32, #tpu.memory_space<vmem>> -> memref<64x128xf32, #tpu.memory_space<vmem>>
          %dma_start3A_976 = arith.constant 0 : i32
          %dma_start3A_977 = arith.constant 0 : i32
          %dma_start3A_978 = tpu.memref_slice %arg12[%dma_start3A_976, %dma_start3A_977] : memref<10368x128xf32, #tpu.memory_space<vmem_shared>> -> memref<10368x128xf32, #tpu.memory_space<vmem_shared>>
          tpu.enqueue_indirect_dma source(%dma_start3A_975 : memref<64x128xf32, #tpu.memory_space<vmem>>) target(%dma_start3A_978 : memref<10368x128xf32, #tpu.memory_space<vmem_shared>>) offsets(%arg10 : memref<64xi32, #tpu.memory_space<vmem>>) semaphore(%run_scoped3A : memref<!tpu.dma_semaphore, #tpu.memory_space<semaphore_mem>>) {add = true}
          %dma_wait3A_979 = arith.constant 128 : i32
          %dma_wait3A_980 = arith.constant 0 : i32
          %dma_wait3A_981 = tpu.memref_slice %arg11[%dma_wait3A_979, %dma_wait3A_980] : memref<256x128xf32, #tpu.memory_space<vmem>> -> memref<64x128xf32, #tpu.memory_space<vmem>>
          %dma_wait3A_982 = arith.constant 0 : i32
          %dma_wait3A_983 = arith.constant 0 : i32
          %dma_wait3A_984 = tpu.memref_slice %arg12[%dma_wait3A_982, %dma_wait3A_983] : memref<10368x128xf32, #tpu.memory_space<vmem_shared>> -> memref<10368x128xf32, #tpu.memory_space<vmem_shared>>
          tpu.wait_indirect_dma semaphore(%run_scoped3A : memref<!tpu.dma_semaphore, #tpu.memory_space<semaphore_mem>>) src(%dma_wait3A_981 : memref<64x128xf32, #tpu.memory_space<vmem>>) dst(%dma_wait3A_984 : memref<10368x128xf32, #tpu.memory_space<vmem_shared>>)
          tpu.yield
        }) : () -> ()
        %add3A_755 = arith.constant 4 : i32
        %add3A_756 = arith.addi %add3A_700, %add3A_755 : i32
        %mul3A_757 = arith.constant 64 : i32
        %mul3A_758 = arith.muli %add3A_756, %mul3A_757 : i32
        %add3A_759 = arith.constant 0 : i32
        %add3A_760 = arith.addi %mul3A_758, %add3A_759 : i32
        %get3A_761 = arith.index_cast %add3A_760 : i32 to index
        %get3A_762 = tpu.vector_load %arg7[%get3A_761] {strides = array<i32>} : memref<2048xi32, #tpu.memory_space<vmem>>, vector<16xi32>,
        %get3A_763 = vector.shape_cast %get3A_762 : vector<16xi32> to vector<16xi32>
        %mul3A_764 = arith.constant 10000 : i32
        %mul3A_765 = arith.muli %add3A_0, %mul3A_764 : i32
        %add3A_766 = vector.broadcast %mul3A_765 : i32 to vector<16xi32>
        %add3A_767 = arith.addi %add3A_766, %get3A_763 : vector<16xi32>
        %swap3A_768 = arith.constant 2 : i32
        %swap3A_769 = arith.index_cast %swap3A_768 : i32 to index
        %swap3A_770 = arith.constant 0 : index
        %swap3A_771 = tpu.vector_load %arg9[%swap3A_769, %swap3A_770] {strides = array<i32>} : memref<4x64xi32, #tpu.memory_space<vmem>>, vector<1x16xi32>,
        %swap3A_772 = vector.shape_cast %swap3A_771 : vector<1x16xi32> to vector<16xi32>
        %swap3A_773 = vector.shape_cast %add3A_767 : vector<16xi32> to vector<1x16xi32>
        tpu.vector_store %arg9[%swap3A_769, %swap3A_770], %swap3A_773 {strides = array<i32>} : memref<4x64xi32, #tpu.memory_space<vmem>>, vector<1x16xi32>,
        %mul3A_774 = arith.constant 64 : i32
        %mul3A_775 = arith.muli %add3A_756, %mul3A_774 : i32
        %add3A_776 = arith.constant 16 : i32
        %add3A_777 = arith.addi %mul3A_775, %add3A_776 : i32
        %get3A_778 = arith.index_cast %add3A_777 : i32 to index
        %get3A_779 = tpu.vector_load %arg7[%get3A_778] {strides = array<i32>} : memref<2048xi32, #tpu.memory_space<vmem>>, vector<16xi32>,
        %get3A_780 = vector.shape_cast %get3A_779 : vector<16xi32> to vector<16xi32>
        %mul3A_781 = arith.constant 10000 : i32
        %mul3A_782 = arith.muli %add3A_0, %mul3A_781 : i32
        %add3A_783 = vector.broadcast %mul3A_782 : i32 to vector<16xi32>
        %add3A_784 = arith.addi %add3A_783, %get3A_780 : vector<16xi32>
        %swap3A_785 = arith.constant 2 : i32
        %swap3A_786 = arith.index_cast %swap3A_785 : i32 to index
        %swap3A_787 = arith.constant 16 : index
        %swap3A_788 = tpu.vector_load %arg9[%swap3A_786, %swap3A_787] {strides = array<i32>} : memref<4x64xi32, #tpu.memory_space<vmem>>, vector<1x16xi32>,
        %swap3A_789 = vector.shape_cast %swap3A_788 : vector<1x16xi32> to vector<16xi32>
        %swap3A_790 = vector.shape_cast %add3A_784 : vector<16xi32> to vector<1x16xi32>
        tpu.vector_store %arg9[%swap3A_786, %swap3A_787], %swap3A_790 {strides = array<i32>} : memref<4x64xi32, #tpu.memory_space<vmem>>, vector<1x16xi32>,
        %mul3A_791 = arith.constant 64 : i32
        %mul3A_792 = arith.muli %add3A_756, %mul3A_791 : i32
        %add3A_793 = arith.constant 32 : i32
        %add3A_794 = arith.addi %mul3A_792, %add3A_793 : i32
        %get3A_795 = arith.index_cast %add3A_794 : i32 to index
        %get3A_796 = tpu.vector_load %arg7[%get3A_795] {strides = array<i32>} : memref<2048xi32, #tpu.memory_space<vmem>>, vector<16xi32>,
        %get3A_797 = vector.shape_cast %get3A_796 : vector<16xi32> to vector<16xi32>
        %mul3A_798 = arith.constant 10000 : i32
        %mul3A_799 = arith.muli %add3A_0, %mul3A_798 : i32
        %add3A_800 = vector.broadcast %mul3A_799 : i32 to vector<16xi32>
        %add3A_801 = arith.addi %add3A_800, %get3A_797 : vector<16xi32>
        %swap3A_802 = arith.constant 2 : i32
        %swap3A_803 = arith.index_cast %swap3A_802 : i32 to index
        %swap3A_804 = arith.constant 32 : index
        %swap3A_805 = tpu.vector_load %arg9[%swap3A_803, %swap3A_804] {strides = array<i32>} : memref<4x64xi32, #tpu.memory_space<vmem>>, vector<1x16xi32>,
        %swap3A_806 = vector.shape_cast %swap3A_805 : vector<1x16xi32> to vector<16xi32>
        %swap3A_807 = vector.shape_cast %add3A_801 : vector<16xi32> to vector<1x16xi32>
        tpu.vector_store %arg9[%swap3A_803, %swap3A_804], %swap3A_807 {strides = array<i32>} : memref<4x64xi32, #tpu.memory_space<vmem>>, vector<1x16xi32>,
        %mul3A_808 = arith.constant 64 : i32
        %mul3A_809 = arith.muli %add3A_756, %mul3A_808 : i32
        %add3A_810 = arith.constant 48 : i32
        %add3A_811 = arith.addi %mul3A_809, %add3A_810 : i32
        %get3A_812 = arith.index_cast %add3A_811 : i32 to index
        %get3A_813 = tpu.vector_load %arg7[%get3A_812] {strides = array<i32>} : memref<2048xi32, #tpu.memory_space<vmem>>, vector<16xi32>,
        %get3A_814 = vector.shape_cast %get3A_813 : vector<16xi32> to vector<16xi32>
        %mul3A_815 = arith.constant 10000 : i32
        %mul3A_816 = arith.muli %add3A_0, %mul3A_815 : i32
        %add3A_817 = vector.broadcast %mul3A_816 : i32 to vector<16xi32>
        %add3A_818 = arith.addi %add3A_817, %get3A_814 : vector<16xi32>
        %swap3A_819 = arith.constant 2 : i32
        %swap3A_820 = arith.index_cast %swap3A_819 : i32 to index
        %swap3A_821 = arith.constant 48 : index
        %swap3A_822 = tpu.vector_load %arg9[%swap3A_820, %swap3A_821] {strides = array<i32>} : memref<4x64xi32, #tpu.memory_space<vmem>>, vector<1x16xi32>,
        %swap3A_823 = vector.shape_cast %swap3A_822 : vector<1x16xi32> to vector<16xi32>
        %swap3A_824 = vector.shape_cast %add3A_818 : vector<16xi32> to vector<1x16xi32>
        tpu.vector_store %arg9[%swap3A_820, %swap3A_821], %swap3A_824 {strides = array<i32>} : memref<4x64xi32, #tpu.memory_space<vmem>>, vector<1x16xi32>,
        %dma_start3A_825 = arith.constant 2 : i32
        %dma_start3A_826 = arith.constant 128 : i32
        %dma_start3A_827 = arith.constant 0 : i32
        %dma_start3A_828 = tpu.memref_slice %arg11[%dma_start3A_826, %dma_start3A_827] : memref<256x128xf32, #tpu.memory_space<vmem>> -> memref<64x128xf32, #tpu.memory_space<vmem>>
        %dma_start3A_829 = arith.constant 0 : i32
        %dma_start3A_830 = tpu.memref_slice %arg9[%dma_start3A_825, %dma_start3A_829] : memref<4x64xi32, #tpu.memory_space<vmem>> -> memref<1x64xi32, #tpu.memory_space<vmem>>
        %dma_start3A_831 = tpu.memref_squeeze %dma_start3A_830 : memref<1x64xi32, #tpu.memory_space<vmem>> -> memref<64xi32, #tpu.memory_space<vmem>>
        %dma_start3A_832 = arith.constant 0 : i32
        %dma_start3A_833 = arith.constant 0 : i32
        %dma_start3A_834 = tpu.memref_slice %arg2[%dma_start3A_832, %dma_start3A_833] : memref<20000x128xf32, #tpu.memory_space<hbm>> -> memref<20000x128xf32, #tpu.memory_space<hbm>>
        tpu.enqueue_indirect_dma source(%dma_start3A_834 : memref<20000x128xf32, #tpu.memory_space<hbm>>) target(%dma_start3A_828 : memref<64x128xf32, #tpu.memory_space<vmem>>) offsets(%dma_start3A_831 : memref<64xi32, #tpu.memory_space<vmem>>) semaphore(%arg15 : memref<!tpu.dma_semaphore, #tpu.memory_space<semaphore_mem>>)
        %mul3A_835 = arith.constant 4 : i32
        %mul3A_836 = arith.muli %mul3A_835, %scan3A_420 : i32
        %add3A_837 = arith.constant 3 : i32
        %add3A_838 = arith.addi %mul3A_836, %add3A_837 : i32
        %dma_wait3A_839 = arith.constant 3 : i32
        %dma_wait3A_840 = arith.constant 192 : i32
        %dma_wait3A_841 = arith.constant 0 : i32
        %dma_wait3A_842 = tpu.memref_slice %arg11[%dma_wait3A_840, %dma_wait3A_841] : memref<256x128xf32, #tpu.memory_space<vmem>> -> memref<64x128xf32, #tpu.memory_space<vmem>>
        %dma_wait3A_843 = arith.constant 0 : i32
        %dma_wait3A_844 = tpu.memref_slice %arg9[%dma_wait3A_839, %dma_wait3A_843] : memref<4x64xi32, #tpu.memory_space<vmem>> -> memref<1x64xi32, #tpu.memory_space<vmem>>
        %dma_wait3A_845 = tpu.memref_squeeze %dma_wait3A_844 : memref<1x64xi32, #tpu.memory_space<vmem>> -> memref<64xi32, #tpu.memory_space<vmem>>
        %dma_wait3A_846 = arith.constant 0 : i32
        %dma_wait3A_847 = arith.constant 0 : i32
        %dma_wait3A_848 = tpu.memref_slice %arg2[%dma_wait3A_846, %dma_wait3A_847] : memref<20000x128xf32, #tpu.memory_space<hbm>> -> memref<20000x128xf32, #tpu.memory_space<hbm>>
        tpu.wait_indirect_dma semaphore(%arg16 : memref<!tpu.dma_semaphore, #tpu.memory_space<semaphore_mem>>) src(%dma_wait3A_848 : memref<20000x128xf32, #tpu.memory_space<hbm>>) dst(%dma_wait3A_842 : memref<64x128xf32, #tpu.memory_space<vmem>>)
        %mul3A_849 = arith.constant 64 : i32
        %mul3A_850 = arith.muli %add3A_838, %mul3A_849 : i32
        %add3A_851 = arith.constant 0 : i32
        %add3A_852 = arith.addi %mul3A_850, %add3A_851 : i32
        %get3A_853 = arith.index_cast %add3A_852 : i32 to index
        %get3A_854 = tpu.vector_load %arg8[%get3A_853] {strides = array<i32>} : memref<2048xi32, #tpu.memory_space<vmem>>, vector<16xi32>,
        %get3A_855 = vector.shape_cast %get3A_854 : vector<16xi32> to vector<16xi32>
        %swap3A_856 = arith.constant 0 : index
        %swap3A_857 = tpu.vector_load %arg10[%swap3A_856] {strides = array<i32>} : memref<64xi32, #tpu.memory_space<vmem>>, vector<16xi32>,
        %swap3A_858 = vector.shape_cast %swap3A_857 : vector<16xi32> to vector<16xi32>
        %swap3A_859 = vector.shape_cast %get3A_855 : vector<16xi32> to vector<16xi32>
        tpu.vector_store %arg10[%swap3A_856], %swap3A_859 {strides = array<i32>} : memref<64xi32, #tpu.memory_space<vmem>>, vector<16xi32>,
        %mul3A_860 = arith.constant 64 : i32
        %mul3A_861 = arith.muli %add3A_838, %mul3A_860 : i32
        %add3A_862 = arith.constant 16 : i32
        %add3A_863 = arith.addi %mul3A_861, %add3A_862 : i32
        %get3A_864 = arith.index_cast %add3A_863 : i32 to index
        %get3A_865 = tpu.vector_load %arg8[%get3A_864] {strides = array<i32>} : memref<2048xi32, #tpu.memory_space<vmem>>, vector<16xi32>,
        %get3A_866 = vector.shape_cast %get3A_865 : vector<16xi32> to vector<16xi32>
        %swap3A_867 = arith.constant 16 : index
        %swap3A_868 = tpu.vector_load %arg10[%swap3A_867] {strides = array<i32>} : memref<64xi32, #tpu.memory_space<vmem>>, vector<16xi32>,
        %swap3A_869 = vector.shape_cast %swap3A_868 : vector<16xi32> to vector<16xi32>
        %swap3A_870 = vector.shape_cast %get3A_866 : vector<16xi32> to vector<16xi32>
        tpu.vector_store %arg10[%swap3A_867], %swap3A_870 {strides = array<i32>} : memref<64xi32, #tpu.memory_space<vmem>>, vector<16xi32>,
        %mul3A_871 = arith.constant 64 : i32
        %mul3A_872 = arith.muli %add3A_838, %mul3A_871 : i32
        %add3A_873 = arith.constant 32 : i32
        %add3A_874 = arith.addi %mul3A_872, %add3A_873 : i32
        %get3A_875 = arith.index_cast %add3A_874 : i32 to index
        %get3A_876 = tpu.vector_load %arg8[%get3A_875] {strides = array<i32>} : memref<2048xi32, #tpu.memory_space<vmem>>, vector<16xi32>,
        %get3A_877 = vector.shape_cast %get3A_876 : vector<16xi32> to vector<16xi32>
        %swap3A_878 = arith.constant 32 : index
        %swap3A_879 = tpu.vector_load %arg10[%swap3A_878] {strides = array<i32>} : memref<64xi32, #tpu.memory_space<vmem>>, vector<16xi32>,
        %swap3A_880 = vector.shape_cast %swap3A_879 : vector<16xi32> to vector<16xi32>
        %swap3A_881 = vector.shape_cast %get3A_877 : vector<16xi32> to vector<16xi32>
        tpu.vector_store %arg10[%swap3A_878], %swap3A_881 {strides = array<i32>} : memref<64xi32, #tpu.memory_space<vmem>>, vector<16xi32>,
        %mul3A_882 = arith.constant 64 : i32
        %mul3A_883 = arith.muli %add3A_838, %mul3A_882 : i32
        %add3A_884 = arith.constant 48 : i32
        %add3A_885 = arith.addi %mul3A_883, %add3A_884 : i32
        %get3A_886 = arith.index_cast %add3A_885 : i32 to index
        %get3A_887 = tpu.vector_load %arg8[%get3A_886] {strides = array<i32>} : memref<2048xi32, #tpu.memory_space<vmem>>, vector<16xi32>,
        %get3A_888 = vector.shape_cast %get3A_887 : vector<16xi32> to vector<16xi32>
        %swap3A_889 = arith.constant 48 : index
        %swap3A_890 = tpu.vector_load %arg10[%swap3A_889] {strides = array<i32>} : memref<64xi32, #tpu.memory_space<vmem>>, vector<16xi32>,
        %swap3A_891 = vector.shape_cast %swap3A_890 : vector<16xi32> to vector<16xi32>
        %swap3A_892 = vector.shape_cast %get3A_888 : vector<16xi32> to vector<16xi32>
        tpu.vector_store %arg10[%swap3A_889], %swap3A_892 {strides = array<i32>} : memref<64xi32, #tpu.memory_space<vmem>>, vector<16xi32>,
        "tpu.region"() ({
          %run_scoped3A = tpu.sem_alloc : memref<!tpu.dma_semaphore, #tpu.memory_space<semaphore_mem>>
          %dma_start3A_973 = arith.constant 192 : i32
          %dma_start3A_974 = arith.constant 0 : i32
          %dma_start3A_975 = tpu.memref_slice %arg11[%dma_start3A_973, %dma_start3A_974] : memref<256x128xf32, #tpu.memory_space<vmem>> -> memref<64x128xf32, #tpu.memory_space<vmem>>
          %dma_start3A_976 = arith.constant 0 : i32
          %dma_start3A_977 = arith.constant 0 : i32
          %dma_start3A_978 = tpu.memref_slice %arg12[%dma_start3A_976, %dma_start3A_977] : memref<10368x128xf32, #tpu.memory_space<vmem_shared>> -> memref<10368x128xf32, #tpu.memory_space<vmem_shared>>
          tpu.enqueue_indirect_dma source(%dma_start3A_975 : memref<64x128xf32, #tpu.memory_space<vmem>>) target(%dma_start3A_978 : memref<10368x128xf32, #tpu.memory_space<vmem_shared>>) offsets(%arg10 : memref<64xi32, #tpu.memory_space<vmem>>) semaphore(%run_scoped3A : memref<!tpu.dma_semaphore, #tpu.memory_space<semaphore_mem>>) {add = true}
          %dma_wait3A_979 = arith.constant 192 : i32
          %dma_wait3A_980 = arith.constant 0 : i32
          %dma_wait3A_981 = tpu.memref_slice %arg11[%dma_wait3A_979, %dma_wait3A_980] : memref<256x128xf32, #tpu.memory_space<vmem>> -> memref<64x128xf32, #tpu.memory_space<vmem>>
          %dma_wait3A_982 = arith.constant 0 : i32
          %dma_wait3A_983 = arith.constant 0 : i32
          %dma_wait3A_984 = tpu.memref_slice %arg12[%dma_wait3A_982, %dma_wait3A_983] : memref<10368x128xf32, #tpu.memory_space<vmem_shared>> -> memref<10368x128xf32, #tpu.memory_space<vmem_shared>>
          tpu.wait_indirect_dma semaphore(%run_scoped3A : memref<!tpu.dma_semaphore, #tpu.memory_space<semaphore_mem>>) src(%dma_wait3A_981 : memref<64x128xf32, #tpu.memory_space<vmem>>) dst(%dma_wait3A_984 : memref<10368x128xf32, #tpu.memory_space<vmem_shared>>)
          tpu.yield
        }) : () -> ()
        %add3A_893 = arith.constant 4 : i32
        %add3A_894 = arith.addi %add3A_838, %add3A_893 : i32
        %mul3A_895 = arith.constant 64 : i32
        %mul3A_896 = arith.muli %add3A_894, %mul3A_895 : i32
        %add3A_897 = arith.constant 0 : i32
        %add3A_898 = arith.addi %mul3A_896, %add3A_897 : i32
        %get3A_899 = arith.index_cast %add3A_898 : i32 to index
        %get3A_900 = tpu.vector_load %arg7[%get3A_899] {strides = array<i32>} : memref<2048xi32, #tpu.memory_space<vmem>>, vector<16xi32>,
        %get3A_901 = vector.shape_cast %get3A_900 : vector<16xi32> to vector<16xi32>
        %mul3A_902 = arith.constant 10000 : i32
        %mul3A_903 = arith.muli %add3A_0, %mul3A_902 : i32
        %add3A_904 = vector.broadcast %mul3A_903 : i32 to vector<16xi32>
        %add3A_905 = arith.addi %add3A_904, %get3A_901 : vector<16xi32>
        %swap3A_906 = arith.constant 3 : i32
        %swap3A_907 = arith.index_cast %swap3A_906 : i32 to index
        %swap3A_908 = arith.constant 0 : index
        %swap3A_909 = tpu.vector_load %arg9[%swap3A_907, %swap3A_908] {strides = array<i32>} : memref<4x64xi32, #tpu.memory_space<vmem>>, vector<1x16xi32>,
        %swap3A_910 = vector.shape_cast %swap3A_909 : vector<1x16xi32> to vector<16xi32>
        %swap3A_911 = vector.shape_cast %add3A_905 : vector<16xi32> to vector<1x16xi32>
        tpu.vector_store %arg9[%swap3A_907, %swap3A_908], %swap3A_911 {strides = array<i32>} : memref<4x64xi32, #tpu.memory_space<vmem>>, vector<1x16xi32>,
        %mul3A_912 = arith.constant 64 : i32
        %mul3A_913 = arith.muli %add3A_894, %mul3A_912 : i32
        %add3A_914 = arith.constant 16 : i32
        %add3A_915 = arith.addi %mul3A_913, %add3A_914 : i32
        %get3A_916 = arith.index_cast %add3A_915 : i32 to index
        %get3A_917 = tpu.vector_load %arg7[%get3A_916] {strides = array<i32>} : memref<2048xi32, #tpu.memory_space<vmem>>, vector<16xi32>,
        %get3A_918 = vector.shape_cast %get3A_917 : vector<16xi32> to vector<16xi32>
        %mul3A_919 = arith.constant 10000 : i32
        %mul3A_920 = arith.muli %add3A_0, %mul3A_919 : i32
        %add3A_921 = vector.broadcast %mul3A_920 : i32 to vector<16xi32>
        %add3A_922 = arith.addi %add3A_921, %get3A_918 : vector<16xi32>
        %swap3A_923 = arith.constant 3 : i32
        %swap3A_924 = arith.index_cast %swap3A_923 : i32 to index
        %swap3A_925 = arith.constant 16 : index
        %swap3A_926 = tpu.vector_load %arg9[%swap3A_924, %swap3A_925] {strides = array<i32>} : memref<4x64xi32, #tpu.memory_space<vmem>>, vector<1x16xi32>,
        %swap3A_927 = vector.shape_cast %swap3A_926 : vector<1x16xi32> to vector<16xi32>
        %swap3A_928 = vector.shape_cast %add3A_922 : vector<16xi32> to vector<1x16xi32>
        tpu.vector_store %arg9[%swap3A_924, %swap3A_925], %swap3A_928 {strides = array<i32>} : memref<4x64xi32, #tpu.memory_space<vmem>>, vector<1x16xi32>,
        %mul3A_929 = arith.constant 64 : i32
        %mul3A_930 = arith.muli %add3A_894, %mul3A_929 : i32
        %add3A_931 = arith.constant 32 : i32
        %add3A_932 = arith.addi %mul3A_930, %add3A_931 : i32
        %get3A_933 = arith.index_cast %add3A_932 : i32 to index
        %get3A_934 = tpu.vector_load %arg7[%get3A_933] {strides = array<i32>} : memref<2048xi32, #tpu.memory_space<vmem>>, vector<16xi32>,
        %get3A_935 = vector.shape_cast %get3A_934 : vector<16xi32> to vector<16xi32>
        %mul3A_936 = arith.constant 10000 : i32
        %mul3A_937 = arith.muli %add3A_0, %mul3A_936 : i32
        %add3A_938 = vector.broadcast %mul3A_937 : i32 to vector<16xi32>
        %add3A_939 = arith.addi %add3A_938, %get3A_935 : vector<16xi32>
        %swap3A_940 = arith.constant 3 : i32
        %swap3A_941 = arith.index_cast %swap3A_940 : i32 to index
        %swap3A_942 = arith.constant 32 : index
        %swap3A_943 = tpu.vector_load %arg9[%swap3A_941, %swap3A_942] {strides = array<i32>} : memref<4x64xi32, #tpu.memory_space<vmem>>, vector<1x16xi32>,
        %swap3A_944 = vector.shape_cast %swap3A_943 : vector<1x16xi32> to vector<16xi32>
        %swap3A_945 = vector.shape_cast %add3A_939 : vector<16xi32> to vector<1x16xi32>
        tpu.vector_store %arg9[%swap3A_941, %swap3A_942], %swap3A_945 {strides = array<i32>} : memref<4x64xi32, #tpu.memory_space<vmem>>, vector<1x16xi32>,
        %mul3A_946 = arith.constant 64 : i32
        %mul3A_947 = arith.muli %add3A_894, %mul3A_946 : i32
        %add3A_948 = arith.constant 48 : i32
        %add3A_949 = arith.addi %mul3A_947, %add3A_948 : i32
        %get3A_950 = arith.index_cast %add3A_949 : i32 to index
        %get3A_951 = tpu.vector_load %arg7[%get3A_950] {strides = array<i32>} : memref<2048xi32, #tpu.memory_space<vmem>>, vector<16xi32>,
        %get3A_952 = vector.shape_cast %get3A_951 : vector<16xi32> to vector<16xi32>
        %mul3A_953 = arith.constant 10000 : i32
        %mul3A_954 = arith.muli %add3A_0, %mul3A_953 : i32
        %add3A_955 = vector.broadcast %mul3A_954 : i32 to vector<16xi32>
        %add3A_956 = arith.addi %add3A_955, %get3A_952 : vector<16xi32>
        %swap3A_957 = arith.constant 3 : i32
        %swap3A_958 = arith.index_cast %swap3A_957 : i32 to index
        %swap3A_959 = arith.constant 48 : index
        %swap3A_960 = tpu.vector_load %arg9[%swap3A_958, %swap3A_959] {strides = array<i32>} : memref<4x64xi32, #tpu.memory_space<vmem>>, vector<1x16xi32>,
        %swap3A_961 = vector.shape_cast %swap3A_960 : vector<1x16xi32> to vector<16xi32>
        %swap3A_962 = vector.shape_cast %add3A_956 : vector<16xi32> to vector<1x16xi32>
        tpu.vector_store %arg9[%swap3A_958, %swap3A_959], %swap3A_962 {strides = array<i32>} : memref<4x64xi32, #tpu.memory_space<vmem>>, vector<1x16xi32>,
        %dma_start3A_963 = arith.constant 3 : i32
        %dma_start3A_964 = arith.constant 192 : i32
        %dma_start3A_965 = arith.constant 0 : i32
        %dma_start3A_966 = tpu.memref_slice %arg11[%dma_start3A_964, %dma_start3A_965] : memref<256x128xf32, #tpu.memory_space<vmem>> -> memref<64x128xf32, #tpu.memory_space<vmem>>
        %dma_start3A_967 = arith.constant 0 : i32
        %dma_start3A_968 = tpu.memref_slice %arg9[%dma_start3A_963, %dma_start3A_967] : memref<4x64xi32, #tpu.memory_space<vmem>> -> memref<1x64xi32, #tpu.memory_space<vmem>>
        %dma_start3A_969 = tpu.memref_squeeze %dma_start3A_968 : memref<1x64xi32, #tpu.memory_space<vmem>> -> memref<64xi32, #tpu.memory_space<vmem>>
        %dma_start3A_970 = arith.constant 0 : i32
        %dma_start3A_971 = arith.constant 0 : i32
        %dma_start3A_972 = tpu.memref_slice %arg2[%dma_start3A_970, %dma_start3A_971] : memref<20000x128xf32, #tpu.memory_space<hbm>> -> memref<20000x128xf32, #tpu.memory_space<hbm>>
        tpu.enqueue_indirect_dma source(%dma_start3A_972 : memref<20000x128xf32, #tpu.memory_space<hbm>>) target(%dma_start3A_966 : memref<64x128xf32, #tpu.memory_space<vmem>>) offsets(%dma_start3A_969 : memref<64xi32, #tpu.memory_space<vmem>>) semaphore(%arg16 : memref<!tpu.dma_semaphore, #tpu.memory_space<semaphore_mem>>)
      }
      %scan3A_268 = arith.constant 7 : i32
      %dma_wait3A = arith.constant 0 : i32
      %dma_wait3A_269 = arith.constant 0 : i32
      %dma_wait3A_270 = arith.constant 0 : i32
      %dma_wait3A_271 = tpu.memref_slice %arg11[%dma_wait3A_269, %dma_wait3A_270] : memref<256x128xf32, #tpu.memory_space<vmem>> -> memref<64x128xf32, #tpu.memory_space<vmem>>
      %dma_wait3A_272 = arith.constant 0 : i32
      %dma_wait3A_273 = tpu.memref_slice %arg9[%dma_wait3A, %dma_wait3A_272] : memref<4x64xi32, #tpu.memory_space<vmem>> -> memref<1x64xi32, #tpu.memory_space<vmem>>
      %dma_wait3A_274 = tpu.memref_squeeze %dma_wait3A_273 : memref<1x64xi32, #tpu.memory_space<vmem>> -> memref<64xi32, #tpu.memory_space<vmem>>
      %dma_wait3A_275 = arith.constant 0 : i32
      %dma_wait3A_276 = arith.constant 0 : i32
      %dma_wait3A_277 = tpu.memref_slice %arg2[%dma_wait3A_275, %dma_wait3A_276] : memref<20000x128xf32, #tpu.memory_space<hbm>> -> memref<20000x128xf32, #tpu.memory_space<hbm>>
      tpu.wait_indirect_dma semaphore(%arg13 : memref<!tpu.dma_semaphore, #tpu.memory_space<semaphore_mem>>) src(%dma_wait3A_277 : memref<20000x128xf32, #tpu.memory_space<hbm>>) dst(%dma_wait3A_271 : memref<64x128xf32, #tpu.memory_space<vmem>>)
      %get3A_278 = arith.constant 1792 : index
      %get3A_279 = tpu.vector_load %arg8[%get3A_278] {strides = array<i32>} : memref<2048xi32, #tpu.memory_space<vmem>>, vector<16xi32>,
      %get3A_280 = vector.shape_cast %get3A_279 : vector<16xi32> to vector<16xi32>
      %swap3A_281 = arith.constant 0 : index
      %swap3A_282 = tpu.vector_load %arg10[%swap3A_281] {strides = array<i32>} : memref<64xi32, #tpu.memory_space<vmem>>, vector<16xi32>,
      %swap3A_283 = vector.shape_cast %swap3A_282 : vector<16xi32> to vector<16xi32>
      %swap3A_284 = vector.shape_cast %get3A_280 : vector<16xi32> to vector<16xi32>
      tpu.vector_store %arg10[%swap3A_281], %swap3A_284 {strides = array<i32>} : memref<64xi32, #tpu.memory_space<vmem>>, vector<16xi32>,
      %get3A_285 = arith.constant 1808 : index
      %get3A_286 = tpu.vector_load %arg8[%get3A_285] {strides = array<i32>} : memref<2048xi32, #tpu.memory_space<vmem>>, vector<16xi32>,
      %get3A_287 = vector.shape_cast %get3A_286 : vector<16xi32> to vector<16xi32>
      %swap3A_288 = arith.constant 16 : index
      %swap3A_289 = tpu.vector_load %arg10[%swap3A_288] {strides = array<i32>} : memref<64xi32, #tpu.memory_space<vmem>>, vector<16xi32>,
      %swap3A_290 = vector.shape_cast %swap3A_289 : vector<16xi32> to vector<16xi32>
      %swap3A_291 = vector.shape_cast %get3A_287 : vector<16xi32> to vector<16xi32>
      tpu.vector_store %arg10[%swap3A_288], %swap3A_291 {strides = array<i32>} : memref<64xi32, #tpu.memory_space<vmem>>, vector<16xi32>,
      %get3A_292 = arith.constant 1824 : index
      %get3A_293 = tpu.vector_load %arg8[%get3A_292] {strides = array<i32>} : memref<2048xi32, #tpu.memory_space<vmem>>, vector<16xi32>,
      %get3A_294 = vector.shape_cast %get3A_293 : vector<16xi32> to vector<16xi32>
      %swap3A_295 = arith.constant 32 : index
      %swap3A_296 = tpu.vector_load %arg10[%swap3A_295] {strides = array<i32>} : memref<64xi32, #tpu.memory_space<vmem>>, vector<16xi32>,
      %swap3A_297 = vector.shape_cast %swap3A_296 : vector<16xi32> to vector<16xi32>
      %swap3A_298 = vector.shape_cast %get3A_294 : vector<16xi32> to vector<16xi32>
      tpu.vector_store %arg10[%swap3A_295], %swap3A_298 {strides = array<i32>} : memref<64xi32, #tpu.memory_space<vmem>>, vector<16xi32>,
      %get3A_299 = arith.constant 1840 : index
      %get3A_300 = tpu.vector_load %arg8[%get3A_299] {strides = array<i32>} : memref<2048xi32, #tpu.memory_space<vmem>>, vector<16xi32>,
      %get3A_301 = vector.shape_cast %get3A_300 : vector<16xi32> to vector<16xi32>
      %swap3A_302 = arith.constant 48 : index
      %swap3A_303 = tpu.vector_load %arg10[%swap3A_302] {strides = array<i32>} : memref<64xi32, #tpu.memory_space<vmem>>, vector<16xi32>,
      %swap3A_304 = vector.shape_cast %swap3A_303 : vector<16xi32> to vector<16xi32>
      %swap3A_305 = vector.shape_cast %get3A_301 : vector<16xi32> to vector<16xi32>
      tpu.vector_store %arg10[%swap3A_302], %swap3A_305 {strides = array<i32>} : memref<64xi32, #tpu.memory_space<vmem>>, vector<16xi32>,
      "tpu.region"() ({
        %run_scoped3A = tpu.sem_alloc : memref<!tpu.dma_semaphore, #tpu.memory_space<semaphore_mem>>
        %dma_start3A_420 = arith.constant 0 : i32
        %dma_start3A_421 = arith.constant 0 : i32
        %dma_start3A_422 = tpu.memref_slice %arg11[%dma_start3A_420, %dma_start3A_421] : memref<256x128xf32, #tpu.memory_space<vmem>> -> memref<64x128xf32, #tpu.memory_space<vmem>>
        %dma_start3A_423 = arith.constant 0 : i32
        %dma_start3A_424 = arith.constant 0 : i32
        %dma_start3A_425 = tpu.memref_slice %arg12[%dma_start3A_423, %dma_start3A_424] : memref<10368x128xf32, #tpu.memory_space<vmem_shared>> -> memref<10368x128xf32, #tpu.memory_space<vmem_shared>>
        tpu.enqueue_indirect_dma source(%dma_start3A_422 : memref<64x128xf32, #tpu.memory_space<vmem>>) target(%dma_start3A_425 : memref<10368x128xf32, #tpu.memory_space<vmem_shared>>) offsets(%arg10 : memref<64xi32, #tpu.memory_space<vmem>>) semaphore(%run_scoped3A : memref<!tpu.dma_semaphore, #tpu.memory_space<semaphore_mem>>) {add = true}
        %dma_wait3A_426 = arith.constant 0 : i32
        %dma_wait3A_427 = arith.constant 0 : i32
        %dma_wait3A_428 = tpu.memref_slice %arg11[%dma_wait3A_426, %dma_wait3A_427] : memref<256x128xf32, #tpu.memory_space<vmem>> -> memref<64x128xf32, #tpu.memory_space<vmem>>
        %dma_wait3A_429 = arith.constant 0 : i32
        %dma_wait3A_430 = arith.constant 0 : i32
        %dma_wait3A_431 = tpu.memref_slice %arg12[%dma_wait3A_429, %dma_wait3A_430] : memref<10368x128xf32, #tpu.memory_space<vmem_shared>> -> memref<10368x128xf32, #tpu.memory_space<vmem_shared>>
        tpu.wait_indirect_dma semaphore(%run_scoped3A : memref<!tpu.dma_semaphore, #tpu.memory_space<semaphore_mem>>) src(%dma_wait3A_428 : memref<64x128xf32, #tpu.memory_space<vmem>>) dst(%dma_wait3A_431 : memref<10368x128xf32, #tpu.memory_space<vmem_shared>>)
        tpu.yield
      }) : () -> ()
      %dma_wait3A_306 = arith.constant 1 : i32
      %dma_wait3A_307 = arith.constant 64 : i32
      %dma_wait3A_308 = arith.constant 0 : i32
      %dma_wait3A_309 = tpu.memref_slice %arg11[%dma_wait3A_307, %dma_wait3A_308] : memref<256x128xf32, #tpu.memory_space<vmem>> -> memref<64x128xf32, #tpu.memory_space<vmem>>
      %dma_wait3A_310 = arith.constant 0 : i32
      %dma_wait3A_311 = tpu.memref_slice %arg9[%dma_wait3A_306, %dma_wait3A_310] : memref<4x64xi32, #tpu.memory_space<vmem>> -> memref<1x64xi32, #tpu.memory_space<vmem>>
      %dma_wait3A_312 = tpu.memref_squeeze %dma_wait3A_311 : memref<1x64xi32, #tpu.memory_space<vmem>> -> memref<64xi32, #tpu.memory_space<vmem>>
      %dma_wait3A_313 = arith.constant 0 : i32
      %dma_wait3A_314 = arith.constant 0 : i32
      %dma_wait3A_315 = tpu.memref_slice %arg2[%dma_wait3A_313, %dma_wait3A_314] : memref<20000x128xf32, #tpu.memory_space<hbm>> -> memref<20000x128xf32, #tpu.memory_space<hbm>>
      tpu.wait_indirect_dma semaphore(%arg14 : memref<!tpu.dma_semaphore, #tpu.memory_space<semaphore_mem>>) src(%dma_wait3A_315 : memref<20000x128xf32, #tpu.memory_space<hbm>>) dst(%dma_wait3A_309 : memref<64x128xf32, #tpu.memory_space<vmem>>)
      %get3A_316 = arith.constant 1856 : index
      %get3A_317 = tpu.vector_load %arg8[%get3A_316] {strides = array<i32>} : memref<2048xi32, #tpu.memory_space<vmem>>, vector<16xi32>,
      %get3A_318 = vector.shape_cast %get3A_317 : vector<16xi32> to vector<16xi32>
      %swap3A_319 = arith.constant 0 : index
      %swap3A_320 = tpu.vector_load %arg10[%swap3A_319] {strides = array<i32>} : memref<64xi32, #tpu.memory_space<vmem>>, vector<16xi32>,
      %swap3A_321 = vector.shape_cast %swap3A_320 : vector<16xi32> to vector<16xi32>
      %swap3A_322 = vector.shape_cast %get3A_318 : vector<16xi32> to vector<16xi32>
      tpu.vector_store %arg10[%swap3A_319], %swap3A_322 {strides = array<i32>} : memref<64xi32, #tpu.memory_space<vmem>>, vector<16xi32>,
      %get3A_323 = arith.constant 1872 : index
      %get3A_324 = tpu.vector_load %arg8[%get3A_323] {strides = array<i32>} : memref<2048xi32, #tpu.memory_space<vmem>>, vector<16xi32>,
      %get3A_325 = vector.shape_cast %get3A_324 : vector<16xi32> to vector<16xi32>
      %swap3A_326 = arith.constant 16 : index
      %swap3A_327 = tpu.vector_load %arg10[%swap3A_326] {strides = array<i32>} : memref<64xi32, #tpu.memory_space<vmem>>, vector<16xi32>,
      %swap3A_328 = vector.shape_cast %swap3A_327 : vector<16xi32> to vector<16xi32>
      %swap3A_329 = vector.shape_cast %get3A_325 : vector<16xi32> to vector<16xi32>
      tpu.vector_store %arg10[%swap3A_326], %swap3A_329 {strides = array<i32>} : memref<64xi32, #tpu.memory_space<vmem>>, vector<16xi32>,
      %get3A_330 = arith.constant 1888 : index
      %get3A_331 = tpu.vector_load %arg8[%get3A_330] {strides = array<i32>} : memref<2048xi32, #tpu.memory_space<vmem>>, vector<16xi32>,
      %get3A_332 = vector.shape_cast %get3A_331 : vector<16xi32> to vector<16xi32>
      %swap3A_333 = arith.constant 32 : index
      %swap3A_334 = tpu.vector_load %arg10[%swap3A_333] {strides = array<i32>} : memref<64xi32, #tpu.memory_space<vmem>>, vector<16xi32>,
      %swap3A_335 = vector.shape_cast %swap3A_334 : vector<16xi32> to vector<16xi32>
      %swap3A_336 = vector.shape_cast %get3A_332 : vector<16xi32> to vector<16xi32>
      tpu.vector_store %arg10[%swap3A_333], %swap3A_336 {strides = array<i32>} : memref<64xi32, #tpu.memory_space<vmem>>, vector<16xi32>,
      %get3A_337 = arith.constant 1904 : index
      %get3A_338 = tpu.vector_load %arg8[%get3A_337] {strides = array<i32>} : memref<2048xi32, #tpu.memory_space<vmem>>, vector<16xi32>,
      %get3A_339 = vector.shape_cast %get3A_338 : vector<16xi32> to vector<16xi32>
      %swap3A_340 = arith.constant 48 : index
      %swap3A_341 = tpu.vector_load %arg10[%swap3A_340] {strides = array<i32>} : memref<64xi32, #tpu.memory_space<vmem>>, vector<16xi32>,
      %swap3A_342 = vector.shape_cast %swap3A_341 : vector<16xi32> to vector<16xi32>
      %swap3A_343 = vector.shape_cast %get3A_339 : vector<16xi32> to vector<16xi32>
      tpu.vector_store %arg10[%swap3A_340], %swap3A_343 {strides = array<i32>} : memref<64xi32, #tpu.memory_space<vmem>>, vector<16xi32>,
      "tpu.region"() ({
        %run_scoped3A = tpu.sem_alloc : memref<!tpu.dma_semaphore, #tpu.memory_space<semaphore_mem>>
        %dma_start3A_420 = arith.constant 64 : i32
        %dma_start3A_421 = arith.constant 0 : i32
        %dma_start3A_422 = tpu.memref_slice %arg11[%dma_start3A_420, %dma_start3A_421] : memref<256x128xf32, #tpu.memory_space<vmem>> -> memref<64x128xf32, #tpu.memory_space<vmem>>
        %dma_start3A_423 = arith.constant 0 : i32
        %dma_start3A_424 = arith.constant 0 : i32
        %dma_start3A_425 = tpu.memref_slice %arg12[%dma_start3A_423, %dma_start3A_424] : memref<10368x128xf32, #tpu.memory_space<vmem_shared>> -> memref<10368x128xf32, #tpu.memory_space<vmem_shared>>
        tpu.enqueue_indirect_dma source(%dma_start3A_422 : memref<64x128xf32, #tpu.memory_space<vmem>>) target(%dma_start3A_425 : memref<10368x128xf32, #tpu.memory_space<vmem_shared>>) offsets(%arg10 : memref<64xi32, #tpu.memory_space<vmem>>) semaphore(%run_scoped3A : memref<!tpu.dma_semaphore, #tpu.memory_space<semaphore_mem>>) {add = true}
        %dma_wait3A_426 = arith.constant 64 : i32
        %dma_wait3A_427 = arith.constant 0 : i32
        %dma_wait3A_428 = tpu.memref_slice %arg11[%dma_wait3A_426, %dma_wait3A_427] : memref<256x128xf32, #tpu.memory_space<vmem>> -> memref<64x128xf32, #tpu.memory_space<vmem>>
        %dma_wait3A_429 = arith.constant 0 : i32
        %dma_wait3A_430 = arith.constant 0 : i32
        %dma_wait3A_431 = tpu.memref_slice %arg12[%dma_wait3A_429, %dma_wait3A_430] : memref<10368x128xf32, #tpu.memory_space<vmem_shared>> -> memref<10368x128xf32, #tpu.memory_space<vmem_shared>>
        tpu.wait_indirect_dma semaphore(%run_scoped3A : memref<!tpu.dma_semaphore, #tpu.memory_space<semaphore_mem>>) src(%dma_wait3A_428 : memref<64x128xf32, #tpu.memory_space<vmem>>) dst(%dma_wait3A_431 : memref<10368x128xf32, #tpu.memory_space<vmem_shared>>)
        tpu.yield
      }) : () -> ()
      %dma_wait3A_344 = arith.constant 2 : i32
      %dma_wait3A_345 = arith.constant 128 : i32
      %dma_wait3A_346 = arith.constant 0 : i32
      %dma_wait3A_347 = tpu.memref_slice %arg11[%dma_wait3A_345, %dma_wait3A_346] : memref<256x128xf32, #tpu.memory_space<vmem>> -> memref<64x128xf32, #tpu.memory_space<vmem>>
      %dma_wait3A_348 = arith.constant 0 : i32
      %dma_wait3A_349 = tpu.memref_slice %arg9[%dma_wait3A_344, %dma_wait3A_348] : memref<4x64xi32, #tpu.memory_space<vmem>> -> memref<1x64xi32, #tpu.memory_space<vmem>>
      %dma_wait3A_350 = tpu.memref_squeeze %dma_wait3A_349 : memref<1x64xi32, #tpu.memory_space<vmem>> -> memref<64xi32, #tpu.memory_space<vmem>>
      %dma_wait3A_351 = arith.constant 0 : i32
      %dma_wait3A_352 = arith.constant 0 : i32
      %dma_wait3A_353 = tpu.memref_slice %arg2[%dma_wait3A_351, %dma_wait3A_352] : memref<20000x128xf32, #tpu.memory_space<hbm>> -> memref<20000x128xf32, #tpu.memory_space<hbm>>
      tpu.wait_indirect_dma semaphore(%arg15 : memref<!tpu.dma_semaphore, #tpu.memory_space<semaphore_mem>>) src(%dma_wait3A_353 : memref<20000x128xf32, #tpu.memory_space<hbm>>) dst(%dma_wait3A_347 : memref<64x128xf32, #tpu.memory_space<vmem>>)
      %get3A_354 = arith.constant 1920 : index
      %get3A_355 = tpu.vector_load %arg8[%get3A_354] {strides = array<i32>} : memref<2048xi32, #tpu.memory_space<vmem>>, vector<16xi32>,
      %get3A_356 = vector.shape_cast %get3A_355 : vector<16xi32> to vector<16xi32>
      %swap3A_357 = arith.constant 0 : index
      %swap3A_358 = tpu.vector_load %arg10[%swap3A_357] {strides = array<i32>} : memref<64xi32, #tpu.memory_space<vmem>>, vector<16xi32>,
      %swap3A_359 = vector.shape_cast %swap3A_358 : vector<16xi32> to vector<16xi32>
      %swap3A_360 = vector.shape_cast %get3A_356 : vector<16xi32> to vector<16xi32>
      tpu.vector_store %arg10[%swap3A_357], %swap3A_360 {strides = array<i32>} : memref<64xi32, #tpu.memory_space<vmem>>, vector<16xi32>,
      %get3A_361 = arith.constant 1936 : index
      %get3A_362 = tpu.vector_load %arg8[%get3A_361] {strides = array<i32>} : memref<2048xi32, #tpu.memory_space<vmem>>, vector<16xi32>,
      %get3A_363 = vector.shape_cast %get3A_362 : vector<16xi32> to vector<16xi32>
      %swap3A_364 = arith.constant 16 : index
      %swap3A_365 = tpu.vector_load %arg10[%swap3A_364] {strides = array<i32>} : memref<64xi32, #tpu.memory_space<vmem>>, vector<16xi32>,
      %swap3A_366 = vector.shape_cast %swap3A_365 : vector<16xi32> to vector<16xi32>
      %swap3A_367 = vector.shape_cast %get3A_363 : vector<16xi32> to vector<16xi32>
      tpu.vector_store %arg10[%swap3A_364], %swap3A_367 {strides = array<i32>} : memref<64xi32, #tpu.memory_space<vmem>>, vector<16xi32>,
      %get3A_368 = arith.constant 1952 : index
      %get3A_369 = tpu.vector_load %arg8[%get3A_368] {strides = array<i32>} : memref<2048xi32, #tpu.memory_space<vmem>>, vector<16xi32>,
      %get3A_370 = vector.shape_cast %get3A_369 : vector<16xi32> to vector<16xi32>
      %swap3A_371 = arith.constant 32 : index
      %swap3A_372 = tpu.vector_load %arg10[%swap3A_371] {strides = array<i32>} : memref<64xi32, #tpu.memory_space<vmem>>, vector<16xi32>,
      %swap3A_373 = vector.shape_cast %swap3A_372 : vector<16xi32> to vector<16xi32>
      %swap3A_374 = vector.shape_cast %get3A_370 : vector<16xi32> to vector<16xi32>
      tpu.vector_store %arg10[%swap3A_371], %swap3A_374 {strides = array<i32>} : memref<64xi32, #tpu.memory_space<vmem>>, vector<16xi32>,
      %get3A_375 = arith.constant 1968 : index
      %get3A_376 = tpu.vector_load %arg8[%get3A_375] {strides = array<i32>} : memref<2048xi32, #tpu.memory_space<vmem>>, vector<16xi32>,
      %get3A_377 = vector.shape_cast %get3A_376 : vector<16xi32> to vector<16xi32>
      %swap3A_378 = arith.constant 48 : index
      %swap3A_379 = tpu.vector_load %arg10[%swap3A_378] {strides = array<i32>} : memref<64xi32, #tpu.memory_space<vmem>>, vector<16xi32>,
      %swap3A_380 = vector.shape_cast %swap3A_379 : vector<16xi32> to vector<16xi32>
      %swap3A_381 = vector.shape_cast %get3A_377 : vector<16xi32> to vector<16xi32>
      tpu.vector_store %arg10[%swap3A_378], %swap3A_381 {strides = array<i32>} : memref<64xi32, #tpu.memory_space<vmem>>, vector<16xi32>,
      "tpu.region"() ({
        %run_scoped3A = tpu.sem_alloc : memref<!tpu.dma_semaphore, #tpu.memory_space<semaphore_mem>>
        %dma_start3A_420 = arith.constant 128 : i32
        %dma_start3A_421 = arith.constant 0 : i32
        %dma_start3A_422 = tpu.memref_slice %arg11[%dma_start3A_420, %dma_start3A_421] : memref<256x128xf32, #tpu.memory_space<vmem>> -> memref<64x128xf32, #tpu.memory_space<vmem>>
        %dma_start3A_423 = arith.constant 0 : i32
        %dma_start3A_424 = arith.constant 0 : i32
        %dma_start3A_425 = tpu.memref_slice %arg12[%dma_start3A_423, %dma_start3A_424] : memref<10368x128xf32, #tpu.memory_space<vmem_shared>> -> memref<10368x128xf32, #tpu.memory_space<vmem_shared>>
        tpu.enqueue_indirect_dma source(%dma_start3A_422 : memref<64x128xf32, #tpu.memory_space<vmem>>) target(%dma_start3A_425 : memref<10368x128xf32, #tpu.memory_space<vmem_shared>>) offsets(%arg10 : memref<64xi32, #tpu.memory_space<vmem>>) semaphore(%run_scoped3A : memref<!tpu.dma_semaphore, #tpu.memory_space<semaphore_mem>>) {add = true}
        %dma_wait3A_426 = arith.constant 128 : i32
        %dma_wait3A_427 = arith.constant 0 : i32
        %dma_wait3A_428 = tpu.memref_slice %arg11[%dma_wait3A_426, %dma_wait3A_427] : memref<256x128xf32, #tpu.memory_space<vmem>> -> memref<64x128xf32, #tpu.memory_space<vmem>>
        %dma_wait3A_429 = arith.constant 0 : i32
        %dma_wait3A_430 = arith.constant 0 : i32
        %dma_wait3A_431 = tpu.memref_slice %arg12[%dma_wait3A_429, %dma_wait3A_430] : memref<10368x128xf32, #tpu.memory_space<vmem_shared>> -> memref<10368x128xf32, #tpu.memory_space<vmem_shared>>
        tpu.wait_indirect_dma semaphore(%run_scoped3A : memref<!tpu.dma_semaphore, #tpu.memory_space<semaphore_mem>>) src(%dma_wait3A_428 : memref<64x128xf32, #tpu.memory_space<vmem>>) dst(%dma_wait3A_431 : memref<10368x128xf32, #tpu.memory_space<vmem_shared>>)
        tpu.yield
      }) : () -> ()
      %dma_wait3A_382 = arith.constant 3 : i32
      %dma_wait3A_383 = arith.constant 192 : i32
      %dma_wait3A_384 = arith.constant 0 : i32
      %dma_wait3A_385 = tpu.memref_slice %arg11[%dma_wait3A_383, %dma_wait3A_384] : memref<256x128xf32, #tpu.memory_space<vmem>> -> memref<64x128xf32, #tpu.memory_space<vmem>>
      %dma_wait3A_386 = arith.constant 0 : i32
      %dma_wait3A_387 = tpu.memref_slice %arg9[%dma_wait3A_382, %dma_wait3A_386] : memref<4x64xi32, #tpu.memory_space<vmem>> -> memref<1x64xi32, #tpu.memory_space<vmem>>
      %dma_wait3A_388 = tpu.memref_squeeze %dma_wait3A_387 : memref<1x64xi32, #tpu.memory_space<vmem>> -> memref<64xi32, #tpu.memory_space<vmem>>
      %dma_wait3A_389 = arith.constant 0 : i32
      %dma_wait3A_390 = arith.constant 0 : i32
      %dma_wait3A_391 = tpu.memref_slice %arg2[%dma_wait3A_389, %dma_wait3A_390] : memref<20000x128xf32, #tpu.memory_space<hbm>> -> memref<20000x128xf32, #tpu.memory_space<hbm>>
      tpu.wait_indirect_dma semaphore(%arg16 : memref<!tpu.dma_semaphore, #tpu.memory_space<semaphore_mem>>) src(%dma_wait3A_391 : memref<20000x128xf32, #tpu.memory_space<hbm>>) dst(%dma_wait3A_385 : memref<64x128xf32, #tpu.memory_space<vmem>>)
      %get3A_392 = arith.constant 1984 : index
      %get3A_393 = tpu.vector_load %arg8[%get3A_392] {strides = array<i32>} : memref<2048xi32, #tpu.memory_space<vmem>>, vector<16xi32>,
      %get3A_394 = vector.shape_cast %get3A_393 : vector<16xi32> to vector<16xi32>
      %swap3A_395 = arith.constant 0 : index
      %swap3A_396 = tpu.vector_load %arg10[%swap3A_395] {strides = array<i32>} : memref<64xi32, #tpu.memory_space<vmem>>, vector<16xi32>,
      %swap3A_397 = vector.shape_cast %swap3A_396 : vector<16xi32> to vector<16xi32>
      %swap3A_398 = vector.shape_cast %get3A_394 : vector<16xi32> to vector<16xi32>
      tpu.vector_store %arg10[%swap3A_395], %swap3A_398 {strides = array<i32>} : memref<64xi32, #tpu.memory_space<vmem>>, vector<16xi32>,
      %get3A_399 = arith.constant 2000 : index
      %get3A_400 = tpu.vector_load %arg8[%get3A_399] {strides = array<i32>} : memref<2048xi32, #tpu.memory_space<vmem>>, vector<16xi32>,
      %get3A_401 = vector.shape_cast %get3A_400 : vector<16xi32> to vector<16xi32>
      %swap3A_402 = arith.constant 16 : index
      %swap3A_403 = tpu.vector_load %arg10[%swap3A_402] {strides = array<i32>} : memref<64xi32, #tpu.memory_space<vmem>>, vector<16xi32>,
      %swap3A_404 = vector.shape_cast %swap3A_403 : vector<16xi32> to vector<16xi32>
      %swap3A_405 = vector.shape_cast %get3A_401 : vector<16xi32> to vector<16xi32>
      tpu.vector_store %arg10[%swap3A_402], %swap3A_405 {strides = array<i32>} : memref<64xi32, #tpu.memory_space<vmem>>, vector<16xi32>,
      %get3A_406 = arith.constant 2016 : index
      %get3A_407 = tpu.vector_load %arg8[%get3A_406] {strides = array<i32>} : memref<2048xi32, #tpu.memory_space<vmem>>, vector<16xi32>,
      %get3A_408 = vector.shape_cast %get3A_407 : vector<16xi32> to vector<16xi32>
      %swap3A_409 = arith.constant 32 : index
      %swap3A_410 = tpu.vector_load %arg10[%swap3A_409] {strides = array<i32>} : memref<64xi32, #tpu.memory_space<vmem>>, vector<16xi32>,
      %swap3A_411 = vector.shape_cast %swap3A_410 : vector<16xi32> to vector<16xi32>
      %swap3A_412 = vector.shape_cast %get3A_408 : vector<16xi32> to vector<16xi32>
      tpu.vector_store %arg10[%swap3A_409], %swap3A_412 {strides = array<i32>} : memref<64xi32, #tpu.memory_space<vmem>>, vector<16xi32>,
      %get3A_413 = arith.constant 2032 : index
      %get3A_414 = tpu.vector_load %arg8[%get3A_413] {strides = array<i32>} : memref<2048xi32, #tpu.memory_space<vmem>>, vector<16xi32>,
      %get3A_415 = vector.shape_cast %get3A_414 : vector<16xi32> to vector<16xi32>
      %swap3A_416 = arith.constant 48 : index
      %swap3A_417 = tpu.vector_load %arg10[%swap3A_416] {strides = array<i32>} : memref<64xi32, #tpu.memory_space<vmem>>, vector<16xi32>,
      %swap3A_418 = vector.shape_cast %swap3A_417 : vector<16xi32> to vector<16xi32>
      %swap3A_419 = vector.shape_cast %get3A_415 : vector<16xi32> to vector<16xi32>
      tpu.vector_store %arg10[%swap3A_416], %swap3A_419 {strides = array<i32>} : memref<64xi32, #tpu.memory_space<vmem>>, vector<16xi32>,
      "tpu.region"() ({
        %run_scoped3A = tpu.sem_alloc : memref<!tpu.dma_semaphore, #tpu.memory_space<semaphore_mem>>
        %dma_start3A_420 = arith.constant 192 : i32
        %dma_start3A_421 = arith.constant 0 : i32
        %dma_start3A_422 = tpu.memref_slice %arg11[%dma_start3A_420, %dma_start3A_421] : memref<256x128xf32, #tpu.memory_space<vmem>> -> memref<64x128xf32, #tpu.memory_space<vmem>>
        %dma_start3A_423 = arith.constant 0 : i32
        %dma_start3A_424 = arith.constant 0 : i32
        %dma_start3A_425 = tpu.memref_slice %arg12[%dma_start3A_423, %dma_start3A_424] : memref<10368x128xf32, #tpu.memory_space<vmem_shared>> -> memref<10368x128xf32, #tpu.memory_space<vmem_shared>>
        tpu.enqueue_indirect_dma source(%dma_start3A_422 : memref<64x128xf32, #tpu.memory_space<vmem>>) target(%dma_start3A_425 : memref<10368x128xf32, #tpu.memory_space<vmem_shared>>) offsets(%arg10 : memref<64xi32, #tpu.memory_space<vmem>>) semaphore(%run_scoped3A : memref<!tpu.dma_semaphore, #tpu.memory_space<semaphore_mem>>) {add = true}
        %dma_wait3A_426 = arith.constant 192 : i32
        %dma_wait3A_427 = arith.constant 0 : i32
        %dma_wait3A_428 = tpu.memref_slice %arg11[%dma_wait3A_426, %dma_wait3A_427] : memref<256x128xf32, #tpu.memory_space<vmem>> -> memref<64x128xf32, #tpu.memory_space<vmem>>
        %dma_wait3A_429 = arith.constant 0 : i32
        %dma_wait3A_430 = arith.constant 0 : i32
        %dma_wait3A_431 = tpu.memref_slice %arg12[%dma_wait3A_429, %dma_wait3A_430] : memref<10368x128xf32, #tpu.memory_space<vmem_shared>> -> memref<10368x128xf32, #tpu.memory_space<vmem_shared>>
        tpu.wait_indirect_dma semaphore(%run_scoped3A : memref<!tpu.dma_semaphore, #tpu.memory_space<semaphore_mem>>) src(%dma_wait3A_428 : memref<64x128xf32, #tpu.memory_space<vmem>>) dst(%dma_wait3A_431 : memref<10368x128xf32, #tpu.memory_space<vmem_shared>>)
        tpu.yield
      }) : () -> ()
    }
    %scan3A_8 = arith.constant 5 : i32
    %barrier3A_9 = arith.constant 0 : index
    tpu.barrier barrier_id(%barrier3A_9)
    %mul3A_10 = arith.constant 640 : i32
    %mul3A_11 = arith.muli %arg1, %mul3A_10 : i32
    %multiple_of3A_12 = tpu.assume_multiple %mul3A_11, 8 : i32
    "tpu.region"() ({
      %run_scoped3A = tpu.sem_alloc : memref<!tpu.dma_semaphore, #tpu.memory_space<semaphore_mem>>
      %dma_start3A = arith.constant 0 : i32
      %dma_start3A_13 = tpu.memref_slice %arg6[%arg0, %multiple_of3A_12, %dma_start3A] : memref<2x10240x128xf32, #tpu.memory_space<hbm>> -> memref<1x640x128xf32, #tpu.memory_space<hbm>>
      %dma_start3A_14 = tpu.memref_squeeze %dma_start3A_13 : memref<1x640x128xf32, #tpu.memory_space<hbm>> -> memref<640x128xf32, #tpu.memory_space<hbm>>
      %dma_start3A_15 = arith.constant 0 : i32
      %dma_start3A_16 = tpu.memref_slice %arg12[%multiple_of3A_12, %dma_start3A_15] : memref<10368x128xf32, #tpu.memory_space<vmem_shared>> -> memref<640x128xf32, #tpu.memory_space<vmem_shared>>
      tpu.enqueue_dma source(%dma_start3A_16 : memref<640x128xf32, #tpu.memory_space<vmem_shared>>) target(%dma_start3A_14 : memref<640x128xf32, #tpu.memory_space<hbm>>) target_semaphore(%run_scoped3A : memref<!tpu.dma_semaphore, #tpu.memory_space<semaphore_mem>>)
      %dma_wait3A = arith.constant 0 : i32
      %dma_wait3A_17 = tpu.memref_slice %arg6[%arg0, %multiple_of3A_12, %dma_wait3A] : memref<2x10240x128xf32, #tpu.memory_space<hbm>> -> memref<1x640x128xf32, #tpu.memory_space<hbm>>
      %dma_wait3A_18 = tpu.memref_squeeze %dma_wait3A_17 : memref<1x640x128xf32, #tpu.memory_space<hbm>> -> memref<640x128xf32, #tpu.memory_space<hbm>>
      %dma_wait3A_19 = arith.constant 0 : i32
      %dma_wait3A_20 = tpu.memref_slice %arg12[%multiple_of3A_12, %dma_wait3A_19] : memref<10368x128xf32, #tpu.memory_space<vmem_shared>> -> memref<640x128xf32, #tpu.memory_space<vmem_shared>>
      tpu.wait_dma2 semaphore(%run_scoped3A : memref<!tpu.dma_semaphore, #tpu.memory_space<semaphore_mem>>) src(%dma_wait3A_20 : memref<640x128xf32, #tpu.memory_space<vmem_shared>>) dst(%dma_wait3A_18 : memref<640x128xf32, #tpu.memory_space<hbm>>)
      tpu.yield
    }) : () -> ()
    return
  }
}

#map = affine_map<(d0, d1) -> (0, 0)>
#map1 = affine_map<(d0, d1) -> (0)>
#map2 = affine_map<(d0, d1) -> (0, 0, 0)>
module attributes {stable_mosaic.version = 14 : i64} {
  func.func @agg_kernel(%arg0: i32, %arg1: i32, %arg2: memref<40000x128xf32, #tpu.memory_space<hbm>>, %arg3: memref<163840xi32, #tpu.memory_space<hbm>>, %arg4: memref<163840xi32, #tpu.memory_space<hbm>>, %arg5: memref<648x128xf32, #tpu.memory_space<hbm>>, %arg6: memref<2x10240x128xf32, #tpu.memory_space<hbm>>, %arg7: memref<2048xi32, #tpu.memory_space<vmem>>, %arg8: memref<2048xi32, #tpu.memory_space<vmem>>, %arg9: memref<4x64xi32, #tpu.memory_space<vmem>>, %arg10: memref<64xi32, #tpu.memory_space<vmem>>, %arg11: memref<256x128xf32, #tpu.memory_space<vmem>>, %arg12: memref<10368x128xf32, #tpu.memory_space<vmem_shared>>, %arg13: memref<!tpu.dma_semaphore, #tpu.memory_space<semaphore_mem>>, %arg14: memref<!tpu.dma_semaphore, #tpu.memory_space<semaphore_mem>>, %arg15: memref<!tpu.dma_semaphore, #tpu.memory_space<semaphore_mem>>, %arg16: memref<!tpu.dma_semaphore, #tpu.memory_space<semaphore_mem>>) attributes {dimension_semantics = [#tpu.dimension_semantics<core_parallel>, #tpu.dimension_semantics<subcore_parallel>], iteration_bounds = array<i64: 2, 16>, scalar_prefetch = 0 : i64, scratch_operands = 10 : i64, tpu.core_type = #tpu.core_type<sc_vector_subcore>, window_params = [{transform_indices = #map}, {transform_indices = #map1}, {transform_indices = #map1}, {transform_indices = #map}, {transform_indices = #map2}]} {
    %add3A = arith.constant 0 : i32
    %add3A_0 = arith.addi %add3A, %arg0 : i32
    %mul3A = arith.constant 10240 : i32
    %mul3A_1 = arith.muli %arg1, %mul3A : i32
    %mul3A_2 = arith.constant 648 : i32
    %mul3A_3 = arith.muli %arg1, %mul3A_2 : i32
    %multiple_of3A = tpu.assume_multiple %mul3A_3, 8 : i32
    "tpu.region"() ({
      %run_scoped3A = tpu.sem_alloc : memref<!tpu.dma_semaphore, #tpu.memory_space<semaphore_mem>>
      %dma_start3A = arith.constant 0 : i32
      %dma_start3A_13 = tpu.memref_slice %arg12[%multiple_of3A, %dma_start3A] : memref<10368x128xf32, #tpu.memory_space<vmem_shared>> -> memref<648x128xf32, #tpu.memory_space<vmem_shared>>
      tpu.enqueue_dma source(%arg5 : memref<648x128xf32, #tpu.memory_space<hbm>>) target(%dma_start3A_13 : memref<648x128xf32, #tpu.memory_space<vmem_shared>>) target_semaphore(%run_scoped3A : memref<!tpu.dma_semaphore, #tpu.memory_space<semaphore_mem>>)
      %dma_wait3A = arith.constant 0 : i32
      %dma_wait3A_14 = tpu.memref_slice %arg12[%multiple_of3A, %dma_wait3A] : memref<10368x128xf32, #tpu.memory_space<vmem_shared>> -> memref<648x128xf32, #tpu.memory_space<vmem_shared>>
      tpu.wait_dma2 semaphore(%run_scoped3A : memref<!tpu.dma_semaphore, #tpu.memory_space<semaphore_mem>>) src(%arg5 : memref<648x128xf32, #tpu.memory_space<hbm>>) dst(%dma_wait3A_14 : memref<648x128xf32, #tpu.memory_space<vmem_shared>>)
      tpu.yield
    }) : () -> ()
    %barrier3A = arith.constant 0 : index
    tpu.barrier barrier_id(%barrier3A)
    %scan3A = arith.constant 0 : i32
    %scan3A_4 = arith.constant 0 : i32
    %scan3A_5 = arith.constant 5 : i32
    %scan3A_6 = arith.addi %scan3A_4, %scan3A_5 : i32
    %scan3A_7 = arith.constant 1 : i32
    scf.for %scan3A_13 = %scan3A_4 to %scan3A_6 step %scan3A_7  : i32 {
      %mul3A_14 = arith.constant 2048 : i32
      %mul3A_15 = arith.muli %scan3A_13, %mul3A_14 : i32
      %add3A_16 = arith.addi %mul3A_1, %mul3A_15 : i32
      %multiple_of3A_17 = tpu.assume_multiple %add3A_16, 8 : i32
      "tpu.region"() ({
        %run_scoped3A = tpu.sem_alloc : memref<!tpu.dma_semaphore, #tpu.memory_space<semaphore_mem>>
        %dma_start3A_420 = tpu.memref_slice %arg3[%multiple_of3A_17] : memref<163840xi32, #tpu.memory_space<hbm>> -> memref<2048xi32, #tpu.memory_space<hbm>>
        %dma_start3A_421 = tpu.memref_slice %arg3[%multiple_of3A_17] : memref<163840xi32, #tpu.memory_space<hbm>> -> memref<2048xi32, #tpu.memory_space<hbm>>
        tpu.enqueue_dma source(%dma_start3A_421 : memref<2048xi32, #tpu.memory_space<hbm>>) target(%arg7 : memref<2048xi32, #tpu.memory_space<vmem>>) target_semaphore(%run_scoped3A : memref<!tpu.dma_semaphore, #tpu.memory_space<semaphore_mem>>)
        %dma_wait3A_422 = tpu.memref_slice %arg3[%multiple_of3A_17] : memref<163840xi32, #tpu.memory_space<hbm>> -> memref<2048xi32, #tpu.memory_space<hbm>>
        %dma_wait3A_423 = tpu.memref_slice %arg3[%multiple_of3A_17] : memref<163840xi32, #tpu.memory_space<hbm>> -> memref<2048xi32, #tpu.memory_space<hbm>>
        tpu.wait_dma2 semaphore(%run_scoped3A : memref<!tpu.dma_semaphore, #tpu.memory_space<semaphore_mem>>) src(%dma_wait3A_423 : memref<2048xi32, #tpu.memory_space<hbm>>) dst(%arg7 : memref<2048xi32, #tpu.memory_space<vmem>>)
        tpu.yield
      }) : () -> ()
      "tpu.region"() ({
        %run_scoped3A = tpu.sem_alloc : memref<!tpu.dma_semaphore, #tpu.memory_space<semaphore_mem>>
        %dma_start3A_420 = tpu.memref_slice %arg4[%multiple_of3A_17] : memref<163840xi32, #tpu.memory_space<hbm>> -> memref<2048xi32, #tpu.memory_space<hbm>>
        %dma_start3A_421 = tpu.memref_slice %arg4[%multiple_of3A_17] : memref<163840xi32, #tpu.memory_space<hbm>> -> memref<2048xi32, #tpu.memory_space<hbm>>
        tpu.enqueue_dma source(%dma_start3A_421 : memref<2048xi32, #tpu.memory_space<hbm>>) target(%arg8 : memref<2048xi32, #tpu.memory_space<vmem>>) target_semaphore(%run_scoped3A : memref<!tpu.dma_semaphore, #tpu.memory_space<semaphore_mem>>)
        %dma_wait3A_422 = tpu.memref_slice %arg4[%multiple_of3A_17] : memref<163840xi32, #tpu.memory_space<hbm>> -> memref<2048xi32, #tpu.memory_space<hbm>>
        %dma_wait3A_423 = tpu.memref_slice %arg4[%multiple_of3A_17] : memref<163840xi32, #tpu.memory_space<hbm>> -> memref<2048xi32, #tpu.memory_space<hbm>>
        tpu.wait_dma2 semaphore(%run_scoped3A : memref<!tpu.dma_semaphore, #tpu.memory_space<semaphore_mem>>) src(%dma_wait3A_423 : memref<2048xi32, #tpu.memory_space<hbm>>) dst(%arg8 : memref<2048xi32, #tpu.memory_space<vmem>>)
        tpu.yield
      }) : () -> ()
      %get3A = arith.constant 0 : index
      %get3A_18 = tpu.vector_load %arg7[%get3A] {strides = array<i32>} : memref<2048xi32, #tpu.memory_space<vmem>>, vector<16xi32>,
      %get3A_19 = vector.shape_cast %get3A_18 : vector<16xi32> to vector<16xi32>
      %mul3A_20 = arith.constant 10000 : i32
      %mul3A_21 = arith.muli %add3A_0, %mul3A_20 : i32
      %add3A_22 = vector.broadcast %mul3A_21 : i32 to vector<16xi32>
      %add3A_23 = arith.addi %add3A_22, %get3A_19 : vector<16xi32>
      %swap3A = arith.constant 0 : i32
      %swap3A_24 = arith.index_cast %swap3A : i32 to index
      %swap3A_25 = arith.constant 0 : index
      %swap3A_26 = tpu.vector_load %arg9[%swap3A_24, %swap3A_25] {strides = array<i32>} : memref<4x64xi32, #tpu.memory_space<vmem>>, vector<1x16xi32>,
      %swap3A_27 = vector.shape_cast %swap3A_26 : vector<1x16xi32> to vector<16xi32>
      %swap3A_28 = vector.shape_cast %add3A_23 : vector<16xi32> to vector<1x16xi32>
      tpu.vector_store %arg9[%swap3A_24, %swap3A_25], %swap3A_28 {strides = array<i32>} : memref<4x64xi32, #tpu.memory_space<vmem>>, vector<1x16xi32>,
      %get3A_29 = arith.constant 16 : index
      %get3A_30 = tpu.vector_load %arg7[%get3A_29] {strides = array<i32>} : memref<2048xi32, #tpu.memory_space<vmem>>, vector<16xi32>,
      %get3A_31 = vector.shape_cast %get3A_30 : vector<16xi32> to vector<16xi32>
      %mul3A_32 = arith.constant 10000 : i32
      %mul3A_33 = arith.muli %add3A_0, %mul3A_32 : i32
      %add3A_34 = vector.broadcast %mul3A_33 : i32 to vector<16xi32>
      %add3A_35 = arith.addi %add3A_34, %get3A_31 : vector<16xi32>
      %swap3A_36 = arith.constant 0 : i32
      %swap3A_37 = arith.index_cast %swap3A_36 : i32 to index
      %swap3A_38 = arith.constant 16 : index
      %swap3A_39 = tpu.vector_load %arg9[%swap3A_37, %swap3A_38] {strides = array<i32>} : memref<4x64xi32, #tpu.memory_space<vmem>>, vector<1x16xi32>,
      %swap3A_40 = vector.shape_cast %swap3A_39 : vector<1x16xi32> to vector<16xi32>
      %swap3A_41 = vector.shape_cast %add3A_35 : vector<16xi32> to vector<1x16xi32>
      tpu.vector_store %arg9[%swap3A_37, %swap3A_38], %swap3A_41 {strides = array<i32>} : memref<4x64xi32, #tpu.memory_space<vmem>>, vector<1x16xi32>,
      %get3A_42 = arith.constant 32 : index
      %get3A_43 = tpu.vector_load %arg7[%get3A_42] {strides = array<i32>} : memref<2048xi32, #tpu.memory_space<vmem>>, vector<16xi32>,
      %get3A_44 = vector.shape_cast %get3A_43 : vector<16xi32> to vector<16xi32>
      %mul3A_45 = arith.constant 10000 : i32
      %mul3A_46 = arith.muli %add3A_0, %mul3A_45 : i32
      %add3A_47 = vector.broadcast %mul3A_46 : i32 to vector<16xi32>
      %add3A_48 = arith.addi %add3A_47, %get3A_44 : vector<16xi32>
      %swap3A_49 = arith.constant 0 : i32
      %swap3A_50 = arith.index_cast %swap3A_49 : i32 to index
      %swap3A_51 = arith.constant 32 : index
      %swap3A_52 = tpu.vector_load %arg9[%swap3A_50, %swap3A_51] {strides = array<i32>} : memref<4x64xi32, #tpu.memory_space<vmem>>, vector<1x16xi32>,
      %swap3A_53 = vector.shape_cast %swap3A_52 : vector<1x16xi32> to vector<16xi32>
      %swap3A_54 = vector.shape_cast %add3A_48 : vector<16xi32> to vector<1x16xi32>
      tpu.vector_store %arg9[%swap3A_50, %swap3A_51], %swap3A_54 {strides = array<i32>} : memref<4x64xi32, #tpu.memory_space<vmem>>, vector<1x16xi32>,
      %get3A_55 = arith.constant 48 : index
      %get3A_56 = tpu.vector_load %arg7[%get3A_55] {strides = array<i32>} : memref<2048xi32, #tpu.memory_space<vmem>>, vector<16xi32>,
      %get3A_57 = vector.shape_cast %get3A_56 : vector<16xi32> to vector<16xi32>
      %mul3A_58 = arith.constant 10000 : i32
      %mul3A_59 = arith.muli %add3A_0, %mul3A_58 : i32
      %add3A_60 = vector.broadcast %mul3A_59 : i32 to vector<16xi32>
      %add3A_61 = arith.addi %add3A_60, %get3A_57 : vector<16xi32>
      %swap3A_62 = arith.constant 0 : i32
      %swap3A_63 = arith.index_cast %swap3A_62 : i32 to index
      %swap3A_64 = arith.constant 48 : index
      %swap3A_65 = tpu.vector_load %arg9[%swap3A_63, %swap3A_64] {strides = array<i32>} : memref<4x64xi32, #tpu.memory_space<vmem>>, vector<1x16xi32>,
      %swap3A_66 = vector.shape_cast %swap3A_65 : vector<1x16xi32> to vector<16xi32>
      %swap3A_67 = vector.shape_cast %add3A_61 : vector<16xi32> to vector<1x16xi32>
      tpu.vector_store %arg9[%swap3A_63, %swap3A_64], %swap3A_67 {strides = array<i32>} : memref<4x64xi32, #tpu.memory_space<vmem>>, vector<1x16xi32>,
      %get3A_68 = arith.constant 64 : index
      %get3A_69 = tpu.vector_load %arg7[%get3A_68] {strides = array<i32>} : memref<2048xi32, #tpu.memory_space<vmem>>, vector<16xi32>,
      %get3A_70 = vector.shape_cast %get3A_69 : vector<16xi32> to vector<16xi32>
      %mul3A_71 = arith.constant 10000 : i32
      %mul3A_72 = arith.muli %add3A_0, %mul3A_71 : i32
      %add3A_73 = vector.broadcast %mul3A_72 : i32 to vector<16xi32>
      %add3A_74 = arith.addi %add3A_73, %get3A_70 : vector<16xi32>
      %swap3A_75 = arith.constant 1 : i32
      %swap3A_76 = arith.index_cast %swap3A_75 : i32 to index
      %swap3A_77 = arith.constant 0 : index
      %swap3A_78 = tpu.vector_load %arg9[%swap3A_76, %swap3A_77] {strides = array<i32>} : memref<4x64xi32, #tpu.memory_space<vmem>>, vector<1x16xi32>,
      %swap3A_79 = vector.shape_cast %swap3A_78 : vector<1x16xi32> to vector<16xi32>
      %swap3A_80 = vector.shape_cast %add3A_74 : vector<16xi32> to vector<1x16xi32>
      tpu.vector_store %arg9[%swap3A_76, %swap3A_77], %swap3A_80 {strides = array<i32>} : memref<4x64xi32, #tpu.memory_space<vmem>>, vector<1x16xi32>,
      %get3A_81 = arith.constant 80 : index
      %get3A_82 = tpu.vector_load %arg7[%get3A_81] {strides = array<i32>} : memref<2048xi32, #tpu.memory_space<vmem>>, vector<16xi32>,
      %get3A_83 = vector.shape_cast %get3A_82 : vector<16xi32> to vector<16xi32>
      %mul3A_84 = arith.constant 10000 : i32
      %mul3A_85 = arith.muli %add3A_0, %mul3A_84 : i32
      %add3A_86 = vector.broadcast %mul3A_85 : i32 to vector<16xi32>
      %add3A_87 = arith.addi %add3A_86, %get3A_83 : vector<16xi32>
      %swap3A_88 = arith.constant 1 : i32
      %swap3A_89 = arith.index_cast %swap3A_88 : i32 to index
      %swap3A_90 = arith.constant 16 : index
      %swap3A_91 = tpu.vector_load %arg9[%swap3A_89, %swap3A_90] {strides = array<i32>} : memref<4x64xi32, #tpu.memory_space<vmem>>, vector<1x16xi32>,
      %swap3A_92 = vector.shape_cast %swap3A_91 : vector<1x16xi32> to vector<16xi32>
      %swap3A_93 = vector.shape_cast %add3A_87 : vector<16xi32> to vector<1x16xi32>
      tpu.vector_store %arg9[%swap3A_89, %swap3A_90], %swap3A_93 {strides = array<i32>} : memref<4x64xi32, #tpu.memory_space<vmem>>, vector<1x16xi32>,
      %get3A_94 = arith.constant 96 : index
      %get3A_95 = tpu.vector_load %arg7[%get3A_94] {strides = array<i32>} : memref<2048xi32, #tpu.memory_space<vmem>>, vector<16xi32>,
      %get3A_96 = vector.shape_cast %get3A_95 : vector<16xi32> to vector<16xi32>
      %mul3A_97 = arith.constant 10000 : i32
      %mul3A_98 = arith.muli %add3A_0, %mul3A_97 : i32
      %add3A_99 = vector.broadcast %mul3A_98 : i32 to vector<16xi32>
      %add3A_100 = arith.addi %add3A_99, %get3A_96 : vector<16xi32>
      %swap3A_101 = arith.constant 1 : i32
      %swap3A_102 = arith.index_cast %swap3A_101 : i32 to index
      %swap3A_103 = arith.constant 32 : index
      %swap3A_104 = tpu.vector_load %arg9[%swap3A_102, %swap3A_103] {strides = array<i32>} : memref<4x64xi32, #tpu.memory_space<vmem>>, vector<1x16xi32>,
      %swap3A_105 = vector.shape_cast %swap3A_104 : vector<1x16xi32> to vector<16xi32>
      %swap3A_106 = vector.shape_cast %add3A_100 : vector<16xi32> to vector<1x16xi32>
      tpu.vector_store %arg9[%swap3A_102, %swap3A_103], %swap3A_106 {strides = array<i32>} : memref<4x64xi32, #tpu.memory_space<vmem>>, vector<1x16xi32>,
      %get3A_107 = arith.constant 112 : index
      %get3A_108 = tpu.vector_load %arg7[%get3A_107] {strides = array<i32>} : memref<2048xi32, #tpu.memory_space<vmem>>, vector<16xi32>,
      %get3A_109 = vector.shape_cast %get3A_108 : vector<16xi32> to vector<16xi32>
      %mul3A_110 = arith.constant 10000 : i32
      %mul3A_111 = arith.muli %add3A_0, %mul3A_110 : i32
      %add3A_112 = vector.broadcast %mul3A_111 : i32 to vector<16xi32>
      %add3A_113 = arith.addi %add3A_112, %get3A_109 : vector<16xi32>
      %swap3A_114 = arith.constant 1 : i32
      %swap3A_115 = arith.index_cast %swap3A_114 : i32 to index
      %swap3A_116 = arith.constant 48 : index
      %swap3A_117 = tpu.vector_load %arg9[%swap3A_115, %swap3A_116] {strides = array<i32>} : memref<4x64xi32, #tpu.memory_space<vmem>>, vector<1x16xi32>,
      %swap3A_118 = vector.shape_cast %swap3A_117 : vector<1x16xi32> to vector<16xi32>
      %swap3A_119 = vector.shape_cast %add3A_113 : vector<16xi32> to vector<1x16xi32>
      tpu.vector_store %arg9[%swap3A_115, %swap3A_116], %swap3A_119 {strides = array<i32>} : memref<4x64xi32, #tpu.memory_space<vmem>>, vector<1x16xi32>,
      %get3A_120 = arith.constant 128 : index
      %get3A_121 = tpu.vector_load %arg7[%get3A_120] {strides = array<i32>} : memref<2048xi32, #tpu.memory_space<vmem>>, vector<16xi32>,
      %get3A_122 = vector.shape_cast %get3A_121 : vector<16xi32> to vector<16xi32>
      %mul3A_123 = arith.constant 10000 : i32
      %mul3A_124 = arith.muli %add3A_0, %mul3A_123 : i32
      %add3A_125 = vector.broadcast %mul3A_124 : i32 to vector<16xi32>
      %add3A_126 = arith.addi %add3A_125, %get3A_122 : vector<16xi32>
      %swap3A_127 = arith.constant 2 : i32
      %swap3A_128 = arith.index_cast %swap3A_127 : i32 to index
      %swap3A_129 = arith.constant 0 : index
      %swap3A_130 = tpu.vector_load %arg9[%swap3A_128, %swap3A_129] {strides = array<i32>} : memref<4x64xi32, #tpu.memory_space<vmem>>, vector<1x16xi32>,
      %swap3A_131 = vector.shape_cast %swap3A_130 : vector<1x16xi32> to vector<16xi32>
      %swap3A_132 = vector.shape_cast %add3A_126 : vector<16xi32> to vector<1x16xi32>
      tpu.vector_store %arg9[%swap3A_128, %swap3A_129], %swap3A_132 {strides = array<i32>} : memref<4x64xi32, #tpu.memory_space<vmem>>, vector<1x16xi32>,
      %get3A_133 = arith.constant 144 : index
      %get3A_134 = tpu.vector_load %arg7[%get3A_133] {strides = array<i32>} : memref<2048xi32, #tpu.memory_space<vmem>>, vector<16xi32>,
      %get3A_135 = vector.shape_cast %get3A_134 : vector<16xi32> to vector<16xi32>
      %mul3A_136 = arith.constant 10000 : i32
      %mul3A_137 = arith.muli %add3A_0, %mul3A_136 : i32
      %add3A_138 = vector.broadcast %mul3A_137 : i32 to vector<16xi32>
      %add3A_139 = arith.addi %add3A_138, %get3A_135 : vector<16xi32>
      %swap3A_140 = arith.constant 2 : i32
      %swap3A_141 = arith.index_cast %swap3A_140 : i32 to index
      %swap3A_142 = arith.constant 16 : index
      %swap3A_143 = tpu.vector_load %arg9[%swap3A_141, %swap3A_142] {strides = array<i32>} : memref<4x64xi32, #tpu.memory_space<vmem>>, vector<1x16xi32>,
      %swap3A_144 = vector.shape_cast %swap3A_143 : vector<1x16xi32> to vector<16xi32>
      %swap3A_145 = vector.shape_cast %add3A_139 : vector<16xi32> to vector<1x16xi32>
      tpu.vector_store %arg9[%swap3A_141, %swap3A_142], %swap3A_145 {strides = array<i32>} : memref<4x64xi32, #tpu.memory_space<vmem>>, vector<1x16xi32>,
      %get3A_146 = arith.constant 160 : index
      %get3A_147 = tpu.vector_load %arg7[%get3A_146] {strides = array<i32>} : memref<2048xi32, #tpu.memory_space<vmem>>, vector<16xi32>,
      %get3A_148 = vector.shape_cast %get3A_147 : vector<16xi32> to vector<16xi32>
      %mul3A_149 = arith.constant 10000 : i32
      %mul3A_150 = arith.muli %add3A_0, %mul3A_149 : i32
      %add3A_151 = vector.broadcast %mul3A_150 : i32 to vector<16xi32>
      %add3A_152 = arith.addi %add3A_151, %get3A_148 : vector<16xi32>
      %swap3A_153 = arith.constant 2 : i32
      %swap3A_154 = arith.index_cast %swap3A_153 : i32 to index
      %swap3A_155 = arith.constant 32 : index
      %swap3A_156 = tpu.vector_load %arg9[%swap3A_154, %swap3A_155] {strides = array<i32>} : memref<4x64xi32, #tpu.memory_space<vmem>>, vector<1x16xi32>,
      %swap3A_157 = vector.shape_cast %swap3A_156 : vector<1x16xi32> to vector<16xi32>
      %swap3A_158 = vector.shape_cast %add3A_152 : vector<16xi32> to vector<1x16xi32>
      tpu.vector_store %arg9[%swap3A_154, %swap3A_155], %swap3A_158 {strides = array<i32>} : memref<4x64xi32, #tpu.memory_space<vmem>>, vector<1x16xi32>,
      %get3A_159 = arith.constant 176 : index
      %get3A_160 = tpu.vector_load %arg7[%get3A_159] {strides = array<i32>} : memref<2048xi32, #tpu.memory_space<vmem>>, vector<16xi32>,
      %get3A_161 = vector.shape_cast %get3A_160 : vector<16xi32> to vector<16xi32>
      %mul3A_162 = arith.constant 10000 : i32
      %mul3A_163 = arith.muli %add3A_0, %mul3A_162 : i32
      %add3A_164 = vector.broadcast %mul3A_163 : i32 to vector<16xi32>
      %add3A_165 = arith.addi %add3A_164, %get3A_161 : vector<16xi32>
      %swap3A_166 = arith.constant 2 : i32
      %swap3A_167 = arith.index_cast %swap3A_166 : i32 to index
      %swap3A_168 = arith.constant 48 : index
      %swap3A_169 = tpu.vector_load %arg9[%swap3A_167, %swap3A_168] {strides = array<i32>} : memref<4x64xi32, #tpu.memory_space<vmem>>, vector<1x16xi32>,
      %swap3A_170 = vector.shape_cast %swap3A_169 : vector<1x16xi32> to vector<16xi32>
      %swap3A_171 = vector.shape_cast %add3A_165 : vector<16xi32> to vector<1x16xi32>
      tpu.vector_store %arg9[%swap3A_167, %swap3A_168], %swap3A_171 {strides = array<i32>} : memref<4x64xi32, #tpu.memory_space<vmem>>, vector<1x16xi32>,
      %get3A_172 = arith.constant 192 : index
      %get3A_173 = tpu.vector_load %arg7[%get3A_172] {strides = array<i32>} : memref<2048xi32, #tpu.memory_space<vmem>>, vector<16xi32>,
      %get3A_174 = vector.shape_cast %get3A_173 : vector<16xi32> to vector<16xi32>
      %mul3A_175 = arith.constant 10000 : i32
      %mul3A_176 = arith.muli %add3A_0, %mul3A_175 : i32
      %add3A_177 = vector.broadcast %mul3A_176 : i32 to vector<16xi32>
      %add3A_178 = arith.addi %add3A_177, %get3A_174 : vector<16xi32>
      %swap3A_179 = arith.constant 3 : i32
      %swap3A_180 = arith.index_cast %swap3A_179 : i32 to index
      %swap3A_181 = arith.constant 0 : index
      %swap3A_182 = tpu.vector_load %arg9[%swap3A_180, %swap3A_181] {strides = array<i32>} : memref<4x64xi32, #tpu.memory_space<vmem>>, vector<1x16xi32>,
      %swap3A_183 = vector.shape_cast %swap3A_182 : vector<1x16xi32> to vector<16xi32>
      %swap3A_184 = vector.shape_cast %add3A_178 : vector<16xi32> to vector<1x16xi32>
      tpu.vector_store %arg9[%swap3A_180, %swap3A_181], %swap3A_184 {strides = array<i32>} : memref<4x64xi32, #tpu.memory_space<vmem>>, vector<1x16xi32>,
      %get3A_185 = arith.constant 208 : index
      %get3A_186 = tpu.vector_load %arg7[%get3A_185] {strides = array<i32>} : memref<2048xi32, #tpu.memory_space<vmem>>, vector<16xi32>,
      %get3A_187 = vector.shape_cast %get3A_186 : vector<16xi32> to vector<16xi32>
      %mul3A_188 = arith.constant 10000 : i32
      %mul3A_189 = arith.muli %add3A_0, %mul3A_188 : i32
      %add3A_190 = vector.broadcast %mul3A_189 : i32 to vector<16xi32>
      %add3A_191 = arith.addi %add3A_190, %get3A_187 : vector<16xi32>
      %swap3A_192 = arith.constant 3 : i32
      %swap3A_193 = arith.index_cast %swap3A_192 : i32 to index
      %swap3A_194 = arith.constant 16 : index
      %swap3A_195 = tpu.vector_load %arg9[%swap3A_193, %swap3A_194] {strides = array<i32>} : memref<4x64xi32, #tpu.memory_space<vmem>>, vector<1x16xi32>,
      %swap3A_196 = vector.shape_cast %swap3A_195 : vector<1x16xi32> to vector<16xi32>
      %swap3A_197 = vector.shape_cast %add3A_191 : vector<16xi32> to vector<1x16xi32>
      tpu.vector_store %arg9[%swap3A_193, %swap3A_194], %swap3A_197 {strides = array<i32>} : memref<4x64xi32, #tpu.memory_space<vmem>>, vector<1x16xi32>,
      %get3A_198 = arith.constant 224 : index
      %get3A_199 = tpu.vector_load %arg7[%get3A_198] {strides = array<i32>} : memref<2048xi32, #tpu.memory_space<vmem>>, vector<16xi32>,
      %get3A_200 = vector.shape_cast %get3A_199 : vector<16xi32> to vector<16xi32>
      %mul3A_201 = arith.constant 10000 : i32
      %mul3A_202 = arith.muli %add3A_0, %mul3A_201 : i32
      %add3A_203 = vector.broadcast %mul3A_202 : i32 to vector<16xi32>
      %add3A_204 = arith.addi %add3A_203, %get3A_200 : vector<16xi32>
      %swap3A_205 = arith.constant 3 : i32
      %swap3A_206 = arith.index_cast %swap3A_205 : i32 to index
      %swap3A_207 = arith.constant 32 : index
      %swap3A_208 = tpu.vector_load %arg9[%swap3A_206, %swap3A_207] {strides = array<i32>} : memref<4x64xi32, #tpu.memory_space<vmem>>, vector<1x16xi32>,
      %swap3A_209 = vector.shape_cast %swap3A_208 : vector<1x16xi32> to vector<16xi32>
      %swap3A_210 = vector.shape_cast %add3A_204 : vector<16xi32> to vector<1x16xi32>
      tpu.vector_store %arg9[%swap3A_206, %swap3A_207], %swap3A_210 {strides = array<i32>} : memref<4x64xi32, #tpu.memory_space<vmem>>, vector<1x16xi32>,
      %get3A_211 = arith.constant 240 : index
      %get3A_212 = tpu.vector_load %arg7[%get3A_211] {strides = array<i32>} : memref<2048xi32, #tpu.memory_space<vmem>>, vector<16xi32>,
      %get3A_213 = vector.shape_cast %get3A_212 : vector<16xi32> to vector<16xi32>
      %mul3A_214 = arith.constant 10000 : i32
      %mul3A_215 = arith.muli %add3A_0, %mul3A_214 : i32
      %add3A_216 = vector.broadcast %mul3A_215 : i32 to vector<16xi32>
      %add3A_217 = arith.addi %add3A_216, %get3A_213 : vector<16xi32>
      %swap3A_218 = arith.constant 3 : i32
      %swap3A_219 = arith.index_cast %swap3A_218 : i32 to index
      %swap3A_220 = arith.constant 48 : index
      %swap3A_221 = tpu.vector_load %arg9[%swap3A_219, %swap3A_220] {strides = array<i32>} : memref<4x64xi32, #tpu.memory_space<vmem>>, vector<1x16xi32>,
      %swap3A_222 = vector.shape_cast %swap3A_221 : vector<1x16xi32> to vector<16xi32>
      %swap3A_223 = vector.shape_cast %add3A_217 : vector<16xi32> to vector<1x16xi32>
      tpu.vector_store %arg9[%swap3A_219, %swap3A_220], %swap3A_223 {strides = array<i32>} : memref<4x64xi32, #tpu.memory_space<vmem>>, vector<1x16xi32>,
      %dma_start3A = arith.constant 0 : i32
      %dma_start3A_224 = arith.constant 0 : i32
      %dma_start3A_225 = arith.constant 0 : i32
      %dma_start3A_226 = tpu.memref_slice %arg11[%dma_start3A_224, %dma_start3A_225] : memref<256x128xf32, #tpu.memory_space<vmem>> -> memref<64x128xf32, #tpu.memory_space<vmem>>
      %dma_start3A_227 = arith.constant 0 : i32
      %dma_start3A_228 = tpu.memref_slice %arg9[%dma_start3A, %dma_start3A_227] : memref<4x64xi32, #tpu.memory_space<vmem>> -> memref<1x64xi32, #tpu.memory_space<vmem>>
      %dma_start3A_229 = tpu.memref_squeeze %dma_start3A_228 : memref<1x64xi32, #tpu.memory_space<vmem>> -> memref<64xi32, #tpu.memory_space<vmem>>
      %dma_start3A_230 = arith.constant 0 : i32
      %dma_start3A_231 = arith.constant 0 : i32
      %dma_start3A_232 = tpu.memref_slice %arg2[%dma_start3A_230, %dma_start3A_231] : memref<40000x128xf32, #tpu.memory_space<hbm>> -> memref<40000x128xf32, #tpu.memory_space<hbm>>
      tpu.enqueue_indirect_dma source(%dma_start3A_232 : memref<40000x128xf32, #tpu.memory_space<hbm>>) target(%dma_start3A_226 : memref<64x128xf32, #tpu.memory_space<vmem>>) offsets(%dma_start3A_229 : memref<64xi32, #tpu.memory_space<vmem>>) semaphore(%arg13 : memref<!tpu.dma_semaphore, #tpu.memory_space<semaphore_mem>>)
      %dma_start3A_233 = arith.constant 1 : i32
      %dma_start3A_234 = arith.constant 64 : i32
      %dma_start3A_235 = arith.constant 0 : i32
      %dma_start3A_236 = tpu.memref_slice %arg11[%dma_start3A_234, %dma_start3A_235] : memref<256x128xf32, #tpu.memory_space<vmem>> -> memref<64x128xf32, #tpu.memory_space<vmem>>
      %dma_start3A_237 = arith.constant 0 : i32
      %dma_start3A_238 = tpu.memref_slice %arg9[%dma_start3A_233, %dma_start3A_237] : memref<4x64xi32, #tpu.memory_space<vmem>> -> memref<1x64xi32, #tpu.memory_space<vmem>>
      %dma_start3A_239 = tpu.memref_squeeze %dma_start3A_238 : memref<1x64xi32, #tpu.memory_space<vmem>> -> memref<64xi32, #tpu.memory_space<vmem>>
      %dma_start3A_240 = arith.constant 0 : i32
      %dma_start3A_241 = arith.constant 0 : i32
      %dma_start3A_242 = tpu.memref_slice %arg2[%dma_start3A_240, %dma_start3A_241] : memref<40000x128xf32, #tpu.memory_space<hbm>> -> memref<40000x128xf32, #tpu.memory_space<hbm>>
      tpu.enqueue_indirect_dma source(%dma_start3A_242 : memref<40000x128xf32, #tpu.memory_space<hbm>>) target(%dma_start3A_236 : memref<64x128xf32, #tpu.memory_space<vmem>>) offsets(%dma_start3A_239 : memref<64xi32, #tpu.memory_space<vmem>>) semaphore(%arg14 : memref<!tpu.dma_semaphore, #tpu.memory_space<semaphore_mem>>)
      %dma_start3A_243 = arith.constant 2 : i32
      %dma_start3A_244 = arith.constant 128 : i32
      %dma_start3A_245 = arith.constant 0 : i32
      %dma_start3A_246 = tpu.memref_slice %arg11[%dma_start3A_244, %dma_start3A_245] : memref<256x128xf32, #tpu.memory_space<vmem>> -> memref<64x128xf32, #tpu.memory_space<vmem>>
      %dma_start3A_247 = arith.constant 0 : i32
      %dma_start3A_248 = tpu.memref_slice %arg9[%dma_start3A_243, %dma_start3A_247] : memref<4x64xi32, #tpu.memory_space<vmem>> -> memref<1x64xi32, #tpu.memory_space<vmem>>
      %dma_start3A_249 = tpu.memref_squeeze %dma_start3A_248 : memref<1x64xi32, #tpu.memory_space<vmem>> -> memref<64xi32, #tpu.memory_space<vmem>>
      %dma_start3A_250 = arith.constant 0 : i32
      %dma_start3A_251 = arith.constant 0 : i32
      %dma_start3A_252 = tpu.memref_slice %arg2[%dma_start3A_250, %dma_start3A_251] : memref<40000x128xf32, #tpu.memory_space<hbm>> -> memref<40000x128xf32, #tpu.memory_space<hbm>>
      tpu.enqueue_indirect_dma source(%dma_start3A_252 : memref<40000x128xf32, #tpu.memory_space<hbm>>) target(%dma_start3A_246 : memref<64x128xf32, #tpu.memory_space<vmem>>) offsets(%dma_start3A_249 : memref<64xi32, #tpu.memory_space<vmem>>) semaphore(%arg15 : memref<!tpu.dma_semaphore, #tpu.memory_space<semaphore_mem>>)
      %dma_start3A_253 = arith.constant 3 : i32
      %dma_start3A_254 = arith.constant 192 : i32
      %dma_start3A_255 = arith.constant 0 : i32
      %dma_start3A_256 = tpu.memref_slice %arg11[%dma_start3A_254, %dma_start3A_255] : memref<256x128xf32, #tpu.memory_space<vmem>> -> memref<64x128xf32, #tpu.memory_space<vmem>>
      %dma_start3A_257 = arith.constant 0 : i32
      %dma_start3A_258 = tpu.memref_slice %arg9[%dma_start3A_253, %dma_start3A_257] : memref<4x64xi32, #tpu.memory_space<vmem>> -> memref<1x64xi32, #tpu.memory_space<vmem>>
      %dma_start3A_259 = tpu.memref_squeeze %dma_start3A_258 : memref<1x64xi32, #tpu.memory_space<vmem>> -> memref<64xi32, #tpu.memory_space<vmem>>
      %dma_start3A_260 = arith.constant 0 : i32
      %dma_start3A_261 = arith.constant 0 : i32
      %dma_start3A_262 = tpu.memref_slice %arg2[%dma_start3A_260, %dma_start3A_261] : memref<40000x128xf32, #tpu.memory_space<hbm>> -> memref<40000x128xf32, #tpu.memory_space<hbm>>
      tpu.enqueue_indirect_dma source(%dma_start3A_262 : memref<40000x128xf32, #tpu.memory_space<hbm>>) target(%dma_start3A_256 : memref<64x128xf32, #tpu.memory_space<vmem>>) offsets(%dma_start3A_259 : memref<64xi32, #tpu.memory_space<vmem>>) semaphore(%arg16 : memref<!tpu.dma_semaphore, #tpu.memory_space<semaphore_mem>>)
      %scan3A_263 = arith.constant 0 : i32
      %scan3A_264 = arith.constant 0 : i32
      %scan3A_265 = arith.constant 7 : i32
      %scan3A_266 = arith.addi %scan3A_264, %scan3A_265 : i32
      %scan3A_267 = arith.constant 1 : i32
      scf.for %scan3A_420 = %scan3A_264 to %scan3A_266 step %scan3A_267  : i32 {
        %mul3A_421 = arith.constant 4 : i32
        %mul3A_422 = arith.muli %mul3A_421, %scan3A_420 : i32
        %add3A_423 = arith.constant 0 : i32
        %add3A_424 = arith.addi %mul3A_422, %add3A_423 : i32
        %dma_wait3A_425 = arith.constant 0 : i32
        %dma_wait3A_426 = arith.constant 0 : i32
        %dma_wait3A_427 = arith.constant 0 : i32
        %dma_wait3A_428 = tpu.memref_slice %arg11[%dma_wait3A_426, %dma_wait3A_427] : memref<256x128xf32, #tpu.memory_space<vmem>> -> memref<64x128xf32, #tpu.memory_space<vmem>>
        %dma_wait3A_429 = arith.constant 0 : i32
        %dma_wait3A_430 = tpu.memref_slice %arg9[%dma_wait3A_425, %dma_wait3A_429] : memref<4x64xi32, #tpu.memory_space<vmem>> -> memref<1x64xi32, #tpu.memory_space<vmem>>
        %dma_wait3A_431 = tpu.memref_squeeze %dma_wait3A_430 : memref<1x64xi32, #tpu.memory_space<vmem>> -> memref<64xi32, #tpu.memory_space<vmem>>
        %dma_wait3A_432 = arith.constant 0 : i32
        %dma_wait3A_433 = arith.constant 0 : i32
        %dma_wait3A_434 = tpu.memref_slice %arg2[%dma_wait3A_432, %dma_wait3A_433] : memref<40000x128xf32, #tpu.memory_space<hbm>> -> memref<40000x128xf32, #tpu.memory_space<hbm>>
        tpu.wait_indirect_dma semaphore(%arg13 : memref<!tpu.dma_semaphore, #tpu.memory_space<semaphore_mem>>) src(%dma_wait3A_434 : memref<40000x128xf32, #tpu.memory_space<hbm>>) dst(%dma_wait3A_428 : memref<64x128xf32, #tpu.memory_space<vmem>>)
        %mul3A_435 = arith.constant 64 : i32
        %mul3A_436 = arith.muli %add3A_424, %mul3A_435 : i32
        %add3A_437 = arith.constant 0 : i32
        %add3A_438 = arith.addi %mul3A_436, %add3A_437 : i32
        %get3A_439 = arith.index_cast %add3A_438 : i32 to index
        %get3A_440 = tpu.vector_load %arg8[%get3A_439] {strides = array<i32>} : memref<2048xi32, #tpu.memory_space<vmem>>, vector<16xi32>,
        %get3A_441 = vector.shape_cast %get3A_440 : vector<16xi32> to vector<16xi32>
        %swap3A_442 = arith.constant 0 : index
        %swap3A_443 = tpu.vector_load %arg10[%swap3A_442] {strides = array<i32>} : memref<64xi32, #tpu.memory_space<vmem>>, vector<16xi32>,
        %swap3A_444 = vector.shape_cast %swap3A_443 : vector<16xi32> to vector<16xi32>
        %swap3A_445 = vector.shape_cast %get3A_441 : vector<16xi32> to vector<16xi32>
        tpu.vector_store %arg10[%swap3A_442], %swap3A_445 {strides = array<i32>} : memref<64xi32, #tpu.memory_space<vmem>>, vector<16xi32>,
        %mul3A_446 = arith.constant 64 : i32
        %mul3A_447 = arith.muli %add3A_424, %mul3A_446 : i32
        %add3A_448 = arith.constant 16 : i32
        %add3A_449 = arith.addi %mul3A_447, %add3A_448 : i32
        %get3A_450 = arith.index_cast %add3A_449 : i32 to index
        %get3A_451 = tpu.vector_load %arg8[%get3A_450] {strides = array<i32>} : memref<2048xi32, #tpu.memory_space<vmem>>, vector<16xi32>,
        %get3A_452 = vector.shape_cast %get3A_451 : vector<16xi32> to vector<16xi32>
        %swap3A_453 = arith.constant 16 : index
        %swap3A_454 = tpu.vector_load %arg10[%swap3A_453] {strides = array<i32>} : memref<64xi32, #tpu.memory_space<vmem>>, vector<16xi32>,
        %swap3A_455 = vector.shape_cast %swap3A_454 : vector<16xi32> to vector<16xi32>
        %swap3A_456 = vector.shape_cast %get3A_452 : vector<16xi32> to vector<16xi32>
        tpu.vector_store %arg10[%swap3A_453], %swap3A_456 {strides = array<i32>} : memref<64xi32, #tpu.memory_space<vmem>>, vector<16xi32>,
        %mul3A_457 = arith.constant 64 : i32
        %mul3A_458 = arith.muli %add3A_424, %mul3A_457 : i32
        %add3A_459 = arith.constant 32 : i32
        %add3A_460 = arith.addi %mul3A_458, %add3A_459 : i32
        %get3A_461 = arith.index_cast %add3A_460 : i32 to index
        %get3A_462 = tpu.vector_load %arg8[%get3A_461] {strides = array<i32>} : memref<2048xi32, #tpu.memory_space<vmem>>, vector<16xi32>,
        %get3A_463 = vector.shape_cast %get3A_462 : vector<16xi32> to vector<16xi32>
        %swap3A_464 = arith.constant 32 : index
        %swap3A_465 = tpu.vector_load %arg10[%swap3A_464] {strides = array<i32>} : memref<64xi32, #tpu.memory_space<vmem>>, vector<16xi32>,
        %swap3A_466 = vector.shape_cast %swap3A_465 : vector<16xi32> to vector<16xi32>
        %swap3A_467 = vector.shape_cast %get3A_463 : vector<16xi32> to vector<16xi32>
        tpu.vector_store %arg10[%swap3A_464], %swap3A_467 {strides = array<i32>} : memref<64xi32, #tpu.memory_space<vmem>>, vector<16xi32>,
        %mul3A_468 = arith.constant 64 : i32
        %mul3A_469 = arith.muli %add3A_424, %mul3A_468 : i32
        %add3A_470 = arith.constant 48 : i32
        %add3A_471 = arith.addi %mul3A_469, %add3A_470 : i32
        %get3A_472 = arith.index_cast %add3A_471 : i32 to index
        %get3A_473 = tpu.vector_load %arg8[%get3A_472] {strides = array<i32>} : memref<2048xi32, #tpu.memory_space<vmem>>, vector<16xi32>,
        %get3A_474 = vector.shape_cast %get3A_473 : vector<16xi32> to vector<16xi32>
        %swap3A_475 = arith.constant 48 : index
        %swap3A_476 = tpu.vector_load %arg10[%swap3A_475] {strides = array<i32>} : memref<64xi32, #tpu.memory_space<vmem>>, vector<16xi32>,
        %swap3A_477 = vector.shape_cast %swap3A_476 : vector<16xi32> to vector<16xi32>
        %swap3A_478 = vector.shape_cast %get3A_474 : vector<16xi32> to vector<16xi32>
        tpu.vector_store %arg10[%swap3A_475], %swap3A_478 {strides = array<i32>} : memref<64xi32, #tpu.memory_space<vmem>>, vector<16xi32>,
        "tpu.region"() ({
          %run_scoped3A = tpu.sem_alloc : memref<!tpu.dma_semaphore, #tpu.memory_space<semaphore_mem>>
          %dma_start3A_973 = arith.constant 0 : i32
          %dma_start3A_974 = arith.constant 0 : i32
          %dma_start3A_975 = tpu.memref_slice %arg11[%dma_start3A_973, %dma_start3A_974] : memref<256x128xf32, #tpu.memory_space<vmem>> -> memref<64x128xf32, #tpu.memory_space<vmem>>
          %dma_start3A_976 = arith.constant 0 : i32
          %dma_start3A_977 = arith.constant 0 : i32
          %dma_start3A_978 = tpu.memref_slice %arg12[%dma_start3A_976, %dma_start3A_977] : memref<10368x128xf32, #tpu.memory_space<vmem_shared>> -> memref<10368x128xf32, #tpu.memory_space<vmem_shared>>
          tpu.enqueue_indirect_dma source(%dma_start3A_975 : memref<64x128xf32, #tpu.memory_space<vmem>>) target(%dma_start3A_978 : memref<10368x128xf32, #tpu.memory_space<vmem_shared>>) offsets(%arg10 : memref<64xi32, #tpu.memory_space<vmem>>) semaphore(%run_scoped3A : memref<!tpu.dma_semaphore, #tpu.memory_space<semaphore_mem>>) {add = true}
          %dma_wait3A_979 = arith.constant 0 : i32
          %dma_wait3A_980 = arith.constant 0 : i32
          %dma_wait3A_981 = tpu.memref_slice %arg11[%dma_wait3A_979, %dma_wait3A_980] : memref<256x128xf32, #tpu.memory_space<vmem>> -> memref<64x128xf32, #tpu.memory_space<vmem>>
          %dma_wait3A_982 = arith.constant 0 : i32
          %dma_wait3A_983 = arith.constant 0 : i32
          %dma_wait3A_984 = tpu.memref_slice %arg12[%dma_wait3A_982, %dma_wait3A_983] : memref<10368x128xf32, #tpu.memory_space<vmem_shared>> -> memref<10368x128xf32, #tpu.memory_space<vmem_shared>>
          tpu.wait_indirect_dma semaphore(%run_scoped3A : memref<!tpu.dma_semaphore, #tpu.memory_space<semaphore_mem>>) src(%dma_wait3A_981 : memref<64x128xf32, #tpu.memory_space<vmem>>) dst(%dma_wait3A_984 : memref<10368x128xf32, #tpu.memory_space<vmem_shared>>)
          tpu.yield
        }) : () -> ()
        %add3A_479 = arith.constant 4 : i32
        %add3A_480 = arith.addi %add3A_424, %add3A_479 : i32
        %mul3A_481 = arith.constant 64 : i32
        %mul3A_482 = arith.muli %add3A_480, %mul3A_481 : i32
        %add3A_483 = arith.constant 0 : i32
        %add3A_484 = arith.addi %mul3A_482, %add3A_483 : i32
        %get3A_485 = arith.index_cast %add3A_484 : i32 to index
        %get3A_486 = tpu.vector_load %arg7[%get3A_485] {strides = array<i32>} : memref<2048xi32, #tpu.memory_space<vmem>>, vector<16xi32>,
        %get3A_487 = vector.shape_cast %get3A_486 : vector<16xi32> to vector<16xi32>
        %mul3A_488 = arith.constant 10000 : i32
        %mul3A_489 = arith.muli %add3A_0, %mul3A_488 : i32
        %add3A_490 = vector.broadcast %mul3A_489 : i32 to vector<16xi32>
        %add3A_491 = arith.addi %add3A_490, %get3A_487 : vector<16xi32>
        %swap3A_492 = arith.constant 0 : i32
        %swap3A_493 = arith.index_cast %swap3A_492 : i32 to index
        %swap3A_494 = arith.constant 0 : index
        %swap3A_495 = tpu.vector_load %arg9[%swap3A_493, %swap3A_494] {strides = array<i32>} : memref<4x64xi32, #tpu.memory_space<vmem>>, vector<1x16xi32>,
        %swap3A_496 = vector.shape_cast %swap3A_495 : vector<1x16xi32> to vector<16xi32>
        %swap3A_497 = vector.shape_cast %add3A_491 : vector<16xi32> to vector<1x16xi32>
        tpu.vector_store %arg9[%swap3A_493, %swap3A_494], %swap3A_497 {strides = array<i32>} : memref<4x64xi32, #tpu.memory_space<vmem>>, vector<1x16xi32>,
        %mul3A_498 = arith.constant 64 : i32
        %mul3A_499 = arith.muli %add3A_480, %mul3A_498 : i32
        %add3A_500 = arith.constant 16 : i32
        %add3A_501 = arith.addi %mul3A_499, %add3A_500 : i32
        %get3A_502 = arith.index_cast %add3A_501 : i32 to index
        %get3A_503 = tpu.vector_load %arg7[%get3A_502] {strides = array<i32>} : memref<2048xi32, #tpu.memory_space<vmem>>, vector<16xi32>,
        %get3A_504 = vector.shape_cast %get3A_503 : vector<16xi32> to vector<16xi32>
        %mul3A_505 = arith.constant 10000 : i32
        %mul3A_506 = arith.muli %add3A_0, %mul3A_505 : i32
        %add3A_507 = vector.broadcast %mul3A_506 : i32 to vector<16xi32>
        %add3A_508 = arith.addi %add3A_507, %get3A_504 : vector<16xi32>
        %swap3A_509 = arith.constant 0 : i32
        %swap3A_510 = arith.index_cast %swap3A_509 : i32 to index
        %swap3A_511 = arith.constant 16 : index
        %swap3A_512 = tpu.vector_load %arg9[%swap3A_510, %swap3A_511] {strides = array<i32>} : memref<4x64xi32, #tpu.memory_space<vmem>>, vector<1x16xi32>,
        %swap3A_513 = vector.shape_cast %swap3A_512 : vector<1x16xi32> to vector<16xi32>
        %swap3A_514 = vector.shape_cast %add3A_508 : vector<16xi32> to vector<1x16xi32>
        tpu.vector_store %arg9[%swap3A_510, %swap3A_511], %swap3A_514 {strides = array<i32>} : memref<4x64xi32, #tpu.memory_space<vmem>>, vector<1x16xi32>,
        %mul3A_515 = arith.constant 64 : i32
        %mul3A_516 = arith.muli %add3A_480, %mul3A_515 : i32
        %add3A_517 = arith.constant 32 : i32
        %add3A_518 = arith.addi %mul3A_516, %add3A_517 : i32
        %get3A_519 = arith.index_cast %add3A_518 : i32 to index
        %get3A_520 = tpu.vector_load %arg7[%get3A_519] {strides = array<i32>} : memref<2048xi32, #tpu.memory_space<vmem>>, vector<16xi32>,
        %get3A_521 = vector.shape_cast %get3A_520 : vector<16xi32> to vector<16xi32>
        %mul3A_522 = arith.constant 10000 : i32
        %mul3A_523 = arith.muli %add3A_0, %mul3A_522 : i32
        %add3A_524 = vector.broadcast %mul3A_523 : i32 to vector<16xi32>
        %add3A_525 = arith.addi %add3A_524, %get3A_521 : vector<16xi32>
        %swap3A_526 = arith.constant 0 : i32
        %swap3A_527 = arith.index_cast %swap3A_526 : i32 to index
        %swap3A_528 = arith.constant 32 : index
        %swap3A_529 = tpu.vector_load %arg9[%swap3A_527, %swap3A_528] {strides = array<i32>} : memref<4x64xi32, #tpu.memory_space<vmem>>, vector<1x16xi32>,
        %swap3A_530 = vector.shape_cast %swap3A_529 : vector<1x16xi32> to vector<16xi32>
        %swap3A_531 = vector.shape_cast %add3A_525 : vector<16xi32> to vector<1x16xi32>
        tpu.vector_store %arg9[%swap3A_527, %swap3A_528], %swap3A_531 {strides = array<i32>} : memref<4x64xi32, #tpu.memory_space<vmem>>, vector<1x16xi32>,
        %mul3A_532 = arith.constant 64 : i32
        %mul3A_533 = arith.muli %add3A_480, %mul3A_532 : i32
        %add3A_534 = arith.constant 48 : i32
        %add3A_535 = arith.addi %mul3A_533, %add3A_534 : i32
        %get3A_536 = arith.index_cast %add3A_535 : i32 to index
        %get3A_537 = tpu.vector_load %arg7[%get3A_536] {strides = array<i32>} : memref<2048xi32, #tpu.memory_space<vmem>>, vector<16xi32>,
        %get3A_538 = vector.shape_cast %get3A_537 : vector<16xi32> to vector<16xi32>
        %mul3A_539 = arith.constant 10000 : i32
        %mul3A_540 = arith.muli %add3A_0, %mul3A_539 : i32
        %add3A_541 = vector.broadcast %mul3A_540 : i32 to vector<16xi32>
        %add3A_542 = arith.addi %add3A_541, %get3A_538 : vector<16xi32>
        %swap3A_543 = arith.constant 0 : i32
        %swap3A_544 = arith.index_cast %swap3A_543 : i32 to index
        %swap3A_545 = arith.constant 48 : index
        %swap3A_546 = tpu.vector_load %arg9[%swap3A_544, %swap3A_545] {strides = array<i32>} : memref<4x64xi32, #tpu.memory_space<vmem>>, vector<1x16xi32>,
        %swap3A_547 = vector.shape_cast %swap3A_546 : vector<1x16xi32> to vector<16xi32>
        %swap3A_548 = vector.shape_cast %add3A_542 : vector<16xi32> to vector<1x16xi32>
        tpu.vector_store %arg9[%swap3A_544, %swap3A_545], %swap3A_548 {strides = array<i32>} : memref<4x64xi32, #tpu.memory_space<vmem>>, vector<1x16xi32>,
        %dma_start3A_549 = arith.constant 0 : i32
        %dma_start3A_550 = arith.constant 0 : i32
        %dma_start3A_551 = arith.constant 0 : i32
        %dma_start3A_552 = tpu.memref_slice %arg11[%dma_start3A_550, %dma_start3A_551] : memref<256x128xf32, #tpu.memory_space<vmem>> -> memref<64x128xf32, #tpu.memory_space<vmem>>
        %dma_start3A_553 = arith.constant 0 : i32
        %dma_start3A_554 = tpu.memref_slice %arg9[%dma_start3A_549, %dma_start3A_553] : memref<4x64xi32, #tpu.memory_space<vmem>> -> memref<1x64xi32, #tpu.memory_space<vmem>>
        %dma_start3A_555 = tpu.memref_squeeze %dma_start3A_554 : memref<1x64xi32, #tpu.memory_space<vmem>> -> memref<64xi32, #tpu.memory_space<vmem>>
        %dma_start3A_556 = arith.constant 0 : i32
        %dma_start3A_557 = arith.constant 0 : i32
        %dma_start3A_558 = tpu.memref_slice %arg2[%dma_start3A_556, %dma_start3A_557] : memref<40000x128xf32, #tpu.memory_space<hbm>> -> memref<40000x128xf32, #tpu.memory_space<hbm>>
        tpu.enqueue_indirect_dma source(%dma_start3A_558 : memref<40000x128xf32, #tpu.memory_space<hbm>>) target(%dma_start3A_552 : memref<64x128xf32, #tpu.memory_space<vmem>>) offsets(%dma_start3A_555 : memref<64xi32, #tpu.memory_space<vmem>>) semaphore(%arg13 : memref<!tpu.dma_semaphore, #tpu.memory_space<semaphore_mem>>)
        %mul3A_559 = arith.constant 4 : i32
        %mul3A_560 = arith.muli %mul3A_559, %scan3A_420 : i32
        %add3A_561 = arith.constant 1 : i32
        %add3A_562 = arith.addi %mul3A_560, %add3A_561 : i32
        %dma_wait3A_563 = arith.constant 1 : i32
        %dma_wait3A_564 = arith.constant 64 : i32
        %dma_wait3A_565 = arith.constant 0 : i32
        %dma_wait3A_566 = tpu.memref_slice %arg11[%dma_wait3A_564, %dma_wait3A_565] : memref<256x128xf32, #tpu.memory_space<vmem>> -> memref<64x128xf32, #tpu.memory_space<vmem>>
        %dma_wait3A_567 = arith.constant 0 : i32
        %dma_wait3A_568 = tpu.memref_slice %arg9[%dma_wait3A_563, %dma_wait3A_567] : memref<4x64xi32, #tpu.memory_space<vmem>> -> memref<1x64xi32, #tpu.memory_space<vmem>>
        %dma_wait3A_569 = tpu.memref_squeeze %dma_wait3A_568 : memref<1x64xi32, #tpu.memory_space<vmem>> -> memref<64xi32, #tpu.memory_space<vmem>>
        %dma_wait3A_570 = arith.constant 0 : i32
        %dma_wait3A_571 = arith.constant 0 : i32
        %dma_wait3A_572 = tpu.memref_slice %arg2[%dma_wait3A_570, %dma_wait3A_571] : memref<40000x128xf32, #tpu.memory_space<hbm>> -> memref<40000x128xf32, #tpu.memory_space<hbm>>
        tpu.wait_indirect_dma semaphore(%arg14 : memref<!tpu.dma_semaphore, #tpu.memory_space<semaphore_mem>>) src(%dma_wait3A_572 : memref<40000x128xf32, #tpu.memory_space<hbm>>) dst(%dma_wait3A_566 : memref<64x128xf32, #tpu.memory_space<vmem>>)
        %mul3A_573 = arith.constant 64 : i32
        %mul3A_574 = arith.muli %add3A_562, %mul3A_573 : i32
        %add3A_575 = arith.constant 0 : i32
        %add3A_576 = arith.addi %mul3A_574, %add3A_575 : i32
        %get3A_577 = arith.index_cast %add3A_576 : i32 to index
        %get3A_578 = tpu.vector_load %arg8[%get3A_577] {strides = array<i32>} : memref<2048xi32, #tpu.memory_space<vmem>>, vector<16xi32>,
        %get3A_579 = vector.shape_cast %get3A_578 : vector<16xi32> to vector<16xi32>
        %swap3A_580 = arith.constant 0 : index
        %swap3A_581 = tpu.vector_load %arg10[%swap3A_580] {strides = array<i32>} : memref<64xi32, #tpu.memory_space<vmem>>, vector<16xi32>,
        %swap3A_582 = vector.shape_cast %swap3A_581 : vector<16xi32> to vector<16xi32>
        %swap3A_583 = vector.shape_cast %get3A_579 : vector<16xi32> to vector<16xi32>
        tpu.vector_store %arg10[%swap3A_580], %swap3A_583 {strides = array<i32>} : memref<64xi32, #tpu.memory_space<vmem>>, vector<16xi32>,
        %mul3A_584 = arith.constant 64 : i32
        %mul3A_585 = arith.muli %add3A_562, %mul3A_584 : i32
        %add3A_586 = arith.constant 16 : i32
        %add3A_587 = arith.addi %mul3A_585, %add3A_586 : i32
        %get3A_588 = arith.index_cast %add3A_587 : i32 to index
        %get3A_589 = tpu.vector_load %arg8[%get3A_588] {strides = array<i32>} : memref<2048xi32, #tpu.memory_space<vmem>>, vector<16xi32>,
        %get3A_590 = vector.shape_cast %get3A_589 : vector<16xi32> to vector<16xi32>
        %swap3A_591 = arith.constant 16 : index
        %swap3A_592 = tpu.vector_load %arg10[%swap3A_591] {strides = array<i32>} : memref<64xi32, #tpu.memory_space<vmem>>, vector<16xi32>,
        %swap3A_593 = vector.shape_cast %swap3A_592 : vector<16xi32> to vector<16xi32>
        %swap3A_594 = vector.shape_cast %get3A_590 : vector<16xi32> to vector<16xi32>
        tpu.vector_store %arg10[%swap3A_591], %swap3A_594 {strides = array<i32>} : memref<64xi32, #tpu.memory_space<vmem>>, vector<16xi32>,
        %mul3A_595 = arith.constant 64 : i32
        %mul3A_596 = arith.muli %add3A_562, %mul3A_595 : i32
        %add3A_597 = arith.constant 32 : i32
        %add3A_598 = arith.addi %mul3A_596, %add3A_597 : i32
        %get3A_599 = arith.index_cast %add3A_598 : i32 to index
        %get3A_600 = tpu.vector_load %arg8[%get3A_599] {strides = array<i32>} : memref<2048xi32, #tpu.memory_space<vmem>>, vector<16xi32>,
        %get3A_601 = vector.shape_cast %get3A_600 : vector<16xi32> to vector<16xi32>
        %swap3A_602 = arith.constant 32 : index
        %swap3A_603 = tpu.vector_load %arg10[%swap3A_602] {strides = array<i32>} : memref<64xi32, #tpu.memory_space<vmem>>, vector<16xi32>,
        %swap3A_604 = vector.shape_cast %swap3A_603 : vector<16xi32> to vector<16xi32>
        %swap3A_605 = vector.shape_cast %get3A_601 : vector<16xi32> to vector<16xi32>
        tpu.vector_store %arg10[%swap3A_602], %swap3A_605 {strides = array<i32>} : memref<64xi32, #tpu.memory_space<vmem>>, vector<16xi32>,
        %mul3A_606 = arith.constant 64 : i32
        %mul3A_607 = arith.muli %add3A_562, %mul3A_606 : i32
        %add3A_608 = arith.constant 48 : i32
        %add3A_609 = arith.addi %mul3A_607, %add3A_608 : i32
        %get3A_610 = arith.index_cast %add3A_609 : i32 to index
        %get3A_611 = tpu.vector_load %arg8[%get3A_610] {strides = array<i32>} : memref<2048xi32, #tpu.memory_space<vmem>>, vector<16xi32>,
        %get3A_612 = vector.shape_cast %get3A_611 : vector<16xi32> to vector<16xi32>
        %swap3A_613 = arith.constant 48 : index
        %swap3A_614 = tpu.vector_load %arg10[%swap3A_613] {strides = array<i32>} : memref<64xi32, #tpu.memory_space<vmem>>, vector<16xi32>,
        %swap3A_615 = vector.shape_cast %swap3A_614 : vector<16xi32> to vector<16xi32>
        %swap3A_616 = vector.shape_cast %get3A_612 : vector<16xi32> to vector<16xi32>
        tpu.vector_store %arg10[%swap3A_613], %swap3A_616 {strides = array<i32>} : memref<64xi32, #tpu.memory_space<vmem>>, vector<16xi32>,
        "tpu.region"() ({
          %run_scoped3A = tpu.sem_alloc : memref<!tpu.dma_semaphore, #tpu.memory_space<semaphore_mem>>
          %dma_start3A_973 = arith.constant 64 : i32
          %dma_start3A_974 = arith.constant 0 : i32
          %dma_start3A_975 = tpu.memref_slice %arg11[%dma_start3A_973, %dma_start3A_974] : memref<256x128xf32, #tpu.memory_space<vmem>> -> memref<64x128xf32, #tpu.memory_space<vmem>>
          %dma_start3A_976 = arith.constant 0 : i32
          %dma_start3A_977 = arith.constant 0 : i32
          %dma_start3A_978 = tpu.memref_slice %arg12[%dma_start3A_976, %dma_start3A_977] : memref<10368x128xf32, #tpu.memory_space<vmem_shared>> -> memref<10368x128xf32, #tpu.memory_space<vmem_shared>>
          tpu.enqueue_indirect_dma source(%dma_start3A_975 : memref<64x128xf32, #tpu.memory_space<vmem>>) target(%dma_start3A_978 : memref<10368x128xf32, #tpu.memory_space<vmem_shared>>) offsets(%arg10 : memref<64xi32, #tpu.memory_space<vmem>>) semaphore(%run_scoped3A : memref<!tpu.dma_semaphore, #tpu.memory_space<semaphore_mem>>) {add = true}
          %dma_wait3A_979 = arith.constant 64 : i32
          %dma_wait3A_980 = arith.constant 0 : i32
          %dma_wait3A_981 = tpu.memref_slice %arg11[%dma_wait3A_979, %dma_wait3A_980] : memref<256x128xf32, #tpu.memory_space<vmem>> -> memref<64x128xf32, #tpu.memory_space<vmem>>
          %dma_wait3A_982 = arith.constant 0 : i32
          %dma_wait3A_983 = arith.constant 0 : i32
          %dma_wait3A_984 = tpu.memref_slice %arg12[%dma_wait3A_982, %dma_wait3A_983] : memref<10368x128xf32, #tpu.memory_space<vmem_shared>> -> memref<10368x128xf32, #tpu.memory_space<vmem_shared>>
          tpu.wait_indirect_dma semaphore(%run_scoped3A : memref<!tpu.dma_semaphore, #tpu.memory_space<semaphore_mem>>) src(%dma_wait3A_981 : memref<64x128xf32, #tpu.memory_space<vmem>>) dst(%dma_wait3A_984 : memref<10368x128xf32, #tpu.memory_space<vmem_shared>>)
          tpu.yield
        }) : () -> ()
        %add3A_617 = arith.constant 4 : i32
        %add3A_618 = arith.addi %add3A_562, %add3A_617 : i32
        %mul3A_619 = arith.constant 64 : i32
        %mul3A_620 = arith.muli %add3A_618, %mul3A_619 : i32
        %add3A_621 = arith.constant 0 : i32
        %add3A_622 = arith.addi %mul3A_620, %add3A_621 : i32
        %get3A_623 = arith.index_cast %add3A_622 : i32 to index
        %get3A_624 = tpu.vector_load %arg7[%get3A_623] {strides = array<i32>} : memref<2048xi32, #tpu.memory_space<vmem>>, vector<16xi32>,
        %get3A_625 = vector.shape_cast %get3A_624 : vector<16xi32> to vector<16xi32>
        %mul3A_626 = arith.constant 10000 : i32
        %mul3A_627 = arith.muli %add3A_0, %mul3A_626 : i32
        %add3A_628 = vector.broadcast %mul3A_627 : i32 to vector<16xi32>
        %add3A_629 = arith.addi %add3A_628, %get3A_625 : vector<16xi32>
        %swap3A_630 = arith.constant 1 : i32
        %swap3A_631 = arith.index_cast %swap3A_630 : i32 to index
        %swap3A_632 = arith.constant 0 : index
        %swap3A_633 = tpu.vector_load %arg9[%swap3A_631, %swap3A_632] {strides = array<i32>} : memref<4x64xi32, #tpu.memory_space<vmem>>, vector<1x16xi32>,
        %swap3A_634 = vector.shape_cast %swap3A_633 : vector<1x16xi32> to vector<16xi32>
        %swap3A_635 = vector.shape_cast %add3A_629 : vector<16xi32> to vector<1x16xi32>
        tpu.vector_store %arg9[%swap3A_631, %swap3A_632], %swap3A_635 {strides = array<i32>} : memref<4x64xi32, #tpu.memory_space<vmem>>, vector<1x16xi32>,
        %mul3A_636 = arith.constant 64 : i32
        %mul3A_637 = arith.muli %add3A_618, %mul3A_636 : i32
        %add3A_638 = arith.constant 16 : i32
        %add3A_639 = arith.addi %mul3A_637, %add3A_638 : i32
        %get3A_640 = arith.index_cast %add3A_639 : i32 to index
        %get3A_641 = tpu.vector_load %arg7[%get3A_640] {strides = array<i32>} : memref<2048xi32, #tpu.memory_space<vmem>>, vector<16xi32>,
        %get3A_642 = vector.shape_cast %get3A_641 : vector<16xi32> to vector<16xi32>
        %mul3A_643 = arith.constant 10000 : i32
        %mul3A_644 = arith.muli %add3A_0, %mul3A_643 : i32
        %add3A_645 = vector.broadcast %mul3A_644 : i32 to vector<16xi32>
        %add3A_646 = arith.addi %add3A_645, %get3A_642 : vector<16xi32>
        %swap3A_647 = arith.constant 1 : i32
        %swap3A_648 = arith.index_cast %swap3A_647 : i32 to index
        %swap3A_649 = arith.constant 16 : index
        %swap3A_650 = tpu.vector_load %arg9[%swap3A_648, %swap3A_649] {strides = array<i32>} : memref<4x64xi32, #tpu.memory_space<vmem>>, vector<1x16xi32>,
        %swap3A_651 = vector.shape_cast %swap3A_650 : vector<1x16xi32> to vector<16xi32>
        %swap3A_652 = vector.shape_cast %add3A_646 : vector<16xi32> to vector<1x16xi32>
        tpu.vector_store %arg9[%swap3A_648, %swap3A_649], %swap3A_652 {strides = array<i32>} : memref<4x64xi32, #tpu.memory_space<vmem>>, vector<1x16xi32>,
        %mul3A_653 = arith.constant 64 : i32
        %mul3A_654 = arith.muli %add3A_618, %mul3A_653 : i32
        %add3A_655 = arith.constant 32 : i32
        %add3A_656 = arith.addi %mul3A_654, %add3A_655 : i32
        %get3A_657 = arith.index_cast %add3A_656 : i32 to index
        %get3A_658 = tpu.vector_load %arg7[%get3A_657] {strides = array<i32>} : memref<2048xi32, #tpu.memory_space<vmem>>, vector<16xi32>,
        %get3A_659 = vector.shape_cast %get3A_658 : vector<16xi32> to vector<16xi32>
        %mul3A_660 = arith.constant 10000 : i32
        %mul3A_661 = arith.muli %add3A_0, %mul3A_660 : i32
        %add3A_662 = vector.broadcast %mul3A_661 : i32 to vector<16xi32>
        %add3A_663 = arith.addi %add3A_662, %get3A_659 : vector<16xi32>
        %swap3A_664 = arith.constant 1 : i32
        %swap3A_665 = arith.index_cast %swap3A_664 : i32 to index
        %swap3A_666 = arith.constant 32 : index
        %swap3A_667 = tpu.vector_load %arg9[%swap3A_665, %swap3A_666] {strides = array<i32>} : memref<4x64xi32, #tpu.memory_space<vmem>>, vector<1x16xi32>,
        %swap3A_668 = vector.shape_cast %swap3A_667 : vector<1x16xi32> to vector<16xi32>
        %swap3A_669 = vector.shape_cast %add3A_663 : vector<16xi32> to vector<1x16xi32>
        tpu.vector_store %arg9[%swap3A_665, %swap3A_666], %swap3A_669 {strides = array<i32>} : memref<4x64xi32, #tpu.memory_space<vmem>>, vector<1x16xi32>,
        %mul3A_670 = arith.constant 64 : i32
        %mul3A_671 = arith.muli %add3A_618, %mul3A_670 : i32
        %add3A_672 = arith.constant 48 : i32
        %add3A_673 = arith.addi %mul3A_671, %add3A_672 : i32
        %get3A_674 = arith.index_cast %add3A_673 : i32 to index
        %get3A_675 = tpu.vector_load %arg7[%get3A_674] {strides = array<i32>} : memref<2048xi32, #tpu.memory_space<vmem>>, vector<16xi32>,
        %get3A_676 = vector.shape_cast %get3A_675 : vector<16xi32> to vector<16xi32>
        %mul3A_677 = arith.constant 10000 : i32
        %mul3A_678 = arith.muli %add3A_0, %mul3A_677 : i32
        %add3A_679 = vector.broadcast %mul3A_678 : i32 to vector<16xi32>
        %add3A_680 = arith.addi %add3A_679, %get3A_676 : vector<16xi32>
        %swap3A_681 = arith.constant 1 : i32
        %swap3A_682 = arith.index_cast %swap3A_681 : i32 to index
        %swap3A_683 = arith.constant 48 : index
        %swap3A_684 = tpu.vector_load %arg9[%swap3A_682, %swap3A_683] {strides = array<i32>} : memref<4x64xi32, #tpu.memory_space<vmem>>, vector<1x16xi32>,
        %swap3A_685 = vector.shape_cast %swap3A_684 : vector<1x16xi32> to vector<16xi32>
        %swap3A_686 = vector.shape_cast %add3A_680 : vector<16xi32> to vector<1x16xi32>
        tpu.vector_store %arg9[%swap3A_682, %swap3A_683], %swap3A_686 {strides = array<i32>} : memref<4x64xi32, #tpu.memory_space<vmem>>, vector<1x16xi32>,
        %dma_start3A_687 = arith.constant 1 : i32
        %dma_start3A_688 = arith.constant 64 : i32
        %dma_start3A_689 = arith.constant 0 : i32
        %dma_start3A_690 = tpu.memref_slice %arg11[%dma_start3A_688, %dma_start3A_689] : memref<256x128xf32, #tpu.memory_space<vmem>> -> memref<64x128xf32, #tpu.memory_space<vmem>>
        %dma_start3A_691 = arith.constant 0 : i32
        %dma_start3A_692 = tpu.memref_slice %arg9[%dma_start3A_687, %dma_start3A_691] : memref<4x64xi32, #tpu.memory_space<vmem>> -> memref<1x64xi32, #tpu.memory_space<vmem>>
        %dma_start3A_693 = tpu.memref_squeeze %dma_start3A_692 : memref<1x64xi32, #tpu.memory_space<vmem>> -> memref<64xi32, #tpu.memory_space<vmem>>
        %dma_start3A_694 = arith.constant 0 : i32
        %dma_start3A_695 = arith.constant 0 : i32
        %dma_start3A_696 = tpu.memref_slice %arg2[%dma_start3A_694, %dma_start3A_695] : memref<40000x128xf32, #tpu.memory_space<hbm>> -> memref<40000x128xf32, #tpu.memory_space<hbm>>
        tpu.enqueue_indirect_dma source(%dma_start3A_696 : memref<40000x128xf32, #tpu.memory_space<hbm>>) target(%dma_start3A_690 : memref<64x128xf32, #tpu.memory_space<vmem>>) offsets(%dma_start3A_693 : memref<64xi32, #tpu.memory_space<vmem>>) semaphore(%arg14 : memref<!tpu.dma_semaphore, #tpu.memory_space<semaphore_mem>>)
        %mul3A_697 = arith.constant 4 : i32
        %mul3A_698 = arith.muli %mul3A_697, %scan3A_420 : i32
        %add3A_699 = arith.constant 2 : i32
        %add3A_700 = arith.addi %mul3A_698, %add3A_699 : i32
        %dma_wait3A_701 = arith.constant 2 : i32
        %dma_wait3A_702 = arith.constant 128 : i32
        %dma_wait3A_703 = arith.constant 0 : i32
        %dma_wait3A_704 = tpu.memref_slice %arg11[%dma_wait3A_702, %dma_wait3A_703] : memref<256x128xf32, #tpu.memory_space<vmem>> -> memref<64x128xf32, #tpu.memory_space<vmem>>
        %dma_wait3A_705 = arith.constant 0 : i32
        %dma_wait3A_706 = tpu.memref_slice %arg9[%dma_wait3A_701, %dma_wait3A_705] : memref<4x64xi32, #tpu.memory_space<vmem>> -> memref<1x64xi32, #tpu.memory_space<vmem>>
        %dma_wait3A_707 = tpu.memref_squeeze %dma_wait3A_706 : memref<1x64xi32, #tpu.memory_space<vmem>> -> memref<64xi32, #tpu.memory_space<vmem>>
        %dma_wait3A_708 = arith.constant 0 : i32
        %dma_wait3A_709 = arith.constant 0 : i32
        %dma_wait3A_710 = tpu.memref_slice %arg2[%dma_wait3A_708, %dma_wait3A_709] : memref<40000x128xf32, #tpu.memory_space<hbm>> -> memref<40000x128xf32, #tpu.memory_space<hbm>>
        tpu.wait_indirect_dma semaphore(%arg15 : memref<!tpu.dma_semaphore, #tpu.memory_space<semaphore_mem>>) src(%dma_wait3A_710 : memref<40000x128xf32, #tpu.memory_space<hbm>>) dst(%dma_wait3A_704 : memref<64x128xf32, #tpu.memory_space<vmem>>)
        %mul3A_711 = arith.constant 64 : i32
        %mul3A_712 = arith.muli %add3A_700, %mul3A_711 : i32
        %add3A_713 = arith.constant 0 : i32
        %add3A_714 = arith.addi %mul3A_712, %add3A_713 : i32
        %get3A_715 = arith.index_cast %add3A_714 : i32 to index
        %get3A_716 = tpu.vector_load %arg8[%get3A_715] {strides = array<i32>} : memref<2048xi32, #tpu.memory_space<vmem>>, vector<16xi32>,
        %get3A_717 = vector.shape_cast %get3A_716 : vector<16xi32> to vector<16xi32>
        %swap3A_718 = arith.constant 0 : index
        %swap3A_719 = tpu.vector_load %arg10[%swap3A_718] {strides = array<i32>} : memref<64xi32, #tpu.memory_space<vmem>>, vector<16xi32>,
        %swap3A_720 = vector.shape_cast %swap3A_719 : vector<16xi32> to vector<16xi32>
        %swap3A_721 = vector.shape_cast %get3A_717 : vector<16xi32> to vector<16xi32>
        tpu.vector_store %arg10[%swap3A_718], %swap3A_721 {strides = array<i32>} : memref<64xi32, #tpu.memory_space<vmem>>, vector<16xi32>,
        %mul3A_722 = arith.constant 64 : i32
        %mul3A_723 = arith.muli %add3A_700, %mul3A_722 : i32
        %add3A_724 = arith.constant 16 : i32
        %add3A_725 = arith.addi %mul3A_723, %add3A_724 : i32
        %get3A_726 = arith.index_cast %add3A_725 : i32 to index
        %get3A_727 = tpu.vector_load %arg8[%get3A_726] {strides = array<i32>} : memref<2048xi32, #tpu.memory_space<vmem>>, vector<16xi32>,
        %get3A_728 = vector.shape_cast %get3A_727 : vector<16xi32> to vector<16xi32>
        %swap3A_729 = arith.constant 16 : index
        %swap3A_730 = tpu.vector_load %arg10[%swap3A_729] {strides = array<i32>} : memref<64xi32, #tpu.memory_space<vmem>>, vector<16xi32>,
        %swap3A_731 = vector.shape_cast %swap3A_730 : vector<16xi32> to vector<16xi32>
        %swap3A_732 = vector.shape_cast %get3A_728 : vector<16xi32> to vector<16xi32>
        tpu.vector_store %arg10[%swap3A_729], %swap3A_732 {strides = array<i32>} : memref<64xi32, #tpu.memory_space<vmem>>, vector<16xi32>,
        %mul3A_733 = arith.constant 64 : i32
        %mul3A_734 = arith.muli %add3A_700, %mul3A_733 : i32
        %add3A_735 = arith.constant 32 : i32
        %add3A_736 = arith.addi %mul3A_734, %add3A_735 : i32
        %get3A_737 = arith.index_cast %add3A_736 : i32 to index
        %get3A_738 = tpu.vector_load %arg8[%get3A_737] {strides = array<i32>} : memref<2048xi32, #tpu.memory_space<vmem>>, vector<16xi32>,
        %get3A_739 = vector.shape_cast %get3A_738 : vector<16xi32> to vector<16xi32>
        %swap3A_740 = arith.constant 32 : index
        %swap3A_741 = tpu.vector_load %arg10[%swap3A_740] {strides = array<i32>} : memref<64xi32, #tpu.memory_space<vmem>>, vector<16xi32>,
        %swap3A_742 = vector.shape_cast %swap3A_741 : vector<16xi32> to vector<16xi32>
        %swap3A_743 = vector.shape_cast %get3A_739 : vector<16xi32> to vector<16xi32>
        tpu.vector_store %arg10[%swap3A_740], %swap3A_743 {strides = array<i32>} : memref<64xi32, #tpu.memory_space<vmem>>, vector<16xi32>,
        %mul3A_744 = arith.constant 64 : i32
        %mul3A_745 = arith.muli %add3A_700, %mul3A_744 : i32
        %add3A_746 = arith.constant 48 : i32
        %add3A_747 = arith.addi %mul3A_745, %add3A_746 : i32
        %get3A_748 = arith.index_cast %add3A_747 : i32 to index
        %get3A_749 = tpu.vector_load %arg8[%get3A_748] {strides = array<i32>} : memref<2048xi32, #tpu.memory_space<vmem>>, vector<16xi32>,
        %get3A_750 = vector.shape_cast %get3A_749 : vector<16xi32> to vector<16xi32>
        %swap3A_751 = arith.constant 48 : index
        %swap3A_752 = tpu.vector_load %arg10[%swap3A_751] {strides = array<i32>} : memref<64xi32, #tpu.memory_space<vmem>>, vector<16xi32>,
        %swap3A_753 = vector.shape_cast %swap3A_752 : vector<16xi32> to vector<16xi32>
        %swap3A_754 = vector.shape_cast %get3A_750 : vector<16xi32> to vector<16xi32>
        tpu.vector_store %arg10[%swap3A_751], %swap3A_754 {strides = array<i32>} : memref<64xi32, #tpu.memory_space<vmem>>, vector<16xi32>,
        "tpu.region"() ({
          %run_scoped3A = tpu.sem_alloc : memref<!tpu.dma_semaphore, #tpu.memory_space<semaphore_mem>>
          %dma_start3A_973 = arith.constant 128 : i32
          %dma_start3A_974 = arith.constant 0 : i32
          %dma_start3A_975 = tpu.memref_slice %arg11[%dma_start3A_973, %dma_start3A_974] : memref<256x128xf32, #tpu.memory_space<vmem>> -> memref<64x128xf32, #tpu.memory_space<vmem>>
          %dma_start3A_976 = arith.constant 0 : i32
          %dma_start3A_977 = arith.constant 0 : i32
          %dma_start3A_978 = tpu.memref_slice %arg12[%dma_start3A_976, %dma_start3A_977] : memref<10368x128xf32, #tpu.memory_space<vmem_shared>> -> memref<10368x128xf32, #tpu.memory_space<vmem_shared>>
          tpu.enqueue_indirect_dma source(%dma_start3A_975 : memref<64x128xf32, #tpu.memory_space<vmem>>) target(%dma_start3A_978 : memref<10368x128xf32, #tpu.memory_space<vmem_shared>>) offsets(%arg10 : memref<64xi32, #tpu.memory_space<vmem>>) semaphore(%run_scoped3A : memref<!tpu.dma_semaphore, #tpu.memory_space<semaphore_mem>>) {add = true}
          %dma_wait3A_979 = arith.constant 128 : i32
          %dma_wait3A_980 = arith.constant 0 : i32
          %dma_wait3A_981 = tpu.memref_slice %arg11[%dma_wait3A_979, %dma_wait3A_980] : memref<256x128xf32, #tpu.memory_space<vmem>> -> memref<64x128xf32, #tpu.memory_space<vmem>>
          %dma_wait3A_982 = arith.constant 0 : i32
          %dma_wait3A_983 = arith.constant 0 : i32
          %dma_wait3A_984 = tpu.memref_slice %arg12[%dma_wait3A_982, %dma_wait3A_983] : memref<10368x128xf32, #tpu.memory_space<vmem_shared>> -> memref<10368x128xf32, #tpu.memory_space<vmem_shared>>
          tpu.wait_indirect_dma semaphore(%run_scoped3A : memref<!tpu.dma_semaphore, #tpu.memory_space<semaphore_mem>>) src(%dma_wait3A_981 : memref<64x128xf32, #tpu.memory_space<vmem>>) dst(%dma_wait3A_984 : memref<10368x128xf32, #tpu.memory_space<vmem_shared>>)
          tpu.yield
        }) : () -> ()
        %add3A_755 = arith.constant 4 : i32
        %add3A_756 = arith.addi %add3A_700, %add3A_755 : i32
        %mul3A_757 = arith.constant 64 : i32
        %mul3A_758 = arith.muli %add3A_756, %mul3A_757 : i32
        %add3A_759 = arith.constant 0 : i32
        %add3A_760 = arith.addi %mul3A_758, %add3A_759 : i32
        %get3A_761 = arith.index_cast %add3A_760 : i32 to index
        %get3A_762 = tpu.vector_load %arg7[%get3A_761] {strides = array<i32>} : memref<2048xi32, #tpu.memory_space<vmem>>, vector<16xi32>,
        %get3A_763 = vector.shape_cast %get3A_762 : vector<16xi32> to vector<16xi32>
        %mul3A_764 = arith.constant 10000 : i32
        %mul3A_765 = arith.muli %add3A_0, %mul3A_764 : i32
        %add3A_766 = vector.broadcast %mul3A_765 : i32 to vector<16xi32>
        %add3A_767 = arith.addi %add3A_766, %get3A_763 : vector<16xi32>
        %swap3A_768 = arith.constant 2 : i32
        %swap3A_769 = arith.index_cast %swap3A_768 : i32 to index
        %swap3A_770 = arith.constant 0 : index
        %swap3A_771 = tpu.vector_load %arg9[%swap3A_769, %swap3A_770] {strides = array<i32>} : memref<4x64xi32, #tpu.memory_space<vmem>>, vector<1x16xi32>,
        %swap3A_772 = vector.shape_cast %swap3A_771 : vector<1x16xi32> to vector<16xi32>
        %swap3A_773 = vector.shape_cast %add3A_767 : vector<16xi32> to vector<1x16xi32>
        tpu.vector_store %arg9[%swap3A_769, %swap3A_770], %swap3A_773 {strides = array<i32>} : memref<4x64xi32, #tpu.memory_space<vmem>>, vector<1x16xi32>,
        %mul3A_774 = arith.constant 64 : i32
        %mul3A_775 = arith.muli %add3A_756, %mul3A_774 : i32
        %add3A_776 = arith.constant 16 : i32
        %add3A_777 = arith.addi %mul3A_775, %add3A_776 : i32
        %get3A_778 = arith.index_cast %add3A_777 : i32 to index
        %get3A_779 = tpu.vector_load %arg7[%get3A_778] {strides = array<i32>} : memref<2048xi32, #tpu.memory_space<vmem>>, vector<16xi32>,
        %get3A_780 = vector.shape_cast %get3A_779 : vector<16xi32> to vector<16xi32>
        %mul3A_781 = arith.constant 10000 : i32
        %mul3A_782 = arith.muli %add3A_0, %mul3A_781 : i32
        %add3A_783 = vector.broadcast %mul3A_782 : i32 to vector<16xi32>
        %add3A_784 = arith.addi %add3A_783, %get3A_780 : vector<16xi32>
        %swap3A_785 = arith.constant 2 : i32
        %swap3A_786 = arith.index_cast %swap3A_785 : i32 to index
        %swap3A_787 = arith.constant 16 : index
        %swap3A_788 = tpu.vector_load %arg9[%swap3A_786, %swap3A_787] {strides = array<i32>} : memref<4x64xi32, #tpu.memory_space<vmem>>, vector<1x16xi32>,
        %swap3A_789 = vector.shape_cast %swap3A_788 : vector<1x16xi32> to vector<16xi32>
        %swap3A_790 = vector.shape_cast %add3A_784 : vector<16xi32> to vector<1x16xi32>
        tpu.vector_store %arg9[%swap3A_786, %swap3A_787], %swap3A_790 {strides = array<i32>} : memref<4x64xi32, #tpu.memory_space<vmem>>, vector<1x16xi32>,
        %mul3A_791 = arith.constant 64 : i32
        %mul3A_792 = arith.muli %add3A_756, %mul3A_791 : i32
        %add3A_793 = arith.constant 32 : i32
        %add3A_794 = arith.addi %mul3A_792, %add3A_793 : i32
        %get3A_795 = arith.index_cast %add3A_794 : i32 to index
        %get3A_796 = tpu.vector_load %arg7[%get3A_795] {strides = array<i32>} : memref<2048xi32, #tpu.memory_space<vmem>>, vector<16xi32>,
        %get3A_797 = vector.shape_cast %get3A_796 : vector<16xi32> to vector<16xi32>
        %mul3A_798 = arith.constant 10000 : i32
        %mul3A_799 = arith.muli %add3A_0, %mul3A_798 : i32
        %add3A_800 = vector.broadcast %mul3A_799 : i32 to vector<16xi32>
        %add3A_801 = arith.addi %add3A_800, %get3A_797 : vector<16xi32>
        %swap3A_802 = arith.constant 2 : i32
        %swap3A_803 = arith.index_cast %swap3A_802 : i32 to index
        %swap3A_804 = arith.constant 32 : index
        %swap3A_805 = tpu.vector_load %arg9[%swap3A_803, %swap3A_804] {strides = array<i32>} : memref<4x64xi32, #tpu.memory_space<vmem>>, vector<1x16xi32>,
        %swap3A_806 = vector.shape_cast %swap3A_805 : vector<1x16xi32> to vector<16xi32>
        %swap3A_807 = vector.shape_cast %add3A_801 : vector<16xi32> to vector<1x16xi32>
        tpu.vector_store %arg9[%swap3A_803, %swap3A_804], %swap3A_807 {strides = array<i32>} : memref<4x64xi32, #tpu.memory_space<vmem>>, vector<1x16xi32>,
        %mul3A_808 = arith.constant 64 : i32
        %mul3A_809 = arith.muli %add3A_756, %mul3A_808 : i32
        %add3A_810 = arith.constant 48 : i32
        %add3A_811 = arith.addi %mul3A_809, %add3A_810 : i32
        %get3A_812 = arith.index_cast %add3A_811 : i32 to index
        %get3A_813 = tpu.vector_load %arg7[%get3A_812] {strides = array<i32>} : memref<2048xi32, #tpu.memory_space<vmem>>, vector<16xi32>,
        %get3A_814 = vector.shape_cast %get3A_813 : vector<16xi32> to vector<16xi32>
        %mul3A_815 = arith.constant 10000 : i32
        %mul3A_816 = arith.muli %add3A_0, %mul3A_815 : i32
        %add3A_817 = vector.broadcast %mul3A_816 : i32 to vector<16xi32>
        %add3A_818 = arith.addi %add3A_817, %get3A_814 : vector<16xi32>
        %swap3A_819 = arith.constant 2 : i32
        %swap3A_820 = arith.index_cast %swap3A_819 : i32 to index
        %swap3A_821 = arith.constant 48 : index
        %swap3A_822 = tpu.vector_load %arg9[%swap3A_820, %swap3A_821] {strides = array<i32>} : memref<4x64xi32, #tpu.memory_space<vmem>>, vector<1x16xi32>,
        %swap3A_823 = vector.shape_cast %swap3A_822 : vector<1x16xi32> to vector<16xi32>
        %swap3A_824 = vector.shape_cast %add3A_818 : vector<16xi32> to vector<1x16xi32>
        tpu.vector_store %arg9[%swap3A_820, %swap3A_821], %swap3A_824 {strides = array<i32>} : memref<4x64xi32, #tpu.memory_space<vmem>>, vector<1x16xi32>,
        %dma_start3A_825 = arith.constant 2 : i32
        %dma_start3A_826 = arith.constant 128 : i32
        %dma_start3A_827 = arith.constant 0 : i32
        %dma_start3A_828 = tpu.memref_slice %arg11[%dma_start3A_826, %dma_start3A_827] : memref<256x128xf32, #tpu.memory_space<vmem>> -> memref<64x128xf32, #tpu.memory_space<vmem>>
        %dma_start3A_829 = arith.constant 0 : i32
        %dma_start3A_830 = tpu.memref_slice %arg9[%dma_start3A_825, %dma_start3A_829] : memref<4x64xi32, #tpu.memory_space<vmem>> -> memref<1x64xi32, #tpu.memory_space<vmem>>
        %dma_start3A_831 = tpu.memref_squeeze %dma_start3A_830 : memref<1x64xi32, #tpu.memory_space<vmem>> -> memref<64xi32, #tpu.memory_space<vmem>>
        %dma_start3A_832 = arith.constant 0 : i32
        %dma_start3A_833 = arith.constant 0 : i32
        %dma_start3A_834 = tpu.memref_slice %arg2[%dma_start3A_832, %dma_start3A_833] : memref<40000x128xf32, #tpu.memory_space<hbm>> -> memref<40000x128xf32, #tpu.memory_space<hbm>>
        tpu.enqueue_indirect_dma source(%dma_start3A_834 : memref<40000x128xf32, #tpu.memory_space<hbm>>) target(%dma_start3A_828 : memref<64x128xf32, #tpu.memory_space<vmem>>) offsets(%dma_start3A_831 : memref<64xi32, #tpu.memory_space<vmem>>) semaphore(%arg15 : memref<!tpu.dma_semaphore, #tpu.memory_space<semaphore_mem>>)
        %mul3A_835 = arith.constant 4 : i32
        %mul3A_836 = arith.muli %mul3A_835, %scan3A_420 : i32
        %add3A_837 = arith.constant 3 : i32
        %add3A_838 = arith.addi %mul3A_836, %add3A_837 : i32
        %dma_wait3A_839 = arith.constant 3 : i32
        %dma_wait3A_840 = arith.constant 192 : i32
        %dma_wait3A_841 = arith.constant 0 : i32
        %dma_wait3A_842 = tpu.memref_slice %arg11[%dma_wait3A_840, %dma_wait3A_841] : memref<256x128xf32, #tpu.memory_space<vmem>> -> memref<64x128xf32, #tpu.memory_space<vmem>>
        %dma_wait3A_843 = arith.constant 0 : i32
        %dma_wait3A_844 = tpu.memref_slice %arg9[%dma_wait3A_839, %dma_wait3A_843] : memref<4x64xi32, #tpu.memory_space<vmem>> -> memref<1x64xi32, #tpu.memory_space<vmem>>
        %dma_wait3A_845 = tpu.memref_squeeze %dma_wait3A_844 : memref<1x64xi32, #tpu.memory_space<vmem>> -> memref<64xi32, #tpu.memory_space<vmem>>
        %dma_wait3A_846 = arith.constant 0 : i32
        %dma_wait3A_847 = arith.constant 0 : i32
        %dma_wait3A_848 = tpu.memref_slice %arg2[%dma_wait3A_846, %dma_wait3A_847] : memref<40000x128xf32, #tpu.memory_space<hbm>> -> memref<40000x128xf32, #tpu.memory_space<hbm>>
        tpu.wait_indirect_dma semaphore(%arg16 : memref<!tpu.dma_semaphore, #tpu.memory_space<semaphore_mem>>) src(%dma_wait3A_848 : memref<40000x128xf32, #tpu.memory_space<hbm>>) dst(%dma_wait3A_842 : memref<64x128xf32, #tpu.memory_space<vmem>>)
        %mul3A_849 = arith.constant 64 : i32
        %mul3A_850 = arith.muli %add3A_838, %mul3A_849 : i32
        %add3A_851 = arith.constant 0 : i32
        %add3A_852 = arith.addi %mul3A_850, %add3A_851 : i32
        %get3A_853 = arith.index_cast %add3A_852 : i32 to index
        %get3A_854 = tpu.vector_load %arg8[%get3A_853] {strides = array<i32>} : memref<2048xi32, #tpu.memory_space<vmem>>, vector<16xi32>,
        %get3A_855 = vector.shape_cast %get3A_854 : vector<16xi32> to vector<16xi32>
        %swap3A_856 = arith.constant 0 : index
        %swap3A_857 = tpu.vector_load %arg10[%swap3A_856] {strides = array<i32>} : memref<64xi32, #tpu.memory_space<vmem>>, vector<16xi32>,
        %swap3A_858 = vector.shape_cast %swap3A_857 : vector<16xi32> to vector<16xi32>
        %swap3A_859 = vector.shape_cast %get3A_855 : vector<16xi32> to vector<16xi32>
        tpu.vector_store %arg10[%swap3A_856], %swap3A_859 {strides = array<i32>} : memref<64xi32, #tpu.memory_space<vmem>>, vector<16xi32>,
        %mul3A_860 = arith.constant 64 : i32
        %mul3A_861 = arith.muli %add3A_838, %mul3A_860 : i32
        %add3A_862 = arith.constant 16 : i32
        %add3A_863 = arith.addi %mul3A_861, %add3A_862 : i32
        %get3A_864 = arith.index_cast %add3A_863 : i32 to index
        %get3A_865 = tpu.vector_load %arg8[%get3A_864] {strides = array<i32>} : memref<2048xi32, #tpu.memory_space<vmem>>, vector<16xi32>,
        %get3A_866 = vector.shape_cast %get3A_865 : vector<16xi32> to vector<16xi32>
        %swap3A_867 = arith.constant 16 : index
        %swap3A_868 = tpu.vector_load %arg10[%swap3A_867] {strides = array<i32>} : memref<64xi32, #tpu.memory_space<vmem>>, vector<16xi32>,
        %swap3A_869 = vector.shape_cast %swap3A_868 : vector<16xi32> to vector<16xi32>
        %swap3A_870 = vector.shape_cast %get3A_866 : vector<16xi32> to vector<16xi32>
        tpu.vector_store %arg10[%swap3A_867], %swap3A_870 {strides = array<i32>} : memref<64xi32, #tpu.memory_space<vmem>>, vector<16xi32>,
        %mul3A_871 = arith.constant 64 : i32
        %mul3A_872 = arith.muli %add3A_838, %mul3A_871 : i32
        %add3A_873 = arith.constant 32 : i32
        %add3A_874 = arith.addi %mul3A_872, %add3A_873 : i32
        %get3A_875 = arith.index_cast %add3A_874 : i32 to index
        %get3A_876 = tpu.vector_load %arg8[%get3A_875] {strides = array<i32>} : memref<2048xi32, #tpu.memory_space<vmem>>, vector<16xi32>,
        %get3A_877 = vector.shape_cast %get3A_876 : vector<16xi32> to vector<16xi32>
        %swap3A_878 = arith.constant 32 : index
        %swap3A_879 = tpu.vector_load %arg10[%swap3A_878] {strides = array<i32>} : memref<64xi32, #tpu.memory_space<vmem>>, vector<16xi32>,
        %swap3A_880 = vector.shape_cast %swap3A_879 : vector<16xi32> to vector<16xi32>
        %swap3A_881 = vector.shape_cast %get3A_877 : vector<16xi32> to vector<16xi32>
        tpu.vector_store %arg10[%swap3A_878], %swap3A_881 {strides = array<i32>} : memref<64xi32, #tpu.memory_space<vmem>>, vector<16xi32>,
        %mul3A_882 = arith.constant 64 : i32
        %mul3A_883 = arith.muli %add3A_838, %mul3A_882 : i32
        %add3A_884 = arith.constant 48 : i32
        %add3A_885 = arith.addi %mul3A_883, %add3A_884 : i32
        %get3A_886 = arith.index_cast %add3A_885 : i32 to index
        %get3A_887 = tpu.vector_load %arg8[%get3A_886] {strides = array<i32>} : memref<2048xi32, #tpu.memory_space<vmem>>, vector<16xi32>,
        %get3A_888 = vector.shape_cast %get3A_887 : vector<16xi32> to vector<16xi32>
        %swap3A_889 = arith.constant 48 : index
        %swap3A_890 = tpu.vector_load %arg10[%swap3A_889] {strides = array<i32>} : memref<64xi32, #tpu.memory_space<vmem>>, vector<16xi32>,
        %swap3A_891 = vector.shape_cast %swap3A_890 : vector<16xi32> to vector<16xi32>
        %swap3A_892 = vector.shape_cast %get3A_888 : vector<16xi32> to vector<16xi32>
        tpu.vector_store %arg10[%swap3A_889], %swap3A_892 {strides = array<i32>} : memref<64xi32, #tpu.memory_space<vmem>>, vector<16xi32>,
        "tpu.region"() ({
          %run_scoped3A = tpu.sem_alloc : memref<!tpu.dma_semaphore, #tpu.memory_space<semaphore_mem>>
          %dma_start3A_973 = arith.constant 192 : i32
          %dma_start3A_974 = arith.constant 0 : i32
          %dma_start3A_975 = tpu.memref_slice %arg11[%dma_start3A_973, %dma_start3A_974] : memref<256x128xf32, #tpu.memory_space<vmem>> -> memref<64x128xf32, #tpu.memory_space<vmem>>
          %dma_start3A_976 = arith.constant 0 : i32
          %dma_start3A_977 = arith.constant 0 : i32
          %dma_start3A_978 = tpu.memref_slice %arg12[%dma_start3A_976, %dma_start3A_977] : memref<10368x128xf32, #tpu.memory_space<vmem_shared>> -> memref<10368x128xf32, #tpu.memory_space<vmem_shared>>
          tpu.enqueue_indirect_dma source(%dma_start3A_975 : memref<64x128xf32, #tpu.memory_space<vmem>>) target(%dma_start3A_978 : memref<10368x128xf32, #tpu.memory_space<vmem_shared>>) offsets(%arg10 : memref<64xi32, #tpu.memory_space<vmem>>) semaphore(%run_scoped3A : memref<!tpu.dma_semaphore, #tpu.memory_space<semaphore_mem>>) {add = true}
          %dma_wait3A_979 = arith.constant 192 : i32
          %dma_wait3A_980 = arith.constant 0 : i32
          %dma_wait3A_981 = tpu.memref_slice %arg11[%dma_wait3A_979, %dma_wait3A_980] : memref<256x128xf32, #tpu.memory_space<vmem>> -> memref<64x128xf32, #tpu.memory_space<vmem>>
          %dma_wait3A_982 = arith.constant 0 : i32
          %dma_wait3A_983 = arith.constant 0 : i32
          %dma_wait3A_984 = tpu.memref_slice %arg12[%dma_wait3A_982, %dma_wait3A_983] : memref<10368x128xf32, #tpu.memory_space<vmem_shared>> -> memref<10368x128xf32, #tpu.memory_space<vmem_shared>>
          tpu.wait_indirect_dma semaphore(%run_scoped3A : memref<!tpu.dma_semaphore, #tpu.memory_space<semaphore_mem>>) src(%dma_wait3A_981 : memref<64x128xf32, #tpu.memory_space<vmem>>) dst(%dma_wait3A_984 : memref<10368x128xf32, #tpu.memory_space<vmem_shared>>)
          tpu.yield
        }) : () -> ()
        %add3A_893 = arith.constant 4 : i32
        %add3A_894 = arith.addi %add3A_838, %add3A_893 : i32
        %mul3A_895 = arith.constant 64 : i32
        %mul3A_896 = arith.muli %add3A_894, %mul3A_895 : i32
        %add3A_897 = arith.constant 0 : i32
        %add3A_898 = arith.addi %mul3A_896, %add3A_897 : i32
        %get3A_899 = arith.index_cast %add3A_898 : i32 to index
        %get3A_900 = tpu.vector_load %arg7[%get3A_899] {strides = array<i32>} : memref<2048xi32, #tpu.memory_space<vmem>>, vector<16xi32>,
        %get3A_901 = vector.shape_cast %get3A_900 : vector<16xi32> to vector<16xi32>
        %mul3A_902 = arith.constant 10000 : i32
        %mul3A_903 = arith.muli %add3A_0, %mul3A_902 : i32
        %add3A_904 = vector.broadcast %mul3A_903 : i32 to vector<16xi32>
        %add3A_905 = arith.addi %add3A_904, %get3A_901 : vector<16xi32>
        %swap3A_906 = arith.constant 3 : i32
        %swap3A_907 = arith.index_cast %swap3A_906 : i32 to index
        %swap3A_908 = arith.constant 0 : index
        %swap3A_909 = tpu.vector_load %arg9[%swap3A_907, %swap3A_908] {strides = array<i32>} : memref<4x64xi32, #tpu.memory_space<vmem>>, vector<1x16xi32>,
        %swap3A_910 = vector.shape_cast %swap3A_909 : vector<1x16xi32> to vector<16xi32>
        %swap3A_911 = vector.shape_cast %add3A_905 : vector<16xi32> to vector<1x16xi32>
        tpu.vector_store %arg9[%swap3A_907, %swap3A_908], %swap3A_911 {strides = array<i32>} : memref<4x64xi32, #tpu.memory_space<vmem>>, vector<1x16xi32>,
        %mul3A_912 = arith.constant 64 : i32
        %mul3A_913 = arith.muli %add3A_894, %mul3A_912 : i32
        %add3A_914 = arith.constant 16 : i32
        %add3A_915 = arith.addi %mul3A_913, %add3A_914 : i32
        %get3A_916 = arith.index_cast %add3A_915 : i32 to index
        %get3A_917 = tpu.vector_load %arg7[%get3A_916] {strides = array<i32>} : memref<2048xi32, #tpu.memory_space<vmem>>, vector<16xi32>,
        %get3A_918 = vector.shape_cast %get3A_917 : vector<16xi32> to vector<16xi32>
        %mul3A_919 = arith.constant 10000 : i32
        %mul3A_920 = arith.muli %add3A_0, %mul3A_919 : i32
        %add3A_921 = vector.broadcast %mul3A_920 : i32 to vector<16xi32>
        %add3A_922 = arith.addi %add3A_921, %get3A_918 : vector<16xi32>
        %swap3A_923 = arith.constant 3 : i32
        %swap3A_924 = arith.index_cast %swap3A_923 : i32 to index
        %swap3A_925 = arith.constant 16 : index
        %swap3A_926 = tpu.vector_load %arg9[%swap3A_924, %swap3A_925] {strides = array<i32>} : memref<4x64xi32, #tpu.memory_space<vmem>>, vector<1x16xi32>,
        %swap3A_927 = vector.shape_cast %swap3A_926 : vector<1x16xi32> to vector<16xi32>
        %swap3A_928 = vector.shape_cast %add3A_922 : vector<16xi32> to vector<1x16xi32>
        tpu.vector_store %arg9[%swap3A_924, %swap3A_925], %swap3A_928 {strides = array<i32>} : memref<4x64xi32, #tpu.memory_space<vmem>>, vector<1x16xi32>,
        %mul3A_929 = arith.constant 64 : i32
        %mul3A_930 = arith.muli %add3A_894, %mul3A_929 : i32
        %add3A_931 = arith.constant 32 : i32
        %add3A_932 = arith.addi %mul3A_930, %add3A_931 : i32
        %get3A_933 = arith.index_cast %add3A_932 : i32 to index
        %get3A_934 = tpu.vector_load %arg7[%get3A_933] {strides = array<i32>} : memref<2048xi32, #tpu.memory_space<vmem>>, vector<16xi32>,
        %get3A_935 = vector.shape_cast %get3A_934 : vector<16xi32> to vector<16xi32>
        %mul3A_936 = arith.constant 10000 : i32
        %mul3A_937 = arith.muli %add3A_0, %mul3A_936 : i32
        %add3A_938 = vector.broadcast %mul3A_937 : i32 to vector<16xi32>
        %add3A_939 = arith.addi %add3A_938, %get3A_935 : vector<16xi32>
        %swap3A_940 = arith.constant 3 : i32
        %swap3A_941 = arith.index_cast %swap3A_940 : i32 to index
        %swap3A_942 = arith.constant 32 : index
        %swap3A_943 = tpu.vector_load %arg9[%swap3A_941, %swap3A_942] {strides = array<i32>} : memref<4x64xi32, #tpu.memory_space<vmem>>, vector<1x16xi32>,
        %swap3A_944 = vector.shape_cast %swap3A_943 : vector<1x16xi32> to vector<16xi32>
        %swap3A_945 = vector.shape_cast %add3A_939 : vector<16xi32> to vector<1x16xi32>
        tpu.vector_store %arg9[%swap3A_941, %swap3A_942], %swap3A_945 {strides = array<i32>} : memref<4x64xi32, #tpu.memory_space<vmem>>, vector<1x16xi32>,
        %mul3A_946 = arith.constant 64 : i32
        %mul3A_947 = arith.muli %add3A_894, %mul3A_946 : i32
        %add3A_948 = arith.constant 48 : i32
        %add3A_949 = arith.addi %mul3A_947, %add3A_948 : i32
        %get3A_950 = arith.index_cast %add3A_949 : i32 to index
        %get3A_951 = tpu.vector_load %arg7[%get3A_950] {strides = array<i32>} : memref<2048xi32, #tpu.memory_space<vmem>>, vector<16xi32>,
        %get3A_952 = vector.shape_cast %get3A_951 : vector<16xi32> to vector<16xi32>
        %mul3A_953 = arith.constant 10000 : i32
        %mul3A_954 = arith.muli %add3A_0, %mul3A_953 : i32
        %add3A_955 = vector.broadcast %mul3A_954 : i32 to vector<16xi32>
        %add3A_956 = arith.addi %add3A_955, %get3A_952 : vector<16xi32>
        %swap3A_957 = arith.constant 3 : i32
        %swap3A_958 = arith.index_cast %swap3A_957 : i32 to index
        %swap3A_959 = arith.constant 48 : index
        %swap3A_960 = tpu.vector_load %arg9[%swap3A_958, %swap3A_959] {strides = array<i32>} : memref<4x64xi32, #tpu.memory_space<vmem>>, vector<1x16xi32>,
        %swap3A_961 = vector.shape_cast %swap3A_960 : vector<1x16xi32> to vector<16xi32>
        %swap3A_962 = vector.shape_cast %add3A_956 : vector<16xi32> to vector<1x16xi32>
        tpu.vector_store %arg9[%swap3A_958, %swap3A_959], %swap3A_962 {strides = array<i32>} : memref<4x64xi32, #tpu.memory_space<vmem>>, vector<1x16xi32>,
        %dma_start3A_963 = arith.constant 3 : i32
        %dma_start3A_964 = arith.constant 192 : i32
        %dma_start3A_965 = arith.constant 0 : i32
        %dma_start3A_966 = tpu.memref_slice %arg11[%dma_start3A_964, %dma_start3A_965] : memref<256x128xf32, #tpu.memory_space<vmem>> -> memref<64x128xf32, #tpu.memory_space<vmem>>
        %dma_start3A_967 = arith.constant 0 : i32
        %dma_start3A_968 = tpu.memref_slice %arg9[%dma_start3A_963, %dma_start3A_967] : memref<4x64xi32, #tpu.memory_space<vmem>> -> memref<1x64xi32, #tpu.memory_space<vmem>>
        %dma_start3A_969 = tpu.memref_squeeze %dma_start3A_968 : memref<1x64xi32, #tpu.memory_space<vmem>> -> memref<64xi32, #tpu.memory_space<vmem>>
        %dma_start3A_970 = arith.constant 0 : i32
        %dma_start3A_971 = arith.constant 0 : i32
        %dma_start3A_972 = tpu.memref_slice %arg2[%dma_start3A_970, %dma_start3A_971] : memref<40000x128xf32, #tpu.memory_space<hbm>> -> memref<40000x128xf32, #tpu.memory_space<hbm>>
        tpu.enqueue_indirect_dma source(%dma_start3A_972 : memref<40000x128xf32, #tpu.memory_space<hbm>>) target(%dma_start3A_966 : memref<64x128xf32, #tpu.memory_space<vmem>>) offsets(%dma_start3A_969 : memref<64xi32, #tpu.memory_space<vmem>>) semaphore(%arg16 : memref<!tpu.dma_semaphore, #tpu.memory_space<semaphore_mem>>)
      }
      %scan3A_268 = arith.constant 7 : i32
      %dma_wait3A = arith.constant 0 : i32
      %dma_wait3A_269 = arith.constant 0 : i32
      %dma_wait3A_270 = arith.constant 0 : i32
      %dma_wait3A_271 = tpu.memref_slice %arg11[%dma_wait3A_269, %dma_wait3A_270] : memref<256x128xf32, #tpu.memory_space<vmem>> -> memref<64x128xf32, #tpu.memory_space<vmem>>
      %dma_wait3A_272 = arith.constant 0 : i32
      %dma_wait3A_273 = tpu.memref_slice %arg9[%dma_wait3A, %dma_wait3A_272] : memref<4x64xi32, #tpu.memory_space<vmem>> -> memref<1x64xi32, #tpu.memory_space<vmem>>
      %dma_wait3A_274 = tpu.memref_squeeze %dma_wait3A_273 : memref<1x64xi32, #tpu.memory_space<vmem>> -> memref<64xi32, #tpu.memory_space<vmem>>
      %dma_wait3A_275 = arith.constant 0 : i32
      %dma_wait3A_276 = arith.constant 0 : i32
      %dma_wait3A_277 = tpu.memref_slice %arg2[%dma_wait3A_275, %dma_wait3A_276] : memref<40000x128xf32, #tpu.memory_space<hbm>> -> memref<40000x128xf32, #tpu.memory_space<hbm>>
      tpu.wait_indirect_dma semaphore(%arg13 : memref<!tpu.dma_semaphore, #tpu.memory_space<semaphore_mem>>) src(%dma_wait3A_277 : memref<40000x128xf32, #tpu.memory_space<hbm>>) dst(%dma_wait3A_271 : memref<64x128xf32, #tpu.memory_space<vmem>>)
      %get3A_278 = arith.constant 1792 : index
      %get3A_279 = tpu.vector_load %arg8[%get3A_278] {strides = array<i32>} : memref<2048xi32, #tpu.memory_space<vmem>>, vector<16xi32>,
      %get3A_280 = vector.shape_cast %get3A_279 : vector<16xi32> to vector<16xi32>
      %swap3A_281 = arith.constant 0 : index
      %swap3A_282 = tpu.vector_load %arg10[%swap3A_281] {strides = array<i32>} : memref<64xi32, #tpu.memory_space<vmem>>, vector<16xi32>,
      %swap3A_283 = vector.shape_cast %swap3A_282 : vector<16xi32> to vector<16xi32>
      %swap3A_284 = vector.shape_cast %get3A_280 : vector<16xi32> to vector<16xi32>
      tpu.vector_store %arg10[%swap3A_281], %swap3A_284 {strides = array<i32>} : memref<64xi32, #tpu.memory_space<vmem>>, vector<16xi32>,
      %get3A_285 = arith.constant 1808 : index
      %get3A_286 = tpu.vector_load %arg8[%get3A_285] {strides = array<i32>} : memref<2048xi32, #tpu.memory_space<vmem>>, vector<16xi32>,
      %get3A_287 = vector.shape_cast %get3A_286 : vector<16xi32> to vector<16xi32>
      %swap3A_288 = arith.constant 16 : index
      %swap3A_289 = tpu.vector_load %arg10[%swap3A_288] {strides = array<i32>} : memref<64xi32, #tpu.memory_space<vmem>>, vector<16xi32>,
      %swap3A_290 = vector.shape_cast %swap3A_289 : vector<16xi32> to vector<16xi32>
      %swap3A_291 = vector.shape_cast %get3A_287 : vector<16xi32> to vector<16xi32>
      tpu.vector_store %arg10[%swap3A_288], %swap3A_291 {strides = array<i32>} : memref<64xi32, #tpu.memory_space<vmem>>, vector<16xi32>,
      %get3A_292 = arith.constant 1824 : index
      %get3A_293 = tpu.vector_load %arg8[%get3A_292] {strides = array<i32>} : memref<2048xi32, #tpu.memory_space<vmem>>, vector<16xi32>,
      %get3A_294 = vector.shape_cast %get3A_293 : vector<16xi32> to vector<16xi32>
      %swap3A_295 = arith.constant 32 : index
      %swap3A_296 = tpu.vector_load %arg10[%swap3A_295] {strides = array<i32>} : memref<64xi32, #tpu.memory_space<vmem>>, vector<16xi32>,
      %swap3A_297 = vector.shape_cast %swap3A_296 : vector<16xi32> to vector<16xi32>
      %swap3A_298 = vector.shape_cast %get3A_294 : vector<16xi32> to vector<16xi32>
      tpu.vector_store %arg10[%swap3A_295], %swap3A_298 {strides = array<i32>} : memref<64xi32, #tpu.memory_space<vmem>>, vector<16xi32>,
      %get3A_299 = arith.constant 1840 : index
      %get3A_300 = tpu.vector_load %arg8[%get3A_299] {strides = array<i32>} : memref<2048xi32, #tpu.memory_space<vmem>>, vector<16xi32>,
      %get3A_301 = vector.shape_cast %get3A_300 : vector<16xi32> to vector<16xi32>
      %swap3A_302 = arith.constant 48 : index
      %swap3A_303 = tpu.vector_load %arg10[%swap3A_302] {strides = array<i32>} : memref<64xi32, #tpu.memory_space<vmem>>, vector<16xi32>,
      %swap3A_304 = vector.shape_cast %swap3A_303 : vector<16xi32> to vector<16xi32>
      %swap3A_305 = vector.shape_cast %get3A_301 : vector<16xi32> to vector<16xi32>
      tpu.vector_store %arg10[%swap3A_302], %swap3A_305 {strides = array<i32>} : memref<64xi32, #tpu.memory_space<vmem>>, vector<16xi32>,
      "tpu.region"() ({
        %run_scoped3A = tpu.sem_alloc : memref<!tpu.dma_semaphore, #tpu.memory_space<semaphore_mem>>
        %dma_start3A_420 = arith.constant 0 : i32
        %dma_start3A_421 = arith.constant 0 : i32
        %dma_start3A_422 = tpu.memref_slice %arg11[%dma_start3A_420, %dma_start3A_421] : memref<256x128xf32, #tpu.memory_space<vmem>> -> memref<64x128xf32, #tpu.memory_space<vmem>>
        %dma_start3A_423 = arith.constant 0 : i32
        %dma_start3A_424 = arith.constant 0 : i32
        %dma_start3A_425 = tpu.memref_slice %arg12[%dma_start3A_423, %dma_start3A_424] : memref<10368x128xf32, #tpu.memory_space<vmem_shared>> -> memref<10368x128xf32, #tpu.memory_space<vmem_shared>>
        tpu.enqueue_indirect_dma source(%dma_start3A_422 : memref<64x128xf32, #tpu.memory_space<vmem>>) target(%dma_start3A_425 : memref<10368x128xf32, #tpu.memory_space<vmem_shared>>) offsets(%arg10 : memref<64xi32, #tpu.memory_space<vmem>>) semaphore(%run_scoped3A : memref<!tpu.dma_semaphore, #tpu.memory_space<semaphore_mem>>) {add = true}
        %dma_wait3A_426 = arith.constant 0 : i32
        %dma_wait3A_427 = arith.constant 0 : i32
        %dma_wait3A_428 = tpu.memref_slice %arg11[%dma_wait3A_426, %dma_wait3A_427] : memref<256x128xf32, #tpu.memory_space<vmem>> -> memref<64x128xf32, #tpu.memory_space<vmem>>
        %dma_wait3A_429 = arith.constant 0 : i32
        %dma_wait3A_430 = arith.constant 0 : i32
        %dma_wait3A_431 = tpu.memref_slice %arg12[%dma_wait3A_429, %dma_wait3A_430] : memref<10368x128xf32, #tpu.memory_space<vmem_shared>> -> memref<10368x128xf32, #tpu.memory_space<vmem_shared>>
        tpu.wait_indirect_dma semaphore(%run_scoped3A : memref<!tpu.dma_semaphore, #tpu.memory_space<semaphore_mem>>) src(%dma_wait3A_428 : memref<64x128xf32, #tpu.memory_space<vmem>>) dst(%dma_wait3A_431 : memref<10368x128xf32, #tpu.memory_space<vmem_shared>>)
        tpu.yield
      }) : () -> ()
      %dma_wait3A_306 = arith.constant 1 : i32
      %dma_wait3A_307 = arith.constant 64 : i32
      %dma_wait3A_308 = arith.constant 0 : i32
      %dma_wait3A_309 = tpu.memref_slice %arg11[%dma_wait3A_307, %dma_wait3A_308] : memref<256x128xf32, #tpu.memory_space<vmem>> -> memref<64x128xf32, #tpu.memory_space<vmem>>
      %dma_wait3A_310 = arith.constant 0 : i32
      %dma_wait3A_311 = tpu.memref_slice %arg9[%dma_wait3A_306, %dma_wait3A_310] : memref<4x64xi32, #tpu.memory_space<vmem>> -> memref<1x64xi32, #tpu.memory_space<vmem>>
      %dma_wait3A_312 = tpu.memref_squeeze %dma_wait3A_311 : memref<1x64xi32, #tpu.memory_space<vmem>> -> memref<64xi32, #tpu.memory_space<vmem>>
      %dma_wait3A_313 = arith.constant 0 : i32
      %dma_wait3A_314 = arith.constant 0 : i32
      %dma_wait3A_315 = tpu.memref_slice %arg2[%dma_wait3A_313, %dma_wait3A_314] : memref<40000x128xf32, #tpu.memory_space<hbm>> -> memref<40000x128xf32, #tpu.memory_space<hbm>>
      tpu.wait_indirect_dma semaphore(%arg14 : memref<!tpu.dma_semaphore, #tpu.memory_space<semaphore_mem>>) src(%dma_wait3A_315 : memref<40000x128xf32, #tpu.memory_space<hbm>>) dst(%dma_wait3A_309 : memref<64x128xf32, #tpu.memory_space<vmem>>)
      %get3A_316 = arith.constant 1856 : index
      %get3A_317 = tpu.vector_load %arg8[%get3A_316] {strides = array<i32>} : memref<2048xi32, #tpu.memory_space<vmem>>, vector<16xi32>,
      %get3A_318 = vector.shape_cast %get3A_317 : vector<16xi32> to vector<16xi32>
      %swap3A_319 = arith.constant 0 : index
      %swap3A_320 = tpu.vector_load %arg10[%swap3A_319] {strides = array<i32>} : memref<64xi32, #tpu.memory_space<vmem>>, vector<16xi32>,
      %swap3A_321 = vector.shape_cast %swap3A_320 : vector<16xi32> to vector<16xi32>
      %swap3A_322 = vector.shape_cast %get3A_318 : vector<16xi32> to vector<16xi32>
      tpu.vector_store %arg10[%swap3A_319], %swap3A_322 {strides = array<i32>} : memref<64xi32, #tpu.memory_space<vmem>>, vector<16xi32>,
      %get3A_323 = arith.constant 1872 : index
      %get3A_324 = tpu.vector_load %arg8[%get3A_323] {strides = array<i32>} : memref<2048xi32, #tpu.memory_space<vmem>>, vector<16xi32>,
      %get3A_325 = vector.shape_cast %get3A_324 : vector<16xi32> to vector<16xi32>
      %swap3A_326 = arith.constant 16 : index
      %swap3A_327 = tpu.vector_load %arg10[%swap3A_326] {strides = array<i32>} : memref<64xi32, #tpu.memory_space<vmem>>, vector<16xi32>,
      %swap3A_328 = vector.shape_cast %swap3A_327 : vector<16xi32> to vector<16xi32>
      %swap3A_329 = vector.shape_cast %get3A_325 : vector<16xi32> to vector<16xi32>
      tpu.vector_store %arg10[%swap3A_326], %swap3A_329 {strides = array<i32>} : memref<64xi32, #tpu.memory_space<vmem>>, vector<16xi32>,
      %get3A_330 = arith.constant 1888 : index
      %get3A_331 = tpu.vector_load %arg8[%get3A_330] {strides = array<i32>} : memref<2048xi32, #tpu.memory_space<vmem>>, vector<16xi32>,
      %get3A_332 = vector.shape_cast %get3A_331 : vector<16xi32> to vector<16xi32>
      %swap3A_333 = arith.constant 32 : index
      %swap3A_334 = tpu.vector_load %arg10[%swap3A_333] {strides = array<i32>} : memref<64xi32, #tpu.memory_space<vmem>>, vector<16xi32>,
      %swap3A_335 = vector.shape_cast %swap3A_334 : vector<16xi32> to vector<16xi32>
      %swap3A_336 = vector.shape_cast %get3A_332 : vector<16xi32> to vector<16xi32>
      tpu.vector_store %arg10[%swap3A_333], %swap3A_336 {strides = array<i32>} : memref<64xi32, #tpu.memory_space<vmem>>, vector<16xi32>,
      %get3A_337 = arith.constant 1904 : index
      %get3A_338 = tpu.vector_load %arg8[%get3A_337] {strides = array<i32>} : memref<2048xi32, #tpu.memory_space<vmem>>, vector<16xi32>,
      %get3A_339 = vector.shape_cast %get3A_338 : vector<16xi32> to vector<16xi32>
      %swap3A_340 = arith.constant 48 : index
      %swap3A_341 = tpu.vector_load %arg10[%swap3A_340] {strides = array<i32>} : memref<64xi32, #tpu.memory_space<vmem>>, vector<16xi32>,
      %swap3A_342 = vector.shape_cast %swap3A_341 : vector<16xi32> to vector<16xi32>
      %swap3A_343 = vector.shape_cast %get3A_339 : vector<16xi32> to vector<16xi32>
      tpu.vector_store %arg10[%swap3A_340], %swap3A_343 {strides = array<i32>} : memref<64xi32, #tpu.memory_space<vmem>>, vector<16xi32>,
      "tpu.region"() ({
        %run_scoped3A = tpu.sem_alloc : memref<!tpu.dma_semaphore, #tpu.memory_space<semaphore_mem>>
        %dma_start3A_420 = arith.constant 64 : i32
        %dma_start3A_421 = arith.constant 0 : i32
        %dma_start3A_422 = tpu.memref_slice %arg11[%dma_start3A_420, %dma_start3A_421] : memref<256x128xf32, #tpu.memory_space<vmem>> -> memref<64x128xf32, #tpu.memory_space<vmem>>
        %dma_start3A_423 = arith.constant 0 : i32
        %dma_start3A_424 = arith.constant 0 : i32
        %dma_start3A_425 = tpu.memref_slice %arg12[%dma_start3A_423, %dma_start3A_424] : memref<10368x128xf32, #tpu.memory_space<vmem_shared>> -> memref<10368x128xf32, #tpu.memory_space<vmem_shared>>
        tpu.enqueue_indirect_dma source(%dma_start3A_422 : memref<64x128xf32, #tpu.memory_space<vmem>>) target(%dma_start3A_425 : memref<10368x128xf32, #tpu.memory_space<vmem_shared>>) offsets(%arg10 : memref<64xi32, #tpu.memory_space<vmem>>) semaphore(%run_scoped3A : memref<!tpu.dma_semaphore, #tpu.memory_space<semaphore_mem>>) {add = true}
        %dma_wait3A_426 = arith.constant 64 : i32
        %dma_wait3A_427 = arith.constant 0 : i32
        %dma_wait3A_428 = tpu.memref_slice %arg11[%dma_wait3A_426, %dma_wait3A_427] : memref<256x128xf32, #tpu.memory_space<vmem>> -> memref<64x128xf32, #tpu.memory_space<vmem>>
        %dma_wait3A_429 = arith.constant 0 : i32
        %dma_wait3A_430 = arith.constant 0 : i32
        %dma_wait3A_431 = tpu.memref_slice %arg12[%dma_wait3A_429, %dma_wait3A_430] : memref<10368x128xf32, #tpu.memory_space<vmem_shared>> -> memref<10368x128xf32, #tpu.memory_space<vmem_shared>>
        tpu.wait_indirect_dma semaphore(%run_scoped3A : memref<!tpu.dma_semaphore, #tpu.memory_space<semaphore_mem>>) src(%dma_wait3A_428 : memref<64x128xf32, #tpu.memory_space<vmem>>) dst(%dma_wait3A_431 : memref<10368x128xf32, #tpu.memory_space<vmem_shared>>)
        tpu.yield
      }) : () -> ()
      %dma_wait3A_344 = arith.constant 2 : i32
      %dma_wait3A_345 = arith.constant 128 : i32
      %dma_wait3A_346 = arith.constant 0 : i32
      %dma_wait3A_347 = tpu.memref_slice %arg11[%dma_wait3A_345, %dma_wait3A_346] : memref<256x128xf32, #tpu.memory_space<vmem>> -> memref<64x128xf32, #tpu.memory_space<vmem>>
      %dma_wait3A_348 = arith.constant 0 : i32
      %dma_wait3A_349 = tpu.memref_slice %arg9[%dma_wait3A_344, %dma_wait3A_348] : memref<4x64xi32, #tpu.memory_space<vmem>> -> memref<1x64xi32, #tpu.memory_space<vmem>>
      %dma_wait3A_350 = tpu.memref_squeeze %dma_wait3A_349 : memref<1x64xi32, #tpu.memory_space<vmem>> -> memref<64xi32, #tpu.memory_space<vmem>>
      %dma_wait3A_351 = arith.constant 0 : i32
      %dma_wait3A_352 = arith.constant 0 : i32
      %dma_wait3A_353 = tpu.memref_slice %arg2[%dma_wait3A_351, %dma_wait3A_352] : memref<40000x128xf32, #tpu.memory_space<hbm>> -> memref<40000x128xf32, #tpu.memory_space<hbm>>
      tpu.wait_indirect_dma semaphore(%arg15 : memref<!tpu.dma_semaphore, #tpu.memory_space<semaphore_mem>>) src(%dma_wait3A_353 : memref<40000x128xf32, #tpu.memory_space<hbm>>) dst(%dma_wait3A_347 : memref<64x128xf32, #tpu.memory_space<vmem>>)
      %get3A_354 = arith.constant 1920 : index
      %get3A_355 = tpu.vector_load %arg8[%get3A_354] {strides = array<i32>} : memref<2048xi32, #tpu.memory_space<vmem>>, vector<16xi32>,
      %get3A_356 = vector.shape_cast %get3A_355 : vector<16xi32> to vector<16xi32>
      %swap3A_357 = arith.constant 0 : index
      %swap3A_358 = tpu.vector_load %arg10[%swap3A_357] {strides = array<i32>} : memref<64xi32, #tpu.memory_space<vmem>>, vector<16xi32>,
      %swap3A_359 = vector.shape_cast %swap3A_358 : vector<16xi32> to vector<16xi32>
      %swap3A_360 = vector.shape_cast %get3A_356 : vector<16xi32> to vector<16xi32>
      tpu.vector_store %arg10[%swap3A_357], %swap3A_360 {strides = array<i32>} : memref<64xi32, #tpu.memory_space<vmem>>, vector<16xi32>,
      %get3A_361 = arith.constant 1936 : index
      %get3A_362 = tpu.vector_load %arg8[%get3A_361] {strides = array<i32>} : memref<2048xi32, #tpu.memory_space<vmem>>, vector<16xi32>,
      %get3A_363 = vector.shape_cast %get3A_362 : vector<16xi32> to vector<16xi32>
      %swap3A_364 = arith.constant 16 : index
      %swap3A_365 = tpu.vector_load %arg10[%swap3A_364] {strides = array<i32>} : memref<64xi32, #tpu.memory_space<vmem>>, vector<16xi32>,
      %swap3A_366 = vector.shape_cast %swap3A_365 : vector<16xi32> to vector<16xi32>
      %swap3A_367 = vector.shape_cast %get3A_363 : vector<16xi32> to vector<16xi32>
      tpu.vector_store %arg10[%swap3A_364], %swap3A_367 {strides = array<i32>} : memref<64xi32, #tpu.memory_space<vmem>>, vector<16xi32>,
      %get3A_368 = arith.constant 1952 : index
      %get3A_369 = tpu.vector_load %arg8[%get3A_368] {strides = array<i32>} : memref<2048xi32, #tpu.memory_space<vmem>>, vector<16xi32>,
      %get3A_370 = vector.shape_cast %get3A_369 : vector<16xi32> to vector<16xi32>
      %swap3A_371 = arith.constant 32 : index
      %swap3A_372 = tpu.vector_load %arg10[%swap3A_371] {strides = array<i32>} : memref<64xi32, #tpu.memory_space<vmem>>, vector<16xi32>,
      %swap3A_373 = vector.shape_cast %swap3A_372 : vector<16xi32> to vector<16xi32>
      %swap3A_374 = vector.shape_cast %get3A_370 : vector<16xi32> to vector<16xi32>
      tpu.vector_store %arg10[%swap3A_371], %swap3A_374 {strides = array<i32>} : memref<64xi32, #tpu.memory_space<vmem>>, vector<16xi32>,
      %get3A_375 = arith.constant 1968 : index
      %get3A_376 = tpu.vector_load %arg8[%get3A_375] {strides = array<i32>} : memref<2048xi32, #tpu.memory_space<vmem>>, vector<16xi32>,
      %get3A_377 = vector.shape_cast %get3A_376 : vector<16xi32> to vector<16xi32>
      %swap3A_378 = arith.constant 48 : index
      %swap3A_379 = tpu.vector_load %arg10[%swap3A_378] {strides = array<i32>} : memref<64xi32, #tpu.memory_space<vmem>>, vector<16xi32>,
      %swap3A_380 = vector.shape_cast %swap3A_379 : vector<16xi32> to vector<16xi32>
      %swap3A_381 = vector.shape_cast %get3A_377 : vector<16xi32> to vector<16xi32>
      tpu.vector_store %arg10[%swap3A_378], %swap3A_381 {strides = array<i32>} : memref<64xi32, #tpu.memory_space<vmem>>, vector<16xi32>,
      "tpu.region"() ({
        %run_scoped3A = tpu.sem_alloc : memref<!tpu.dma_semaphore, #tpu.memory_space<semaphore_mem>>
        %dma_start3A_420 = arith.constant 128 : i32
        %dma_start3A_421 = arith.constant 0 : i32
        %dma_start3A_422 = tpu.memref_slice %arg11[%dma_start3A_420, %dma_start3A_421] : memref<256x128xf32, #tpu.memory_space<vmem>> -> memref<64x128xf32, #tpu.memory_space<vmem>>
        %dma_start3A_423 = arith.constant 0 : i32
        %dma_start3A_424 = arith.constant 0 : i32
        %dma_start3A_425 = tpu.memref_slice %arg12[%dma_start3A_423, %dma_start3A_424] : memref<10368x128xf32, #tpu.memory_space<vmem_shared>> -> memref<10368x128xf32, #tpu.memory_space<vmem_shared>>
        tpu.enqueue_indirect_dma source(%dma_start3A_422 : memref<64x128xf32, #tpu.memory_space<vmem>>) target(%dma_start3A_425 : memref<10368x128xf32, #tpu.memory_space<vmem_shared>>) offsets(%arg10 : memref<64xi32, #tpu.memory_space<vmem>>) semaphore(%run_scoped3A : memref<!tpu.dma_semaphore, #tpu.memory_space<semaphore_mem>>) {add = true}
        %dma_wait3A_426 = arith.constant 128 : i32
        %dma_wait3A_427 = arith.constant 0 : i32
        %dma_wait3A_428 = tpu.memref_slice %arg11[%dma_wait3A_426, %dma_wait3A_427] : memref<256x128xf32, #tpu.memory_space<vmem>> -> memref<64x128xf32, #tpu.memory_space<vmem>>
        %dma_wait3A_429 = arith.constant 0 : i32
        %dma_wait3A_430 = arith.constant 0 : i32
        %dma_wait3A_431 = tpu.memref_slice %arg12[%dma_wait3A_429, %dma_wait3A_430] : memref<10368x128xf32, #tpu.memory_space<vmem_shared>> -> memref<10368x128xf32, #tpu.memory_space<vmem_shared>>
        tpu.wait_indirect_dma semaphore(%run_scoped3A : memref<!tpu.dma_semaphore, #tpu.memory_space<semaphore_mem>>) src(%dma_wait3A_428 : memref<64x128xf32, #tpu.memory_space<vmem>>) dst(%dma_wait3A_431 : memref<10368x128xf32, #tpu.memory_space<vmem_shared>>)
        tpu.yield
      }) : () -> ()
      %dma_wait3A_382 = arith.constant 3 : i32
      %dma_wait3A_383 = arith.constant 192 : i32
      %dma_wait3A_384 = arith.constant 0 : i32
      %dma_wait3A_385 = tpu.memref_slice %arg11[%dma_wait3A_383, %dma_wait3A_384] : memref<256x128xf32, #tpu.memory_space<vmem>> -> memref<64x128xf32, #tpu.memory_space<vmem>>
      %dma_wait3A_386 = arith.constant 0 : i32
      %dma_wait3A_387 = tpu.memref_slice %arg9[%dma_wait3A_382, %dma_wait3A_386] : memref<4x64xi32, #tpu.memory_space<vmem>> -> memref<1x64xi32, #tpu.memory_space<vmem>>
      %dma_wait3A_388 = tpu.memref_squeeze %dma_wait3A_387 : memref<1x64xi32, #tpu.memory_space<vmem>> -> memref<64xi32, #tpu.memory_space<vmem>>
      %dma_wait3A_389 = arith.constant 0 : i32
      %dma_wait3A_390 = arith.constant 0 : i32
      %dma_wait3A_391 = tpu.memref_slice %arg2[%dma_wait3A_389, %dma_wait3A_390] : memref<40000x128xf32, #tpu.memory_space<hbm>> -> memref<40000x128xf32, #tpu.memory_space<hbm>>
      tpu.wait_indirect_dma semaphore(%arg16 : memref<!tpu.dma_semaphore, #tpu.memory_space<semaphore_mem>>) src(%dma_wait3A_391 : memref<40000x128xf32, #tpu.memory_space<hbm>>) dst(%dma_wait3A_385 : memref<64x128xf32, #tpu.memory_space<vmem>>)
      %get3A_392 = arith.constant 1984 : index
      %get3A_393 = tpu.vector_load %arg8[%get3A_392] {strides = array<i32>} : memref<2048xi32, #tpu.memory_space<vmem>>, vector<16xi32>,
      %get3A_394 = vector.shape_cast %get3A_393 : vector<16xi32> to vector<16xi32>
      %swap3A_395 = arith.constant 0 : index
      %swap3A_396 = tpu.vector_load %arg10[%swap3A_395] {strides = array<i32>} : memref<64xi32, #tpu.memory_space<vmem>>, vector<16xi32>,
      %swap3A_397 = vector.shape_cast %swap3A_396 : vector<16xi32> to vector<16xi32>
      %swap3A_398 = vector.shape_cast %get3A_394 : vector<16xi32> to vector<16xi32>
      tpu.vector_store %arg10[%swap3A_395], %swap3A_398 {strides = array<i32>} : memref<64xi32, #tpu.memory_space<vmem>>, vector<16xi32>,
      %get3A_399 = arith.constant 2000 : index
      %get3A_400 = tpu.vector_load %arg8[%get3A_399] {strides = array<i32>} : memref<2048xi32, #tpu.memory_space<vmem>>, vector<16xi32>,
      %get3A_401 = vector.shape_cast %get3A_400 : vector<16xi32> to vector<16xi32>
      %swap3A_402 = arith.constant 16 : index
      %swap3A_403 = tpu.vector_load %arg10[%swap3A_402] {strides = array<i32>} : memref<64xi32, #tpu.memory_space<vmem>>, vector<16xi32>,
      %swap3A_404 = vector.shape_cast %swap3A_403 : vector<16xi32> to vector<16xi32>
      %swap3A_405 = vector.shape_cast %get3A_401 : vector<16xi32> to vector<16xi32>
      tpu.vector_store %arg10[%swap3A_402], %swap3A_405 {strides = array<i32>} : memref<64xi32, #tpu.memory_space<vmem>>, vector<16xi32>,
      %get3A_406 = arith.constant 2016 : index
      %get3A_407 = tpu.vector_load %arg8[%get3A_406] {strides = array<i32>} : memref<2048xi32, #tpu.memory_space<vmem>>, vector<16xi32>,
      %get3A_408 = vector.shape_cast %get3A_407 : vector<16xi32> to vector<16xi32>
      %swap3A_409 = arith.constant 32 : index
      %swap3A_410 = tpu.vector_load %arg10[%swap3A_409] {strides = array<i32>} : memref<64xi32, #tpu.memory_space<vmem>>, vector<16xi32>,
      %swap3A_411 = vector.shape_cast %swap3A_410 : vector<16xi32> to vector<16xi32>
      %swap3A_412 = vector.shape_cast %get3A_408 : vector<16xi32> to vector<16xi32>
      tpu.vector_store %arg10[%swap3A_409], %swap3A_412 {strides = array<i32>} : memref<64xi32, #tpu.memory_space<vmem>>, vector<16xi32>,
      %get3A_413 = arith.constant 2032 : index
      %get3A_414 = tpu.vector_load %arg8[%get3A_413] {strides = array<i32>} : memref<2048xi32, #tpu.memory_space<vmem>>, vector<16xi32>,
      %get3A_415 = vector.shape_cast %get3A_414 : vector<16xi32> to vector<16xi32>
      %swap3A_416 = arith.constant 48 : index
      %swap3A_417 = tpu.vector_load %arg10[%swap3A_416] {strides = array<i32>} : memref<64xi32, #tpu.memory_space<vmem>>, vector<16xi32>,
      %swap3A_418 = vector.shape_cast %swap3A_417 : vector<16xi32> to vector<16xi32>
      %swap3A_419 = vector.shape_cast %get3A_415 : vector<16xi32> to vector<16xi32>
      tpu.vector_store %arg10[%swap3A_416], %swap3A_419 {strides = array<i32>} : memref<64xi32, #tpu.memory_space<vmem>>, vector<16xi32>,
      "tpu.region"() ({
        %run_scoped3A = tpu.sem_alloc : memref<!tpu.dma_semaphore, #tpu.memory_space<semaphore_mem>>
        %dma_start3A_420 = arith.constant 192 : i32
        %dma_start3A_421 = arith.constant 0 : i32
        %dma_start3A_422 = tpu.memref_slice %arg11[%dma_start3A_420, %dma_start3A_421] : memref<256x128xf32, #tpu.memory_space<vmem>> -> memref<64x128xf32, #tpu.memory_space<vmem>>
        %dma_start3A_423 = arith.constant 0 : i32
        %dma_start3A_424 = arith.constant 0 : i32
        %dma_start3A_425 = tpu.memref_slice %arg12[%dma_start3A_423, %dma_start3A_424] : memref<10368x128xf32, #tpu.memory_space<vmem_shared>> -> memref<10368x128xf32, #tpu.memory_space<vmem_shared>>
        tpu.enqueue_indirect_dma source(%dma_start3A_422 : memref<64x128xf32, #tpu.memory_space<vmem>>) target(%dma_start3A_425 : memref<10368x128xf32, #tpu.memory_space<vmem_shared>>) offsets(%arg10 : memref<64xi32, #tpu.memory_space<vmem>>) semaphore(%run_scoped3A : memref<!tpu.dma_semaphore, #tpu.memory_space<semaphore_mem>>) {add = true}
        %dma_wait3A_426 = arith.constant 192 : i32
        %dma_wait3A_427 = arith.constant 0 : i32
        %dma_wait3A_428 = tpu.memref_slice %arg11[%dma_wait3A_426, %dma_wait3A_427] : memref<256x128xf32, #tpu.memory_space<vmem>> -> memref<64x128xf32, #tpu.memory_space<vmem>>
        %dma_wait3A_429 = arith.constant 0 : i32
        %dma_wait3A_430 = arith.constant 0 : i32
        %dma_wait3A_431 = tpu.memref_slice %arg12[%dma_wait3A_429, %dma_wait3A_430] : memref<10368x128xf32, #tpu.memory_space<vmem_shared>> -> memref<10368x128xf32, #tpu.memory_space<vmem_shared>>
        tpu.wait_indirect_dma semaphore(%run_scoped3A : memref<!tpu.dma_semaphore, #tpu.memory_space<semaphore_mem>>) src(%dma_wait3A_428 : memref<64x128xf32, #tpu.memory_space<vmem>>) dst(%dma_wait3A_431 : memref<10368x128xf32, #tpu.memory_space<vmem_shared>>)
        tpu.yield
      }) : () -> ()
    }
    %scan3A_8 = arith.constant 5 : i32
    %barrier3A_9 = arith.constant 0 : index
    tpu.barrier barrier_id(%barrier3A_9)
    %mul3A_10 = arith.constant 640 : i32
    %mul3A_11 = arith.muli %arg1, %mul3A_10 : i32
    %multiple_of3A_12 = tpu.assume_multiple %mul3A_11, 8 : i32
    "tpu.region"() ({
      %run_scoped3A = tpu.sem_alloc : memref<!tpu.dma_semaphore, #tpu.memory_space<semaphore_mem>>
      %dma_start3A = arith.constant 0 : i32
      %dma_start3A_13 = tpu.memref_slice %arg6[%arg0, %multiple_of3A_12, %dma_start3A] : memref<2x10240x128xf32, #tpu.memory_space<hbm>> -> memref<1x640x128xf32, #tpu.memory_space<hbm>>
      %dma_start3A_14 = tpu.memref_squeeze %dma_start3A_13 : memref<1x640x128xf32, #tpu.memory_space<hbm>> -> memref<640x128xf32, #tpu.memory_space<hbm>>
      %dma_start3A_15 = arith.constant 0 : i32
      %dma_start3A_16 = tpu.memref_slice %arg12[%multiple_of3A_12, %dma_start3A_15] : memref<10368x128xf32, #tpu.memory_space<vmem_shared>> -> memref<640x128xf32, #tpu.memory_space<vmem_shared>>
      tpu.enqueue_dma source(%dma_start3A_16 : memref<640x128xf32, #tpu.memory_space<vmem_shared>>) target(%dma_start3A_14 : memref<640x128xf32, #tpu.memory_space<hbm>>) target_semaphore(%run_scoped3A : memref<!tpu.dma_semaphore, #tpu.memory_space<semaphore_mem>>)
      %dma_wait3A = arith.constant 0 : i32
      %dma_wait3A_17 = tpu.memref_slice %arg6[%arg0, %multiple_of3A_12, %dma_wait3A] : memref<2x10240x128xf32, #tpu.memory_space<hbm>> -> memref<1x640x128xf32, #tpu.memory_space<hbm>>
      %dma_wait3A_18 = tpu.memref_squeeze %dma_wait3A_17 : memref<1x640x128xf32, #tpu.memory_space<hbm>> -> memref<640x128xf32, #tpu.memory_space<hbm>>
      %dma_wait3A_19 = arith.constant 0 : i32
      %dma_wait3A_20 = tpu.memref_slice %arg12[%multiple_of3A_12, %dma_wait3A_19] : memref<10368x128xf32, #tpu.memory_space<vmem_shared>> -> memref<640x128xf32, #tpu.memory_space<vmem_shared>>
      tpu.wait_dma2 semaphore(%run_scoped3A : memref<!tpu.dma_semaphore, #tpu.memory_space<semaphore_mem>>) src(%dma_wait3A_20 : memref<640x128xf32, #tpu.memory_space<vmem_shared>>) dst(%dma_wait3A_18 : memref<640x128xf32, #tpu.memory_space<hbm>>)
      tpu.yield
    }) : () -> ()
    return
  }
}

module attributes {stable_mosaic.version = 14 : i64} {
  func.func @_p1_body(%arg0: i32, %arg1: memref<1000x1xf32, #tpu.memory_space<vmem>>, %arg2: memref<1000x1xf32, #tpu.memory_space<vmem>>, %arg3: memref<1000x256xf32, #tpu.memory_space<vmem>>, %arg4: memref<1000x1xf32, #tpu.memory_space<vmem>>, %arg5: memref<1000x1xf32, #tpu.memory_space<vmem>>, %arg6: memref<2x1000x128xf32, #tpu.memory_space<vmem>>) attributes {dimension_semantics = [#tpu.dimension_semantics<arbitrary>], iteration_bounds = array<i64: 10>, scalar_prefetch = 0 : i64, scratch_operands = 0 : i64, tpu.core_type = #tpu.core_type<tc>, window_params = [{transform_indices = @transform_0, window_bounds = array<i64: 1000, 1>}, {transform_indices = @transform_1, window_bounds = array<i64: 1000, 1>}, {transform_indices = @transform_2, window_bounds = array<i64: 1000, 256>}, {transform_indices = @transform_3, window_bounds = array<i64: 1000, 1>}, {transform_indices = @transform_4, window_bounds = array<i64: 1000, 1>}, {transform_indices = @transform_5, window_bounds = array<i64: 2, 1000, 128>}]} {
    %get3A = arith.constant 0 : index
    %get3A_0 = arith.constant 0 : index
    %get3A_1 = vector.load %arg1[%get3A, %get3A_0] : memref<1000x1xf32, #tpu.memory_space<vmem>>, vector<1000x1xf32>
    %max3A = arith.constant 1.000000e+00 : f32
    %max3A_2 = vector.broadcast %max3A : f32 to vector<1000x1xf32>
    %max3A_3 = arith.maximumf %get3A_1, %max3A_2 : vector<1000x1xf32>
    %rsqrt3A = math.rsqrt %max3A_3 : vector<1000x1xf32>
    %get3A_4 = arith.constant 0 : index
    %get3A_5 = arith.constant 0 : index
    %get3A_6 = vector.load %arg2[%get3A_4, %get3A_5] : memref<1000x1xf32, #tpu.memory_space<vmem>>, vector<1000x1xf32>
    %max3A_7 = arith.constant 1.000000e+00 : f32
    %max3A_8 = vector.broadcast %max3A_7 : f32 to vector<1000x1xf32>
    %max3A_9 = arith.maximumf %get3A_6, %max3A_8 : vector<1000x1xf32>
    %rsqrt3A_10 = math.rsqrt %max3A_9 : vector<1000x1xf32>
    %swap3A = arith.constant 0 : index
    %swap3A_11 = arith.constant 0 : index
    %swap3A_12 = vector.load %arg4[%swap3A, %swap3A_11] : memref<1000x1xf32, #tpu.memory_space<vmem>>, vector<1000x1xf32>
    tpu.vector_store %arg4[%swap3A, %swap3A_11], %rsqrt3A {strides = array<i32>} : memref<1000x1xf32, #tpu.memory_space<vmem>>, vector<1000x1xf32>,
    %swap3A_13 = arith.constant 0 : index
    %swap3A_14 = arith.constant 0 : index
    %swap3A_15 = vector.load %arg5[%swap3A_13, %swap3A_14] : memref<1000x1xf32, #tpu.memory_space<vmem>>, vector<1000x1xf32>
    tpu.vector_store %arg5[%swap3A_13, %swap3A_14], %rsqrt3A_10 {strides = array<i32>} : memref<1000x1xf32, #tpu.memory_space<vmem>>, vector<1000x1xf32>,
    %get3A_16 = arith.constant 0 : index
    %get3A_17 = arith.constant 0 : index
    %get3A_18 = vector.load %arg3[%get3A_16, %get3A_17] : memref<1000x256xf32, #tpu.memory_space<vmem>>, vector<1000x256xf32>
    %mul3A = vector.broadcast %rsqrt3A : vector<1000x1xf32> to vector<1000x256xf32>
    %mul3A_19 = arith.mulf %get3A_18, %mul3A : vector<1000x256xf32>
    %reshape3A = vector.shape_cast %mul3A_19 : vector<1000x256xf32> to vector<1000x2x128xf32>
    %transpose3A = tpu.transpose %reshape3A, [1, 0, 2] : vector<1000x2x128xf32> -> vector<2x1000x128xf32>
    %swap3A_20 = arith.constant 0 : index
    %swap3A_21 = arith.constant 0 : index
    %swap3A_22 = arith.constant 0 : index
    %swap3A_23 = vector.load %arg6[%swap3A_20, %swap3A_21, %swap3A_22] : memref<2x1000x128xf32, #tpu.memory_space<vmem>>, vector<2x1000x128xf32>
    tpu.vector_store %arg6[%swap3A_20, %swap3A_21, %swap3A_22], %transpose3A {strides = array<i32>} : memref<2x1000x128xf32, #tpu.memory_space<vmem>>, vector<2x1000x128xf32>,
    return
  }
  func.func @transform_0(%arg0: i32) -> (i32, i32) {
    %c0_i32 = arith.constant 0 : i32
    %c0_i32_0 = arith.constant 0 : i32
    return %arg0, %c0_i32 : i32, i32
  }
  func.func @transform_1(%arg0: i32) -> (i32, i32) {
    %c0_i32 = arith.constant 0 : i32
    %c0_i32_0 = arith.constant 0 : i32
    return %arg0, %c0_i32 : i32, i32
  }
  func.func @transform_2(%arg0: i32) -> (i32, i32) {
    %c0_i32 = arith.constant 0 : i32
    %c0_i32_0 = arith.constant 0 : i32
    return %arg0, %c0_i32 : i32, i32
  }
  func.func @transform_3(%arg0: i32) -> (i32, i32) {
    %c0_i32 = arith.constant 0 : i32
    %c0_i32_0 = arith.constant 0 : i32
    return %arg0, %c0_i32 : i32, i32
  }
  func.func @transform_4(%arg0: i32) -> (i32, i32) {
    %c0_i32 = arith.constant 0 : i32
    %c0_i32_0 = arith.constant 0 : i32
    return %arg0, %c0_i32 : i32, i32
  }
  func.func @transform_5(%arg0: i32) -> (i32, i32, i32) {
    %c0_i32 = arith.constant 0 : i32
    %c0_i32_0 = arith.constant 0 : i32
    %c0_i32_1 = arith.constant 0 : i32
    return %c0_i32, %arg0, %c0_i32_0 : i32, i32, i32
  }
}

module attributes {stable_mosaic.version = 14 : i64} {
  func.func @_mm_body(%arg0: i32, %arg1: memref<2x1000x128xf32, #tpu.memory_space<vmem>>, %arg2: memref<256x512xf32, #tpu.memory_space<vmem>>, %arg3: memref<1x512xf32, #tpu.memory_space<vmem>>, %arg4: memref<1000x1xf32, #tpu.memory_space<vmem>>, %arg5: memref<1000x1xf32, #tpu.memory_space<vmem>>, %arg6: memref<4x1000x128xf32, #tpu.memory_space<vmem>>) attributes {dimension_semantics = [#tpu.dimension_semantics<arbitrary>], iteration_bounds = array<i64: 10>, scalar_prefetch = 0 : i64, scratch_operands = 0 : i64, tpu.core_type = #tpu.core_type<tc>, window_params = [{transform_indices = @transform_0, window_bounds = array<i64: 2, 1000, 128>}, {pipeline_mode = #tpu.pipeline_mode<synchronous>, transform_indices = @transform_1, window_bounds = array<i64: 256, 512>}, {pipeline_mode = #tpu.pipeline_mode<synchronous>, transform_indices = @transform_2, window_bounds = array<i64: 1, 512>}, {transform_indices = @transform_3, window_bounds = array<i64: 1000, 1>}, {transform_indices = @transform_4, window_bounds = array<i64: 1000, 1>}, {transform_indices = @transform_5, window_bounds = array<i64: 4, 1000, 128>}]} {
    %get3A = arith.constant 0 : index
    %get3A_0 = arith.constant 0 : index
    %get3A_1 = arith.constant 0 : index
    %get3A_2 = vector.load %arg1[%get3A, %get3A_0, %get3A_1] : memref<2x1000x128xf32, #tpu.memory_space<vmem>>, vector<1x1000x128xf32>
    %get3A_3 = vector.shape_cast %get3A_2 : vector<1x1000x128xf32> to vector<1000x128xf32>
    %get3A_4 = arith.constant 1 : index
    %get3A_5 = arith.constant 0 : index
    %get3A_6 = arith.constant 0 : index
    %get3A_7 = vector.load %arg1[%get3A_4, %get3A_5, %get3A_6] : memref<2x1000x128xf32, #tpu.memory_space<vmem>>, vector<1x1000x128xf32>
    %get3A_8 = vector.shape_cast %get3A_7 : vector<1x1000x128xf32> to vector<1000x128xf32>
    %concatenate3A = tpu.concatenate %get3A_3, %get3A_8 in 1 : vector<1000x128xf32>, vector<1000x128xf32> -> vector<1000x256xf32>
    %get3A_9 = arith.constant 0 : index
    %get3A_10 = arith.constant 0 : index
    %get3A_11 = vector.load %arg2[%get3A_9, %get3A_10] : memref<256x512xf32, #tpu.memory_space<vmem>>, vector<256x512xf32>
    %dot_general3A = arith.constant dense<0.000000e+00> : vector<1000x512xf32>
    %dot_general3A_12 = tpu.matmul %concatenate3A, %get3A_11, %dot_general3A {dimension_numbers = #tpu.dot_dimension_numbers<[1], [0], [0], [1], [0, 0, 1, 1], [], []>, transpose_lhs_hint = false} : vector<1000x256xf32>, vector<256x512xf32>, vector<1000x512xf32> -> vector<1000x512xf32>
    %get3A_13 = arith.constant 0 : index
    %get3A_14 = arith.constant 0 : index
    %get3A_15 = vector.load %arg4[%get3A_13, %get3A_14] : memref<1000x1xf32, #tpu.memory_space<vmem>>, vector<1000x1xf32>
    %mul3A = vector.broadcast %get3A_15 : vector<1000x1xf32> to vector<1000x512xf32>
    %mul3A_16 = arith.mulf %dot_general3A_12, %mul3A : vector<1000x512xf32>
    %get3A_17 = arith.constant 0 : index
    %get3A_18 = arith.constant 0 : index
    %get3A_19 = vector.load %arg3[%get3A_17, %get3A_18] : memref<1x512xf32, #tpu.memory_space<vmem>>, vector<1x512xf32>
    %add3A = vector.broadcast %get3A_19 : vector<1x512xf32> to vector<1000x512xf32>
    %add3A_20 = arith.addf %mul3A_16, %add3A : vector<1000x512xf32>
    %max3A = arith.constant 0.000000e+00 : f32
    %max3A_21 = vector.broadcast %max3A : f32 to vector<1000x512xf32>
    %max3A_22 = arith.maximumf %add3A_20, %max3A_21 : vector<1000x512xf32>
    %get3A_23 = arith.constant 0 : index
    %get3A_24 = arith.constant 0 : index
    %get3A_25 = vector.load %arg5[%get3A_23, %get3A_24] : memref<1000x1xf32, #tpu.memory_space<vmem>>, vector<1000x1xf32>
    %mul3A_26 = vector.broadcast %get3A_25 : vector<1000x1xf32> to vector<1000x512xf32>
    %mul3A_27 = arith.mulf %max3A_22, %mul3A_26 : vector<1000x512xf32>
    %reshape3A = vector.shape_cast %mul3A_27 : vector<1000x512xf32> to vector<1000x4x128xf32>
    %transpose3A = tpu.transpose %reshape3A, [1, 0, 2] : vector<1000x4x128xf32> -> vector<4x1000x128xf32>
    %swap3A = arith.constant 0 : index
    %swap3A_28 = arith.constant 0 : index
    %swap3A_29 = arith.constant 0 : index
    %swap3A_30 = vector.load %arg6[%swap3A, %swap3A_28, %swap3A_29] : memref<4x1000x128xf32, #tpu.memory_space<vmem>>, vector<4x1000x128xf32>
    tpu.vector_store %arg6[%swap3A, %swap3A_28, %swap3A_29], %transpose3A {strides = array<i32>} : memref<4x1000x128xf32, #tpu.memory_space<vmem>>, vector<4x1000x128xf32>,
    return
  }
  func.func @transform_0(%arg0: i32) -> (i32, i32, i32) {
    %c0_i32 = arith.constant 0 : i32
    %c0_i32_0 = arith.constant 0 : i32
    %c0_i32_1 = arith.constant 0 : i32
    return %c0_i32, %arg0, %c0_i32_0 : i32, i32, i32
  }
  func.func @transform_1(%arg0: i32) -> (i32, i32) {
    %c0_i32 = arith.constant 0 : i32
    %c0_i32_0 = arith.constant 0 : i32
    %c0_i32_1 = arith.constant 0 : i32
    return %c0_i32, %c0_i32_0 : i32, i32
  }
  func.func @transform_2(%arg0: i32) -> (i32, i32) {
    %c0_i32 = arith.constant 0 : i32
    %c0_i32_0 = arith.constant 0 : i32
    %c0_i32_1 = arith.constant 0 : i32
    return %c0_i32, %c0_i32_0 : i32, i32
  }
  func.func @transform_3(%arg0: i32) -> (i32, i32) {
    %c0_i32 = arith.constant 0 : i32
    %c0_i32_0 = arith.constant 0 : i32
    return %arg0, %c0_i32 : i32, i32
  }
  func.func @transform_4(%arg0: i32) -> (i32, i32) {
    %c0_i32 = arith.constant 0 : i32
    %c0_i32_0 = arith.constant 0 : i32
    return %arg0, %c0_i32 : i32, i32
  }
  func.func @transform_5(%arg0: i32) -> (i32, i32, i32) {
    %c0_i32 = arith.constant 0 : i32
    %c0_i32_0 = arith.constant 0 : i32
    %c0_i32_1 = arith.constant 0 : i32
    return %c0_i32, %arg0, %c0_i32_0 : i32, i32, i32
  }
}

module attributes {stable_mosaic.version = 14 : i64} {
  func.func @_p5_body(%arg0: i32, %arg1: memref<2x1000x128xf32, #tpu.memory_space<vmem>>, %arg2: memref<2x1000x128xf32, #tpu.memory_space<vmem>>, %arg3: memref<512x512xf32, #tpu.memory_space<vmem>>, %arg4: memref<1x512xf32, #tpu.memory_space<vmem>>, %arg5: memref<1000x1xf32, #tpu.memory_space<vmem>>, %arg6: memref<512x256xf32, #tpu.memory_space<vmem>>, %arg7: memref<1x256xf32, #tpu.memory_space<vmem>>, %arg8: memref<1x256xf32, #tpu.memory_space<vmem>>, %arg9: memref<1x512xf32, #tpu.memory_space<vmem>>) attributes {dimension_semantics = [#tpu.dimension_semantics<arbitrary>], iteration_bounds = array<i64: 10>, scalar_prefetch = 0 : i64, scratch_operands = 1 : i64, tpu.core_type = #tpu.core_type<tc>, window_params = [{transform_indices = @transform_0, window_bounds = array<i64: 2, 1000, 128>}, {transform_indices = @transform_1, window_bounds = array<i64: 2, 1000, 128>}, {pipeline_mode = #tpu.pipeline_mode<synchronous>, transform_indices = @transform_2, window_bounds = array<i64: 512, 512>}, {pipeline_mode = #tpu.pipeline_mode<synchronous>, transform_indices = @transform_3, window_bounds = array<i64: 1, 512>}, {transform_indices = @transform_4, window_bounds = array<i64: 1000, 1>}, {pipeline_mode = #tpu.pipeline_mode<synchronous>, transform_indices = @transform_5, window_bounds = array<i64: 512, 256>}, {pipeline_mode = #tpu.pipeline_mode<synchronous>, transform_indices = @transform_6, window_bounds = array<i64: 1, 256>}, {pipeline_mode = #tpu.pipeline_mode<synchronous>, transform_indices = @transform_7, window_bounds = array<i64: 1, 256>}]} {
    %get3A = arith.constant 0 : index
    %get3A_0 = arith.constant 0 : index
    %get3A_1 = arith.constant 0 : index
    %get3A_2 = vector.load %arg1[%get3A, %get3A_0, %get3A_1] : memref<2x1000x128xf32, #tpu.memory_space<vmem>>, vector<1x1000x128xf32>
    %get3A_3 = vector.shape_cast %get3A_2 : vector<1x1000x128xf32> to vector<1000x128xf32>
    %get3A_4 = arith.constant 1 : index
    %get3A_5 = arith.constant 0 : index
    %get3A_6 = arith.constant 0 : index
    %get3A_7 = vector.load %arg1[%get3A_4, %get3A_5, %get3A_6] : memref<2x1000x128xf32, #tpu.memory_space<vmem>>, vector<1x1000x128xf32>
    %get3A_8 = vector.shape_cast %get3A_7 : vector<1x1000x128xf32> to vector<1000x128xf32>
    %get3A_9 = arith.constant 0 : index
    %get3A_10 = arith.constant 0 : index
    %get3A_11 = arith.constant 0 : index
    %get3A_12 = vector.load %arg2[%get3A_9, %get3A_10, %get3A_11] : memref<2x1000x128xf32, #tpu.memory_space<vmem>>, vector<1x1000x128xf32>
    %get3A_13 = vector.shape_cast %get3A_12 : vector<1x1000x128xf32> to vector<1000x128xf32>
    %get3A_14 = arith.constant 1 : index
    %get3A_15 = arith.constant 0 : index
    %get3A_16 = arith.constant 0 : index
    %get3A_17 = vector.load %arg2[%get3A_14, %get3A_15, %get3A_16] : memref<2x1000x128xf32, #tpu.memory_space<vmem>>, vector<1x1000x128xf32>
    %get3A_18 = vector.shape_cast %get3A_17 : vector<1x1000x128xf32> to vector<1000x128xf32>
    %concatenate3A = tpu.concatenate %get3A_3, %get3A_8, %get3A_13, %get3A_18 in 1 : vector<1000x128xf32>, vector<1000x128xf32>, vector<1000x128xf32>, vector<1000x128xf32> -> vector<1000x512xf32>
    %get3A_19 = arith.constant 0 : index
    %get3A_20 = arith.constant 0 : index
    %get3A_21 = vector.load %arg3[%get3A_19, %get3A_20] : memref<512x512xf32, #tpu.memory_space<vmem>>, vector<512x512xf32>
    %dot_general3A = arith.constant dense<0.000000e+00> : vector<1000x512xf32>
    %dot_general3A_22 = tpu.matmul %concatenate3A, %get3A_21, %dot_general3A {dimension_numbers = #tpu.dot_dimension_numbers<[1], [0], [0], [1], [0, 0, 1, 1], [], []>, transpose_lhs_hint = false} : vector<1000x512xf32>, vector<512x512xf32>, vector<1000x512xf32> -> vector<1000x512xf32>
    %get3A_23 = arith.constant 0 : index
    %get3A_24 = arith.constant 0 : index
    %get3A_25 = vector.load %arg5[%get3A_23, %get3A_24] : memref<1000x1xf32, #tpu.memory_space<vmem>>, vector<1000x1xf32>
    %mul3A = vector.broadcast %get3A_25 : vector<1000x1xf32> to vector<1000x512xf32>
    %mul3A_26 = arith.mulf %dot_general3A_22, %mul3A : vector<1000x512xf32>
    %get3A_27 = arith.constant 0 : index
    %get3A_28 = arith.constant 0 : index
    %get3A_29 = vector.load %arg4[%get3A_27, %get3A_28] : memref<1x512xf32, #tpu.memory_space<vmem>>, vector<1x512xf32>
    %add3A = vector.broadcast %get3A_29 : vector<1x512xf32> to vector<1000x512xf32>
    %add3A_30 = arith.addf %mul3A_26, %add3A : vector<1000x512xf32>
    %max3A = arith.constant 0.000000e+00 : f32
    %max3A_31 = vector.broadcast %max3A : f32 to vector<1000x512xf32>
    %max3A_32 = arith.maximumf %add3A_30, %max3A_31 : vector<1000x512xf32>
    %reduce_sum3A = arith.constant dense<0.000000e+00> : vector<512xf32>
    %reduce_sum3A_33 = vector.multi_reduction <add>, %max3A_32, %reduce_sum3A [0] : vector<1000x512xf32> to vector<512xf32>
    %broadcast_in_dim3A = vector.shape_cast %reduce_sum3A_33 : vector<512xf32> to vector<1x512xf32>
    %eq3A = arith.constant 0 : i32
    %eq3A_34 = arith.cmpi eq, %arg0, %eq3A : i32
    %convert_element_type3A = arith.extui %eq3A_34 : i1 to i32
    %cond3A = arith.constant 0 : i32
    %cond3A_35 = arith.cmpi ne, %convert_element_type3A, %cond3A : i32
    scf.if %cond3A_35 {
      %swap3A = arith.constant 0 : index
      %swap3A_45 = arith.constant 0 : index
      %swap3A_46 = vector.load %arg9[%swap3A, %swap3A_45] : memref<1x512xf32, #tpu.memory_space<vmem>>, vector<1x512xf32>
      tpu.vector_store %arg9[%swap3A, %swap3A_45], %broadcast_in_dim3A {strides = array<i32>} : memref<1x512xf32, #tpu.memory_space<vmem>>, vector<1x512xf32>,
    } else {
    }
    %gt3A = arith.constant 0 : i32
    %gt3A_36 = arith.cmpi sgt, %arg0, %gt3A : i32
    %convert_element_type3A_37 = arith.extui %gt3A_36 : i1 to i32
    %cond3A_38 = arith.constant 0 : i32
    %cond3A_39 = arith.cmpi ne, %convert_element_type3A_37, %cond3A_38 : i32
    scf.if %cond3A_39 {
      %get3A_45 = arith.constant 0 : index
      %get3A_46 = arith.constant 0 : index
      %get3A_47 = vector.load %arg9[%get3A_45, %get3A_46] : memref<1x512xf32, #tpu.memory_space<vmem>>, vector<1x512xf32>
      %add3A_48 = arith.addf %get3A_47, %broadcast_in_dim3A : vector<1x512xf32>
      %swap3A = arith.constant 0 : index
      %swap3A_49 = arith.constant 0 : index
      %swap3A_50 = vector.load %arg9[%swap3A, %swap3A_49] : memref<1x512xf32, #tpu.memory_space<vmem>>, vector<1x512xf32>
      tpu.vector_store %arg9[%swap3A, %swap3A_49], %add3A_48 {strides = array<i32>} : memref<1x512xf32, #tpu.memory_space<vmem>>, vector<1x512xf32>,
    } else {
    }
    %eq3A_40 = arith.constant 9 : i32
    %eq3A_41 = arith.cmpi eq, %arg0, %eq3A_40 : i32
    %convert_element_type3A_42 = arith.extui %eq3A_41 : i1 to i32
    %cond3A_43 = arith.constant 0 : i32
    %cond3A_44 = arith.cmpi ne, %convert_element_type3A_42, %cond3A_43 : i32
    scf.if %cond3A_44 {
      %get3A_45 = arith.constant 0 : index
      %get3A_46 = arith.constant 0 : index
      %get3A_47 = vector.load %arg9[%get3A_45, %get3A_46] : memref<1x512xf32, #tpu.memory_space<vmem>>, vector<1x512xf32>
      %mul3A_48 = arith.constant 9.99999974E-5 : f32
      %mul3A_49 = vector.broadcast %mul3A_48 : f32 to vector<1x512xf32>
      %mul3A_50 = arith.mulf %get3A_47, %mul3A_49 : vector<1x512xf32>
      %get3A_51 = arith.constant 0 : index
      %get3A_52 = arith.constant 0 : index
      %get3A_53 = vector.load %arg6[%get3A_51, %get3A_52] : memref<512x256xf32, #tpu.memory_space<vmem>>, vector<512x256xf32>
      %dot_general3A_54 = arith.constant dense<0.000000e+00> : vector<1x256xf32>
      %dot_general3A_55 = tpu.matmul %mul3A_50, %get3A_53, %dot_general3A_54 {dimension_numbers = #tpu.dot_dimension_numbers<[1], [0], [0], [1], [0, 0, 1, 1], [], []>, transpose_lhs_hint = false} : vector<1x512xf32>, vector<512x256xf32>, vector<1x256xf32> -> vector<1x256xf32>
      %get3A_56 = arith.constant 0 : index
      %get3A_57 = arith.constant 0 : index
      %get3A_58 = vector.load %arg7[%get3A_56, %get3A_57] : memref<1x256xf32, #tpu.memory_space<vmem>>, vector<1x256xf32>
      %add3A_59 = arith.addf %dot_general3A_55, %get3A_58 : vector<1x256xf32>
      %swap3A = arith.constant 0 : index
      %swap3A_60 = arith.constant 0 : index
      %swap3A_61 = vector.load %arg8[%swap3A, %swap3A_60] : memref<1x256xf32, #tpu.memory_space<vmem>>, vector<1x256xf32>
      tpu.vector_store %arg8[%swap3A, %swap3A_60], %add3A_59 {strides = array<i32>} : memref<1x256xf32, #tpu.memory_space<vmem>>, vector<1x256xf32>,
    } else {
    }
    return
  }
  func.func @transform_0(%arg0: i32) -> (i32, i32, i32) {
    %c0_i32 = arith.constant 0 : i32
    %c0_i32_0 = arith.constant 0 : i32
    %c0_i32_1 = arith.constant 0 : i32
    return %c0_i32, %arg0, %c0_i32_0 : i32, i32, i32
  }
  func.func @transform_1(%arg0: i32) -> (i32, i32, i32) {
    %c0_i32 = arith.constant 0 : i32
    %c0_i32_0 = arith.constant 0 : i32
    %c0_i32_1 = arith.constant 0 : i32
    return %c0_i32, %arg0, %c0_i32_0 : i32, i32, i32
  }
  func.func @transform_2(%arg0: i32) -> (i32, i32) {
    %c0_i32 = arith.constant 0 : i32
    %c0_i32_0 = arith.constant 0 : i32
    %c0_i32_1 = arith.constant 0 : i32
    return %c0_i32, %c0_i32_0 : i32, i32
  }
  func.func @transform_3(%arg0: i32) -> (i32, i32) {
    %c0_i32 = arith.constant 0 : i32
    %c0_i32_0 = arith.constant 0 : i32
    %c0_i32_1 = arith.constant 0 : i32
    return %c0_i32, %c0_i32_0 : i32, i32
  }
  func.func @transform_4(%arg0: i32) -> (i32, i32) {
    %c0_i32 = arith.constant 0 : i32
    %c0_i32_0 = arith.constant 0 : i32
    return %arg0, %c0_i32 : i32, i32
  }
  func.func @transform_5(%arg0: i32) -> (i32, i32) {
    %c0_i32 = arith.constant 0 : i32
    %c0_i32_0 = arith.constant 0 : i32
    %c0_i32_1 = arith.constant 0 : i32
    return %c0_i32, %c0_i32_0 : i32, i32
  }
  func.func @transform_6(%arg0: i32) -> (i32, i32) {
    %c0_i32 = arith.constant 0 : i32
    %c0_i32_0 = arith.constant 0 : i32
    %c0_i32_1 = arith.constant 0 : i32
    return %c0_i32, %c0_i32_0 : i32, i32
  }
  func.func @transform_7(%arg0: i32) -> (i32, i32) {
    %c0_i32 = arith.constant 0 : i32
    %c0_i32_0 = arith.constant 0 : i32
    %c0_i32_1 = arith.constant 0 : i32
    return %c0_i32, %c0_i32_0 : i32, i32
  }
}

</mosaic_0001>

<sc_bundles>
// kernel: kernel.12.cloned.1.call-start
scs
__scs_entry_jumppad:
0x0: {  	(pc) =	sbr.rel $0x88, $3  }
0x1: {  	(tag) =	ssettag $0x0;
	lr =	simm.s32 $0x1  }
0x2: {  	[smem:$0x3F99] =	sst lr;
	_ =	strace $0xD0000000  }
0x3: {  	_ = 	snop  }
0x4: {  	_ = 	snop  }
0x5: {  	_ = 	snop  }
0x6: {  	_ = 	snop  }
0x7: {  	_ = 	snop  }
__scs_overlays_trampoline_lowered:
0x8: {  	[smem:$0x3FA8] =	sst s0  }
0x9: {  	[smem:$0x3FA9] =	sst s1  }
0xa: {  	[smem:$0x3FAA] =	sst s2  }
0xb: {  	[smem:$0x3FAB] =	sst s3  }
0xc: {  	[smem:$0x3FAC] =	sst s4  }
0xd: {  	[smem:$0x3FAD] =	sst s5  }
0xe: {  	[smem:$0x3FAE] =	sst s6  }
0xf: {  	[smem:$0x3FAF] =	sst s7  }
0x10: {  	[smem:$0x3FB0] =	sst s8  }
0x11: {  	[smem:$0x3FB1] =	sst s9;
	s0 =	simm.s32 @!p0 $0x0  }
0x12: {  	s1 =	sld [smem:$0x3F97];
	s0 =	simm.s32 @p0 $0x1  }
0x13: {  	[smem:$0x3FB2] =	sst s0;
	s0 =	simm.s32 @!p1 $0x0  }
0x14: {  	s2 =	sld [smem:$0x3F96];
	s0 =	simm.s32 @p1 $0x1  }
0x15: {  	[smem:$0x3FB3] =	sst s0;
	s0 =	simm.s32 @!p2 $0x0  }
0x16: {  	s3 =	sld [smem:$0x3FDB];
	s0 =	simm.s32 @p2 $0x1  }
0x17: {  	s4 =	simm.s32 $0x1BF5;
	[smem:$0x3FB5] =	sst s0  }
0x18: {  	s0 =	sld [smem:$0x3F98];
	_ =	swait.ge [sflag:s4], $0x0  }
0x19: {  	s7 =	sld [smem:$0x3F99]  }
0x1a: {  	s8 =	sadd.s32 $0xFFFFE003, lr  }
0x1b: {  	s9 =	sadd.s32 $0xFFFFFEF7, lr;
	s5 =	simm.s32 $0xFFFFFFFF;
	p2 =	slt.u32 s8, $0xFFFFF086  }
0x1c: {  	p1 =	slt.u32 s9, $0xF7A;
	s5 =	simm.s32 @!p2 $0x0  }
0x1d: {  	s5 =	simm.s32 @p1 $0x1;
	p0 =	seq.s32 s7, s2  }
0x1e: {  	s7 =	smul.u32 @!p0 $0xF7A, s2;
	p2 =	seq.s32 @!p0 s5, $0x0  }
0x1f: {  	s9 =	smul.u32 $0xF7A, s1;
	s8 =	simm.s32 @!p0 $0x1BF5;
	p2 =	por !p2, p0  }
0x20: {  	[sflag:s8] =	ssyncset.s32 @!p0 $0xFFFFF086;
	s6 =	sadd.s32 @!p0 s3, s7;
	s7 =	simm.s32 @!p0 $0x108  }
0x21: {  	s3 =	sadd.s32 s3, s9;
	s6 =	sadd.s32 @!p0 $0x88, s6;
	s7 =	simm.s32 @p2 $0x1082  }
0x22: {  	[simem:s7], [sflag:s8] =	dma.local @!p0 [hbm:s6], $0xF7A  }
0x23: {  	s9 =	sor.u32 $0xD0000000, s2;
	s6 =	simm.s32 $0x108;
	_ =	swait.ge @!p0 [sflag:s8], $0x0  }
0x24: {  	s3 =	sadd.s32 $0x88, s3;
	s6 =	simm.s32 @!p1 $0x1082;
	[sflag:s4] =	ssyncset.s32 $0xFFFFF086  }
0x25: {  	[simem:s6], [sflag:s4] =	dma.local [hbm:s3], $0xF7A  }
0x26: {  	[smem:$0x3F99] =	sst s1;
	(tag) =	ssettag s2;
	_ =	strace s9  }
0x27: {  	s1 =	sld [smem:$0x3FA9]  }
0x28: {  	s2 =	sld [smem:$0x3FAA]  }
0x29: {  	s4 =	sld [smem:$0x3FAC]  }
0x2a: {  	p0 =	seq.s32 s5, $0x0;
	s5 =	sld [smem:$0x3FAD]  }
0x2b: {  	s6 =	sld [smem:$0x3FAE]  }
0x2c: {  	s7 =	sld [smem:$0x3FAF]  }
0x2d: {  	s3 =	simm.s32 $0x108;
	s8 =	sld [smem:$0x3FB0]  }
0x2e: {  	s3 =	simm.s32 @!p0 $0x1082;
	s9 =	sld [smem:$0x3FB1]  }
0x2f: {  	lr =	sadd.s32 s0, s3;
	s0 =	sld [smem:$0x3FA8]  }
0x30: {  	s3 =	sld [smem:$0x3FAB]  }
0x31: {  	[smem:$0x3FB4] =	sst s10  }
0x32: {  	s10 =	sld [smem:$0x3FB2];
	_ =	sdelay $0x3  }
0x33: {  	p0 =	seq.s32 s10, $0x1;
	s10 =	sld [smem:$0x3FB4];
	_ =	sdelay $0x3  }
0x34: {  	[smem:$0x3FB4] =	sst s10  }
0x35: {  	s10 =	sld [smem:$0x3FB3];
	_ =	sdelay $0x3  }
0x36: {  	p1 =	seq.s32 s10, $0x1;
	s10 =	sld [smem:$0x3FB4];
	_ =	sdelay $0x3  }
0x37: {  	[smem:$0x3FB4] =	sst s10  }
0x38: {  	s10 =	sld [smem:$0x3FB5]  }
0x39: {  	_ = 	snop;
	(pc) =	sbr.ind lr, $3  }
0x3a: {  	_ = 	snop  }
0x3b: {  	_ = 	snop  }
0x3c: {  	p2 =	seq.s32 s10, $0x1;
	s10 =	sld [smem:$0x3FB4]  }
0x3d: {  	_ =	shalt  }
0x3e: {  	_ =	shalt  }
0x3f: {  	_ =	shalt  }
0x40: {  	_ =	shalt  }
0x41: {  	_ =	shalt  }
0x42: {  	_ =	shalt  }
0x43: {  	_ =	shalt  }
0x44: {  	_ =	shalt  }
0x45: {  	_ =	shalt  }
0x46: {  	_ =	shalt  }
0x47: {  	_ =	shalt  }
0x48: {  	_ =	shalt  }
0x49: {  	_ =	shalt  }
0x4a: {  	_ =	shalt  }
0x4b: {  	_ =	shalt  }
0x4c: {  	_ =	shalt  }
0x4d: {  	_ =	shalt  }
0x4e: {  	_ =	shalt  }
0x4f: {  	_ =	shalt  }
0x50: {  	_ =	shalt  }
0x51: {  	_ =	shalt  }
0x52: {  	_ =	shalt  }
0x53: {  	_ =	shalt  }
0x54: {  	_ =	shalt  }
0x55: {  	_ =	shalt  }
0x56: {  	_ =	shalt  }
0x57: {  	_ =	shalt  }
0x58: {  	_ =	shalt  }
0x59: {  	_ =	shalt  }
0x5a: {  	_ =	shalt  }
0x5b: {  	_ =	shalt  }
0x5c: {  	_ =	shalt  }
0x5d: {  	_ =	shalt  }
0x5e: {  	_ =	shalt  }
0x5f: {  	_ =	shalt  }
0x60: {  	_ =	shalt  }
0x61: {  	_ =	shalt  }
0x62: {  	_ =	shalt  }
0x63: {  	_ =	shalt  }
0x64: {  	_ =	shalt  }
0x65: {  	_ =	shalt  }
0x66: {  	_ =	shalt  }
0x67: {  	_ =	shalt  }
0x68: {  	_ =	shalt  }
0x69: {  	_ =	shalt  }
0x6a: {  	_ =	shalt  }
0x6b: {  	_ =	shalt  }
0x6c: {  	_ =	shalt  }
0x6d: {  	_ =	shalt  }
0x6e: {  	_ =	shalt  }
0x6f: {  	_ =	shalt  }
0x70: {  	_ =	shalt  }
0x71: {  	_ =	shalt  }
0x72: {  	_ =	shalt  }
0x73: {  	_ =	shalt  }
0x74: {  	_ =	shalt  }
0x75: {  	_ =	shalt  }
0x76: {  	_ =	shalt  }
0x77: {  	_ =	shalt  }
0x78: {  	_ =	shalt  }
0x79: {  	_ =	shalt  }
0x7a: {  	_ =	shalt  }
0x7b: {  	_ =	shalt  }
0x7c: {  	_ =	shalt  }
0x7d: {  	_ =	shalt  }
0x7e: {  	_ =	shalt  }
0x7f: {  	_ =	shalt  }
0x80: {  	_ =	shalt  }
0x81: {  	_ =	shalt  }
0x82: {  	_ =	shalt  }
0x83: {  	_ =	shalt  }
0x84: {  	_ =	shalt  }
0x85: {  	_ =	shalt  }
0x86: {  	_ =	shalt  }
0x87: {  	_ =	shalt  }
.Lfunc_end0:
.L_simem_size_0:
called_computation.1_lowered:
.L_overlay_start_0:
0x88: {  	s2 =	sld [smem:$0x3FD9]  }
0x89: {  	s3 =	sld [smem:$0x3FFE];
	_ =	sdelay $0x1  }
0x8a: {  	s1 =	srdreg.scid  }
0x8b: {  	s0 =	sand.u32 $0x1, s1  }
0x8c: {  	s16 =	sshll.u32 s0, $0xA;
	s2 =	sadd.s32 s3, s2  }
0x8d: {  	s2 =	sadd.s32 s2, s16  }
0x8e: {  	[smem:$0x3FC0] =	sst s2  }
0x8f: {  	_ = 	snop  }
0x90: {  	(tm) =	ssettm $0x1  }
0x91: {  	s17 =	sld [smem:$0x3FFB];
	_ =	sdelay $0x3  }
0x92: {  	_ =	strace s17  }
0x93: {  	s2 =	sld [smem:$0x3FFC];
	_ =	sdelay $0x3  }
0x94: {  	_ =	strace s2  }
0x95: {  	s2 =	sld [smem:$0x3FFD];
	_ =	sdelay $0x3  }
0x96: {  	_ =	strace s2  }
0x97: {  	_ =	strace $0x8FFFFFFF  }
0x98: {  	s18 =	sld [smem:$0x3FDB];
	_ =	sdelay $0x1  }
0x99: {  	s19 =	simm.s32 $_scs_section_size  }
0x9a: {  	s4 =	simm.s32 $_size__tile_overlayer_lowered;
	s5 =	simm.s32 $_tile_overlayer_lowered  }
0x9b: {  	s22 =	simm.s32 $0x1BFF;
	s21 =	sshll.u32 s5, $0x1;
	s2 =	sadd.s32 s19, s18  }
0x9c: {  	s6 =	simm.s32 $0x0;
	s20 =	sshll.u32 s4, $0x1;
	s4 =	sadd.s32 s21, s2  }
0x9d: {  	[timem:s6], [sflag:s22] =	dma.local [hbm:s4], s20  }
0x9e: {  	_ =	swait.ge [sflag:s22], s20  }
0x9f: {  	s3 =	ssub.s32 $0x0, s20;
	[sflag:s22] =	ssyncset.done $0x0  }
0xa0: {  	[sflag:s22] =	ssyncadd.s32 s3;
	_ =	sdelay $0x1  }
0xa1: {  	s23 =	simm.s32 $0x1B8B  }
0xa2: {  	_ =	swait.ge [sflag:s23], $0x1  }
0xa3: {  	[sflag:s23] =	ssyncset.done $0x0  }
0xa4: {  	s25 =	simm.s32 $0x1B8E;
	s24 =	sld [smem:$0x3FFE];
	[sflag:s23] =	ssyncadd.s32 $0xFFFFFFFF  }
0xa5: {  	s26 =	simm.s32 $execute0_lowered;
	[smem:$0x3FD2] =	sst s25  }
0xa6: {  	s4 =	sshll.u32 s26, $0x1;
	_ =	strace $0x80000049;
	[dreg:$0x1] =	wrdreg $0xFFFFFFFF  }
0xa7: {  	s28 =	simm.s32 $_size_execute0_lowered;
	s2 =	sadd.s32 s2, s4;
	[dreg:$0x0] =	wrdreg $0x0  }
0xa8: {  	s4 =	sshll.u32 s28, $0x1;
	[dreg:$0x2] =	wrdreg s2  }
0xa9: {  	[dreg:$0x3] =	wrdreg s4  }
0xaa: {  	[dreg:$0x4] =	wrdreg $0xC0  }
0xab: {  	_ =	task [dreg:s6], $0x5FFFF  }
0xac: {  	[dreg:$0x1] =	wrdreg $0xFFFFFFFF  }
0xad: {  	[dreg:$0x0] =	wrdreg $0x60  }
0xae: {  	[dreg:$0x2] =	wrdreg s24  }
0xaf: {  	[dreg:$0x3] =	wrdreg $0x92800  }
0xb0: {  	[dreg:$0x4] =	wrdreg $0x9  }
0xb1: {  	_ =	task.clear_ibuf [dreg:s6], $0x5FFFF;
	_ =	strace $0x90000049  }
0xb2: {  	s29 =	simm.s32 $0x9;
	_ =	strace $0x8000004B  }
0xb3: {  	_ =	swait.ge [sflag:s29], $0x1  }
0xb4: {  	[sflag:s29] =	ssyncadd.s32 $0xFFFFFFFF  }
0xb5: {  	_ =	strace $0x9000004B  }
0xb6: {  	_ =	sfence  }
0xb7: {  	s30 =	sld [smem:$0x0];
	_ =	sdelay $0x2  }
0xb8: {  	s31 =	sshll.u32 s1, $0xD;
	s1 =	sshrl.u32 s1, $0x2  }
0xb9: {  	s3 =	sand.u32 $0x4000, s31;
	s1 =	sadd.s32 s1, s30  }
0xba: {  	s0 =	sor.u32 s3, s0;
	s1 =	sshll.u32 s1, $0x11  }
0xbb: {  	s0 =	sor.u32 s1, s0  }
0xbc: {  	s0 =	sadd.s32 $0x8F2B, s0  }
0xbd: {  	[sflag:s0] =	ssyncadd.remote.s32 $0x1  }
0xbe: {  	_ =	sfence.sel $0xFFFF  }
0xbf: {  	[dreg:$0x0] =	wrdreg $0xFFFFFFFF;
	(pc) =	sbr.abs _section_cstart, $3  }
0xc0: {  	[dreg:$0x1] =	wrdreg $0xFFFFFFFF  }
0xc1: {  	_ =	task.clear_ibuf [dreg:s6], $0x2FFFF;
	_ =	strace $0x9FFFFFFF  }
0xc2: {  	(tm) =	ssettm $0x7FFFFFFF  }
0xc3: {  	_ =	shalt  }
tec
execute0_lowered:
.L_overlay_start_1:
0x0: {  	(tag) =	ssettag $0x1  }
0x1: {  	s0 =	rddreg [dreg:$0x0]  }
0x2: {  	s1 =	rddreg [dreg:$0x1];
	s2 =	srdreg.scid;
	s3 =	simm.s32 $0x0  }
0x3: {  	s13 =	stileid.u32;
	s14 =	simm.s32 $0x800;
	s15 =	simm.s32 $0x40  }
0x4: {  	s16 =	simm.s32 $0x1000;
	s17 =	simm.s32 $0x1280;
	s18 =	simm.s32 $0x1080  }
0x5: {  	s19 =	simm.s32 $0x3280;
	s20 =	simm.s32 $0x1100;
	s28 =	simm.s32 $0x2  }
0x6: {  	s29 =	simm.s32 $0x3;
	s30 =	simm.s32 $0x4;
	s2 =	sand.u32 $0x1, s2  }
0x7: {  	[smem:$0x7FF] =	sst s3;
	s8 =	smul.u32 $0x14000, s13;
	s4 =	sadd.s32 $0x2A00, s0  }
0x8: {  	s5 =	sadd.s32 $0x63A00, s0;
	s6 =	sadd.s32 $0x5EA00, s0;
	s10 =	smul.u32 $0x51000, s13  }
0x9: {  	s21 =	sadd.s32 $0x50C00, s0;
	s24 =	smul.u32 $0x50000, s13;
	s25 =	sshll.u32 s13, $0x6  }
0xa: {  	s7 =	smul.u32 $0x140000, s2;
	_ =	strace $0x8000004A;
	s9 =	ssub.s32 $0x2, s2  }
0xb: {  	[dreg:$0x3] =	wrdreg s21;
	s2 =	smul.u32 $0x2710, s2;
	s21 =	simm.s32 $0x5280  }
0xc: {  	s22 =	sshrl.u32 s9, $0x1;
	s23 =	sshrl.u32 s10, $0x2;
	s26 =	sshrl.u32 s24, $0x2  }
0xd: {  	s7 =	sadd.s32 s8, s7;
	s11 =	ssub.s32 s9, s22;
	s12 =	sadd.s32 s23, s1  }
0xe: {  	s9 =	sor.u32 $0x1C05, s25;
	s31 =	sadd.s32 s26, s1;
	s22 =	simm.s32 $0x1180  }
0xf: {  	s23 =	simm.s32 $0x7280;
	s25 =	simm.s32 $0x1;
	s26 =	simm.s32 $0x1200  }
0x10: {  	s8 =	sshrl.u32 s7, $0x3;
	s11 =	smax.u32 s11, $0x1;
	s12 =	sshrl.u32 s12, $0x3  }
0x11: {  	s24 =	sshrl.u32 s31, $0x3;
	s7 =	simm.s32 $0x0;
	s0 =	sadd.s32 s8, s0  }
0x12: {  	v0 =	vmov s2;
	s8 =	smul.u32 $0x2800, s13;
	s13 =	simm.s32 $0x5;
	s10 =	sadd.s32 $0x68A00, s0  }
.LBB2_1:
0x13: {  	s0 =	rddreg [dreg:$0x3]  }
0x14: {  	[spmem:s12], [sflag:s9] =	dma.local [hbm:s0], $0x2880  }
0x15: {  	_ =	swait.ge [sflag:s13], $0x2880  }
0x16: {  	[sflag:s13] =	ssyncset.done $0x0  }
0x17: {  	[sflag:s13] =	ssyncadd.s32 $0xFFFFD780  }
0x18: {  	s31 =	simm.s32 $0x0;
	[bflag:$0x0] =	sbarrier.arrive $0xFFFF  }
.LBB2_2:
0x19: {  	s0 =	sshll.u32 s31, $0xB  }
0x1a: {  	s0 =	sadd.s32 s8, s0  }
0x1b: {  	s0 =	sshrl.u32 s0, $0x3  }
0x1c: {  	s2 =	sadd.s32 s5, s0  }
0x1d: {  	[tilespmem:s7], [sflag:$0x5] =	stream.linear.gather [hbm4b:s2+s7], $0x800, $0x38;
	[tilespmem:$0x1D680] =	vst v63  }
0x1e: {  	_ =	swait.ge [sflag:s13], $0x800  }
0x1f: {  	[sflag:s13] =	ssyncset.done $0x0  }
0x20: {  	s0 =	sadd.s32 s6, s0;
	[sflag:s13] =	ssyncadd.s32 $0xFFFFF800  }
0x21: {  	[tilespmem:s14], [sflag:$0x5] =	stream.linear.gather [hbm4b:s0+s7], $0x800, $0x38;
	[tilespmem:$0x1D680] =	vst v63  }
0x22: {  	_ =	swait.ge [sflag:s13], $0x800  }
0x23: {  	[sflag:s13] =	ssyncset.done $0x0  }
0x24: {  	[sflag:s13] =	ssyncadd.s32 $0xFFFFF800  }
0x25: {  	v1 =	vld [tilespmem:$0x0]  }
0x26: {  	v2 =	vld [tilespmem:$0x10]  }
0x27: {  	v3 =	vld [tilespmem:$0x20]  }
0x28: {  	v4 =	vld [tilespmem:$0x30]  }
0x29: {  	v5 =	vld [tilespmem:$0x40]  }
0x2a: {  	v6 =	vld [tilespmem:$0x50];
	v1 =	vadd.s32 v0, v1  }
0x2b: {  	[tilespmem:$0x1000] =	vst v1;
	v1 =	vadd.s32 v0, v2;
	v2 =	vld [tilespmem:$0x60]  }
0x2c: {  	[tilespmem:$0x1010] =	vst v1;
	v1 =	vadd.s32 v0, v3;
	v3 =	vld [tilespmem:$0x70]  }
0x2d: {  	v58 =	vld [tilespmem:$0x80];
	[tilespmem:$0x1020] =	vst v1;
	v1 =	vadd.s32 v0, v4  }
0x2e: {  	v59 =	vld [tilespmem:$0x90];
	[tilespmem:$0x1030] =	vst v1;
	v1 =	vadd.s32 v0, v5  }
0x2f: {  	v60 =	vld [tilespmem:$0xA0];
	[tilespmem:$0x1080] =	vst v1;
	v1 =	vadd.s32 v0, v6  }
0x30: {  	[tilespmem:$0x1090] =	vst v1;
	v1 =	vadd.s32 v0, v2;
	v2 =	vld [tilespmem:$0xB0]  }
0x31: {  	[tilespmem:$0x10A0] =	vst v1;
	v1 =	vadd.s32 v0, v3;
	v3 =	vld [tilespmem:$0xC0]  }
0x32: {  	v61 =	vld [tilespmem:$0xD0];
	[tilespmem:$0x10B0] =	vst v1;
	v1 =	vadd.s32 v0, v58  }
0x33: {  	v62 =	vld [tilespmem:$0xE0];
	[tilespmem:$0x1100] =	vst v1;
	v1 =	vadd.s32 v0, v59  }
0x34: {  	v63 =	vld [tilespmem:$0xF0];
	[tilespmem:$0x1110] =	vst v1;
	v1 =	vadd.s32 v0, v60  }
0x35: {  	[tilespmem:$0x1120] =	vst v1;
	v1 =	vadd.s32 v0, v2  }
0x36: {  	[tilespmem:$0x1130] =	vst v1;
	v1 =	vadd.s32 v0, v3  }
0x37: {  	[tilespmem:$0x1180] =	vst v1;
	v1 =	vadd.s32 v0, v61  }
0x38: {  	[tilespmem:$0x1190] =	vst v1;
	v1 =	vadd.s32 v0, v62  }
0x39: {  	[tilespmem:$0x11A0] =	vst v1;
	v1 =	vadd.s32 v0, v63  }
0x3a: {  	[tilespmem:$0x11B0] =	vst v1  }
0x3b: {  	[tilespmem:s17], [sflag:$0x1] =	stream.indirect.gather [hbm4b:s4+s15], $0x80, s16, s15, $0xb8;
	[tilespmem:$0x1D680] =	vst v63  }
0x3c: {  	_ = 	snop  }
0x3d: {  	[tilespmem:s19], [sflag:$0x2] =	stream.indirect.gather [hbm4b:s4+s15], $0x80, s18, s15, $0xb8;
	[tilespmem:$0x1D680] =	vst v63  }
0x3e: {  	_ = 	snop  }
0x3f: {  	[tilespmem:s21], [sflag:$0x3] =	stream.indirect.gather [hbm4b:s4+s15], $0x80, s20, s15, $0xb8;
	[tilespmem:$0x1D680] =	vst v63  }
0x40: {  	_ = 	snop  }
0x41: {  	[tilespmem:s23], [sflag:$0x4] =	stream.indirect.gather [hbm4b:s4+s15], $0x80, s22, s15, $0xb8;
	[tilespmem:$0x1D680] =	vst v63  }
0x42: {  	_ =	swait.ge [sflag:s25], $0x2000  }
0x43: {  	[sflag:s25] =	ssyncset.done $0x0  }
0x44: {  	s2 =	simm.s32 $0x0;
	[sflag:s25] =	ssyncadd.s32 $0xFFFFE000  }
0x45: {  	v1 =	vld [tilespmem:s2+$0x800];
	_ =	sdelay $0x4  }
0x46: {  	[tilespmem:$0x1200] =	vst v1  }
0x47: {  	v1 =	vld [tilespmem:s2+$0x810];
	_ =	sdelay $0x4  }
0x48: {  	[tilespmem:$0x1210] =	vst v1  }
0x49: {  	v1 =	vld [tilespmem:s2+$0x820];
	_ =	sdelay $0x4  }
0x4a: {  	[tilespmem:$0x1220] =	vst v1  }
0x4b: {  	v1 =	vld [tilespmem:s2+$0x830];
	_ =	sdelay $0x4  }
0x4c: {  	[tilespmem:$0x1230] =	vst v1  }
0x4d: {  	[spmem:s1] =	stream.indirect.scatter.add.f32 [tilespmem:s17], [sflag:$0x5], $0x80, s26, s15, $0xb8;
	[tilespmem:$0x1D680] =	vst v63  }
0x4e: {  	_ =	swait.ge [sflag:s13], $0x2000  }
0x4f: {  	[sflag:s13] =	ssyncset.done $0x0  }
0x50: {  	[sflag:s13] =	ssyncadd.s32 $0xFFFFE000  }
0x51: {  	v1 =	vld [tilespmem:s2+$0x100];
	_ =	sdelay $0x4  }
0x52: {  	v1 =	vadd.s32 v0, v1  }
0x53: {  	[tilespmem:$0x1000] =	vst v1  }
0x54: {  	v1 =	vld [tilespmem:s2+$0x110];
	_ =	sdelay $0x4  }
0x55: {  	v1 =	vadd.s32 v0, v1  }
0x56: {  	[tilespmem:$0x1010] =	vst v1  }
0x57: {  	v1 =	vld [tilespmem:s2+$0x120];
	_ =	sdelay $0x4  }
0x58: {  	v1 =	vadd.s32 v0, v1  }
0x59: {  	[tilespmem:$0x1020] =	vst v1  }
0x5a: {  	v1 =	vld [tilespmem:s2+$0x130];
	_ =	sdelay $0x4  }
0x5b: {  	v1 =	vadd.s32 v0, v1  }
0x5c: {  	[tilespmem:$0x1030] =	vst v1  }
0x5d: {  	[tilespmem:s17], [sflag:$0x1] =	stream.indirect.gather [hbm4b:s4+s15], $0x80, s16, s15, $0xb8;
	[tilespmem:$0x1D680] =	vst v63  }
0x5e: {  	_ =	swait.ge [sflag:s28], $0x2000  }
0x5f: {  	[sflag:s28] =	ssyncset.done $0x0  }
0x60: {  	[sflag:s28] =	ssyncadd.s32 $0xFFFFE000  }
0x61: {  	v1 =	vld [tilespmem:s2+$0x840];
	_ =	sdelay $0x4  }
0x62: {  	[tilespmem:$0x1200] =	vst v1  }
0x63: {  	v1 =	vld [tilespmem:s2+$0x850];
	_ =	sdelay $0x4  }
0x64: {  	[tilespmem:$0x1210] =	vst v1  }
0x65: {  	v1 =	vld [tilespmem:s2+$0x860];
	_ =	sdelay $0x4  }
0x66: {  	[tilespmem:$0x1220] =	vst v1  }
0x67: {  	v1 =	vld [tilespmem:s2+$0x870];
	_ =	sdelay $0x4  }
0x68: {  	[tilespmem:$0x1230] =	vst v1  }
0x69: {  	[spmem:s1] =	stream.indirect.scatter.add.f32 [tilespmem:s19], [sflag:$0x5], $0x80, s26, s15, $0xb8;
	[tilespmem:$0x1D680] =	vst v63  }
0x6a: {  	_ =	swait.ge [sflag:s13], $0x2000  }
0x6b: {  	[sflag:s13] =	ssyncset.done $0x0  }
0x6c: {  	[sflag:s13] =	ssyncadd.s32 $0xFFFFE000  }
0x6d: {  	v1 =	vld [tilespmem:s2+$0x140];
	_ =	sdelay $0x4  }
0x6e: {  	v1 =	vadd.s32 v0, v1  }
0x6f: {  	[tilespmem:$0x1080] =	vst v1  }
0x70: {  	v1 =	vld [tilespmem:s2+$0x150];
	_ =	sdelay $0x4  }
0x71: {  	v1 =	vadd.s32 v0, v1  }
0x72: {  	[tilespmem:$0x1090] =	vst v1  }
0x73: {  	v1 =	vld [tilespmem:s2+$0x160];
	_ =	sdelay $0x4  }
0x74: {  	v1 =	vadd.s32 v0, v1  }
0x75: {  	[tilespmem:$0x10A0] =	vst v1  }
0x76: {  	v1 =	vld [tilespmem:s2+$0x170];
	_ =	sdelay $0x4  }
0x77: {  	v1 =	vadd.s32 v0, v1  }
0x78: {  	[tilespmem:$0x10B0] =	vst v1  }
0x79: {  	[tilespmem:s19], [sflag:$0x2] =	stream.indirect.gather [hbm4b:s4+s15], $0x80, s18, s15, $0xb8;
	[tilespmem:$0x1D680] =	vst v63  }
0x7a: {  	_ =	swait.ge [sflag:s29], $0x2000  }
0x7b: {  	[sflag:s29] =	ssyncset.done $0x0  }
0x7c: {  	[sflag:s29] =	ssyncadd.s32 $0xFFFFE000  }
0x7d: {  	v1 =	vld [tilespmem:s2+$0x880];
	_ =	sdelay $0x4  }
0x7e: {  	[tilespmem:$0x1200] =	vst v1  }
0x7f: {  	v1 =	vld [tilespmem:s2+$0x890];
	_ =	sdelay $0x4  }
0x80: {  	[tilespmem:$0x1210] =	vst v1  }
0x81: {  	v1 =	vld [tilespmem:s2+$0x8A0];
	_ =	sdelay $0x4  }
0x82: {  	[tilespmem:$0x1220] =	vst v1  }
0x83: {  	v1 =	vld [tilespmem:s2+$0x8B0];
	_ =	sdelay $0x4  }
0x84: {  	[tilespmem:$0x1230] =	vst v1  }
0x85: {  	[spmem:s1] =	stream.indirect.scatter.add.f32 [tilespmem:s21], [sflag:$0x5], $0x80, s26, s15, $0xb8;
	[tilespmem:$0x1D680] =	vst v63  }
0x86: {  	_ =	swait.ge [sflag:s13], $0x2000  }
0x87: {  	[sflag:s13] =	ssyncset.done $0x0  }
0x88: {  	[sflag:s13] =	ssyncadd.s32 $0xFFFFE000  }
0x89: {  	v1 =	vld [tilespmem:s2+$0x180];
	_ =	sdelay $0x4  }
0x8a: {  	v1 =	vadd.s32 v0, v1  }
0x8b: {  	[tilespmem:$0x1100] =	vst v1  }
0x8c: {  	v1 =	vld [tilespmem:s2+$0x190];
	_ =	sdelay $0x4  }
0x8d: {  	v1 =	vadd.s32 v0, v1  }
0x8e: {  	[tilespmem:$0x1110] =	vst v1  }
0x8f: {  	v1 =	vld [tilespmem:s2+$0x1A0];
	_ =	sdelay $0x4  }
0x90: {  	v1 =	vadd.s32 v0, v1  }
0x91: {  	[tilespmem:$0x1120] =	vst v1  }
0x92: {  	v1 =	vld [tilespmem:s2+$0x1B0];
	_ =	sdelay $0x4  }
0x93: {  	v1 =	vadd.s32 v0, v1  }
0x94: {  	[tilespmem:$0x1130] =	vst v1  }
0x95: {  	[tilespmem:s21], [sflag:$0x3] =	stream.indirect.gather [hbm4b:s4+s15], $0x80, s20, s15, $0xb8;
	[tilespmem:$0x1D680] =	vst v63  }
0x96: {  	_ =	swait.ge [sflag:s30], $0x2000  }
0x97: {  	[sflag:s30] =	ssyncset.done $0x0  }
0x98: {  	[sflag:s30] =	ssyncadd.s32 $0xFFFFE000  }
0x99: {  	v1 =	vld [tilespmem:s2+$0x8C0];
	_ =	sdelay $0x4  }
0x9a: {  	[tilespmem:$0x1200] =	vst v1  }
0x9b: {  	v1 =	vld [tilespmem:s2+$0x8D0];
	_ =	sdelay $0x4  }
0x9c: {  	[tilespmem:$0x1210] =	vst v1  }
0x9d: {  	v1 =	vld [tilespmem:s2+$0x8E0];
	_ =	sdelay $0x4  }
0x9e: {  	[tilespmem:$0x1220] =	vst v1  }
0x9f: {  	v1 =	vld [tilespmem:s2+$0x8F0];
	_ =	sdelay $0x4  }
0xa0: {  	[tilespmem:$0x1230] =	vst v1  }
0xa1: {  	[spmem:s1] =	stream.indirect.scatter.add.f32 [tilespmem:s23], [sflag:$0x5], $0x80, s26, s15, $0xb8;
	[tilespmem:$0x1D680] =	vst v63  }
0xa2: {  	_ =	swait.ge [sflag:s13], $0x2000  }
0xa3: {  	[sflag:s13] =	ssyncset.done $0x0  }
0xa4: {  	[sflag:s13] =	ssyncadd.s32 $0xFFFFE000  }
0xa5: {  	v1 =	vld [tilespmem:s2+$0x1C0];
	_ =	sdelay $0x4  }
0xa6: {  	v1 =	vadd.s32 v0, v1  }
0xa7: {  	[tilespmem:$0x1180] =	vst v1  }
0xa8: {  	v1 =	vld [tilespmem:s2+$0x1D0];
	_ =	sdelay $0x4  }
0xa9: {  	v1 =	vadd.s32 v0, v1  }
0xaa: {  	[tilespmem:$0x1190] =	vst v1  }
0xab: {  	v1 =	vld [tilespmem:s2+$0x1E0];
	_ =	sdelay $0x4  }
0xac: {  	v1 =	vadd.s32 v0, v1  }
0xad: {  	[tilespmem:$0x11A0] =	vst v1  }
0xae: {  	v1 =	vld [tilespmem:s2+$0x1F0];
	_ =	sdelay $0x4  }
0xaf: {  	v1 =	vadd.s32 v0, v1  }
0xb0: {  	s0 =	simm.s32 $0x400;
	[tilespmem:$0x11B0] =	vst v1  }
.LBB2_3:
0xb1: {  	[tilespmem:s23], [sflag:$0x4] =	stream.indirect.gather [hbm4b:s4+s15], $0x80, s22, s15, $0xb8;
	[tilespmem:$0x1D680] =	vst v63  }
0xb2: {  	s2 =	smov.u32 s0  }
0xb3: {  	p0 =	sne.s32 s0, $0x1800;
	s0 =	sadd.s32 $0x400, s0;
	_ =	swait.ge [sflag:s25], $0x2000  }
0xb4: {  	[sflag:s25] =	ssyncset.done $0x0  }
0xb5: {  	s2 =	sshra.s32 s2, $0x2;
	[sflag:s25] =	ssyncadd.s32 $0xFFFFE000  }
0xb6: {  	v1 =	vld [tilespmem:s2+$0x800];
	_ =	sdelay $0x4  }
0xb7: {  	[tilespmem:$0x1200] =	vst v1  }
0xb8: {  	v1 =	vld [tilespmem:s2+$0x810];
	_ =	sdelay $0x4  }
0xb9: {  	[tilespmem:$0x1210] =	vst v1  }
0xba: {  	v1 =	vld [tilespmem:s2+$0x820];
	_ =	sdelay $0x4  }
0xbb: {  	[tilespmem:$0x1220] =	vst v1  }
0xbc: {  	v1 =	vld [tilespmem:s2+$0x830];
	_ =	sdelay $0x4  }
0xbd: {  	[tilespmem:$0x1230] =	vst v1  }
0xbe: {  	[spmem:s1] =	stream.indirect.scatter.add.f32 [tilespmem:s17], [sflag:$0x5], $0x80, s26, s15, $0xb8;
	[tilespmem:$0x1D680] =	vst v63  }
0xbf: {  	_ =	swait.ge [sflag:s13], $0x2000  }
0xc0: {  	[sflag:s13] =	ssyncset.done $0x0  }
0xc1: {  	[sflag:s13] =	ssyncadd.s32 $0xFFFFE000  }
0xc2: {  	v1 =	vld [tilespmem:s2+$0x100];
	_ =	sdelay $0x4  }
0xc3: {  	v1 =	vadd.s32 v0, v1  }
0xc4: {  	[tilespmem:$0x1000] =	vst v1  }
0xc5: {  	v1 =	vld [tilespmem:s2+$0x110];
	_ =	sdelay $0x4  }
0xc6: {  	v1 =	vadd.s32 v0, v1  }
0xc7: {  	[tilespmem:$0x1010] =	vst v1  }
0xc8: {  	v1 =	vld [tilespmem:s2+$0x120];
	_ =	sdelay $0x4  }
0xc9: {  	v1 =	vadd.s32 v0, v1  }
0xca: {  	[tilespmem:$0x1020] =	vst v1  }
0xcb: {  	v1 =	vld [tilespmem:s2+$0x130];
	_ =	sdelay $0x4  }
0xcc: {  	v1 =	vadd.s32 v0, v1  }
0xcd: {  	[tilespmem:$0x1030] =	vst v1  }
0xce: {  	[tilespmem:s17], [sflag:$0x1] =	stream.indirect.gather [hbm4b:s4+s15], $0x80, s16, s15, $0xb8;
	[tilespmem:$0x1D680] =	vst v63  }
0xcf: {  	_ =	swait.ge [sflag:s28], $0x2000  }
0xd0: {  	[sflag:s28] =	ssyncset.done $0x0  }
0xd1: {  	[sflag:s28] =	ssyncadd.s32 $0xFFFFE000  }
0xd2: {  	v1 =	vld [tilespmem:s2+$0x840];
	_ =	sdelay $0x4  }
0xd3: {  	[tilespmem:$0x1200] =	vst v1  }
0xd4: {  	v1 =	vld [tilespmem:s2+$0x850];
	_ =	sdelay $0x4  }
0xd5: {  	[tilespmem:$0x1210] =	vst v1  }
0xd6: {  	v1 =	vld [tilespmem:s2+$0x860];
	_ =	sdelay $0x4  }
0xd7: {  	[tilespmem:$0x1220] =	vst v1  }
0xd8: {  	v1 =	vld [tilespmem:s2+$0x870];
	_ =	sdelay $0x4  }
0xd9: {  	[tilespmem:$0x1230] =	vst v1  }
0xda: {  	[spmem:s1] =	stream.indirect.scatter.add.f32 [tilespmem:s19], [sflag:$0x5], $0x80, s26, s15, $0xb8;
	[tilespmem:$0x1D680] =	vst v63  }
0xdb: {  	_ =	swait.ge [sflag:s13], $0x2000  }
0xdc: {  	[sflag:s13] =	ssyncset.done $0x0  }
0xdd: {  	[sflag:s13] =	ssyncadd.s32 $0xFFFFE000  }
0xde: {  	v1 =	vld [tilespmem:s2+$0x140];
	_ =	sdelay $0x4  }
0xdf: {  	v1 =	vadd.s32 v0, v1  }
0xe0: {  	[tilespmem:$0x1080] =	vst v1  }
0xe1: {  	v1 =	vld [tilespmem:s2+$0x150];
	_ =	sdelay $0x4  }
0xe2: {  	v1 =	vadd.s32 v0, v1  }
0xe3: {  	[tilespmem:$0x1090] =	vst v1  }
0xe4: {  	v1 =	vld [tilespmem:s2+$0x160];
	_ =	sdelay $0x4  }
0xe5: {  	v1 =	vadd.s32 v0, v1  }
0xe6: {  	[tilespmem:$0x10A0] =	vst v1  }
0xe7: {  	v1 =	vld [tilespmem:s2+$0x170];
	_ =	sdelay $0x4  }
0xe8: {  	v1 =	vadd.s32 v0, v1  }
0xe9: {  	[tilespmem:$0x10B0] =	vst v1  }
0xea: {  	[tilespmem:s19], [sflag:$0x2] =	stream.indirect.gather [hbm4b:s4+s15], $0x80, s18, s15, $0xb8;
	[tilespmem:$0x1D680] =	vst v63  }
0xeb: {  	_ =	swait.ge [sflag:s29], $0x2000  }
0xec: {  	[sflag:s29] =	ssyncset.done $0x0  }
0xed: {  	[sflag:s29] =	ssyncadd.s32 $0xFFFFE000  }
0xee: {  	v1 =	vld [tilespmem:s2+$0x880];
	_ =	sdelay $0x4  }
0xef: {  	[tilespmem:$0x1200] =	vst v1  }
0xf0: {  	v1 =	vld [tilespmem:s2+$0x890];
	_ =	sdelay $0x4  }
0xf1: {  	[tilespmem:$0x1210] =	vst v1  }
0xf2: {  	v1 =	vld [tilespmem:s2+$0x8A0];
	_ =	sdelay $0x4  }
0xf3: {  	[tilespmem:$0x1220] =	vst v1  }
0xf4: {  	v1 =	vld [tilespmem:s2+$0x8B0];
	_ =	sdelay $0x4  }
0xf5: {  	[tilespmem:$0x1230] =	vst v1  }
0xf6: {  	[spmem:s1] =	stream.indirect.scatter.add.f32 [tilespmem:s21], [sflag:$0x5], $0x80, s26, s15, $0xb8;
	[tilespmem:$0x1D680] =	vst v63  }
0xf7: {  	_ =	swait.ge [sflag:s13], $0x2000  }
0xf8: {  	[sflag:s13] =	ssyncset.done $0x0  }
0xf9: {  	[sflag:s13] =	ssyncadd.s32 $0xFFFFE000  }
0xfa: {  	v1 =	vld [tilespmem:s2+$0x180];
	_ =	sdelay $0x4  }
0xfb: {  	v1 =	vadd.s32 v0, v1  }
0xfc: {  	[tilespmem:$0x1100] =	vst v1  }
0xfd: {  	v1 =	vld [tilespmem:s2+$0x190];
	_ =	sdelay $0x4  }
0xfe: {  	v1 =	vadd.s32 v0, v1  }
0xff: {  	[tilespmem:$0x1110] =	vst v1  }
0x100: {  	v1 =	vld [tilespmem:s2+$0x1A0];
	_ =	sdelay $0x4  }
0x101: {  	v1 =	vadd.s32 v0, v1  }
0x102: {  	[tilespmem:$0x1120] =	vst v1  }
0x103: {  	v1 =	vld [tilespmem:s2+$0x1B0];
	_ =	sdelay $0x4  }
0x104: {  	v1 =	vadd.s32 v0, v1  }
0x105: {  	[tilespmem:$0x1130] =	vst v1  }
0x106: {  	[tilespmem:s21], [sflag:$0x3] =	stream.indirect.gather [hbm4b:s4+s15], $0x80, s20, s15, $0xb8;
	[tilespmem:$0x1D680] =	vst v63  }
0x107: {  	_ =	swait.ge [sflag:s30], $0x2000  }
0x108: {  	[sflag:s30] =	ssyncset.done $0x0  }
0x109: {  	[sflag:s30] =	ssyncadd.s32 $0xFFFFE000  }
0x10a: {  	v1 =	vld [tilespmem:s2+$0x8C0];
	_ =	sdelay $0x4  }
0x10b: {  	[tilespmem:$0x1200] =	vst v1  }
0x10c: {  	v1 =	vld [tilespmem:s2+$0x8D0];
	_ =	sdelay $0x4  }
0x10d: {  	[tilespmem:$0x1210] =	vst v1  }
0x10e: {  	v1 =	vld [tilespmem:s2+$0x8E0];
	_ =	sdelay $0x4  }
0x10f: {  	[tilespmem:$0x1220] =	vst v1  }
0x110: {  	v1 =	vld [tilespmem:s2+$0x8F0];
	_ =	sdelay $0x4  }
0x111: {  	[tilespmem:$0x1230] =	vst v1  }
0x112: {  	[spmem:s1] =	stream.indirect.scatter.add.f32 [tilespmem:s23], [sflag:$0x5], $0x80, s26, s15, $0xb8;
	[tilespmem:$0x1D680] =	vst v63  }
0x113: {  	_ =	swait.ge [sflag:s13], $0x2000  }
0x114: {  	[sflag:s13] =	ssyncset.done $0x0  }
0x115: {  	[sflag:s13] =	ssyncadd.s32 $0xFFFFE000  }
0x116: {  	v1 =	vld [tilespmem:s2+$0x1C0];
	_ =	sdelay $0x4  }
0x117: {  	v1 =	vadd.s32 v0, v1  }
0x118: {  	[tilespmem:$0x1180] =	vst v1  }
0x119: {  	v1 =	vld [tilespmem:s2+$0x1D0];
	_ =	sdelay $0x4  }
0x11a: {  	v1 =	vadd.s32 v0, v1  }
0x11b: {  	[tilespmem:$0x1190] =	vst v1  }
0x11c: {  	v1 =	vld [tilespmem:s2+$0x1E0];
	_ =	sdelay $0x4  }
0x11d: {  	v1 =	vadd.s32 v0, v1  }
0x11e: {  	[tilespmem:$0x11A0] =	vst v1  }
0x11f: {  	v1 =	vld [tilespmem:s2+$0x1F0];
	_ =	sdelay $0x1  }
.Ltmp0:
0x120: {  	(pc) =	sbr.rel @p0 .LBB2_3-.Ltmp0, $3  }
0x121: {  	_ =	sdelay $0x1  }
0x122: {  	v1 =	vadd.s32 v0, v1  }
0x123: {  	[tilespmem:$0x11B0] =	vst v1  }
0x124: {  	[tilespmem:s23], [sflag:$0x4] =	stream.indirect.gather [hbm4b:s4+s15], $0x80, s22, s15, $0xb8;
	[tilespmem:$0x1D680] =	vst v63  }
0x125: {  	_ =	swait.ge [sflag:s25], $0x2000  }
0x126: {  	[sflag:s25] =	ssyncset.done $0x0  }
0x127: {  	[sflag:s25] =	ssyncadd.s32 $0xFFFFE000  }
0x128: {  	v1 =	vld [tilespmem:$0xF00]  }
0x129: {  	v2 =	vld [tilespmem:$0xF10]  }
0x12a: {  	v3 =	vld [tilespmem:$0xF20]  }
0x12b: {  	v4 =	vld [tilespmem:$0xF30];
	_ =	sdelay $0x1  }
0x12c: {  	[tilespmem:$0x1200] =	vst v1  }
0x12d: {  	[tilespmem:$0x1210] =	vst v2  }
0x12e: {  	[tilespmem:$0x1220] =	vst v3  }
0x12f: {  	[tilespmem:$0x1230] =	vst v4  }
0x130: {  	[spmem:s1] =	stream.indirect.scatter.add.f32 [tilespmem:s17], [sflag:$0x5], $0x80, s26, s15, $0xb8;
	[tilespmem:$0x1D680] =	vst v63  }
0x131: {  	_ =	swait.ge [sflag:s13], $0x2000  }
0x132: {  	[sflag:s13] =	ssyncset.done $0x0  }
0x133: {  	[sflag:s13] =	ssyncadd.s32 $0xFFFFE000  }
0x134: {  	_ =	swait.ge [sflag:s28], $0x2000  }
0x135: {  	[sflag:s28] =	ssyncset.done $0x0  }
0x136: {  	[sflag:s28] =	ssyncadd.s32 $0xFFFFE000  }
0x137: {  	v1 =	vld [tilespmem:$0xF40]  }
0x138: {  	v2 =	vld [tilespmem:$0xF50]  }
0x139: {  	v3 =	vld [tilespmem:$0xF60]  }
0x13a: {  	v61 =	vld [tilespmem:$0xF70];
	_ =	sdelay $0x1  }
0x13b: {  	[tilespmem:$0x1200] =	vst v1  }
0x13c: {  	[tilespmem:$0x1210] =	vst v2  }
0x13d: {  	[tilespmem:$0x1220] =	vst v3  }
0x13e: {  	[tilespmem:$0x1230] =	vst v61  }
0x13f: {  	[spmem:s1] =	stream.indirect.scatter.add.f32 [tilespmem:s19], [sflag:$0x5], $0x80, s26, s15, $0xb8;
	[tilespmem:$0x1D680] =	vst v63  }
0x140: {  	_ =	swait.ge [sflag:s13], $0x2000  }
0x141: {  	[sflag:s13] =	ssyncset.done $0x0  }
0x142: {  	[sflag:s13] =	ssyncadd.s32 $0xFFFFE000  }
0x143: {  	_ =	swait.ge [sflag:s29], $0x2000  }
0x144: {  	[sflag:s29] =	ssyncset.done $0x0  }
0x145: {  	[sflag:s29] =	ssyncadd.s32 $0xFFFFE000  }
0x146: {  	v1 =	vld [tilespmem:$0xF80]  }
0x147: {  	v2 =	vld [tilespmem:$0xF90]  }
0x148: {  	v3 =	vld [tilespmem:$0xFA0]  }
0x149: {  	v62 =	vld [tilespmem:$0xFB0];
	_ =	sdelay $0x1  }
0x14a: {  	[tilespmem:$0x1200] =	vst v1  }
0x14b: {  	[tilespmem:$0x1210] =	vst v2  }
0x14c: {  	[tilespmem:$0x1220] =	vst v3  }
0x14d: {  	[tilespmem:$0x1230] =	vst v62  }
0x14e: {  	[spmem:s1] =	stream.indirect.scatter.add.f32 [tilespmem:s21], [sflag:$0x5], $0x80, s26, s15, $0xb8;
	[tilespmem:$0x1D680] =	vst v63  }
0x14f: {  	_ =	swait.ge [sflag:s13], $0x2000  }
0x150: {  	[sflag:s13] =	ssyncset.done $0x0  }
0x151: {  	[sflag:s13] =	ssyncadd.s32 $0xFFFFE000  }
0x152: {  	_ =	swait.ge [sflag:s30], $0x2000  }
0x153: {  	[sflag:s30] =	ssyncset.done $0x0  }
0x154: {  	[sflag:s30] =	ssyncadd.s32 $0xFFFFE000  }
0x155: {  	v1 =	vld [tilespmem:$0xFC0]  }
0x156: {  	v2 =	vld [tilespmem:$0xFD0]  }
0x157: {  	v3 =	vld [tilespmem:$0xFE0]  }
0x158: {  	v63 =	vld [tilespmem:$0xFF0];
	_ =	sdelay $0x1  }
0x159: {  	[tilespmem:$0x1200] =	vst v1  }
0x15a: {  	s31 =	sadd.s32 $0x1, s31;
	[tilespmem:$0x1210] =	vst v2  }
0x15b: {  	p0 =	sne.s32 s31, $0x5;
	[tilespmem:$0x1220] =	vst v3  }
.Ltmp1:
0x15c: {  	[tilespmem:$0x1230] =	vst v63;
	(pc) =	sbr.rel @p0 .LBB2_2-.Ltmp1, $4  }
0x15d: {  	[spmem:s1] =	stream.indirect.scatter.add.f32 [tilespmem:s23], [sflag:$0x5], $0x80, s26, s15, $0xb8;
	[tilespmem:$0x1D680] =	vst v63  }
0x15e: {  	_ =	swait.ge [sflag:s13], $0x2000  }
0x15f: {  	[sflag:s13] =	ssyncset.done $0x0  }
0x160: {  	[sflag:s13] =	ssyncadd.s32 $0xFFFFE000  }
0x161: {  	s3 =	sadd.s32 $0x1, s3  }
0x162: {  	p0 =	sne.s32 s3, s11  }
.Ltmp2:
0x163: {  	[bflag:$0x0] =	sbarrier.arrive $0xFFFF;
	(pc) =	sbr.rel @p0 .LBB2_1-.Ltmp2, $4  }
0x164: {  	[hbm:s10], [sflag:s9] =	dma.local [spmem:s24], $0x2800  }
0x165: {  	_ =	swait.ge [sflag:s13], $0x2800  }
0x166: {  	[sflag:s13] =	ssyncset.done $0x0  }
0x167: {  	[sflag:s13] =	ssyncadd.s32 $0xFFFFD800  }
0x168: {  	_ =	sfence.sel $0x180000  }
0x169: {  	[bflag:$0x0] =	sbarrier.arrive $0xFFFF  }
0x16a: {  	_ =	strace $0x9000004A  }
0x16b: {  	s0 =	stileid.u32;
	[bflag:$0x2] =	sbarrier.arrive $0xFFFF  }
0x16c: {  	p0 =	sne.s32 s0, $0x0;
	s0 =	rddreg [dreg:$0x2]  }
0x16d: {  	s0 =	sadd.s32 @!p0 $0x100000, s0  }
0x16e: {  	[sflag:s0] =	ssyncadd.tile.s32 @!p0 $0x1;
	_ =	shalt  }
.Lfunc_end2:
_tile_overlayer_lowered:
.L_overlay_start_2:
0x16f: {  	(tag) =	ssettag $0x2  }
0x170: {  	s0 =	rddreg [dreg:$0x0];
	s2 =	stileid.u32  }
0x171: {  	s1 =	rddreg [dreg:$0x1];
	p0 =	sne.s32 s2, $0x0  }
0x172: {  	s3 =	rddreg [dreg:$0x2];
	[bflag:$0x3] =	sbarrier.arrive $0xFFFF;
	s2 =	simm.s32 @!p0 $0x1C05  }
0x173: {  	[timem:s3], [sflag:s2] =	dma.local @!p0 [hbm:s0], s1  }
0x174: {  	s0 =	simm.s32 @!p0 $0x5  }
0x175: {  	_ =	swait.ge @!p0 [sflag:s0], s1  }
0x176: {  	s1 =	ssub.s32 @!p0 $0x0, s1;
	[sflag:s0] =	ssyncset.done @!p0 $0x0  }
0x177: {  	[sflag:s0] =	ssyncadd.s32 @!p0 s1  }
0x178: {  	[bflag:$0x3] =	sbarrier.arrive $0xFFFF  }
0x179: {  	_ =	shalt  }

// kernel: kernel.15.cloned.1.call-start
scs
__scs_entry_jumppad:
0x0: {  	(pc) =	sbr.rel $0x88, $3  }
0x1: {  	(tag) =	ssettag $0x0;
	lr =	simm.s32 $0x1  }
0x2: {  	[smem:$0x3F99] =	sst lr;
	_ =	strace $0xD0000000  }
0x3: {  	_ = 	snop  }
0x4: {  	_ = 	snop  }
0x5: {  	_ = 	snop  }
0x6: {  	_ = 	snop  }
0x7: {  	_ = 	snop  }
__scs_overlays_trampoline_lowered:
0x8: {  	[smem:$0x3FA8] =	sst s0  }
0x9: {  	[smem:$0x3FA9] =	sst s1  }
0xa: {  	[smem:$0x3FAA] =	sst s2  }
0xb: {  	[smem:$0x3FAB] =	sst s3  }
0xc: {  	[smem:$0x3FAC] =	sst s4  }
0xd: {  	[smem:$0x3FAD] =	sst s5  }
0xe: {  	[smem:$0x3FAE] =	sst s6  }
0xf: {  	[smem:$0x3FAF] =	sst s7  }
0x10: {  	[smem:$0x3FB0] =	sst s8  }
0x11: {  	[smem:$0x3FB1] =	sst s9;
	s0 =	simm.s32 @!p0 $0x0  }
0x12: {  	s1 =	sld [smem:$0x3F97];
	s0 =	simm.s32 @p0 $0x1  }
0x13: {  	[smem:$0x3FB2] =	sst s0;
	s0 =	simm.s32 @!p1 $0x0  }
0x14: {  	s2 =	sld [smem:$0x3F96];
	s0 =	simm.s32 @p1 $0x1  }
0x15: {  	[smem:$0x3FB3] =	sst s0;
	s0 =	simm.s32 @!p2 $0x0  }
0x16: {  	s3 =	sld [smem:$0x3FDB];
	s0 =	simm.s32 @p2 $0x1  }
0x17: {  	s4 =	simm.s32 $0x1BF5;
	[smem:$0x3FB5] =	sst s0  }
0x18: {  	s0 =	sld [smem:$0x3F98];
	_ =	swait.ge [sflag:s4], $0x0  }
0x19: {  	s7 =	sld [smem:$0x3F99]  }
0x1a: {  	s8 =	sadd.s32 $0xFFFFE003, lr  }
0x1b: {  	s9 =	sadd.s32 $0xFFFFFEF7, lr;
	s5 =	simm.s32 $0xFFFFFFFF;
	p2 =	slt.u32 s8, $0xFFFFF086  }
0x1c: {  	p1 =	slt.u32 s9, $0xF7A;
	s5 =	simm.s32 @!p2 $0x0  }
0x1d: {  	s5 =	simm.s32 @p1 $0x1;
	p0 =	seq.s32 s7, s2  }
0x1e: {  	s7 =	smul.u32 @!p0 $0xF7A, s2;
	p2 =	seq.s32 @!p0 s5, $0x0  }
0x1f: {  	s9 =	smul.u32 $0xF7A, s1;
	s8 =	simm.s32 @!p0 $0x1BF5;
	p2 =	por !p2, p0  }
0x20: {  	[sflag:s8] =	ssyncset.s32 @!p0 $0xFFFFF086;
	s6 =	sadd.s32 @!p0 s3, s7;
	s7 =	simm.s32 @!p0 $0x108  }
0x21: {  	s3 =	sadd.s32 s3, s9;
	s6 =	sadd.s32 @!p0 $0x88, s6;
	s7 =	simm.s32 @p2 $0x1082  }
0x22: {  	[simem:s7], [sflag:s8] =	dma.local @!p0 [hbm:s6], $0xF7A  }
0x23: {  	s9 =	sor.u32 $0xD0000000, s2;
	s6 =	simm.s32 $0x108;
	_ =	swait.ge @!p0 [sflag:s8], $0x0  }
0x24: {  	s3 =	sadd.s32 $0x88, s3;
	s6 =	simm.s32 @!p1 $0x1082;
	[sflag:s4] =	ssyncset.s32 $0xFFFFF086  }
0x25: {  	[simem:s6], [sflag:s4] =	dma.local [hbm:s3], $0xF7A  }
0x26: {  	[smem:$0x3F99] =	sst s1;
	(tag) =	ssettag s2;
	_ =	strace s9  }
0x27: {  	s1 =	sld [smem:$0x3FA9]  }
0x28: {  	s2 =	sld [smem:$0x3FAA]  }
0x29: {  	s4 =	sld [smem:$0x3FAC]  }
0x2a: {  	p0 =	seq.s32 s5, $0x0;
	s5 =	sld [smem:$0x3FAD]  }
0x2b: {  	s6 =	sld [smem:$0x3FAE]  }
0x2c: {  	s7 =	sld [smem:$0x3FAF]  }
0x2d: {  	s3 =	simm.s32 $0x108;
	s8 =	sld [smem:$0x3FB0]  }
0x2e: {  	s3 =	simm.s32 @!p0 $0x1082;
	s9 =	sld [smem:$0x3FB1]  }
0x2f: {  	lr =	sadd.s32 s0, s3;
	s0 =	sld [smem:$0x3FA8]  }
0x30: {  	s3 =	sld [smem:$0x3FAB]  }
0x31: {  	[smem:$0x3FB4] =	sst s10  }
0x32: {  	s10 =	sld [smem:$0x3FB2];
	_ =	sdelay $0x3  }
0x33: {  	p0 =	seq.s32 s10, $0x1;
	s10 =	sld [smem:$0x3FB4];
	_ =	sdelay $0x3  }
0x34: {  	[smem:$0x3FB4] =	sst s10  }
0x35: {  	s10 =	sld [smem:$0x3FB3];
	_ =	sdelay $0x3  }
0x36: {  	p1 =	seq.s32 s10, $0x1;
	s10 =	sld [smem:$0x3FB4];
	_ =	sdelay $0x3  }
0x37: {  	[smem:$0x3FB4] =	sst s10  }
0x38: {  	s10 =	sld [smem:$0x3FB5]  }
0x39: {  	_ = 	snop;
	(pc) =	sbr.ind lr, $3  }
0x3a: {  	_ = 	snop  }
0x3b: {  	_ = 	snop  }
0x3c: {  	p2 =	seq.s32 s10, $0x1;
	s10 =	sld [smem:$0x3FB4]  }
0x3d: {  	_ =	shalt  }
0x3e: {  	_ =	shalt  }
0x3f: {  	_ =	shalt  }
0x40: {  	_ =	shalt  }
0x41: {  	_ =	shalt  }
0x42: {  	_ =	shalt  }
0x43: {  	_ =	shalt  }
0x44: {  	_ =	shalt  }
0x45: {  	_ =	shalt  }
0x46: {  	_ =	shalt  }
0x47: {  	_ =	shalt  }
0x48: {  	_ =	shalt  }
0x49: {  	_ =	shalt  }
0x4a: {  	_ =	shalt  }
0x4b: {  	_ =	shalt  }
0x4c: {  	_ =	shalt  }
0x4d: {  	_ =	shalt  }
0x4e: {  	_ =	shalt  }
0x4f: {  	_ =	shalt  }
0x50: {  	_ =	shalt  }
0x51: {  	_ =	shalt  }
0x52: {  	_ =	shalt  }
0x53: {  	_ =	shalt  }
0x54: {  	_ =	shalt  }
0x55: {  	_ =	shalt  }
0x56: {  	_ =	shalt  }
0x57: {  	_ =	shalt  }
0x58: {  	_ =	shalt  }
0x59: {  	_ =	shalt  }
0x5a: {  	_ =	shalt  }
0x5b: {  	_ =	shalt  }
0x5c: {  	_ =	shalt  }
0x5d: {  	_ =	shalt  }
0x5e: {  	_ =	shalt  }
0x5f: {  	_ =	shalt  }
0x60: {  	_ =	shalt  }
0x61: {  	_ =	shalt  }
0x62: {  	_ =	shalt  }
0x63: {  	_ =	shalt  }
0x64: {  	_ =	shalt  }
0x65: {  	_ =	shalt  }
0x66: {  	_ =	shalt  }
0x67: {  	_ =	shalt  }
0x68: {  	_ =	shalt  }
0x69: {  	_ =	shalt  }
0x6a: {  	_ =	shalt  }
0x6b: {  	_ =	shalt  }
0x6c: {  	_ =	shalt  }
0x6d: {  	_ =	shalt  }
0x6e: {  	_ =	shalt  }
0x6f: {  	_ =	shalt  }
0x70: {  	_ =	shalt  }
0x71: {  	_ =	shalt  }
0x72: {  	_ =	shalt  }
0x73: {  	_ =	shalt  }
0x74: {  	_ =	shalt  }
0x75: {  	_ =	shalt  }
0x76: {  	_ =	shalt  }
0x77: {  	_ =	shalt  }
0x78: {  	_ =	shalt  }
0x79: {  	_ =	shalt  }
0x7a: {  	_ =	shalt  }
0x7b: {  	_ =	shalt  }
0x7c: {  	_ =	shalt  }
0x7d: {  	_ =	shalt  }
0x7e: {  	_ =	shalt  }
0x7f: {  	_ =	shalt  }
0x80: {  	_ =	shalt  }
0x81: {  	_ =	shalt  }
0x82: {  	_ =	shalt  }
0x83: {  	_ =	shalt  }
0x84: {  	_ =	shalt  }
0x85: {  	_ =	shalt  }
0x86: {  	_ =	shalt  }
0x87: {  	_ =	shalt  }
.Lfunc_end0:
.L_simem_size_0:
called_computation.2_lowered:
.L_overlay_start_0:
0x88: {  	s2 =	sld [smem:$0x3FD9]  }
0x89: {  	s3 =	sld [smem:$0x3FFE];
	_ =	sdelay $0x1  }
0x8a: {  	s1 =	srdreg.scid  }
0x8b: {  	s0 =	sand.u32 $0x1, s1  }
0x8c: {  	s17 =	sshll.u32 s0, $0xA;
	s2 =	sadd.s32 s3, s2  }
0x8d: {  	s2 =	sadd.s32 s2, s17  }
0x8e: {  	[smem:$0x3FC0] =	sst s2  }
0x8f: {  	_ = 	snop  }
0x90: {  	(tm) =	ssettm $0x1  }
0x91: {  	s18 =	sld [smem:$0x3FFB];
	_ =	sdelay $0x3  }
0x92: {  	_ =	strace s18  }
0x93: {  	s2 =	sld [smem:$0x3FFC];
	_ =	sdelay $0x3  }
0x94: {  	_ =	strace s2  }
0x95: {  	s2 =	sld [smem:$0x3FFD];
	_ =	sdelay $0x3  }
0x96: {  	_ =	strace s2  }
0x97: {  	_ =	strace $0x8FFFFFFF  }
0x98: {  	s19 =	sld [smem:$0x3FDB];
	_ =	sdelay $0x1  }
0x99: {  	s20 =	simm.s32 $_scs_section_size  }
0x9a: {  	s4 =	simm.s32 $_size__tile_overlayer_lowered;
	s5 =	simm.s32 $_tile_overlayer_lowered  }
0x9b: {  	s6 =	simm.s32 $0x1BFF;
	s21 =	sshll.u32 s5, $0x1;
	s3 =	sadd.s32 s20, s19  }
0x9c: {  	s22 =	simm.s32 $0x0;
	s4 =	sshll.u32 s4, $0x1;
	s5 =	sadd.s32 s21, s3  }
0x9d: {  	[timem:s22], [sflag:s6] =	dma.local [hbm:s5], s4  }
0x9e: {  	_ =	swait.ge [sflag:s6], s4  }
0x9f: {  	s4 =	ssub.s32 $0x0, s4;
	[sflag:s6] =	ssyncset.done $0x0  }
0xa0: {  	[sflag:s6] =	ssyncadd.s32 s4;
	_ =	sdelay $0x1  }
0xa1: {  	s23 =	simm.s32 $0x1B8B  }
0xa2: {  	_ =	swait.ge [sflag:s23], $0x1  }
0xa3: {  	[sflag:s23] =	ssyncset.done $0x0  }
0xa4: {  	[sflag:s23] =	ssyncadd.s32 $0xFFFFFFFF  }
0xa5: {  	s4 =	sld [smem:$0x0]  }
0xa6: {  	s5 =	sand.u32 $0xFFFFFFFE, s1  }
0xa7: {  	p0 =	sne.s32 s1, s5  }
0xa8: {  	s5 =	sshll.u32 @p0 s5, $0xE  }
0xa9: {  	s5 =	sadd.s32 @p0 $0x11B8D, s5;
	s6 =	sshll.u32 @p0 s4, $0x11  }
0xaa: {  	s5 =	sor.u32 @p0 s6, s5  }
0xab: {  	[sflag:s5] =	ssyncadd.remote.s32 @p0 $0x1;
	_ =	sdelay $0x1  }
0xac: {  	s5 =	simm.s32 @p0 $0x1B8D  }
0xad: {  	_ =	swait.eq @p0 [sflag:s5], $0x1  }
0xae: {  	[sflag:s5] =	ssyncadd.s32 @p0 $0xFFFFFFFF  }
0xaf: {  	s6 =	sshll.u32 @!p0 s1, $0xE  }
0xb0: {  	s6 =	sor.u32 @!p0 $0x4000, s6;
	s5 =	simm.s32 @!p0 $0x1B8D  }
0xb1: {  	s4 =	sshll.u32 @!p0 s4, $0x11;
	s6 =	sadd.s32 @!p0 $0x11B8D, s6;
	_ =	swait.eq @!p0 [sflag:s5], $0x1  }
0xb2: {  	s4 =	sor.u32 @!p0 s4, s6;
	[sflag:s5] =	ssyncadd.s32 @!p0 $0xFFFFFFFF  }
0xb3: {  	s25 =	simm.s32 $0x1B8E;
	s24 =	sld [smem:$0x3FFE];
	[sflag:s4] =	ssyncadd.remote.s32 @!p0 $0x1  }
0xb4: {  	s26 =	simm.s32 $execute0_lowered;
	[smem:$0x3FD2] =	sst s25  }
0xb5: {  	s5 =	sshll.u32 s26, $0x1;
	_ =	strace $0x8000004F;
	[dreg:$0x1] =	wrdreg $0xFFFFFFFF  }
0xb6: {  	s28 =	simm.s32 $_size_execute0_lowered;
	s3 =	sadd.s32 s3, s5;
	[dreg:$0x0] =	wrdreg $0x0  }
0xb7: {  	s5 =	sshll.u32 s28, $0x1;
	[dreg:$0x2] =	wrdreg s3  }
0xb8: {  	[dreg:$0x3] =	wrdreg s5  }
0xb9: {  	[dreg:$0x4] =	wrdreg $0xC0  }
0xba: {  	_ =	task [dreg:s22], $0x5FFFF  }
0xbb: {  	[dreg:$0x1] =	wrdreg $0xFFFFFFFF  }
0xbc: {  	[dreg:$0x0] =	wrdreg $0x60  }
0xbd: {  	[dreg:$0x2] =	wrdreg s24  }
0xbe: {  	[dreg:$0x3] =	wrdreg $0x92800  }
0xbf: {  	[dreg:$0x4] =	wrdreg $0x9  }
0xc0: {  	_ =	task.clear_ibuf [dreg:s22], $0x5FFFF;
	_ =	strace $0x9000004F  }
0xc1: {  	s29 =	simm.s32 $0x9;
	_ =	strace $0x80000051  }
0xc2: {  	_ =	swait.ge [sflag:s29], $0x1  }
0xc3: {  	[sflag:s29] =	ssyncadd.s32 $0xFFFFFFFF  }
0xc4: {  	_ =	strace $0x90000051  }
0xc5: {  	_ =	sfence  }
0xc6: {  	s30 =	sld [smem:$0x0];
	_ =	sdelay $0x2  }
0xc7: {  	s31 =	sshll.u32 s1, $0xD;
	s1 =	sshrl.u32 s1, $0x2  }
0xc8: {  	s4 =	sand.u32 $0x4000, s31;
	s1 =	sadd.s32 s1, s30  }
0xc9: {  	s0 =	sor.u32 s4, s0;
	s1 =	sshll.u32 s1, $0x11  }
0xca: {  	s0 =	sor.u32 s1, s0  }
0xcb: {  	s0 =	sadd.s32 $0x8F2B, s0  }
0xcc: {  	[sflag:s0] =	ssyncadd.remote.s32 $0x1  }
0xcd: {  	_ =	sfence.sel $0xFFFF  }
0xce: {  	[dreg:$0x0] =	wrdreg $0xFFFFFFFF;
	(pc) =	sbr.abs _section_cstart, $3  }
0xcf: {  	[dreg:$0x1] =	wrdreg $0xFFFFFFFF  }
0xd0: {  	_ =	task.clear_ibuf [dreg:s22], $0x2FFFF;
	_ =	strace $0x9FFFFFFF  }
0xd1: {  	(tm) =	ssettm $0x7FFFFFFF  }
tec
execute0_lowered:
.L_overlay_start_1:
0x0: {  	(tag) =	ssettag $0x1  }
0x1: {  	s0 =	rddreg [dreg:$0x0]  }
0x2: {  	s1 =	rddreg [dreg:$0x1];
	s2 =	srdreg.scid;
	s3 =	simm.s32 $0x0  }
0x3: {  	s13 =	stileid.u32;
	s14 =	simm.s32 $0x800;
	s15 =	simm.s32 $0x40  }
0x4: {  	s16 =	simm.s32 $0x1000;
	s17 =	simm.s32 $0x1280;
	s18 =	simm.s32 $0x1080  }
0x5: {  	s19 =	simm.s32 $0x3280;
	s20 =	simm.s32 $0x1100;
	s28 =	simm.s32 $0x2  }
0x6: {  	s29 =	simm.s32 $0x3;
	s30 =	simm.s32 $0x4;
	s2 =	sand.u32 $0x1, s2  }
0x7: {  	[smem:$0x7FF] =	sst s3;
	s8 =	smul.u32 $0x14000, s13;
	s4 =	sadd.s32 $0x68A00, s0  }
0x8: {  	s5 =	sadd.s32 $0x63A00, s0;
	s6 =	sadd.s32 $0x5EA00, s0;
	s10 =	smul.u32 $0x51000, s13  }
0x9: {  	s21 =	sadd.s32 $0x50C00, s0;
	s24 =	smul.u32 $0x50000, s13;
	s25 =	sshll.u32 s13, $0x6  }
0xa: {  	s7 =	smul.u32 $0x140000, s2;
	_ =	strace $0x80000050;
	s9 =	ssub.s32 $0x2, s2  }
0xb: {  	[dreg:$0x3] =	wrdreg s21;
	s2 =	smul.u32 $0x2710, s2;
	s21 =	simm.s32 $0x5280  }
0xc: {  	s22 =	sshrl.u32 s9, $0x1;
	s23 =	sshrl.u32 s10, $0x2;
	s26 =	sshrl.u32 s24, $0x2  }
0xd: {  	s7 =	sadd.s32 s8, s7;
	s11 =	ssub.s32 s9, s22;
	s12 =	sadd.s32 s23, s1  }
0xe: {  	s9 =	sor.u32 $0x1C05, s25;
	s31 =	sadd.s32 s26, s1;
	s22 =	simm.s32 $0x1180  }
0xf: {  	s23 =	simm.s32 $0x7280;
	s25 =	simm.s32 $0x1;
	s26 =	simm.s32 $0x1200  }
0x10: {  	s8 =	sshrl.u32 s7, $0x3;
	s11 =	smax.u32 s11, $0x1;
	s12 =	sshrl.u32 s12, $0x3  }
0x11: {  	s24 =	sshrl.u32 s31, $0x3;
	s7 =	simm.s32 $0x0;
	s0 =	sadd.s32 s8, s0  }
0x12: {  	v0 =	vmov s2;
	s8 =	smul.u32 $0x2800, s13;
	s13 =	simm.s32 $0x5;
	s10 =	sadd.s32 $0x154E00, s0  }
.LBB2_1:
0x13: {  	s0 =	rddreg [dreg:$0x3]  }
0x14: {  	[spmem:s12], [sflag:s9] =	dma.local [hbm:s0], $0x2880  }
0x15: {  	_ =	swait.ge [sflag:s13], $0x2880  }
0x16: {  	[sflag:s13] =	ssyncset.done $0x0  }
0x17: {  	[sflag:s13] =	ssyncadd.s32 $0xFFFFD780  }
0x18: {  	s31 =	simm.s32 $0x0;
	[bflag:$0x0] =	sbarrier.arrive $0xFFFF  }
.LBB2_2:
0x19: {  	s0 =	sshll.u32 s31, $0xB  }
0x1a: {  	s0 =	sadd.s32 s8, s0  }
0x1b: {  	s0 =	sshrl.u32 s0, $0x3  }
0x1c: {  	s2 =	sadd.s32 s5, s0  }
0x1d: {  	[tilespmem:s7], [sflag:$0x5] =	stream.linear.gather [hbm4b:s2+s7], $0x800, $0x38;
	[tilespmem:$0x1D680] =	vst v63  }
0x1e: {  	_ =	swait.ge [sflag:s13], $0x800  }
0x1f: {  	[sflag:s13] =	ssyncset.done $0x0  }
0x20: {  	s0 =	sadd.s32 s6, s0;
	[sflag:s13] =	ssyncadd.s32 $0xFFFFF800  }
0x21: {  	[tilespmem:s14], [sflag:$0x5] =	stream.linear.gather [hbm4b:s0+s7], $0x800, $0x38;
	[tilespmem:$0x1D680] =	vst v63  }
0x22: {  	_ =	swait.ge [sflag:s13], $0x800  }
0x23: {  	[sflag:s13] =	ssyncset.done $0x0  }
0x24: {  	[sflag:s13] =	ssyncadd.s32 $0xFFFFF800  }
0x25: {  	v1 =	vld [tilespmem:$0x0]  }
0x26: {  	v2 =	vld [tilespmem:$0x10]  }
0x27: {  	v3 =	vld [tilespmem:$0x20]  }
0x28: {  	v4 =	vld [tilespmem:$0x30]  }
0x29: {  	v5 =	vld [tilespmem:$0x40]  }
0x2a: {  	v6 =	vld [tilespmem:$0x50];
	v1 =	vadd.s32 v0, v1  }
0x2b: {  	[tilespmem:$0x1000] =	vst v1;
	v1 =	vadd.s32 v0, v2;
	v2 =	vld [tilespmem:$0x60]  }
0x2c: {  	[tilespmem:$0x1010] =	vst v1;
	v1 =	vadd.s32 v0, v3;
	v3 =	vld [tilespmem:$0x70]  }
0x2d: {  	v58 =	vld [tilespmem:$0x80];
	[tilespmem:$0x1020] =	vst v1;
	v1 =	vadd.s32 v0, v4  }
0x2e: {  	v59 =	vld [tilespmem:$0x90];
	[tilespmem:$0x1030] =	vst v1;
	v1 =	vadd.s32 v0, v5  }
0x2f: {  	v60 =	vld [tilespmem:$0xA0];
	[tilespmem:$0x1080] =	vst v1;
	v1 =	vadd.s32 v0, v6  }
0x30: {  	[tilespmem:$0x1090] =	vst v1;
	v1 =	vadd.s32 v0, v2;
	v2 =	vld [tilespmem:$0xB0]  }
0x31: {  	[tilespmem:$0x10A0] =	vst v1;
	v1 =	vadd.s32 v0, v3;
	v3 =	vld [tilespmem:$0xC0]  }
0x32: {  	v61 =	vld [tilespmem:$0xD0];
	[tilespmem:$0x10B0] =	vst v1;
	v1 =	vadd.s32 v0, v58  }
0x33: {  	v62 =	vld [tilespmem:$0xE0];
	[tilespmem:$0x1100] =	vst v1;
	v1 =	vadd.s32 v0, v59  }
0x34: {  	v63 =	vld [tilespmem:$0xF0];
	[tilespmem:$0x1110] =	vst v1;
	v1 =	vadd.s32 v0, v60  }
0x35: {  	[tilespmem:$0x1120] =	vst v1;
	v1 =	vadd.s32 v0, v2  }
0x36: {  	[tilespmem:$0x1130] =	vst v1;
	v1 =	vadd.s32 v0, v3  }
0x37: {  	[tilespmem:$0x1180] =	vst v1;
	v1 =	vadd.s32 v0, v61  }
0x38: {  	[tilespmem:$0x1190] =	vst v1;
	v1 =	vadd.s32 v0, v62  }
0x39: {  	[tilespmem:$0x11A0] =	vst v1;
	v1 =	vadd.s32 v0, v63  }
0x3a: {  	[tilespmem:$0x11B0] =	vst v1  }
0x3b: {  	[tilespmem:s17], [sflag:$0x1] =	stream.indirect.gather [hbm4b:s4+s15], $0x80, s16, s15, $0xb8;
	[tilespmem:$0x1D680] =	vst v63  }
0x3c: {  	_ = 	snop  }
0x3d: {  	[tilespmem:s19], [sflag:$0x2] =	stream.indirect.gather [hbm4b:s4+s15], $0x80, s18, s15, $0xb8;
	[tilespmem:$0x1D680] =	vst v63  }
0x3e: {  	_ = 	snop  }
0x3f: {  	[tilespmem:s21], [sflag:$0x3] =	stream.indirect.gather [hbm4b:s4+s15], $0x80, s20, s15, $0xb8;
	[tilespmem:$0x1D680] =	vst v63  }
0x40: {  	_ = 	snop  }
0x41: {  	[tilespmem:s23], [sflag:$0x4] =	stream.indirect.gather [hbm4b:s4+s15], $0x80, s22, s15, $0xb8;
	[tilespmem:$0x1D680] =	vst v63  }
0x42: {  	_ =	swait.ge [sflag:s25], $0x2000  }
0x43: {  	[sflag:s25] =	ssyncset.done $0x0  }
0x44: {  	s2 =	simm.s32 $0x0;
	[sflag:s25] =	ssyncadd.s32 $0xFFFFE000  }
0x45: {  	v1 =	vld [tilespmem:s2+$0x800];
	_ =	sdelay $0x4  }
0x46: {  	[tilespmem:$0x1200] =	vst v1  }
0x47: {  	v1 =	vld [tilespmem:s2+$0x810];
	_ =	sdelay $0x4  }
0x48: {  	[tilespmem:$0x1210] =	vst v1  }
0x49: {  	v1 =	vld [tilespmem:s2+$0x820];
	_ =	sdelay $0x4  }
0x4a: {  	[tilespmem:$0x1220] =	vst v1  }
0x4b: {  	v1 =	vld [tilespmem:s2+$0x830];
	_ =	sdelay $0x4  }
0x4c: {  	[tilespmem:$0x1230] =	vst v1  }
0x4d: {  	[spmem:s1] =	stream.indirect.scatter.add.f32 [tilespmem:s17], [sflag:$0x5], $0x80, s26, s15, $0xb8;
	[tilespmem:$0x1D680] =	vst v63  }
0x4e: {  	_ =	swait.ge [sflag:s13], $0x2000  }
0x4f: {  	[sflag:s13] =	ssyncset.done $0x0  }
0x50: {  	[sflag:s13] =	ssyncadd.s32 $0xFFFFE000  }
0x51: {  	v1 =	vld [tilespmem:s2+$0x100];
	_ =	sdelay $0x4  }
0x52: {  	v1 =	vadd.s32 v0, v1  }
0x53: {  	[tilespmem:$0x1000] =	vst v1  }
0x54: {  	v1 =	vld [tilespmem:s2+$0x110];
	_ =	sdelay $0x4  }
0x55: {  	v1 =	vadd.s32 v0, v1  }
0x56: {  	[tilespmem:$0x1010] =	vst v1  }
0x57: {  	v1 =	vld [tilespmem:s2+$0x120];
	_ =	sdelay $0x4  }
0x58: {  	v1 =	vadd.s32 v0, v1  }
0x59: {  	[tilespmem:$0x1020] =	vst v1  }
0x5a: {  	v1 =	vld [tilespmem:s2+$0x130];
	_ =	sdelay $0x4  }
0x5b: {  	v1 =	vadd.s32 v0, v1  }
0x5c: {  	[tilespmem:$0x1030] =	vst v1  }
0x5d: {  	[tilespmem:s17], [sflag:$0x1] =	stream.indirect.gather [hbm4b:s4+s15], $0x80, s16, s15, $0xb8;
	[tilespmem:$0x1D680] =	vst v63  }
0x5e: {  	_ =	swait.ge [sflag:s28], $0x2000  }
0x5f: {  	[sflag:s28] =	ssyncset.done $0x0  }
0x60: {  	[sflag:s28] =	ssyncadd.s32 $0xFFFFE000  }
0x61: {  	v1 =	vld [tilespmem:s2+$0x840];
	_ =	sdelay $0x4  }
0x62: {  	[tilespmem:$0x1200] =	vst v1  }
0x63: {  	v1 =	vld [tilespmem:s2+$0x850];
	_ =	sdelay $0x4  }
0x64: {  	[tilespmem:$0x1210] =	vst v1  }
0x65: {  	v1 =	vld [tilespmem:s2+$0x860];
	_ =	sdelay $0x4  }
0x66: {  	[tilespmem:$0x1220] =	vst v1  }
0x67: {  	v1 =	vld [tilespmem:s2+$0x870];
	_ =	sdelay $0x4  }
0x68: {  	[tilespmem:$0x1230] =	vst v1  }
0x69: {  	[spmem:s1] =	stream.indirect.scatter.add.f32 [tilespmem:s19], [sflag:$0x5], $0x80, s26, s15, $0xb8;
	[tilespmem:$0x1D680] =	vst v63  }
0x6a: {  	_ =	swait.ge [sflag:s13], $0x2000  }
0x6b: {  	[sflag:s13] =	ssyncset.done $0x0  }
0x6c: {  	[sflag:s13] =	ssyncadd.s32 $0xFFFFE000  }
0x6d: {  	v1 =	vld [tilespmem:s2+$0x140];
	_ =	sdelay $0x4  }
0x6e: {  	v1 =	vadd.s32 v0, v1  }
0x6f: {  	[tilespmem:$0x1080] =	vst v1  }
0x70: {  	v1 =	vld [tilespmem:s2+$0x150];
	_ =	sdelay $0x4  }
0x71: {  	v1 =	vadd.s32 v0, v1  }
0x72: {  	[tilespmem:$0x1090] =	vst v1  }
0x73: {  	v1 =	vld [tilespmem:s2+$0x160];
	_ =	sdelay $0x4  }
0x74: {  	v1 =	vadd.s32 v0, v1  }
0x75: {  	[tilespmem:$0x10A0] =	vst v1  }
0x76: {  	v1 =	vld [tilespmem:s2+$0x170];
	_ =	sdelay $0x4  }
0x77: {  	v1 =	vadd.s32 v0, v1  }
0x78: {  	[tilespmem:$0x10B0] =	vst v1  }
0x79: {  	[tilespmem:s19], [sflag:$0x2] =	stream.indirect.gather [hbm4b:s4+s15], $0x80, s18, s15, $0xb8;
	[tilespmem:$0x1D680] =	vst v63  }
0x7a: {  	_ =	swait.ge [sflag:s29], $0x2000  }
0x7b: {  	[sflag:s29] =	ssyncset.done $0x0  }
0x7c: {  	[sflag:s29] =	ssyncadd.s32 $0xFFFFE000  }
0x7d: {  	v1 =	vld [tilespmem:s2+$0x880];
	_ =	sdelay $0x4  }
0x7e: {  	[tilespmem:$0x1200] =	vst v1  }
0x7f: {  	v1 =	vld [tilespmem:s2+$0x890];
	_ =	sdelay $0x4  }
0x80: {  	[tilespmem:$0x1210] =	vst v1  }
0x81: {  	v1 =	vld [tilespmem:s2+$0x8A0];
	_ =	sdelay $0x4  }
0x82: {  	[tilespmem:$0x1220] =	vst v1  }
0x83: {  	v1 =	vld [tilespmem:s2+$0x8B0];
	_ =	sdelay $0x4  }
0x84: {  	[tilespmem:$0x1230] =	vst v1  }
0x85: {  	[spmem:s1] =	stream.indirect.scatter.add.f32 [tilespmem:s21], [sflag:$0x5], $0x80, s26, s15, $0xb8;
	[tilespmem:$0x1D680] =	vst v63  }
0x86: {  	_ =	swait.ge [sflag:s13], $0x2000  }
0x87: {  	[sflag:s13] =	ssyncset.done $0x0  }
0x88: {  	[sflag:s13] =	ssyncadd.s32 $0xFFFFE000  }
0x89: {  	v1 =	vld [tilespmem:s2+$0x180];
	_ =	sdelay $0x4  }
0x8a: {  	v1 =	vadd.s32 v0, v1  }
0x8b: {  	[tilespmem:$0x1100] =	vst v1  }
0x8c: {  	v1 =	vld [tilespmem:s2+$0x190];
	_ =	sdelay $0x4  }
0x8d: {  	v1 =	vadd.s32 v0, v1  }
0x8e: {  	[tilespmem:$0x1110] =	vst v1  }
0x8f: {  	v1 =	vld [tilespmem:s2+$0x1A0];
	_ =	sdelay $0x4  }
0x90: {  	v1 =	vadd.s32 v0, v1  }
0x91: {  	[tilespmem:$0x1120] =	vst v1  }
0x92: {  	v1 =	vld [tilespmem:s2+$0x1B0];
	_ =	sdelay $0x4  }
0x93: {  	v1 =	vadd.s32 v0, v1  }
0x94: {  	[tilespmem:$0x1130] =	vst v1  }
0x95: {  	[tilespmem:s21], [sflag:$0x3] =	stream.indirect.gather [hbm4b:s4+s15], $0x80, s20, s15, $0xb8;
	[tilespmem:$0x1D680] =	vst v63  }
0x96: {  	_ =	swait.ge [sflag:s30], $0x2000  }
0x97: {  	[sflag:s30] =	ssyncset.done $0x0  }
0x98: {  	[sflag:s30] =	ssyncadd.s32 $0xFFFFE000  }
0x99: {  	v1 =	vld [tilespmem:s2+$0x8C0];
	_ =	sdelay $0x4  }
0x9a: {  	[tilespmem:$0x1200] =	vst v1  }
0x9b: {  	v1 =	vld [tilespmem:s2+$0x8D0];
	_ =	sdelay $0x4  }
0x9c: {  	[tilespmem:$0x1210] =	vst v1  }
0x9d: {  	v1 =	vld [tilespmem:s2+$0x8E0];
	_ =	sdelay $0x4  }
0x9e: {  	[tilespmem:$0x1220] =	vst v1  }
0x9f: {  	v1 =	vld [tilespmem:s2+$0x8F0];
	_ =	sdelay $0x4  }
0xa0: {  	[tilespmem:$0x1230] =	vst v1  }
0xa1: {  	[spmem:s1] =	stream.indirect.scatter.add.f32 [tilespmem:s23], [sflag:$0x5], $0x80, s26, s15, $0xb8;
	[tilespmem:$0x1D680] =	vst v63  }
0xa2: {  	_ =	swait.ge [sflag:s13], $0x2000  }
0xa3: {  	[sflag:s13] =	ssyncset.done $0x0  }
0xa4: {  	[sflag:s13] =	ssyncadd.s32 $0xFFFFE000  }
0xa5: {  	v1 =	vld [tilespmem:s2+$0x1C0];
	_ =	sdelay $0x4  }
0xa6: {  	v1 =	vadd.s32 v0, v1  }
0xa7: {  	[tilespmem:$0x1180] =	vst v1  }
0xa8: {  	v1 =	vld [tilespmem:s2+$0x1D0];
	_ =	sdelay $0x4  }
0xa9: {  	v1 =	vadd.s32 v0, v1  }
0xaa: {  	[tilespmem:$0x1190] =	vst v1  }
0xab: {  	v1 =	vld [tilespmem:s2+$0x1E0];
	_ =	sdelay $0x4  }
0xac: {  	v1 =	vadd.s32 v0, v1  }
0xad: {  	[tilespmem:$0x11A0] =	vst v1  }
0xae: {  	v1 =	vld [tilespmem:s2+$0x1F0];
	_ =	sdelay $0x4  }
0xaf: {  	v1 =	vadd.s32 v0, v1  }
0xb0: {  	s0 =	simm.s32 $0x400;
	[tilespmem:$0x11B0] =	vst v1  }
.LBB2_3:
0xb1: {  	[tilespmem:s23], [sflag:$0x4] =	stream.indirect.gather [hbm4b:s4+s15], $0x80, s22, s15, $0xb8;
	[tilespmem:$0x1D680] =	vst v63  }
0xb2: {  	s2 =	smov.u32 s0  }
0xb3: {  	p0 =	sne.s32 s0, $0x1800;
	s0 =	sadd.s32 $0x400, s0;
	_ =	swait.ge [sflag:s25], $0x2000  }
0xb4: {  	[sflag:s25] =	ssyncset.done $0x0  }
0xb5: {  	s2 =	sshra.s32 s2, $0x2;
	[sflag:s25] =	ssyncadd.s32 $0xFFFFE000  }
0xb6: {  	v1 =	vld [tilespmem:s2+$0x800];
	_ =	sdelay $0x4  }
0xb7: {  	[tilespmem:$0x1200] =	vst v1  }
0xb8: {  	v1 =	vld [tilespmem:s2+$0x810];
	_ =	sdelay $0x4  }
0xb9: {  	[tilespmem:$0x1210] =	vst v1  }
0xba: {  	v1 =	vld [tilespmem:s2+$0x820];
	_ =	sdelay $0x4  }
0xbb: {  	[tilespmem:$0x1220] =	vst v1  }
0xbc: {  	v1 =	vld [tilespmem:s2+$0x830];
	_ =	sdelay $0x4  }
0xbd: {  	[tilespmem:$0x1230] =	vst v1  }
0xbe: {  	[spmem:s1] =	stream.indirect.scatter.add.f32 [tilespmem:s17], [sflag:$0x5], $0x80, s26, s15, $0xb8;
	[tilespmem:$0x1D680] =	vst v63  }
0xbf: {  	_ =	swait.ge [sflag:s13], $0x2000  }
0xc0: {  	[sflag:s13] =	ssyncset.done $0x0  }
0xc1: {  	[sflag:s13] =	ssyncadd.s32 $0xFFFFE000  }
0xc2: {  	v1 =	vld [tilespmem:s2+$0x100];
	_ =	sdelay $0x4  }
0xc3: {  	v1 =	vadd.s32 v0, v1  }
0xc4: {  	[tilespmem:$0x1000] =	vst v1  }
0xc5: {  	v1 =	vld [tilespmem:s2+$0x110];
	_ =	sdelay $0x4  }
0xc6: {  	v1 =	vadd.s32 v0, v1  }
0xc7: {  	[tilespmem:$0x1010] =	vst v1  }
0xc8: {  	v1 =	vld [tilespmem:s2+$0x120];
	_ =	sdelay $0x4  }
0xc9: {  	v1 =	vadd.s32 v0, v1  }
0xca: {  	[tilespmem:$0x1020] =	vst v1  }
0xcb: {  	v1 =	vld [tilespmem:s2+$0x130];
	_ =	sdelay $0x4  }
0xcc: {  	v1 =	vadd.s32 v0, v1  }
0xcd: {  	[tilespmem:$0x1030] =	vst v1  }
0xce: {  	[tilespmem:s17], [sflag:$0x1] =	stream.indirect.gather [hbm4b:s4+s15], $0x80, s16, s15, $0xb8;
	[tilespmem:$0x1D680] =	vst v63  }
0xcf: {  	_ =	swait.ge [sflag:s28], $0x2000  }
0xd0: {  	[sflag:s28] =	ssyncset.done $0x0  }
0xd1: {  	[sflag:s28] =	ssyncadd.s32 $0xFFFFE000  }
0xd2: {  	v1 =	vld [tilespmem:s2+$0x840];
	_ =	sdelay $0x4  }
0xd3: {  	[tilespmem:$0x1200] =	vst v1  }
0xd4: {  	v1 =	vld [tilespmem:s2+$0x850];
	_ =	sdelay $0x4  }
0xd5: {  	[tilespmem:$0x1210] =	vst v1  }
0xd6: {  	v1 =	vld [tilespmem:s2+$0x860];
	_ =	sdelay $0x4  }
0xd7: {  	[tilespmem:$0x1220] =	vst v1  }
0xd8: {  	v1 =	vld [tilespmem:s2+$0x870];
	_ =	sdelay $0x4  }
0xd9: {  	[tilespmem:$0x1230] =	vst v1  }
0xda: {  	[spmem:s1] =	stream.indirect.scatter.add.f32 [tilespmem:s19], [sflag:$0x5], $0x80, s26, s15, $0xb8;
	[tilespmem:$0x1D680] =	vst v63  }
0xdb: {  	_ =	swait.ge [sflag:s13], $0x2000  }
0xdc: {  	[sflag:s13] =	ssyncset.done $0x0  }
0xdd: {  	[sflag:s13] =	ssyncadd.s32 $0xFFFFE000  }
0xde: {  	v1 =	vld [tilespmem:s2+$0x140];
	_ =	sdelay $0x4  }
0xdf: {  	v1 =	vadd.s32 v0, v1  }
0xe0: {  	[tilespmem:$0x1080] =	vst v1  }
0xe1: {  	v1 =	vld [tilespmem:s2+$0x150];
	_ =	sdelay $0x4  }
0xe2: {  	v1 =	vadd.s32 v0, v1  }
0xe3: {  	[tilespmem:$0x1090] =	vst v1  }
0xe4: {  	v1 =	vld [tilespmem:s2+$0x160];
	_ =	sdelay $0x4  }
0xe5: {  	v1 =	vadd.s32 v0, v1  }
0xe6: {  	[tilespmem:$0x10A0] =	vst v1  }
0xe7: {  	v1 =	vld [tilespmem:s2+$0x170];
	_ =	sdelay $0x4  }
0xe8: {  	v1 =	vadd.s32 v0, v1  }
0xe9: {  	[tilespmem:$0x10B0] =	vst v1  }
0xea: {  	[tilespmem:s19], [sflag:$0x2] =	stream.indirect.gather [hbm4b:s4+s15], $0x80, s18, s15, $0xb8;
	[tilespmem:$0x1D680] =	vst v63  }
0xeb: {  	_ =	swait.ge [sflag:s29], $0x2000  }
0xec: {  	[sflag:s29] =	ssyncset.done $0x0  }
0xed: {  	[sflag:s29] =	ssyncadd.s32 $0xFFFFE000  }
0xee: {  	v1 =	vld [tilespmem:s2+$0x880];
	_ =	sdelay $0x4  }
0xef: {  	[tilespmem:$0x1200] =	vst v1  }
0xf0: {  	v1 =	vld [tilespmem:s2+$0x890];
	_ =	sdelay $0x4  }
0xf1: {  	[tilespmem:$0x1210] =	vst v1  }
0xf2: {  	v1 =	vld [tilespmem:s2+$0x8A0];
	_ =	sdelay $0x4  }
0xf3: {  	[tilespmem:$0x1220] =	vst v1  }
0xf4: {  	v1 =	vld [tilespmem:s2+$0x8B0];
	_ =	sdelay $0x4  }
0xf5: {  	[tilespmem:$0x1230] =	vst v1  }
0xf6: {  	[spmem:s1] =	stream.indirect.scatter.add.f32 [tilespmem:s21], [sflag:$0x5], $0x80, s26, s15, $0xb8;
	[tilespmem:$0x1D680] =	vst v63  }
0xf7: {  	_ =	swait.ge [sflag:s13], $0x2000  }
0xf8: {  	[sflag:s13] =	ssyncset.done $0x0  }
0xf9: {  	[sflag:s13] =	ssyncadd.s32 $0xFFFFE000  }
0xfa: {  	v1 =	vld [tilespmem:s2+$0x180];
	_ =	sdelay $0x4  }
0xfb: {  	v1 =	vadd.s32 v0, v1  }
0xfc: {  	[tilespmem:$0x1100] =	vst v1  }
0xfd: {  	v1 =	vld [tilespmem:s2+$0x190];
	_ =	sdelay $0x4  }
0xfe: {  	v1 =	vadd.s32 v0, v1  }
0xff: {  	[tilespmem:$0x1110] =	vst v1  }
0x100: {  	v1 =	vld [tilespmem:s2+$0x1A0];
	_ =	sdelay $0x4  }
0x101: {  	v1 =	vadd.s32 v0, v1  }
0x102: {  	[tilespmem:$0x1120] =	vst v1  }
0x103: {  	v1 =	vld [tilespmem:s2+$0x1B0];
	_ =	sdelay $0x4  }
0x104: {  	v1 =	vadd.s32 v0, v1  }
0x105: {  	[tilespmem:$0x1130] =	vst v1  }
0x106: {  	[tilespmem:s21], [sflag:$0x3] =	stream.indirect.gather [hbm4b:s4+s15], $0x80, s20, s15, $0xb8;
	[tilespmem:$0x1D680] =	vst v63  }
0x107: {  	_ =	swait.ge [sflag:s30], $0x2000  }
0x108: {  	[sflag:s30] =	ssyncset.done $0x0  }
0x109: {  	[sflag:s30] =	ssyncadd.s32 $0xFFFFE000  }
0x10a: {  	v1 =	vld [tilespmem:s2+$0x8C0];
	_ =	sdelay $0x4  }
0x10b: {  	[tilespmem:$0x1200] =	vst v1  }
0x10c: {  	v1 =	vld [tilespmem:s2+$0x8D0];
	_ =	sdelay $0x4  }
0x10d: {  	[tilespmem:$0x1210] =	vst v1  }
0x10e: {  	v1 =	vld [tilespmem:s2+$0x8E0];
	_ =	sdelay $0x4  }
0x10f: {  	[tilespmem:$0x1220] =	vst v1  }
0x110: {  	v1 =	vld [tilespmem:s2+$0x8F0];
	_ =	sdelay $0x4  }
0x111: {  	[tilespmem:$0x1230] =	vst v1  }
0x112: {  	[spmem:s1] =	stream.indirect.scatter.add.f32 [tilespmem:s23], [sflag:$0x5], $0x80, s26, s15, $0xb8;
	[tilespmem:$0x1D680] =	vst v63  }
0x113: {  	_ =	swait.ge [sflag:s13], $0x2000  }
0x114: {  	[sflag:s13] =	ssyncset.done $0x0  }
0x115: {  	[sflag:s13] =	ssyncadd.s32 $0xFFFFE000  }
0x116: {  	v1 =	vld [tilespmem:s2+$0x1C0];
	_ =	sdelay $0x4  }
0x117: {  	v1 =	vadd.s32 v0, v1  }
0x118: {  	[tilespmem:$0x1180] =	vst v1  }
0x119: {  	v1 =	vld [tilespmem:s2+$0x1D0];
	_ =	sdelay $0x4  }
0x11a: {  	v1 =	vadd.s32 v0, v1  }
0x11b: {  	[tilespmem:$0x1190] =	vst v1  }
0x11c: {  	v1 =	vld [tilespmem:s2+$0x1E0];
	_ =	sdelay $0x4  }
0x11d: {  	v1 =	vadd.s32 v0, v1  }
0x11e: {  	[tilespmem:$0x11A0] =	vst v1  }
0x11f: {  	v1 =	vld [tilespmem:s2+$0x1F0];
	_ =	sdelay $0x1  }
.Ltmp0:
0x120: {  	(pc) =	sbr.rel @p0 .LBB2_3-.Ltmp0, $3  }
0x121: {  	_ =	sdelay $0x1  }
0x122: {  	v1 =	vadd.s32 v0, v1  }
0x123: {  	[tilespmem:$0x11B0] =	vst v1  }
0x124: {  	[tilespmem:s23], [sflag:$0x4] =	stream.indirect.gather [hbm4b:s4+s15], $0x80, s22, s15, $0xb8;
	[tilespmem:$0x1D680] =	vst v63  }
0x125: {  	_ =	swait.ge [sflag:s25], $0x2000  }
0x126: {  	[sflag:s25] =	ssyncset.done $0x0  }
0x127: {  	[sflag:s25] =	ssyncadd.s32 $0xFFFFE000  }
0x128: {  	v1 =	vld [tilespmem:$0xF00]  }
0x129: {  	v2 =	vld [tilespmem:$0xF10]  }
0x12a: {  	v3 =	vld [tilespmem:$0xF20]  }
0x12b: {  	v4 =	vld [tilespmem:$0xF30];
	_ =	sdelay $0x1  }
0x12c: {  	[tilespmem:$0x1200] =	vst v1  }
0x12d: {  	[tilespmem:$0x1210] =	vst v2  }
0x12e: {  	[tilespmem:$0x1220] =	vst v3  }
0x12f: {  	[tilespmem:$0x1230] =	vst v4  }
0x130: {  	[spmem:s1] =	stream.indirect.scatter.add.f32 [tilespmem:s17], [sflag:$0x5], $0x80, s26, s15, $0xb8;
	[tilespmem:$0x1D680] =	vst v63  }
0x131: {  	_ =	swait.ge [sflag:s13], $0x2000  }
0x132: {  	[sflag:s13] =	ssyncset.done $0x0  }
0x133: {  	[sflag:s13] =	ssyncadd.s32 $0xFFFFE000  }
0x134: {  	_ =	swait.ge [sflag:s28], $0x2000  }
0x135: {  	[sflag:s28] =	ssyncset.done $0x0  }
0x136: {  	[sflag:s28] =	ssyncadd.s32 $0xFFFFE000  }
0x137: {  	v1 =	vld [tilespmem:$0xF40]  }
0x138: {  	v2 =	vld [tilespmem:$0xF50]  }
0x139: {  	v3 =	vld [tilespmem:$0xF60]  }
0x13a: {  	v61 =	vld [tilespmem:$0xF70];
	_ =	sdelay $0x1  }
0x13b: {  	[tilespmem:$0x1200] =	vst v1  }
0x13c: {  	[tilespmem:$0x1210] =	vst v2  }
0x13d: {  	[tilespmem:$0x1220] =	vst v3  }
0x13e: {  	[tilespmem:$0x1230] =	vst v61  }
0x13f: {  	[spmem:s1] =	stream.indirect.scatter.add.f32 [tilespmem:s19], [sflag:$0x5], $0x80, s26, s15, $0xb8;
	[tilespmem:$0x1D680] =	vst v63  }
0x140: {  	_ =	swait.ge [sflag:s13], $0x2000  }
0x141: {  	[sflag:s13] =	ssyncset.done $0x0  }
0x142: {  	[sflag:s13] =	ssyncadd.s32 $0xFFFFE000  }
0x143: {  	_ =	swait.ge [sflag:s29], $0x2000  }
0x144: {  	[sflag:s29] =	ssyncset.done $0x0  }
0x145: {  	[sflag:s29] =	ssyncadd.s32 $0xFFFFE000  }
0x146: {  	v1 =	vld [tilespmem:$0xF80]  }
0x147: {  	v2 =	vld [tilespmem:$0xF90]  }
0x148: {  	v3 =	vld [tilespmem:$0xFA0]  }
0x149: {  	v62 =	vld [tilespmem:$0xFB0];
	_ =	sdelay $0x1  }
0x14a: {  	[tilespmem:$0x1200] =	vst v1  }
0x14b: {  	[tilespmem:$0x1210] =	vst v2  }
0x14c: {  	[tilespmem:$0x1220] =	vst v3  }
0x14d: {  	[tilespmem:$0x1230] =	vst v62  }
0x14e: {  	[spmem:s1] =	stream.indirect.scatter.add.f32 [tilespmem:s21], [sflag:$0x5], $0x80, s26, s15, $0xb8;
	[tilespmem:$0x1D680] =	vst v63  }
0x14f: {  	_ =	swait.ge [sflag:s13], $0x2000  }
0x150: {  	[sflag:s13] =	ssyncset.done $0x0  }
0x151: {  	[sflag:s13] =	ssyncadd.s32 $0xFFFFE000  }
0x152: {  	_ =	swait.ge [sflag:s30], $0x2000  }
0x153: {  	[sflag:s30] =	ssyncset.done $0x0  }
0x154: {  	[sflag:s30] =	ssyncadd.s32 $0xFFFFE000  }
0x155: {  	v1 =	vld [tilespmem:$0xFC0]  }
0x156: {  	v2 =	vld [tilespmem:$0xFD0]  }
0x157: {  	v3 =	vld [tilespmem:$0xFE0]  }
0x158: {  	v63 =	vld [tilespmem:$0xFF0];
	_ =	sdelay $0x1  }
0x159: {  	[tilespmem:$0x1200] =	vst v1  }
0x15a: {  	s31 =	sadd.s32 $0x1, s31;
	[tilespmem:$0x1210] =	vst v2  }
0x15b: {  	p0 =	sne.s32 s31, $0x5;
	[tilespmem:$0x1220] =	vst v3  }
.Ltmp1:
0x15c: {  	[tilespmem:$0x1230] =	vst v63;
	(pc) =	sbr.rel @p0 .LBB2_2-.Ltmp1, $4  }
0x15d: {  	[spmem:s1] =	stream.indirect.scatter.add.f32 [tilespmem:s23], [sflag:$0x5], $0x80, s26, s15, $0xb8;
	[tilespmem:$0x1D680] =	vst v63  }
0x15e: {  	_ =	swait.ge [sflag:s13], $0x2000  }
0x15f: {  	[sflag:s13] =	ssyncset.done $0x0  }
0x160: {  	[sflag:s13] =	ssyncadd.s32 $0xFFFFE000  }
0x161: {  	s3 =	sadd.s32 $0x1, s3  }
0x162: {  	p0 =	sne.s32 s3, s11  }
.Ltmp2:
0x163: {  	[bflag:$0x0] =	sbarrier.arrive $0xFFFF;
	(pc) =	sbr.rel @p0 .LBB2_1-.Ltmp2, $4  }
0x164: {  	[hbm:s10], [sflag:s9] =	dma.local [spmem:s24], $0x2800  }
0x165: {  	_ =	swait.ge [sflag:s13], $0x2800  }
0x166: {  	[sflag:s13] =	ssyncset.done $0x0  }
0x167: {  	[sflag:s13] =	ssyncadd.s32 $0xFFFFD800  }
0x168: {  	_ =	sfence.sel $0x180000  }
0x169: {  	[bflag:$0x0] =	sbarrier.arrive $0xFFFF  }
0x16a: {  	_ =	strace $0x90000050  }
0x16b: {  	s0 =	stileid.u32;
	[bflag:$0x2] =	sbarrier.arrive $0xFFFF  }
0x16c: {  	p0 =	sne.s32 s0, $0x0;
	s0 =	rddreg [dreg:$0x2]  }
0x16d: {  	s0 =	sadd.s32 @!p0 $0x100000, s0  }
0x16e: {  	[sflag:s0] =	ssyncadd.tile.s32 @!p0 $0x1;
	_ =	shalt  }
.Lfunc_end2:
_tile_overlayer_lowered:
.L_overlay_start_2:
0x16f: {  	(tag) =	ssettag $0x2  }
0x170: {  	s0 =	rddreg [dreg:$0x0];
	s2 =	stileid.u32  }
0x171: {  	s1 =	rddreg [dreg:$0x1];
	p0 =	sne.s32 s2, $0x0  }
0x172: {  	s3 =	rddreg [dreg:$0x2];
	[bflag:$0x3] =	sbarrier.arrive $0xFFFF;
	s2 =	simm.s32 @!p0 $0x1C05  }
0x173: {  	[timem:s3], [sflag:s2] =	dma.local @!p0 [hbm:s0], s1  }
0x174: {  	s0 =	simm.s32 @!p0 $0x5  }
0x175: {  	_ =	swait.ge @!p0 [sflag:s0], s1  }
0x176: {  	s1 =	ssub.s32 @!p0 $0x0, s1;
	[sflag:s0] =	ssyncset.done @!p0 $0x0  }
0x177: {  	[sflag:s0] =	ssyncadd.s32 @!p0 s1  }
0x178: {  	[bflag:$0x3] =	sbarrier.arrive $0xFFFF  }
0x179: {  	_ =	shalt  }

// kernel: kernel.18.cloned.1.call-start
scs
__scs_entry_jumppad:
0x0: {  	(pc) =	sbr.rel $0x88, $3  }
0x1: {  	(tag) =	ssettag $0x0;
	lr =	simm.s32 $0x1  }
0x2: {  	[smem:$0x3F99] =	sst lr;
	_ =	strace $0xD0000000  }
0x3: {  	_ = 	snop  }
0x4: {  	_ = 	snop  }
0x5: {  	_ = 	snop  }
0x6: {  	_ = 	snop  }
0x7: {  	_ = 	snop  }
__scs_overlays_trampoline_lowered:
0x8: {  	[smem:$0x3FA8] =	sst s0  }
0x9: {  	[smem:$0x3FA9] =	sst s1  }
0xa: {  	[smem:$0x3FAA] =	sst s2  }
0xb: {  	[smem:$0x3FAB] =	sst s3  }
0xc: {  	[smem:$0x3FAC] =	sst s4  }
0xd: {  	[smem:$0x3FAD] =	sst s5  }
0xe: {  	[smem:$0x3FAE] =	sst s6  }
0xf: {  	[smem:$0x3FAF] =	sst s7  }
0x10: {  	[smem:$0x3FB0] =	sst s8  }
0x11: {  	[smem:$0x3FB1] =	sst s9;
	s0 =	simm.s32 @!p0 $0x0  }
0x12: {  	s1 =	sld [smem:$0x3F97];
	s0 =	simm.s32 @p0 $0x1  }
0x13: {  	[smem:$0x3FB2] =	sst s0;
	s0 =	simm.s32 @!p1 $0x0  }
0x14: {  	s2 =	sld [smem:$0x3F96];
	s0 =	simm.s32 @p1 $0x1  }
0x15: {  	[smem:$0x3FB3] =	sst s0;
	s0 =	simm.s32 @!p2 $0x0  }
0x16: {  	s3 =	sld [smem:$0x3FDB];
	s0 =	simm.s32 @p2 $0x1  }
0x17: {  	s4 =	simm.s32 $0x1BF5;
	[smem:$0x3FB5] =	sst s0  }
0x18: {  	s0 =	sld [smem:$0x3F98];
	_ =	swait.ge [sflag:s4], $0x0  }
0x19: {  	s7 =	sld [smem:$0x3F99]  }
0x1a: {  	s8 =	sadd.s32 $0xFFFFE003, lr  }
0x1b: {  	s9 =	sadd.s32 $0xFFFFFEF7, lr;
	s5 =	simm.s32 $0xFFFFFFFF;
	p2 =	slt.u32 s8, $0xFFFFF086  }
0x1c: {  	p1 =	slt.u32 s9, $0xF7A;
	s5 =	simm.s32 @!p2 $0x0  }
0x1d: {  	s5 =	simm.s32 @p1 $0x1;
	p0 =	seq.s32 s7, s2  }
0x1e: {  	s7 =	smul.u32 @!p0 $0xF7A, s2;
	p2 =	seq.s32 @!p0 s5, $0x0  }
0x1f: {  	s9 =	smul.u32 $0xF7A, s1;
	s8 =	simm.s32 @!p0 $0x1BF5;
	p2 =	por !p2, p0  }
0x20: {  	[sflag:s8] =	ssyncset.s32 @!p0 $0xFFFFF086;
	s6 =	sadd.s32 @!p0 s3, s7;
	s7 =	simm.s32 @!p0 $0x108  }
0x21: {  	s3 =	sadd.s32 s3, s9;
	s6 =	sadd.s32 @!p0 $0x88, s6;
	s7 =	simm.s32 @p2 $0x1082  }
0x22: {  	[simem:s7], [sflag:s8] =	dma.local @!p0 [hbm:s6], $0xF7A  }
0x23: {  	s9 =	sor.u32 $0xD0000000, s2;
	s6 =	simm.s32 $0x108;
	_ =	swait.ge @!p0 [sflag:s8], $0x0  }
0x24: {  	s3 =	sadd.s32 $0x88, s3;
	s6 =	simm.s32 @!p1 $0x1082;
	[sflag:s4] =	ssyncset.s32 $0xFFFFF086  }
0x25: {  	[simem:s6], [sflag:s4] =	dma.local [hbm:s3], $0xF7A  }
0x26: {  	[smem:$0x3F99] =	sst s1;
	(tag) =	ssettag s2;
	_ =	strace s9  }
0x27: {  	s1 =	sld [smem:$0x3FA9]  }
0x28: {  	s2 =	sld [smem:$0x3FAA]  }
0x29: {  	s4 =	sld [smem:$0x3FAC]  }
0x2a: {  	p0 =	seq.s32 s5, $0x0;
	s5 =	sld [smem:$0x3FAD]  }
0x2b: {  	s6 =	sld [smem:$0x3FAE]  }
0x2c: {  	s7 =	sld [smem:$0x3FAF]  }
0x2d: {  	s3 =	simm.s32 $0x108;
	s8 =	sld [smem:$0x3FB0]  }
0x2e: {  	s3 =	simm.s32 @!p0 $0x1082;
	s9 =	sld [smem:$0x3FB1]  }
0x2f: {  	lr =	sadd.s32 s0, s3;
	s0 =	sld [smem:$0x3FA8]  }
0x30: {  	s3 =	sld [smem:$0x3FAB]  }
0x31: {  	[smem:$0x3FB4] =	sst s10  }
0x32: {  	s10 =	sld [smem:$0x3FB2];
	_ =	sdelay $0x3  }
0x33: {  	p0 =	seq.s32 s10, $0x1;
	s10 =	sld [smem:$0x3FB4];
	_ =	sdelay $0x3  }
0x34: {  	[smem:$0x3FB4] =	sst s10  }
0x35: {  	s10 =	sld [smem:$0x3FB3];
	_ =	sdelay $0x3  }
0x36: {  	p1 =	seq.s32 s10, $0x1;
	s10 =	sld [smem:$0x3FB4];
	_ =	sdelay $0x3  }
0x37: {  	[smem:$0x3FB4] =	sst s10  }
0x38: {  	s10 =	sld [smem:$0x3FB5]  }
0x39: {  	_ = 	snop;
	(pc) =	sbr.ind lr, $3  }
0x3a: {  	_ = 	snop  }
0x3b: {  	_ = 	snop  }
0x3c: {  	p2 =	seq.s32 s10, $0x1;
	s10 =	sld [smem:$0x3FB4]  }
0x3d: {  	_ =	shalt  }
0x3e: {  	_ =	shalt  }
0x3f: {  	_ =	shalt  }
0x40: {  	_ =	shalt  }
0x41: {  	_ =	shalt  }
0x42: {  	_ =	shalt  }
0x43: {  	_ =	shalt  }
0x44: {  	_ =	shalt  }
0x45: {  	_ =	shalt  }
0x46: {  	_ =	shalt  }
0x47: {  	_ =	shalt  }
0x48: {  	_ =	shalt  }
0x49: {  	_ =	shalt  }
0x4a: {  	_ =	shalt  }
0x4b: {  	_ =	shalt  }
0x4c: {  	_ =	shalt  }
0x4d: {  	_ =	shalt  }
0x4e: {  	_ =	shalt  }
0x4f: {  	_ =	shalt  }
0x50: {  	_ =	shalt  }
0x51: {  	_ =	shalt  }
0x52: {  	_ =	shalt  }
0x53: {  	_ =	shalt  }
0x54: {  	_ =	shalt  }
0x55: {  	_ =	shalt  }
0x56: {  	_ =	shalt  }
0x57: {  	_ =	shalt  }
0x58: {  	_ =	shalt  }
0x59: {  	_ =	shalt  }
0x5a: {  	_ =	shalt  }
0x5b: {  	_ =	shalt  }
0x5c: {  	_ =	shalt  }
0x5d: {  	_ =	shalt  }
0x5e: {  	_ =	shalt  }
0x5f: {  	_ =	shalt  }
0x60: {  	_ =	shalt  }
0x61: {  	_ =	shalt  }
0x62: {  	_ =	shalt  }
0x63: {  	_ =	shalt  }
0x64: {  	_ =	shalt  }
0x65: {  	_ =	shalt  }
0x66: {  	_ =	shalt  }
0x67: {  	_ =	shalt  }
0x68: {  	_ =	shalt  }
0x69: {  	_ =	shalt  }
0x6a: {  	_ =	shalt  }
0x6b: {  	_ =	shalt  }
0x6c: {  	_ =	shalt  }
0x6d: {  	_ =	shalt  }
0x6e: {  	_ =	shalt  }
0x6f: {  	_ =	shalt  }
0x70: {  	_ =	shalt  }
0x71: {  	_ =	shalt  }
0x72: {  	_ =	shalt  }
0x73: {  	_ =	shalt  }
0x74: {  	_ =	shalt  }
0x75: {  	_ =	shalt  }
0x76: {  	_ =	shalt  }
0x77: {  	_ =	shalt  }
0x78: {  	_ =	shalt  }
0x79: {  	_ =	shalt  }
0x7a: {  	_ =	shalt  }
0x7b: {  	_ =	shalt  }
0x7c: {  	_ =	shalt  }
0x7d: {  	_ =	shalt  }
0x7e: {  	_ =	shalt  }
0x7f: {  	_ =	shalt  }
0x80: {  	_ =	shalt  }
0x81: {  	_ =	shalt  }
0x82: {  	_ =	shalt  }
0x83: {  	_ =	shalt  }
0x84: {  	_ =	shalt  }
0x85: {  	_ =	shalt  }
0x86: {  	_ =	shalt  }
0x87: {  	_ =	shalt  }
.Lfunc_end0:
.L_simem_size_0:
called_computation.3_lowered:
.L_overlay_start_0:
0x88: {  	s2 =	sld [smem:$0x3FD9]  }
0x89: {  	s3 =	sld [smem:$0x3FFE];
	_ =	sdelay $0x1  }
0x8a: {  	s1 =	srdreg.scid  }
0x8b: {  	s0 =	sand.u32 $0x1, s1  }
0x8c: {  	s16 =	sshll.u32 s0, $0xA;
	s2 =	sadd.s32 s3, s2  }
0x8d: {  	s2 =	sadd.s32 s2, s16  }
0x8e: {  	[smem:$0x3FC0] =	sst s2  }
0x8f: {  	_ = 	snop  }
0x90: {  	(tm) =	ssettm $0x1  }
0x91: {  	s17 =	sld [smem:$0x3FFB];
	_ =	sdelay $0x3  }
0x92: {  	_ =	strace s17  }
0x93: {  	s2 =	sld [smem:$0x3FFC];
	_ =	sdelay $0x3  }
0x94: {  	_ =	strace s2  }
0x95: {  	s2 =	sld [smem:$0x3FFD];
	_ =	sdelay $0x3  }
0x96: {  	_ =	strace s2  }
0x97: {  	_ =	strace $0x8FFFFFFF  }
0x98: {  	s18 =	sld [smem:$0x3FDB];
	_ =	sdelay $0x1  }
0x99: {  	s19 =	simm.s32 $_scs_section_size  }
0x9a: {  	s4 =	simm.s32 $_size__tile_overlayer_lowered;
	s5 =	simm.s32 $_tile_overlayer_lowered  }
0x9b: {  	s22 =	simm.s32 $0x1BFF;
	s21 =	sshll.u32 s5, $0x1;
	s2 =	sadd.s32 s19, s18  }
0x9c: {  	s6 =	simm.s32 $0x0;
	s20 =	sshll.u32 s4, $0x1;
	s4 =	sadd.s32 s21, s2  }
0x9d: {  	[timem:s6], [sflag:s22] =	dma.local [hbm:s4], s20  }
0x9e: {  	_ =	swait.ge [sflag:s22], s20  }
0x9f: {  	s3 =	ssub.s32 $0x0, s20;
	[sflag:s22] =	ssyncset.done $0x0  }
0xa0: {  	[sflag:s22] =	ssyncadd.s32 s3;
	_ =	sdelay $0x1  }
0xa1: {  	s23 =	simm.s32 $0x1B8B  }
0xa2: {  	_ =	swait.ge [sflag:s23], $0x1  }
0xa3: {  	[sflag:s23] =	ssyncset.done $0x0  }
0xa4: {  	s25 =	simm.s32 $0x1B8E;
	s24 =	sld [smem:$0x3FFE];
	[sflag:s23] =	ssyncadd.s32 $0xFFFFFFFF  }
0xa5: {  	s26 =	simm.s32 $execute0_lowered;
	[smem:$0x3FD2] =	sst s25  }
0xa6: {  	s4 =	sshll.u32 s26, $0x1;
	_ =	strace $0x8000004C;
	[dreg:$0x1] =	wrdreg $0xFFFFFFFF  }
0xa7: {  	s28 =	simm.s32 $_size_execute0_lowered;
	s2 =	sadd.s32 s2, s4;
	[dreg:$0x0] =	wrdreg $0x0  }
0xa8: {  	s4 =	sshll.u32 s28, $0x1;
	[dreg:$0x2] =	wrdreg s2  }
0xa9: {  	[dreg:$0x3] =	wrdreg s4  }
0xaa: {  	[dreg:$0x4] =	wrdreg $0xC0  }
0xab: {  	_ =	task [dreg:s6], $0x5FFFF  }
0xac: {  	[dreg:$0x1] =	wrdreg $0xFFFFFFFF  }
0xad: {  	[dreg:$0x0] =	wrdreg $0x60  }
0xae: {  	[dreg:$0x2] =	wrdreg s24  }
0xaf: {  	[dreg:$0x3] =	wrdreg $0x92800  }
0xb0: {  	[dreg:$0x4] =	wrdreg $0xA  }
0xb1: {  	_ =	task.clear_ibuf [dreg:s6], $0x5FFFF;
	_ =	strace $0x9000004C  }
0xb2: {  	s29 =	simm.s32 $0xA;
	_ =	strace $0x8000004E  }
0xb3: {  	_ =	swait.ge [sflag:s29], $0x1  }
0xb4: {  	[sflag:s29] =	ssyncadd.s32 $0xFFFFFFFF  }
0xb5: {  	_ =	strace $0x9000004E  }
0xb6: {  	_ =	sfence  }
0xb7: {  	s30 =	sld [smem:$0x0];
	_ =	sdelay $0x2  }
0xb8: {  	s31 =	sshll.u32 s1, $0xD;
	s1 =	sshrl.u32 s1, $0x2  }
0xb9: {  	s3 =	sand.u32 $0x4000, s31;
	s1 =	sadd.s32 s1, s30  }
0xba: {  	s0 =	sor.u32 s3, s0;
	s1 =	sshll.u32 s1, $0x11  }
0xbb: {  	s0 =	sor.u32 s1, s0  }
0xbc: {  	s0 =	sadd.s32 $0x8F2B, s0  }
0xbd: {  	[sflag:s0] =	ssyncadd.remote.s32 $0x1  }
0xbe: {  	_ =	sfence.sel $0xFFFF  }
0xbf: {  	[dreg:$0x0] =	wrdreg $0xFFFFFFFF;
	(pc) =	sbr.abs _section_cstart, $3  }
0xc0: {  	[dreg:$0x1] =	wrdreg $0xFFFFFFFF  }
0xc1: {  	_ =	task.clear_ibuf [dreg:s6], $0x2FFFF;
	_ =	strace $0x9FFFFFFF  }
0xc2: {  	(tm) =	ssettm $0x7FFFFFFF  }
0xc3: {  	_ =	shalt  }
tec
execute0_lowered:
.L_overlay_start_1:
0x0: {  	(tag) =	ssettag $0x1  }
0x1: {  	s0 =	rddreg [dreg:$0x0]  }
0x2: {  	s1 =	rddreg [dreg:$0x1]  }
0x3: {  	s2 =	srdreg.scid;
	s3 =	simm.s32 $0x0;
	s7 =	stileid.u32  }
0x4: {  	s14 =	simm.s32 $0x800;
	s15 =	simm.s32 $0x40;
	s16 =	simm.s32 $0x1000  }
0x5: {  	s17 =	simm.s32 $0x1280;
	s18 =	simm.s32 $0x1080;
	s19 =	simm.s32 $0x3280  }
0x6: {  	s20 =	simm.s32 $0x1100;
	s28 =	simm.s32 $0x2;
	s29 =	simm.s32 $0x3  }
0x7: {  	s30 =	simm.s32 $0x4;
	s2 =	sand.u32 $0x1, s2;
	s9 =	smul.u32 $0x14000, s7  }
0x8: {  	[smem:$0x7FF] =	sst s3;
	s4 =	sadd.s32 $0x68A00, s0;
	s22 =	smul.u32 $0x51000, s7  }
0x9: {  	s5 =	sadd.s32 $0x63A00, s0;
	s6 =	sadd.s32 $0x5EA00, s0;
	s25 =	smul.u32 $0x50000, s7  }
0xa: {  	s10 =	sadd.s32 $0x50C00, s0;
	s26 =	sshll.u32 s7, $0x6;
	s8 =	smul.u32 $0x140000, s2  }
0xb: {  	_ =	strace $0x8000004D;
	[dreg:$0x3] =	wrdreg s10;
	s21 =	ssub.s32 $0x2, s2  }
0xc: {  	s2 =	smul.u32 $0x2710, s2;
	s23 =	sshrl.u32 s21, $0x1;
	s24 =	sshrl.u32 s22, $0x2  }
0xd: {  	s13 =	sshrl.u32 s25, $0x2;
	s22 =	simm.s32 $0x1180;
	s25 =	simm.s32 $0x1  }
0xe: {  	s8 =	sadd.s32 s9, s8;
	s11 =	ssub.s32 s21, s23;
	s12 =	sadd.s32 s24, s1  }
0xf: {  	s9 =	sor.u32 $0x1C05, s26;
	s2 =	sadd.s32 $0x4E20, s2;
	s31 =	sadd.s32 s13, s1  }
0x10: {  	s13 =	simm.s32 $0x5;
	s21 =	simm.s32 $0x5280;
	s23 =	simm.s32 $0x7280  }
0x11: {  	s26 =	simm.s32 $0x1200;
	s8 =	sshrl.u32 s8, $0x3;
	s11 =	smax.u32 s11, $0x1  }
0x12: {  	s12 =	sshrl.u32 s12, $0x3;
	s24 =	sshrl.u32 s31, $0x3;
	s0 =	sadd.s32 s8, s0  }
0x13: {  	v0 =	vmov s2;
	s8 =	smul.u32 $0x2800, s7;
	s7 =	simm.s32 $0x0;
	s10 =	sadd.s32 $0x104E00, s0  }
.LBB2_1:
0x14: {  	s0 =	rddreg [dreg:$0x3]  }
0x15: {  	[spmem:s12], [sflag:s9] =	dma.local [hbm:s0], $0x2880  }
0x16: {  	_ =	swait.ge [sflag:s13], $0x2880  }
0x17: {  	[sflag:s13] =	ssyncset.done $0x0  }
0x18: {  	[sflag:s13] =	ssyncadd.s32 $0xFFFFD780  }
0x19: {  	s31 =	simm.s32 $0x0;
	[bflag:$0x0] =	sbarrier.arrive $0xFFFF  }
.LBB2_2:
0x1a: {  	s0 =	sshll.u32 s31, $0xB  }
0x1b: {  	s0 =	sadd.s32 s8, s0  }
0x1c: {  	s0 =	sshrl.u32 s0, $0x3  }
0x1d: {  	s2 =	sadd.s32 s5, s0  }
0x1e: {  	[tilespmem:s7], [sflag:$0x5] =	stream.linear.gather [hbm4b:s2+s7], $0x800, $0x38;
	[tilespmem:$0x1D680] =	vst v63  }
0x1f: {  	_ =	swait.ge [sflag:s13], $0x800  }
0x20: {  	[sflag:s13] =	ssyncset.done $0x0  }
0x21: {  	s0 =	sadd.s32 s6, s0;
	[sflag:s13] =	ssyncadd.s32 $0xFFFFF800  }
0x22: {  	[tilespmem:s14], [sflag:$0x5] =	stream.linear.gather [hbm4b:s0+s7], $0x800, $0x38;
	[tilespmem:$0x1D680] =	vst v63  }
0x23: {  	_ =	swait.ge [sflag:s13], $0x800  }
0x24: {  	[sflag:s13] =	ssyncset.done $0x0  }
0x25: {  	[sflag:s13] =	ssyncadd.s32 $0xFFFFF800  }
0x26: {  	v1 =	vld [tilespmem:$0x0]  }
0x27: {  	v2 =	vld [tilespmem:$0x10]  }
0x28: {  	v3 =	vld [tilespmem:$0x20]  }
0x29: {  	v4 =	vld [tilespmem:$0x30]  }
0x2a: {  	v5 =	vld [tilespmem:$0x40]  }
0x2b: {  	v6 =	vld [tilespmem:$0x50];
	v1 =	vadd.s32 v0, v1  }
0x2c: {  	[tilespmem:$0x1000] =	vst v1;
	v1 =	vadd.s32 v0, v2;
	v2 =	vld [tilespmem:$0x60]  }
0x2d: {  	[tilespmem:$0x1010] =	vst v1;
	v1 =	vadd.s32 v0, v3;
	v3 =	vld [tilespmem:$0x70]  }
0x2e: {  	v58 =	vld [tilespmem:$0x80];
	[tilespmem:$0x1020] =	vst v1;
	v1 =	vadd.s32 v0, v4  }
0x2f: {  	v59 =	vld [tilespmem:$0x90];
	[tilespmem:$0x1030] =	vst v1;
	v1 =	vadd.s32 v0, v5  }
0x30: {  	v60 =	vld [tilespmem:$0xA0];
	[tilespmem:$0x1080] =	vst v1;
	v1 =	vadd.s32 v0, v6  }
0x31: {  	[tilespmem:$0x1090] =	vst v1;
	v1 =	vadd.s32 v0, v2;
	v2 =	vld [tilespmem:$0xB0]  }
0x32: {  	[tilespmem:$0x10A0] =	vst v1;
	v1 =	vadd.s32 v0, v3;
	v3 =	vld [tilespmem:$0xC0]  }
0x33: {  	v61 =	vld [tilespmem:$0xD0];
	[tilespmem:$0x10B0] =	vst v1;
	v1 =	vadd.s32 v0, v58  }
0x34: {  	v62 =	vld [tilespmem:$0xE0];
	[tilespmem:$0x1100] =	vst v1;
	v1 =	vadd.s32 v0, v59  }
0x35: {  	v63 =	vld [tilespmem:$0xF0];
	[tilespmem:$0x1110] =	vst v1;
	v1 =	vadd.s32 v0, v60  }
0x36: {  	[tilespmem:$0x1120] =	vst v1;
	v1 =	vadd.s32 v0, v2  }
0x37: {  	[tilespmem:$0x1130] =	vst v1;
	v1 =	vadd.s32 v0, v3  }
0x38: {  	[tilespmem:$0x1180] =	vst v1;
	v1 =	vadd.s32 v0, v61  }
0x39: {  	[tilespmem:$0x1190] =	vst v1;
	v1 =	vadd.s32 v0, v62  }
0x3a: {  	[tilespmem:$0x11A0] =	vst v1;
	v1 =	vadd.s32 v0, v63  }
0x3b: {  	[tilespmem:$0x11B0] =	vst v1  }
0x3c: {  	[tilespmem:s17], [sflag:$0x1] =	stream.indirect.gather [hbm4b:s4+s15], $0x80, s16, s15, $0xb8;
	[tilespmem:$0x1D680] =	vst v63  }
0x3d: {  	_ = 	snop  }
0x3e: {  	[tilespmem:s19], [sflag:$0x2] =	stream.indirect.gather [hbm4b:s4+s15], $0x80, s18, s15, $0xb8;
	[tilespmem:$0x1D680] =	vst v63  }
0x3f: {  	_ = 	snop  }
0x40: {  	[tilespmem:s21], [sflag:$0x3] =	stream.indirect.gather [hbm4b:s4+s15], $0x80, s20, s15, $0xb8;
	[tilespmem:$0x1D680] =	vst v63  }
0x41: {  	_ = 	snop  }
0x42: {  	[tilespmem:s23], [sflag:$0x4] =	stream.indirect.gather [hbm4b:s4+s15], $0x80, s22, s15, $0xb8;
	[tilespmem:$0x1D680] =	vst v63  }
0x43: {  	_ =	swait.ge [sflag:s25], $0x2000  }
0x44: {  	[sflag:s25] =	ssyncset.done $0x0  }
0x45: {  	s2 =	simm.s32 $0x0;
	[sflag:s25] =	ssyncadd.s32 $0xFFFFE000  }
0x46: {  	v1 =	vld [tilespmem:s2+$0x800];
	_ =	sdelay $0x4  }
0x47: {  	[tilespmem:$0x1200] =	vst v1  }
0x48: {  	v1 =	vld [tilespmem:s2+$0x810];
	_ =	sdelay $0x4  }
0x49: {  	[tilespmem:$0x1210] =	vst v1  }
0x4a: {  	v1 =	vld [tilespmem:s2+$0x820];
	_ =	sdelay $0x4  }
0x4b: {  	[tilespmem:$0x1220] =	vst v1  }
0x4c: {  	v1 =	vld [tilespmem:s2+$0x830];
	_ =	sdelay $0x4  }
0x4d: {  	[tilespmem:$0x1230] =	vst v1  }
0x4e: {  	[spmem:s1] =	stream.indirect.scatter.add.f32 [tilespmem:s17], [sflag:$0x5], $0x80, s26, s15, $0xb8;
	[tilespmem:$0x1D680] =	vst v63  }
0x4f: {  	_ =	swait.ge [sflag:s13], $0x2000  }
0x50: {  	[sflag:s13] =	ssyncset.done $0x0  }
0x51: {  	[sflag:s13] =	ssyncadd.s32 $0xFFFFE000  }
0x52: {  	v1 =	vld [tilespmem:s2+$0x100];
	_ =	sdelay $0x4  }
0x53: {  	v1 =	vadd.s32 v0, v1  }
0x54: {  	[tilespmem:$0x1000] =	vst v1  }
0x55: {  	v1 =	vld [tilespmem:s2+$0x110];
	_ =	sdelay $0x4  }
0x56: {  	v1 =	vadd.s32 v0, v1  }
0x57: {  	[tilespmem:$0x1010] =	vst v1  }
0x58: {  	v1 =	vld [tilespmem:s2+$0x120];
	_ =	sdelay $0x4  }
0x59: {  	v1 =	vadd.s32 v0, v1  }
0x5a: {  	[tilespmem:$0x1020] =	vst v1  }
0x5b: {  	v1 =	vld [tilespmem:s2+$0x130];
	_ =	sdelay $0x4  }
0x5c: {  	v1 =	vadd.s32 v0, v1  }
0x5d: {  	[tilespmem:$0x1030] =	vst v1  }
0x5e: {  	[tilespmem:s17], [sflag:$0x1] =	stream.indirect.gather [hbm4b:s4+s15], $0x80, s16, s15, $0xb8;
	[tilespmem:$0x1D680] =	vst v63  }
0x5f: {  	_ =	swait.ge [sflag:s28], $0x2000  }
0x60: {  	[sflag:s28] =	ssyncset.done $0x0  }
0x61: {  	[sflag:s28] =	ssyncadd.s32 $0xFFFFE000  }
0x62: {  	v1 =	vld [tilespmem:s2+$0x840];
	_ =	sdelay $0x4  }
0x63: {  	[tilespmem:$0x1200] =	vst v1  }
0x64: {  	v1 =	vld [tilespmem:s2+$0x850];
	_ =	sdelay $0x4  }
0x65: {  	[tilespmem:$0x1210] =	vst v1  }
0x66: {  	v1 =	vld [tilespmem:s2+$0x860];
	_ =	sdelay $0x4  }
0x67: {  	[tilespmem:$0x1220] =	vst v1  }
0x68: {  	v1 =	vld [tilespmem:s2+$0x870];
	_ =	sdelay $0x4  }
0x69: {  	[tilespmem:$0x1230] =	vst v1  }
0x6a: {  	[spmem:s1] =	stream.indirect.scatter.add.f32 [tilespmem:s19], [sflag:$0x5], $0x80, s26, s15, $0xb8;
	[tilespmem:$0x1D680] =	vst v63  }
0x6b: {  	_ =	swait.ge [sflag:s13], $0x2000  }
0x6c: {  	[sflag:s13] =	ssyncset.done $0x0  }
0x6d: {  	[sflag:s13] =	ssyncadd.s32 $0xFFFFE000  }
0x6e: {  	v1 =	vld [tilespmem:s2+$0x140];
	_ =	sdelay $0x4  }
0x6f: {  	v1 =	vadd.s32 v0, v1  }
0x70: {  	[tilespmem:$0x1080] =	vst v1  }
0x71: {  	v1 =	vld [tilespmem:s2+$0x150];
	_ =	sdelay $0x4  }
0x72: {  	v1 =	vadd.s32 v0, v1  }
0x73: {  	[tilespmem:$0x1090] =	vst v1  }
0x74: {  	v1 =	vld [tilespmem:s2+$0x160];
	_ =	sdelay $0x4  }
0x75: {  	v1 =	vadd.s32 v0, v1  }
0x76: {  	[tilespmem:$0x10A0] =	vst v1  }
0x77: {  	v1 =	vld [tilespmem:s2+$0x170];
	_ =	sdelay $0x4  }
0x78: {  	v1 =	vadd.s32 v0, v1  }
0x79: {  	[tilespmem:$0x10B0] =	vst v1  }
0x7a: {  	[tilespmem:s19], [sflag:$0x2] =	stream.indirect.gather [hbm4b:s4+s15], $0x80, s18, s15, $0xb8;
	[tilespmem:$0x1D680] =	vst v63  }
0x7b: {  	_ =	swait.ge [sflag:s29], $0x2000  }
0x7c: {  	[sflag:s29] =	ssyncset.done $0x0  }
0x7d: {  	[sflag:s29] =	ssyncadd.s32 $0xFFFFE000  }
0x7e: {  	v1 =	vld [tilespmem:s2+$0x880];
	_ =	sdelay $0x4  }
0x7f: {  	[tilespmem:$0x1200] =	vst v1  }
0x80: {  	v1 =	vld [tilespmem:s2+$0x890];
	_ =	sdelay $0x4  }
0x81: {  	[tilespmem:$0x1210] =	vst v1  }
0x82: {  	v1 =	vld [tilespmem:s2+$0x8A0];
	_ =	sdelay $0x4  }
0x83: {  	[tilespmem:$0x1220] =	vst v1  }
0x84: {  	v1 =	vld [tilespmem:s2+$0x8B0];
	_ =	sdelay $0x4  }
0x85: {  	[tilespmem:$0x1230] =	vst v1  }
0x86: {  	[spmem:s1] =	stream.indirect.scatter.add.f32 [tilespmem:s21], [sflag:$0x5], $0x80, s26, s15, $0xb8;
	[tilespmem:$0x1D680] =	vst v63  }
0x87: {  	_ =	swait.ge [sflag:s13], $0x2000  }
0x88: {  	[sflag:s13] =	ssyncset.done $0x0  }
0x89: {  	[sflag:s13] =	ssyncadd.s32 $0xFFFFE000  }
0x8a: {  	v1 =	vld [tilespmem:s2+$0x180];
	_ =	sdelay $0x4  }
0x8b: {  	v1 =	vadd.s32 v0, v1  }
0x8c: {  	[tilespmem:$0x1100] =	vst v1  }
0x8d: {  	v1 =	vld [tilespmem:s2+$0x190];
	_ =	sdelay $0x4  }
0x8e: {  	v1 =	vadd.s32 v0, v1  }
0x8f: {  	[tilespmem:$0x1110] =	vst v1  }
0x90: {  	v1 =	vld [tilespmem:s2+$0x1A0];
	_ =	sdelay $0x4  }
0x91: {  	v1 =	vadd.s32 v0, v1  }
0x92: {  	[tilespmem:$0x1120] =	vst v1  }
0x93: {  	v1 =	vld [tilespmem:s2+$0x1B0];
	_ =	sdelay $0x4  }
0x94: {  	v1 =	vadd.s32 v0, v1  }
0x95: {  	[tilespmem:$0x1130] =	vst v1  }
0x96: {  	[tilespmem:s21], [sflag:$0x3] =	stream.indirect.gather [hbm4b:s4+s15], $0x80, s20, s15, $0xb8;
	[tilespmem:$0x1D680] =	vst v63  }
0x97: {  	_ =	swait.ge [sflag:s30], $0x2000  }
0x98: {  	[sflag:s30] =	ssyncset.done $0x0  }
0x99: {  	[sflag:s30] =	ssyncadd.s32 $0xFFFFE000  }
0x9a: {  	v1 =	vld [tilespmem:s2+$0x8C0];
	_ =	sdelay $0x4  }
0x9b: {  	[tilespmem:$0x1200] =	vst v1  }
0x9c: {  	v1 =	vld [tilespmem:s2+$0x8D0];
	_ =	sdelay $0x4  }
0x9d: {  	[tilespmem:$0x1210] =	vst v1  }
0x9e: {  	v1 =	vld [tilespmem:s2+$0x8E0];
	_ =	sdelay $0x4  }
0x9f: {  	[tilespmem:$0x1220] =	vst v1  }
0xa0: {  	v1 =	vld [tilespmem:s2+$0x8F0];
	_ =	sdelay $0x4  }
0xa1: {  	[tilespmem:$0x1230] =	vst v1  }
0xa2: {  	[spmem:s1] =	stream.indirect.scatter.add.f32 [tilespmem:s23], [sflag:$0x5], $0x80, s26, s15, $0xb8;
	[tilespmem:$0x1D680] =	vst v63  }
0xa3: {  	_ =	swait.ge [sflag:s13], $0x2000  }
0xa4: {  	[sflag:s13] =	ssyncset.done $0x0  }
0xa5: {  	[sflag:s13] =	ssyncadd.s32 $0xFFFFE000  }
0xa6: {  	v1 =	vld [tilespmem:s2+$0x1C0];
	_ =	sdelay $0x4  }
0xa7: {  	v1 =	vadd.s32 v0, v1  }
0xa8: {  	[tilespmem:$0x1180] =	vst v1  }
0xa9: {  	v1 =	vld [tilespmem:s2+$0x1D0];
	_ =	sdelay $0x4  }
0xaa: {  	v1 =	vadd.s32 v0, v1  }
0xab: {  	[tilespmem:$0x1190] =	vst v1  }
0xac: {  	v1 =	vld [tilespmem:s2+$0x1E0];
	_ =	sdelay $0x4  }
0xad: {  	v1 =	vadd.s32 v0, v1  }
0xae: {  	[tilespmem:$0x11A0] =	vst v1  }
0xaf: {  	v1 =	vld [tilespmem:s2+$0x1F0];
	_ =	sdelay $0x4  }
0xb0: {  	v1 =	vadd.s32 v0, v1  }
0xb1: {  	s0 =	simm.s32 $0x400;
	[tilespmem:$0x11B0] =	vst v1  }
.LBB2_3:
0xb2: {  	[tilespmem:s23], [sflag:$0x4] =	stream.indirect.gather [hbm4b:s4+s15], $0x80, s22, s15, $0xb8;
	[tilespmem:$0x1D680] =	vst v63  }
0xb3: {  	s2 =	smov.u32 s0  }
0xb4: {  	p0 =	sne.s32 s0, $0x1800;
	s0 =	sadd.s32 $0x400, s0;
	_ =	swait.ge [sflag:s25], $0x2000  }
0xb5: {  	[sflag:s25] =	ssyncset.done $0x0  }
0xb6: {  	s2 =	sshra.s32 s2, $0x2;
	[sflag:s25] =	ssyncadd.s32 $0xFFFFE000  }
0xb7: {  	v1 =	vld [tilespmem:s2+$0x800];
	_ =	sdelay $0x4  }
0xb8: {  	[tilespmem:$0x1200] =	vst v1  }
0xb9: {  	v1 =	vld [tilespmem:s2+$0x810];
	_ =	sdelay $0x4  }
0xba: {  	[tilespmem:$0x1210] =	vst v1  }
0xbb: {  	v1 =	vld [tilespmem:s2+$0x820];
	_ =	sdelay $0x4  }
0xbc: {  	[tilespmem:$0x1220] =	vst v1  }
0xbd: {  	v1 =	vld [tilespmem:s2+$0x830];
	_ =	sdelay $0x4  }
0xbe: {  	[tilespmem:$0x1230] =	vst v1  }
0xbf: {  	[spmem:s1] =	stream.indirect.scatter.add.f32 [tilespmem:s17], [sflag:$0x5], $0x80, s26, s15, $0xb8;
	[tilespmem:$0x1D680] =	vst v63  }
0xc0: {  	_ =	swait.ge [sflag:s13], $0x2000  }
0xc1: {  	[sflag:s13] =	ssyncset.done $0x0  }
0xc2: {  	[sflag:s13] =	ssyncadd.s32 $0xFFFFE000  }
0xc3: {  	v1 =	vld [tilespmem:s2+$0x100];
	_ =	sdelay $0x4  }
0xc4: {  	v1 =	vadd.s32 v0, v1  }
0xc5: {  	[tilespmem:$0x1000] =	vst v1  }
0xc6: {  	v1 =	vld [tilespmem:s2+$0x110];
	_ =	sdelay $0x4  }
0xc7: {  	v1 =	vadd.s32 v0, v1  }
0xc8: {  	[tilespmem:$0x1010] =	vst v1  }
0xc9: {  	v1 =	vld [tilespmem:s2+$0x120];
	_ =	sdelay $0x4  }
0xca: {  	v1 =	vadd.s32 v0, v1  }
0xcb: {  	[tilespmem:$0x1020] =	vst v1  }
0xcc: {  	v1 =	vld [tilespmem:s2+$0x130];
	_ =	sdelay $0x4  }
0xcd: {  	v1 =	vadd.s32 v0, v1  }
0xce: {  	[tilespmem:$0x1030] =	vst v1  }
0xcf: {  	[tilespmem:s17], [sflag:$0x1] =	stream.indirect.gather [hbm4b:s4+s15], $0x80, s16, s15, $0xb8;
	[tilespmem:$0x1D680] =	vst v63  }
0xd0: {  	_ =	swait.ge [sflag:s28], $0x2000  }
0xd1: {  	[sflag:s28] =	ssyncset.done $0x0  }
0xd2: {  	[sflag:s28] =	ssyncadd.s32 $0xFFFFE000  }
0xd3: {  	v1 =	vld [tilespmem:s2+$0x840];
	_ =	sdelay $0x4  }
0xd4: {  	[tilespmem:$0x1200] =	vst v1  }
0xd5: {  	v1 =	vld [tilespmem:s2+$0x850];
	_ =	sdelay $0x4  }
0xd6: {  	[tilespmem:$0x1210] =	vst v1  }
0xd7: {  	v1 =	vld [tilespmem:s2+$0x860];
	_ =	sdelay $0x4  }
0xd8: {  	[tilespmem:$0x1220] =	vst v1  }
0xd9: {  	v1 =	vld [tilespmem:s2+$0x870];
	_ =	sdelay $0x4  }
0xda: {  	[tilespmem:$0x1230] =	vst v1  }
0xdb: {  	[spmem:s1] =	stream.indirect.scatter.add.f32 [tilespmem:s19], [sflag:$0x5], $0x80, s26, s15, $0xb8;
	[tilespmem:$0x1D680] =	vst v63  }
0xdc: {  	_ =	swait.ge [sflag:s13], $0x2000  }
0xdd: {  	[sflag:s13] =	ssyncset.done $0x0  }
0xde: {  	[sflag:s13] =	ssyncadd.s32 $0xFFFFE000  }
0xdf: {  	v1 =	vld [tilespmem:s2+$0x140];
	_ =	sdelay $0x4  }
0xe0: {  	v1 =	vadd.s32 v0, v1  }
0xe1: {  	[tilespmem:$0x1080] =	vst v1  }
0xe2: {  	v1 =	vld [tilespmem:s2+$0x150];
	_ =	sdelay $0x4  }
0xe3: {  	v1 =	vadd.s32 v0, v1  }
0xe4: {  	[tilespmem:$0x1090] =	vst v1  }
0xe5: {  	v1 =	vld [tilespmem:s2+$0x160];
	_ =	sdelay $0x4  }
0xe6: {  	v1 =	vadd.s32 v0, v1  }
0xe7: {  	[tilespmem:$0x10A0] =	vst v1  }
0xe8: {  	v1 =	vld [tilespmem:s2+$0x170];
	_ =	sdelay $0x4  }
0xe9: {  	v1 =	vadd.s32 v0, v1  }
0xea: {  	[tilespmem:$0x10B0] =	vst v1  }
0xeb: {  	[tilespmem:s19], [sflag:$0x2] =	stream.indirect.gather [hbm4b:s4+s15], $0x80, s18, s15, $0xb8;
	[tilespmem:$0x1D680] =	vst v63  }
0xec: {  	_ =	swait.ge [sflag:s29], $0x2000  }
0xed: {  	[sflag:s29] =	ssyncset.done $0x0  }
0xee: {  	[sflag:s29] =	ssyncadd.s32 $0xFFFFE000  }
0xef: {  	v1 =	vld [tilespmem:s2+$0x880];
	_ =	sdelay $0x4  }
0xf0: {  	[tilespmem:$0x1200] =	vst v1  }
0xf1: {  	v1 =	vld [tilespmem:s2+$0x890];
	_ =	sdelay $0x4  }
0xf2: {  	[tilespmem:$0x1210] =	vst v1  }
0xf3: {  	v1 =	vld [tilespmem:s2+$0x8A0];
	_ =	sdelay $0x4  }
0xf4: {  	[tilespmem:$0x1220] =	vst v1  }
0xf5: {  	v1 =	vld [tilespmem:s2+$0x8B0];
	_ =	sdelay $0x4  }
0xf6: {  	[tilespmem:$0x1230] =	vst v1  }
0xf7: {  	[spmem:s1] =	stream.indirect.scatter.add.f32 [tilespmem:s21], [sflag:$0x5], $0x80, s26, s15, $0xb8;
	[tilespmem:$0x1D680] =	vst v63  }
0xf8: {  	_ =	swait.ge [sflag:s13], $0x2000  }
0xf9: {  	[sflag:s13] =	ssyncset.done $0x0  }
0xfa: {  	[sflag:s13] =	ssyncadd.s32 $0xFFFFE000  }
0xfb: {  	v1 =	vld [tilespmem:s2+$0x180];
	_ =	sdelay $0x4  }
0xfc: {  	v1 =	vadd.s32 v0, v1  }
0xfd: {  	[tilespmem:$0x1100] =	vst v1  }
0xfe: {  	v1 =	vld [tilespmem:s2+$0x190];
	_ =	sdelay $0x4  }
0xff: {  	v1 =	vadd.s32 v0, v1  }
0x100: {  	[tilespmem:$0x1110] =	vst v1  }
0x101: {  	v1 =	vld [tilespmem:s2+$0x1A0];
	_ =	sdelay $0x4  }
0x102: {  	v1 =	vadd.s32 v0, v1  }
0x103: {  	[tilespmem:$0x1120] =	vst v1  }
0x104: {  	v1 =	vld [tilespmem:s2+$0x1B0];
	_ =	sdelay $0x4  }
0x105: {  	v1 =	vadd.s32 v0, v1  }
0x106: {  	[tilespmem:$0x1130] =	vst v1  }
0x107: {  	[tilespmem:s21], [sflag:$0x3] =	stream.indirect.gather [hbm4b:s4+s15], $0x80, s20, s15, $0xb8;
	[tilespmem:$0x1D680] =	vst v63  }
0x108: {  	_ =	swait.ge [sflag:s30], $0x2000  }
0x109: {  	[sflag:s30] =	ssyncset.done $0x0  }
0x10a: {  	[sflag:s30] =	ssyncadd.s32 $0xFFFFE000  }
0x10b: {  	v1 =	vld [tilespmem:s2+$0x8C0];
	_ =	sdelay $0x4  }
0x10c: {  	[tilespmem:$0x1200] =	vst v1  }
0x10d: {  	v1 =	vld [tilespmem:s2+$0x8D0];
	_ =	sdelay $0x4  }
0x10e: {  	[tilespmem:$0x1210] =	vst v1  }
0x10f: {  	v1 =	vld [tilespmem:s2+$0x8E0];
	_ =	sdelay $0x4  }
0x110: {  	[tilespmem:$0x1220] =	vst v1  }
0x111: {  	v1 =	vld [tilespmem:s2+$0x8F0];
	_ =	sdelay $0x4  }
0x112: {  	[tilespmem:$0x1230] =	vst v1  }
0x113: {  	[spmem:s1] =	stream.indirect.scatter.add.f32 [tilespmem:s23], [sflag:$0x5], $0x80, s26, s15, $0xb8;
	[tilespmem:$0x1D680] =	vst v63  }
0x114: {  	_ =	swait.ge [sflag:s13], $0x2000  }
0x115: {  	[sflag:s13] =	ssyncset.done $0x0  }
0x116: {  	[sflag:s13] =	ssyncadd.s32 $0xFFFFE000  }
0x117: {  	v1 =	vld [tilespmem:s2+$0x1C0];
	_ =	sdelay $0x4  }
0x118: {  	v1 =	vadd.s32 v0, v1  }
0x119: {  	[tilespmem:$0x1180] =	vst v1  }
0x11a: {  	v1 =	vld [tilespmem:s2+$0x1D0];
	_ =	sdelay $0x4  }
0x11b: {  	v1 =	vadd.s32 v0, v1  }
0x11c: {  	[tilespmem:$0x1190] =	vst v1  }
0x11d: {  	v1 =	vld [tilespmem:s2+$0x1E0];
	_ =	sdelay $0x4  }
0x11e: {  	v1 =	vadd.s32 v0, v1  }
0x11f: {  	[tilespmem:$0x11A0] =	vst v1  }
0x120: {  	v1 =	vld [tilespmem:s2+$0x1F0];
	_ =	sdelay $0x1  }
.Ltmp0:
0x121: {  	(pc) =	sbr.rel @p0 .LBB2_3-.Ltmp0, $3  }
0x122: {  	_ =	sdelay $0x1  }
0x123: {  	v1 =	vadd.s32 v0, v1  }
0x124: {  	[tilespmem:$0x11B0] =	vst v1  }
0x125: {  	[tilespmem:s23], [sflag:$0x4] =	stream.indirect.gather [hbm4b:s4+s15], $0x80, s22, s15, $0xb8;
	[tilespmem:$0x1D680] =	vst v63  }
0x126: {  	_ =	swait.ge [sflag:s25], $0x2000  }
0x127: {  	[sflag:s25] =	ssyncset.done $0x0  }
0x128: {  	[sflag:s25] =	ssyncadd.s32 $0xFFFFE000  }
0x129: {  	v1 =	vld [tilespmem:$0xF00]  }
0x12a: {  	v2 =	vld [tilespmem:$0xF10]  }
0x12b: {  	v3 =	vld [tilespmem:$0xF20]  }
0x12c: {  	v4 =	vld [tilespmem:$0xF30];
	_ =	sdelay $0x1  }
0x12d: {  	[tilespmem:$0x1200] =	vst v1  }
0x12e: {  	[tilespmem:$0x1210] =	vst v2  }
0x12f: {  	[tilespmem:$0x1220] =	vst v3  }
0x130: {  	[tilespmem:$0x1230] =	vst v4  }
0x131: {  	[spmem:s1] =	stream.indirect.scatter.add.f32 [tilespmem:s17], [sflag:$0x5], $0x80, s26, s15, $0xb8;
	[tilespmem:$0x1D680] =	vst v63  }
0x132: {  	_ =	swait.ge [sflag:s13], $0x2000  }
0x133: {  	[sflag:s13] =	ssyncset.done $0x0  }
0x134: {  	[sflag:s13] =	ssyncadd.s32 $0xFFFFE000  }
0x135: {  	_ =	swait.ge [sflag:s28], $0x2000  }
0x136: {  	[sflag:s28] =	ssyncset.done $0x0  }
0x137: {  	[sflag:s28] =	ssyncadd.s32 $0xFFFFE000  }
0x138: {  	v1 =	vld [tilespmem:$0xF40]  }
0x139: {  	v2 =	vld [tilespmem:$0xF50]  }
0x13a: {  	v3 =	vld [tilespmem:$0xF60]  }
0x13b: {  	v61 =	vld [tilespmem:$0xF70];
	_ =	sdelay $0x1  }
0x13c: {  	[tilespmem:$0x1200] =	vst v1  }
0x13d: {  	[tilespmem:$0x1210] =	vst v2  }
0x13e: {  	[tilespmem:$0x1220] =	vst v3  }
0x13f: {  	[tilespmem:$0x1230] =	vst v61  }
0x140: {  	[spmem:s1] =	stream.indirect.scatter.add.f32 [tilespmem:s19], [sflag:$0x5], $0x80, s26, s15, $0xb8;
	[tilespmem:$0x1D680] =	vst v63  }
0x141: {  	_ =	swait.ge [sflag:s13], $0x2000  }
0x142: {  	[sflag:s13] =	ssyncset.done $0x0  }
0x143: {  	[sflag:s13] =	ssyncadd.s32 $0xFFFFE000  }
0x144: {  	_ =	swait.ge [sflag:s29], $0x2000  }
0x145: {  	[sflag:s29] =	ssyncset.done $0x0  }
0x146: {  	[sflag:s29] =	ssyncadd.s32 $0xFFFFE000  }
0x147: {  	v1 =	vld [tilespmem:$0xF80]  }
0x148: {  	v2 =	vld [tilespmem:$0xF90]  }
0x149: {  	v3 =	vld [tilespmem:$0xFA0]  }
0x14a: {  	v62 =	vld [tilespmem:$0xFB0];
	_ =	sdelay $0x1  }
0x14b: {  	[tilespmem:$0x1200] =	vst v1  }
0x14c: {  	[tilespmem:$0x1210] =	vst v2  }
0x14d: {  	[tilespmem:$0x1220] =	vst v3  }
0x14e: {  	[tilespmem:$0x1230] =	vst v62  }
0x14f: {  	[spmem:s1] =	stream.indirect.scatter.add.f32 [tilespmem:s21], [sflag:$0x5], $0x80, s26, s15, $0xb8;
	[tilespmem:$0x1D680] =	vst v63  }
0x150: {  	_ =	swait.ge [sflag:s13], $0x2000  }
0x151: {  	[sflag:s13] =	ssyncset.done $0x0  }
0x152: {  	[sflag:s13] =	ssyncadd.s32 $0xFFFFE000  }
0x153: {  	_ =	swait.ge [sflag:s30], $0x2000  }
0x154: {  	[sflag:s30] =	ssyncset.done $0x0  }
0x155: {  	[sflag:s30] =	ssyncadd.s32 $0xFFFFE000  }
0x156: {  	v1 =	vld [tilespmem:$0xFC0]  }
0x157: {  	v2 =	vld [tilespmem:$0xFD0]  }
0x158: {  	v3 =	vld [tilespmem:$0xFE0]  }
0x159: {  	v63 =	vld [tilespmem:$0xFF0];
	_ =	sdelay $0x1  }
0x15a: {  	[tilespmem:$0x1200] =	vst v1  }
0x15b: {  	s31 =	sadd.s32 $0x1, s31;
	[tilespmem:$0x1210] =	vst v2  }
0x15c: {  	p0 =	sne.s32 s31, $0x5;
	[tilespmem:$0x1220] =	vst v3  }
.Ltmp1:
0x15d: {  	[tilespmem:$0x1230] =	vst v63;
	(pc) =	sbr.rel @p0 .LBB2_2-.Ltmp1, $4  }
0x15e: {  	[spmem:s1] =	stream.indirect.scatter.add.f32 [tilespmem:s23], [sflag:$0x5], $0x80, s26, s15, $0xb8;
	[tilespmem:$0x1D680] =	vst v63  }
0x15f: {  	_ =	swait.ge [sflag:s13], $0x2000  }
0x160: {  	[sflag:s13] =	ssyncset.done $0x0  }
0x161: {  	[sflag:s13] =	ssyncadd.s32 $0xFFFFE000  }
0x162: {  	s3 =	sadd.s32 $0x1, s3  }
0x163: {  	p0 =	sne.s32 s3, s11  }
.Ltmp2:
0x164: {  	[bflag:$0x0] =	sbarrier.arrive $0xFFFF;
	(pc) =	sbr.rel @p0 .LBB2_1-.Ltmp2, $4  }
0x165: {  	[hbm:s10], [sflag:s9] =	dma.local [spmem:s24], $0x2800  }
0x166: {  	_ =	swait.ge [sflag:s13], $0x2800  }
0x167: {  	[sflag:s13] =	ssyncset.done $0x0  }
0x168: {  	[sflag:s13] =	ssyncadd.s32 $0xFFFFD800  }
0x169: {  	_ =	sfence.sel $0x180000  }
0x16a: {  	[bflag:$0x0] =	sbarrier.arrive $0xFFFF  }
0x16b: {  	_ =	strace $0x9000004D  }
0x16c: {  	s0 =	stileid.u32;
	[bflag:$0x2] =	sbarrier.arrive $0xFFFF  }
0x16d: {  	p0 =	sne.s32 s0, $0x0;
	s0 =	rddreg [dreg:$0x2]  }
0x16e: {  	s0 =	sadd.s32 @!p0 $0x100000, s0  }
0x16f: {  	[sflag:s0] =	ssyncadd.tile.s32 @!p0 $0x1;
	_ =	shalt  }
.Lfunc_end2:
_tile_overlayer_lowered:
.L_overlay_start_2:
0x170: {  	(tag) =	ssettag $0x2  }
0x171: {  	s0 =	rddreg [dreg:$0x0];
	s2 =	stileid.u32  }
0x172: {  	s1 =	rddreg [dreg:$0x1];
	p0 =	sne.s32 s2, $0x0  }
0x173: {  	s3 =	rddreg [dreg:$0x2];
	[bflag:$0x3] =	sbarrier.arrive $0xFFFF;
	s2 =	simm.s32 @!p0 $0x1C05  }
0x174: {  	[timem:s3], [sflag:s2] =	dma.local @!p0 [hbm:s0], s1  }
0x175: {  	s0 =	simm.s32 @!p0 $0x5  }
0x176: {  	_ =	swait.ge @!p0 [sflag:s0], s1  }
0x177: {  	s1 =	ssub.s32 @!p0 $0x0, s1;
	[sflag:s0] =	ssyncset.done @!p0 $0x0  }
0x178: {  	[sflag:s0] =	ssyncadd.s32 @!p0 s1  }
0x179: {  	[bflag:$0x3] =	sbarrier.arrive $0xFFFF  }
0x17a: {  	_ =	shalt  }

// kernel: kernel.9.cloned.1.call-start
scs
__scs_entry_jumppad:
0x0: {  	(pc) =	sbr.rel $0x88, $3  }
0x1: {  	(tag) =	ssettag $0x0;
	lr =	simm.s32 $0x1  }
0x2: {  	[smem:$0x3F99] =	sst lr;
	_ =	strace $0xD0000000  }
0x3: {  	_ = 	snop  }
0x4: {  	_ = 	snop  }
0x5: {  	_ = 	snop  }
0x6: {  	_ = 	snop  }
0x7: {  	_ = 	snop  }
__scs_overlays_trampoline_lowered:
0x8: {  	[smem:$0x3FA8] =	sst s0  }
0x9: {  	[smem:$0x3FA9] =	sst s1  }
0xa: {  	[smem:$0x3FAA] =	sst s2  }
0xb: {  	[smem:$0x3FAB] =	sst s3  }
0xc: {  	[smem:$0x3FAC] =	sst s4  }
0xd: {  	[smem:$0x3FAD] =	sst s5  }
0xe: {  	[smem:$0x3FAE] =	sst s6  }
0xf: {  	[smem:$0x3FAF] =	sst s7  }
0x10: {  	[smem:$0x3FB0] =	sst s8  }
0x11: {  	[smem:$0x3FB1] =	sst s9;
	s0 =	simm.s32 @!p0 $0x0  }
0x12: {  	s1 =	sld [smem:$0x3F97];
	s0 =	simm.s32 @p0 $0x1  }
0x13: {  	[smem:$0x3FB2] =	sst s0;
	s0 =	simm.s32 @!p1 $0x0  }
0x14: {  	s2 =	sld [smem:$0x3F96];
	s0 =	simm.s32 @p1 $0x1  }
0x15: {  	[smem:$0x3FB3] =	sst s0;
	s0 =	simm.s32 @!p2 $0x0  }
0x16: {  	s3 =	sld [smem:$0x3FDB];
	s0 =	simm.s32 @p2 $0x1  }
0x17: {  	s4 =	simm.s32 $0x1BF5;
	[smem:$0x3FB5] =	sst s0  }
0x18: {  	s0 =	sld [smem:$0x3F98];
	_ =	swait.ge [sflag:s4], $0x0  }
0x19: {  	s7 =	sld [smem:$0x3F99]  }
0x1a: {  	s8 =	sadd.s32 $0xFFFFE003, lr  }
0x1b: {  	s9 =	sadd.s32 $0xFFFFFEF7, lr;
	s5 =	simm.s32 $0xFFFFFFFF;
	p2 =	slt.u32 s8, $0xFFFFF086  }
0x1c: {  	p1 =	slt.u32 s9, $0xF7A;
	s5 =	simm.s32 @!p2 $0x0  }
0x1d: {  	s5 =	simm.s32 @p1 $0x1;
	p0 =	seq.s32 s7, s2  }
0x1e: {  	s7 =	smul.u32 @!p0 $0xF7A, s2;
	p2 =	seq.s32 @!p0 s5, $0x0  }
0x1f: {  	s9 =	smul.u32 $0xF7A, s1;
	s8 =	simm.s32 @!p0 $0x1BF5;
	p2 =	por !p2, p0  }
0x20: {  	[sflag:s8] =	ssyncset.s32 @!p0 $0xFFFFF086;
	s6 =	sadd.s32 @!p0 s3, s7;
	s7 =	simm.s32 @!p0 $0x108  }
0x21: {  	s3 =	sadd.s32 s3, s9;
	s6 =	sadd.s32 @!p0 $0x88, s6;
	s7 =	simm.s32 @p2 $0x1082  }
0x22: {  	[simem:s7], [sflag:s8] =	dma.local @!p0 [hbm:s6], $0xF7A  }
0x23: {  	s9 =	sor.u32 $0xD0000000, s2;
	s6 =	simm.s32 $0x108;
	_ =	swait.ge @!p0 [sflag:s8], $0x0  }
0x24: {  	s3 =	sadd.s32 $0x88, s3;
	s6 =	simm.s32 @!p1 $0x1082;
	[sflag:s4] =	ssyncset.s32 $0xFFFFF086  }
0x25: {  	[simem:s6], [sflag:s4] =	dma.local [hbm:s3], $0xF7A  }
0x26: {  	[smem:$0x3F99] =	sst s1;
	(tag) =	ssettag s2;
	_ =	strace s9  }
0x27: {  	s1 =	sld [smem:$0x3FA9]  }
0x28: {  	s2 =	sld [smem:$0x3FAA]  }
0x29: {  	s4 =	sld [smem:$0x3FAC]  }
0x2a: {  	p0 =	seq.s32 s5, $0x0;
	s5 =	sld [smem:$0x3FAD]  }
0x2b: {  	s6 =	sld [smem:$0x3FAE]  }
0x2c: {  	s7 =	sld [smem:$0x3FAF]  }
0x2d: {  	s3 =	simm.s32 $0x108;
	s8 =	sld [smem:$0x3FB0]  }
0x2e: {  	s3 =	simm.s32 @!p0 $0x1082;
	s9 =	sld [smem:$0x3FB1]  }
0x2f: {  	lr =	sadd.s32 s0, s3;
	s0 =	sld [smem:$0x3FA8]  }
0x30: {  	s3 =	sld [smem:$0x3FAB]  }
0x31: {  	[smem:$0x3FB4] =	sst s10  }
0x32: {  	s10 =	sld [smem:$0x3FB2];
	_ =	sdelay $0x3  }
0x33: {  	p0 =	seq.s32 s10, $0x1;
	s10 =	sld [smem:$0x3FB4];
	_ =	sdelay $0x3  }
0x34: {  	[smem:$0x3FB4] =	sst s10  }
0x35: {  	s10 =	sld [smem:$0x3FB3];
	_ =	sdelay $0x3  }
0x36: {  	p1 =	seq.s32 s10, $0x1;
	s10 =	sld [smem:$0x3FB4];
	_ =	sdelay $0x3  }
0x37: {  	[smem:$0x3FB4] =	sst s10  }
0x38: {  	s10 =	sld [smem:$0x3FB5]  }
0x39: {  	_ = 	snop;
	(pc) =	sbr.ind lr, $3  }
0x3a: {  	_ = 	snop  }
0x3b: {  	_ = 	snop  }
0x3c: {  	p2 =	seq.s32 s10, $0x1;
	s10 =	sld [smem:$0x3FB4]  }
0x3d: {  	_ =	shalt  }
0x3e: {  	_ =	shalt  }
0x3f: {  	_ =	shalt  }
0x40: {  	_ =	shalt  }
0x41: {  	_ =	shalt  }
0x42: {  	_ =	shalt  }
0x43: {  	_ =	shalt  }
0x44: {  	_ =	shalt  }
0x45: {  	_ =	shalt  }
0x46: {  	_ =	shalt  }
0x47: {  	_ =	shalt  }
0x48: {  	_ =	shalt  }
0x49: {  	_ =	shalt  }
0x4a: {  	_ =	shalt  }
0x4b: {  	_ =	shalt  }
0x4c: {  	_ =	shalt  }
0x4d: {  	_ =	shalt  }
0x4e: {  	_ =	shalt  }
0x4f: {  	_ =	shalt  }
0x50: {  	_ =	shalt  }
0x51: {  	_ =	shalt  }
0x52: {  	_ =	shalt  }
0x53: {  	_ =	shalt  }
0x54: {  	_ =	shalt  }
0x55: {  	_ =	shalt  }
0x56: {  	_ =	shalt  }
0x57: {  	_ =	shalt  }
0x58: {  	_ =	shalt  }
0x59: {  	_ =	shalt  }
0x5a: {  	_ =	shalt  }
0x5b: {  	_ =	shalt  }
0x5c: {  	_ =	shalt  }
0x5d: {  	_ =	shalt  }
0x5e: {  	_ =	shalt  }
0x5f: {  	_ =	shalt  }
0x60: {  	_ =	shalt  }
0x61: {  	_ =	shalt  }
0x62: {  	_ =	shalt  }
0x63: {  	_ =	shalt  }
0x64: {  	_ =	shalt  }
0x65: {  	_ =	shalt  }
0x66: {  	_ =	shalt  }
0x67: {  	_ =	shalt  }
0x68: {  	_ =	shalt  }
0x69: {  	_ =	shalt  }
0x6a: {  	_ =	shalt  }
0x6b: {  	_ =	shalt  }
0x6c: {  	_ =	shalt  }
0x6d: {  	_ =	shalt  }
0x6e: {  	_ =	shalt  }
0x6f: {  	_ =	shalt  }
0x70: {  	_ =	shalt  }
0x71: {  	_ =	shalt  }
0x72: {  	_ =	shalt  }
0x73: {  	_ =	shalt  }
0x74: {  	_ =	shalt  }
0x75: {  	_ =	shalt  }
0x76: {  	_ =	shalt  }
0x77: {  	_ =	shalt  }
0x78: {  	_ =	shalt  }
0x79: {  	_ =	shalt  }
0x7a: {  	_ =	shalt  }
0x7b: {  	_ =	shalt  }
0x7c: {  	_ =	shalt  }
0x7d: {  	_ =	shalt  }
0x7e: {  	_ =	shalt  }
0x7f: {  	_ =	shalt  }
0x80: {  	_ =	shalt  }
0x81: {  	_ =	shalt  }
0x82: {  	_ =	shalt  }
0x83: {  	_ =	shalt  }
0x84: {  	_ =	shalt  }
0x85: {  	_ =	shalt  }
0x86: {  	_ =	shalt  }
0x87: {  	_ =	shalt  }
.Lfunc_end0:
.L_simem_size_0:
called_computation_lowered:
.L_overlay_start_0:
0x88: {  	s2 =	sld [smem:$0x3FD9]  }
0x89: {  	s3 =	sld [smem:$0x3FFE];
	_ =	sdelay $0x1  }
0x8a: {  	s1 =	srdreg.scid  }
0x8b: {  	s0 =	sand.u32 $0x1, s1  }
0x8c: {  	s16 =	sshll.u32 s0, $0xA;
	s2 =	sadd.s32 s3, s2  }
0x8d: {  	s2 =	sadd.s32 s2, s16  }
0x8e: {  	[smem:$0x3FC0] =	sst s2  }
0x8f: {  	_ = 	snop  }
0x90: {  	(tm) =	ssettm $0x1  }
0x91: {  	s17 =	sld [smem:$0x3FFB];
	_ =	sdelay $0x3  }
0x92: {  	_ =	strace s17  }
0x93: {  	s2 =	sld [smem:$0x3FFC];
	_ =	sdelay $0x3  }
0x94: {  	_ =	strace s2  }
0x95: {  	s2 =	sld [smem:$0x3FFD];
	_ =	sdelay $0x3  }
0x96: {  	_ =	strace s2  }
0x97: {  	_ =	strace $0x8FFFFFFF  }
0x98: {  	s18 =	sld [smem:$0x3FDB];
	_ =	sdelay $0x1  }
0x99: {  	s19 =	simm.s32 $_scs_section_size  }
0x9a: {  	s4 =	simm.s32 $_size__tile_overlayer_lowered;
	s5 =	simm.s32 $_tile_overlayer_lowered  }
0x9b: {  	s22 =	simm.s32 $0x1BFF;
	s21 =	sshll.u32 s5, $0x1;
	s2 =	sadd.s32 s19, s18  }
0x9c: {  	s6 =	simm.s32 $0x0;
	s20 =	sshll.u32 s4, $0x1;
	s4 =	sadd.s32 s21, s2  }
0x9d: {  	[timem:s6], [sflag:s22] =	dma.local [hbm:s4], s20  }
0x9e: {  	_ =	swait.ge [sflag:s22], s20  }
0x9f: {  	s3 =	ssub.s32 $0x0, s20;
	[sflag:s22] =	ssyncset.done $0x0  }
0xa0: {  	[sflag:s22] =	ssyncadd.s32 s3;
	_ =	sdelay $0x1  }
0xa1: {  	s23 =	simm.s32 $0x1B8B  }
0xa2: {  	_ =	swait.ge [sflag:s23], $0x1  }
0xa3: {  	[sflag:s23] =	ssyncset.done $0x0  }
0xa4: {  	s25 =	simm.s32 $0x1B8E;
	s24 =	sld [smem:$0x3FFE];
	[sflag:s23] =	ssyncadd.s32 $0xFFFFFFFF  }
0xa5: {  	s26 =	simm.s32 $execute0_lowered;
	[smem:$0x3FD2] =	sst s25  }
0xa6: {  	s4 =	sshll.u32 s26, $0x1;
	_ =	strace $0x80000046;
	[dreg:$0x1] =	wrdreg $0xFFFFFFFF  }
0xa7: {  	s28 =	simm.s32 $_size_execute0_lowered;
	s2 =	sadd.s32 s2, s4;
	[dreg:$0x0] =	wrdreg $0x0  }
0xa8: {  	s4 =	sshll.u32 s28, $0x1;
	[dreg:$0x2] =	wrdreg s2  }
0xa9: {  	[dreg:$0x3] =	wrdreg s4  }
0xaa: {  	[dreg:$0x4] =	wrdreg $0xC0  }
0xab: {  	_ =	task [dreg:s6], $0x5FFFF  }
0xac: {  	[dreg:$0x1] =	wrdreg $0xFFFFFFFF  }
0xad: {  	[dreg:$0x0] =	wrdreg $0x60  }
0xae: {  	[dreg:$0x2] =	wrdreg s24  }
0xaf: {  	[dreg:$0x3] =	wrdreg $0x68800  }
0xb0: {  	[dreg:$0x4] =	wrdreg $0x9  }
0xb1: {  	_ =	task.clear_ibuf [dreg:s6], $0x5FFFF;
	_ =	strace $0x90000046  }
0xb2: {  	s29 =	simm.s32 $0x9;
	_ =	strace $0x80000048  }
0xb3: {  	_ =	swait.ge [sflag:s29], $0x1  }
0xb4: {  	[sflag:s29] =	ssyncadd.s32 $0xFFFFFFFF  }
0xb5: {  	_ =	strace $0x90000048  }
0xb6: {  	_ =	sfence  }
0xb7: {  	s30 =	sld [smem:$0x0];
	_ =	sdelay $0x2  }
0xb8: {  	s31 =	sshll.u32 s1, $0xD;
	s1 =	sshrl.u32 s1, $0x2  }
0xb9: {  	s3 =	sand.u32 $0x4000, s31;
	s1 =	sadd.s32 s1, s30  }
0xba: {  	s0 =	sor.u32 s3, s0;
	s1 =	sshll.u32 s1, $0x11  }
0xbb: {  	s0 =	sor.u32 s1, s0  }
0xbc: {  	s0 =	sadd.s32 $0x8F2B, s0  }
0xbd: {  	[sflag:s0] =	ssyncadd.remote.s32 $0x1  }
0xbe: {  	_ =	sfence.sel $0xFFFF  }
0xbf: {  	[dreg:$0x0] =	wrdreg $0xFFFFFFFF;
	(pc) =	sbr.abs _section_cstart, $3  }
0xc0: {  	[dreg:$0x1] =	wrdreg $0xFFFFFFFF  }
0xc1: {  	_ =	task.clear_ibuf [dreg:s6], $0x2FFFF;
	_ =	strace $0x9FFFFFFF  }
0xc2: {  	(tm) =	ssettm $0x7FFFFFFF  }
0xc3: {  	_ =	shalt  }
tec
execute0_lowered:
.L_overlay_start_1:
0x0: {  	(tag) =	ssettag $0x1  }
0x1: {  	s6 =	rddreg [dreg:$0x0]  }
0x2: {  	s1 =	rddreg [dreg:$0x1]  }
0x3: {  	s0 =	rddreg [dreg:$0x2];
	s2 =	simm.s32 $0x0  }
0x4: {  	s3 =	srdreg.scid;
	s15 =	simm.s32 $0x0;
	[smem:$0x7FF] =	sst s2  }
0x5: {  	s7 =	sadd.s32 $0x7A00, s6;
	s8 =	sadd.s32 $0x2A00, s6;
	s9 =	sand.u32 $0x1, s3  }
0x6: {  	s4 =	sadd.s32 $0xCA00, s6;
	s3 =	stileid.u32;
	s5 =	sadd.s32 $0xD200, s6  }
0x7: {  	s13 =	sadd.s32 $0xFA00, s6;
	s14 =	sadd.s32 $0x37200, s6;
	s12 =	smul.u32 $0x4F000, s3  }
0x8: {  	_ =	strace $0x80000047;
	s10 =	ssub.s32 $0x2, s9;
	s29 =	smul.u32 $0x4E2, s3  }
0x9: {  	p0 =	seq.s32 s9, $0x0;
	s30 =	smul.u32 $0x2780, s3;
	s9 =	simm.s32 $0x2880  }
0xa: {  	s31 =	sshll.u32 s3, $0x6;
	s11 =	sshrl.u32 s10, $0x1;
	s8 =	smov.u32 @p0 s7  }
0xb: {  	s14 =	smov.u32 @p0 s13;
	s13 =	simm.s32 $0x80;
	s26 =	ssub.s32 s10, s11  }
0xc: {  	s28 =	sshrl.u32 s12, $0x2;
	s7 =	sadd.s32 s8, s29;
	s8 =	sadd.s32 s14, s30  }
0xd: {  	s10 =	simm.s32 $0x1;
	s11 =	sor.u32 $0x1C01, s31;
	s12 =	sadd.s32 s28, s1  }
0xe: {  	v0 =	vimm.s32 $0x2710;
	s14 =	simm.s32 $0x2800;
	s6 =	smax.u32 s26, $0x1;
	s12 =	sshrl.u32 s12, $0x3  }
.LBB2_1:
0xf: {  	[tilespmem:s9], [sflag:$0x1] =	stream.linear.gather [hbm4b:s4+s2], $0x4000, $0x38;
	[tilespmem:$0x1A480] =	vst v63  }
0x10: {  	_ =	swait.ge [sflag:s10], $0x4000  }
0x11: {  	[sflag:s10] =	ssyncset.done $0x0  }
0x12: {  	[sflag:s10] =	ssyncadd.s32 $0xFFFFC000  }
0x13: {  	[spmem:s12], [sflag:s11] =	dma.local [hbm:s5], $0x2780  }
0x14: {  	_ =	swait.ge [sflag:s10], $0x2780  }
0x15: {  	[sflag:s10] =	ssyncset.done $0x0  }
0x16: {  	[sflag:s10] =	ssyncadd.s32 $0xFFFFD880  }
0x17: {  	[tilespmem:s2], [sflag:$0x1] =	stream.linear.gather [hbm4b:s7+s2], $0x2710, $0x38;
	[tilespmem:$0x1A480] =	vst v63  }
0x18: {  	_ =	swait.ge [sflag:s10], $0x2710  }
0x19: {  	[sflag:s10] =	ssyncset.done $0x0  }
0x1a: {  	[sflag:s10] =	ssyncadd.s32 $0xFFFFD8F0  }
0x1b: {  	[tilespmem:$0x2710] =	vst v0  }
0x1c: {  	[tilespmem:$0x2720] =	vst v0  }
0x1d: {  	[tilespmem:$0x2730] =	vst v0  }
0x1e: {  	[tilespmem:$0x2740] =	vst v0  }
0x1f: {  	[tilespmem:$0x2750] =	vst v0  }
0x20: {  	[tilespmem:$0x2760] =	vst v0  }
0x21: {  	[tilespmem:$0x2770] =	vst v0  }
0x22: {  	[tilespmem:$0x2780] =	vst v0  }
0x23: {  	s16 =	simm.s32 $0x0;
	[bflag:$0x0] =	sbarrier.arrive $0xFFFF  }
0x24: {  	v1 =	vld [tilespmem:s16+$0x0];
	_ =	sdelay $0x4  }
0x25: {  	[tilespmem:$0x2800] =	vst v1  }
0x26: {  	v1 =	vld [tilespmem:s16+$0x10];
	_ =	sdelay $0x4  }
0x27: {  	[tilespmem:$0x2810] =	vst v1  }
0x28: {  	v1 =	vld [tilespmem:s16+$0x20];
	_ =	sdelay $0x4  }
0x29: {  	[tilespmem:$0x2820] =	vst v1  }
0x2a: {  	v1 =	vld [tilespmem:s16+$0x30];
	_ =	sdelay $0x4  }
0x2b: {  	[tilespmem:$0x2830] =	vst v1  }
0x2c: {  	v1 =	vld [tilespmem:s16+$0x40];
	_ =	sdelay $0x4  }
0x2d: {  	[tilespmem:$0x2840] =	vst v1  }
0x2e: {  	v1 =	vld [tilespmem:s16+$0x50];
	_ =	sdelay $0x4  }
0x2f: {  	[tilespmem:$0x2850] =	vst v1  }
0x30: {  	v1 =	vld [tilespmem:s16+$0x60];
	_ =	sdelay $0x4  }
0x31: {  	[tilespmem:$0x2860] =	vst v1  }
0x32: {  	v1 =	vld [tilespmem:s16+$0x70];
	_ =	sdelay $0x4  }
0x33: {  	[tilespmem:$0x2870] =	vst v1  }
0x34: {  	[spmem:s1] =	stream.indirect.scatter.add.f32 [tilespmem:s9], [sflag:$0x1], $0x80, s14, s13, $0xb8;
	[tilespmem:$0x1A480] =	vst v63  }
0x35: {  	_ =	swait.ge [sflag:s10], $0x4000  }
0x36: {  	s18 =	simm.s32 $0x400;
	s16 =	simm.s32 $0x200;
	[sflag:s10] =	ssyncset.done $0x0  }
.LBB2_2:
0x37: {  	s19 =	sshra.s32 s16, $0x2  }
0x38: {  	[sflag:s10] =	ssyncadd.s32 $0xFFFFC000;
	s16 =	smov.u32 s18;
	s17 =	sadd.s32 $0x200, s18  }
0x39: {  	p0 =	sne.s32 s18, $0x9C00;
	v1 =	vld [tilespmem:s19+$0x0];
	_ =	sdelay $0x4  }
0x3a: {  	[tilespmem:$0x2800] =	vst v1  }
0x3b: {  	v1 =	vld [tilespmem:s19+$0x10];
	_ =	sdelay $0x4  }
0x3c: {  	[tilespmem:$0x2810] =	vst v1  }
0x3d: {  	v1 =	vld [tilespmem:s19+$0x20];
	_ =	sdelay $0x4  }
0x3e: {  	[tilespmem:$0x2820] =	vst v1  }
0x3f: {  	v1 =	vld [tilespmem:s19+$0x30];
	_ =	sdelay $0x4  }
0x40: {  	[tilespmem:$0x2830] =	vst v1  }
0x41: {  	v1 =	vld [tilespmem:s19+$0x40];
	_ =	sdelay $0x4  }
0x42: {  	[tilespmem:$0x2840] =	vst v1  }
0x43: {  	v1 =	vld [tilespmem:s19+$0x50];
	_ =	sdelay $0x4  }
0x44: {  	[tilespmem:$0x2850] =	vst v1  }
0x45: {  	v1 =	vld [tilespmem:s19+$0x60];
	_ =	sdelay $0x4  }
0x46: {  	[tilespmem:$0x2860] =	vst v1  }
0x47: {  	v1 =	vld [tilespmem:s19+$0x70];
	_ =	sdelay $0x3  }
.Ltmp0:
0x48: {  	(pc) =	sbr.rel @p0 .LBB2_2-.Ltmp0, $4  }
0x49: {  	[tilespmem:$0x2870] =	vst v1  }
0x4a: {  	[spmem:s1] =	stream.indirect.scatter.add.f32 [tilespmem:s9], [sflag:$0x1], $0x80, s14, s13, $0xb8;
	[tilespmem:$0x1A480] =	vst v63  }
0x4b: {  	_ =	swait.ge [sflag:s10], $0x4000  }
0x4c: {  	s18 =	smov.u32 s17;
	[sflag:s10] =	ssyncset.done $0x0  }
0x4d: {  	s16 =	sshra.s32 s16, $0x2;
	[sflag:s10] =	ssyncadd.s32 $0xFFFFC000  }
0x4e: {  	v1 =	vld [tilespmem:s16+$0x0];
	_ =	sdelay $0x4  }
0x4f: {  	[tilespmem:$0x2800] =	vst v1  }
0x50: {  	v1 =	vld [tilespmem:s16+$0x10];
	_ =	sdelay $0x4  }
0x51: {  	[tilespmem:$0x2810] =	vst v1  }
0x52: {  	v1 =	vld [tilespmem:s16+$0x20];
	_ =	sdelay $0x4  }
0x53: {  	[tilespmem:$0x2820] =	vst v1  }
0x54: {  	v1 =	vld [tilespmem:s16+$0x30];
	_ =	sdelay $0x4  }
0x55: {  	[tilespmem:$0x2830] =	vst v1  }
0x56: {  	v1 =	vld [tilespmem:s16+$0x40];
	_ =	sdelay $0x4  }
0x57: {  	[tilespmem:$0x2840] =	vst v1  }
0x58: {  	v1 =	vld [tilespmem:s16+$0x50];
	_ =	sdelay $0x4  }
0x59: {  	[tilespmem:$0x2850] =	vst v1  }
0x5a: {  	v1 =	vld [tilespmem:s16+$0x60];
	_ =	sdelay $0x4  }
0x5b: {  	[tilespmem:$0x2860] =	vst v1  }
0x5c: {  	v1 =	vld [tilespmem:s16+$0x70];
	_ =	sdelay $0x4  }
0x5d: {  	[tilespmem:$0x2870] =	vst v1  }
0x5e: {  	[spmem:s1] =	stream.indirect.scatter.add.f32 [tilespmem:s9], [sflag:$0x1], $0x80, s14, s13, $0xb8;
	[tilespmem:$0x1A480] =	vst v63  }
0x5f: {  	_ =	swait.ge [sflag:s10], $0x4000  }
0x60: {  	s15 =	sadd.s32 $0x1, s15;
	[sflag:s10] =	ssyncset.done $0x0  }
0x61: {  	p0 =	sne.s32 s15, s6;
	[sflag:s10] =	ssyncadd.s32 $0xFFFFC000  }
.Ltmp1:
0x62: {  	[bflag:$0x0] =	sbarrier.arrive $0xFFFF;
	(pc) =	sbr.rel @p0 .LBB2_1-.Ltmp1, $4  }
0x63: {  	[hbm:s8], [sflag:s11] =	dma.local [spmem:s12], $0x2780  }
0x64: {  	_ =	swait.ge [sflag:s10], $0x2780  }
0x65: {  	[sflag:s10] =	ssyncset.done $0x0  }
0x66: {  	[sflag:s10] =	ssyncadd.s32 $0xFFFFD880  }
0x67: {  	_ =	sfence.sel $0x180000  }
0x68: {  	[bflag:$0x0] =	sbarrier.arrive $0xFFFF  }
0x69: {  	p0 =	sne.s32 s3, $0x0;
	_ =	strace $0x90000047  }
0x6a: {  	s0 =	sadd.s32 @!p0 $0x100000, s0;
	[bflag:$0x2] =	sbarrier.arrive $0xFFFF  }
0x6b: {  	[sflag:s0] =	ssyncadd.tile.s32 @!p0 $0x1;
	_ =	shalt  }
.Lfunc_end2:
_tile_overlayer_lowered:
.L_overlay_start_2:
0x6c: {  	(tag) =	ssettag $0x2  }
0x6d: {  	s0 =	rddreg [dreg:$0x0];
	s2 =	stileid.u32  }
0x6e: {  	s1 =	rddreg [dreg:$0x1];
	p0 =	sne.s32 s2, $0x0  }
0x6f: {  	s3 =	rddreg [dreg:$0x2];
	[bflag:$0x3] =	sbarrier.arrive $0xFFFF;
	s2 =	simm.s32 @!p0 $0x1C01  }
0x70: {  	[timem:s3], [sflag:s2] =	dma.local @!p0 [hbm:s0], s1  }
0x71: {  	s0 =	simm.s32 @!p0 $0x1  }
0x72: {  	_ =	swait.ge @!p0 [sflag:s0], s1  }
0x73: {  	s1 =	ssub.s32 @!p0 $0x0, s1;
	[sflag:s0] =	ssyncset.done @!p0 $0x0  }
0x74: {  	[sflag:s0] =	ssyncadd.s32 @!p0 s1  }
0x75: {  	[bflag:$0x3] =	sbarrier.arrive $0xFFFF  }
0x76: {  	_ =	shalt  }

</sc_bundles>
